<compile_context>
chip_gen: v7x
topology: tpu7x:2x2x1
jax: 0.10.2.dev20260603
libtpu: 0.0.44.dev20260713+nightly
codegen_flags: <defaults>
</compile_context>

<pallas_src>
import functools

import jax
import jax.numpy as jnp
import numpy as np
from jax import lax
from jax.experimental import pallas as pl
from jax.experimental.pallas import tpu as pltpu
from jax.experimental.pallas import tpu_sc as plsc

_NUM_LODS = 16
_TABLE = 4096
_N = 262144
_HIDDEN = 16
_OUT = 3
_MIN_RES, _MAX_RES = 16, 512

_bf = np.exp((np.log(_MAX_RES) - np.log(_MIN_RES)) / (_NUM_LODS - 1))
_RES = [int(np.floor(_MIN_RES * (_bf ** l))) for l in range(_NUM_LODS)]

_NC, _NS, _L = 2, 16, 16
_NW = _NC * _NS
_NH = _N
_PPW = _NH // _NW
_SUB = 1024

_mesh = plsc.VectorSubcoreMesh(core_axis_name="c", subcore_axis_name="s")


def _make_sc(glob_off):
    @functools.partial(
        pl.kernel,
        mesh=_mesh,
        compiler_params=pltpu.CompilerParams(needs_layout_passes=False),
        out_type=jax.ShapeDtypeStruct((_NUM_LODS // 2, _NH), jnp.float32),
        scratch_types=(
            [pltpu.VMEM((_TABLE,), jnp.float32) for _ in range(_NUM_LODS)]
            + [
                pltpu.VMEM((_PPW,), jnp.float32),
                pltpu.VMEM((_PPW,), jnp.float32),
                pltpu.VMEM((2, _NUM_LODS // 2, _SUB), jnp.float32),
                pltpu.SemaphoreType.DMA,
                pltpu.SemaphoreType.DMA,
            ]
        ),
    )
    def sc_latents(xt_hbm, tab_hbm, out_hbm, *refs):
        tabs = refs[:_NUM_LODS]
        x0_v, x1_v, fe_v, sem0, sem1 = refs[_NUM_LODS:]
        wid = lax.axis_index("s") * _NC + lax.axis_index("c")
        base = wid * _PPW
        for l in range(_NUM_LODS):
            pltpu.sync_copy(tab_hbm.at[pl.ds(l * _TABLE, _TABLE)], tabs[l])
        pltpu.sync_copy(xt_hbm.at[0, pl.ds(glob_off + base, _PPW)], x0_v)
        pltpu.sync_copy(xt_hbm.at[1, pl.ds(glob_off + base, _PPW)], x1_v)
        kmul = jnp.int32(2654435761 - (1 << 32))
        mask = jnp.int32(_TABLE - 1)
        sems = (sem0, sem1)

        def outer(b, carry):
            for k in (0, 1):
                sboff = b * (2 * _SUB) + k * _SUB

                @pl.when(b > 0)
                def _drain():
                    pltpu.make_async_copy(
                        out_hbm.at[:, pl.ds(base, _SUB)], fe_v.at[k], sems[k]
                    ).wait()

                @plsc.parallel_loop(0, _SUB // _L, unroll=4)
                def body(i, sboff=sboff, k=k):
                    xv = x0_v[pl.ds(sboff + i * _L, _L)]
                    yv = x1_v[pl.ds(sboff + i * _L, _L)]
                    for j in range(_NUM_LODS // 2):
                        pair = []
                        for l in (2 * j, 2 * j + 1):
                            r = float(_RES[l])
                            px = xv * r
                            py = yv * r
                            ix = px.astype(jnp.int32)
                            iy = py.astype(jnp.int32)
                            fx = px - ix.astype(jnp.float32)
                            fy = py - iy.astype(jnp.float32)
                            hy0 = iy * kmul
                            hy1 = hy0 + kmul
                            ix1 = ix + jnp.int32(1)
                            i00 = (ix ^ hy0) & mask
                            i10 = (ix1 ^ hy0) & mask
                            i01 = (ix ^ hy1) & mask
                            i11 = (ix1 ^ hy1) & mask
                            f00 = plsc.load_gather(tabs[l], [i00])
                            f10 = plsc.load_gather(tabs[l], [i10])
                            f01 = plsc.load_gather(tabs[l], [i01])
                            f11 = plsc.load_gather(tabs[l], [i11])
                            a = f00 + fx * (f10 - f00)
                            b2_ = f01 + fx * (f11 - f01)
                            pair.append(a + fy * (b2_ - a))
                        packed = plsc.bitcast(
                            plsc.pack(pair[0], pair[1],
                                      format=plsc.PackFormat.INTERLEAVED),
                            jnp.float32)
                        fe_v[k, j, pl.ds(i * _L, _L)] = packed

                pltpu.async_copy(
                    fe_v.at[k], out_hbm.at[:, pl.ds(base + sboff, _SUB)],
                    sems[k])
            return carry

        lax.fori_loop(0, _PPW // (2 * _SUB), outer, 0)
        for k in (0, 1):
            pltpu.make_async_copy(
                out_hbm.at[:, pl.ds(base, _SUB)], fe_v.at[k], sems[k]
            ).wait()

    return sc_latents


_sc_half = (_make_sc(0),)


def _mlp_body(f_ref, w1_ref, b1_ref, w2_ref, b2_ref, o_ref):
    f = pltpu.bitcast(f_ref[...], jnp.bfloat16).astype(jnp.float32)
    h = jnp.dot(w1_ref[...], f, preferred_element_type=jnp.float32)
    h = jnp.maximum(h + b1_ref[...], 0.0)
    g = jnp.dot(w2_ref[...], h, preferred_element_type=jnp.float32)
    g = g + b2_ref[...]
    o_ref[...] = 1.0 / (1.0 + jnp.exp(-g))


def _mlp(lat_t, w1t, b1t, w2t, b2t):
    bn = 131072
    return pl.pallas_call(
        _mlp_body,
        grid=(_NH // bn,),
        in_specs=[
            pl.BlockSpec((_NUM_LODS // 2, bn), lambda i: (0, i)),
            pl.BlockSpec((_HIDDEN, _NUM_LODS), lambda i: (0, 0)),
            pl.BlockSpec((_HIDDEN, 1), lambda i: (0, 0)),
            pl.BlockSpec((_OUT, _HIDDEN), lambda i: (0, 0)),
            pl.BlockSpec((_OUT, 1), lambda i: (0, 0)),
        ],
        out_specs=pl.BlockSpec((_OUT, bn), lambda i: (0, i)),
        out_shape=jax.ShapeDtypeStruct((_OUT, _NH), jnp.float32),
    )(lat_t, w1t, b1t, w2t, b2t)


def kernel(x, codebooks, dec_w, dec_b, w1, b1, w2, b2):
    xt = x.T
    tab = codebooks.reshape(_NUM_LODS * _TABLE)
    w1t = (w1 * dec_w[:, None]).T
    b1t = (b1 + dec_b @ w1).reshape(_HIDDEN, 1)
    w2t = w2.T
    b2t = b2.reshape(_OUT, 1)

    halves = [
        _mlp(_sc_half[h](xt, tab), w1t, b1t, w2t, b2t) for h in range(1)
    ]
    out_t = jnp.concatenate(halves, axis=1)
    return out_t.T

# --- scband reference (transcript-rebuilt; emitter-appended) ---
"""Pipeline reference for scband-hypo-shacira-15461882265641 (READ-ONLY COPY).

The authoritative reference and input builder live on the scoring server;
editing this copy changes nothing except your own understanding.
"""

import jax, jax.numpy as jnp
import numpy as np

NUM_LODS = 16
MIN_RES = 16
MAX_RES = 512
TABLE_SIZE = 4096  # 2**codebook_bitwidth(12)
LATENT_DIM = 1
HIDDEN = 16
OUT = 3
N = 262144  # 512x512 pixel coordinates

_b = np.exp((np.log(MAX_RES) - np.log(MIN_RES)) / (NUM_LODS - 1))
RES = [int(np.floor(MIN_RES * (_b ** l))) for l in range(NUM_LODS)]


def _hash(ix, iy):
    h = jnp.bitwise_xor(ix.astype(jnp.uint32), iy.astype(jnp.uint32) * jnp.uint32(2654435761))
    return (h & jnp.uint32(TABLE_SIZE - 1)).astype(jnp.int32)


def _interp(coords, table, res):
    pos = coords * res
    pos0 = jnp.floor(pos)
    frac = pos - pos0
    ix = pos0[:, 0].astype(jnp.int32)
    iy = pos0[:, 1].astype(jnp.int32)
    fx = frac[:, 0:1]
    fy = frac[:, 1:2]
    f00 = table[_hash(ix, iy)]
    f10 = table[_hash(ix + 1, iy)]
    f01 = table[_hash(ix, iy + 1)]
    f11 = table[_hash(ix + 1, iy + 1)]
    return (f00 * (1 - fx) * (1 - fy) + f10 * fx * (1 - fy)
            + f01 * (1 - fx) * fy + f11 * fx * fy)


def setup_inputs(seed: int = 0) -> dict:
    key = jax.random.key(seed)
    ks = jax.random.split(key, 8)
    x = jax.random.uniform(ks[0], (N, 2), dtype=jnp.float32)
    codebooks = jax.random.normal(ks[1], (NUM_LODS, TABLE_SIZE, LATENT_DIM), dtype=jnp.float32) * 0.1
    dec_w = jax.random.normal(ks[2], (NUM_LODS,), dtype=jnp.float32) * 0.1 + 1.0
    dec_b = jax.random.normal(ks[3], (NUM_LODS,), dtype=jnp.float32) * 0.01
    w1 = jax.random.normal(ks[4], (NUM_LODS * LATENT_DIM, HIDDEN), dtype=jnp.float32) * (1.0 / np.sqrt(NUM_LODS))
    b1 = jnp.zeros((HIDDEN,), dtype=jnp.float32)
    w2 = jax.random.normal(ks[5], (HIDDEN, OUT), dtype=jnp.float32) * (1.0 / np.sqrt(HIDDEN))
    b2 = jnp.zeros((OUT,), dtype=jnp.float32)
    return {"x": x, "codebooks": codebooks, "dec_w": dec_w, "dec_b": dec_b,
            "w1": w1, "b1": b1, "w2": w2, "b2": b2}


def reference(x, codebooks, dec_w, dec_b, w1, b1, w2, b2):
    feats = []
    for l in range(NUM_LODS):
        lat = _interp(x, codebooks[l], RES[l])  # [N, LATENT_DIM]
        feats.append(lat * dec_w[l] + dec_b[l])  # latent decoder (sq matrix + shift)
    h = jnp.concatenate(feats, axis=-1)  # multiscale 'cat' -> [N, 16]
    h = jax.nn.relu(h @ w1 + b1)
    rgb = jax.nn.sigmoid(h @ w2 + b2)
    return rgb

if __name__ == "__main__":
    import jax
    _d = setup_inputs()
    print(jax.jit(kernel)(*tuple(_d.values())))

</pallas_src>

<mosaic_0001>
#map = affine_map<(d0, d1) -> (0, 0)>
#map1 = affine_map<(d0, d1) -> (0)>
module attributes {stable_mosaic.version = 14 : i64} {
  func.func @sc_latents(%arg0: i32, %arg1: i32, %arg2: memref<2x262144xf32, #tpu.memory_space<hbm>>, %arg3: memref<65536xf32, #tpu.memory_space<hbm>>, %arg4: memref<8x262144xf32, #tpu.memory_space<hbm>>, %arg5: memref<4096xf32, #tpu.memory_space<vmem>>, %arg6: memref<4096xf32, #tpu.memory_space<vmem>>, %arg7: memref<4096xf32, #tpu.memory_space<vmem>>, %arg8: memref<4096xf32, #tpu.memory_space<vmem>>, %arg9: memref<4096xf32, #tpu.memory_space<vmem>>, %arg10: memref<4096xf32, #tpu.memory_space<vmem>>, %arg11: memref<4096xf32, #tpu.memory_space<vmem>>, %arg12: memref<4096xf32, #tpu.memory_space<vmem>>, %arg13: memref<4096xf32, #tpu.memory_space<vmem>>, %arg14: memref<4096xf32, #tpu.memory_space<vmem>>, %arg15: memref<4096xf32, #tpu.memory_space<vmem>>, %arg16: memref<4096xf32, #tpu.memory_space<vmem>>, %arg17: memref<4096xf32, #tpu.memory_space<vmem>>, %arg18: memref<4096xf32, #tpu.memory_space<vmem>>, %arg19: memref<4096xf32, #tpu.memory_space<vmem>>, %arg20: memref<4096xf32, #tpu.memory_space<vmem>>, %arg21: memref<8192xf32, #tpu.memory_space<vmem>>, %arg22: memref<8192xf32, #tpu.memory_space<vmem>>, %arg23: memref<2x8x1024xf32, #tpu.memory_space<vmem>>, %arg24: memref<!tpu.dma_semaphore, #tpu.memory_space<semaphore_mem>>, %arg25: memref<!tpu.dma_semaphore, #tpu.memory_space<semaphore_mem>>) attributes {dimension_semantics = [#tpu.dimension_semantics<core_parallel>, #tpu.dimension_semantics<subcore_parallel>], iteration_bounds = array<i64: 2, 16>, scalar_prefetch = 0 : i64, scratch_operands = 21 : i64, tpu.core_type = #tpu.core_type<sc_vector_subcore>, window_params = [{transform_indices = #map}, {transform_indices = #map1}, {transform_indices = #map}]} {
    %mul3A = arith.constant 2 : i32
    %mul3A_0 = arith.muli %arg1, %mul3A : i32
    %add3A = arith.addi %mul3A_0, %arg0 : i32
    %mul3A_1 = arith.constant 8192 : i32
    %mul3A_2 = arith.muli %add3A, %mul3A_1 : i32
    "tpu.region"() ({
      %run_scoped3A_40 = tpu.sem_alloc : memref<!tpu.dma_semaphore, #tpu.memory_space<semaphore_mem>>
      %dma_start3A = arith.constant 0 : i32
      %dma_start3A_41 = tpu.memref_slice %arg3[%dma_start3A] : memref<65536xf32, #tpu.memory_space<hbm>> -> memref<4096xf32, #tpu.memory_space<hbm>>
      %dma_start3A_42 = arith.constant 0 : i32
      %dma_start3A_43 = tpu.memref_slice %arg3[%dma_start3A_42] : memref<65536xf32, #tpu.memory_space<hbm>> -> memref<4096xf32, #tpu.memory_space<hbm>>
      tpu.enqueue_dma source(%dma_start3A_43 : memref<4096xf32, #tpu.memory_space<hbm>>) target(%arg5 : memref<4096xf32, #tpu.memory_space<vmem>>) target_semaphore(%run_scoped3A_40 : memref<!tpu.dma_semaphore, #tpu.memory_space<semaphore_mem>>)
      %dma_wait3A_44 = arith.constant 0 : i32
      %dma_wait3A_45 = tpu.memref_slice %arg3[%dma_wait3A_44] : memref<65536xf32, #tpu.memory_space<hbm>> -> memref<4096xf32, #tpu.memory_space<hbm>>
      %dma_wait3A_46 = arith.constant 0 : i32
      %dma_wait3A_47 = tpu.memref_slice %arg3[%dma_wait3A_46] : memref<65536xf32, #tpu.memory_space<hbm>> -> memref<4096xf32, #tpu.memory_space<hbm>>
      tpu.wait_dma2 semaphore(%run_scoped3A_40 : memref<!tpu.dma_semaphore, #tpu.memory_space<semaphore_mem>>) src(%dma_wait3A_47 : memref<4096xf32, #tpu.memory_space<hbm>>) dst(%arg5 : memref<4096xf32, #tpu.memory_space<vmem>>)
      tpu.yield
    }) : () -> ()
    "tpu.region"() ({
      %run_scoped3A_40 = tpu.sem_alloc : memref<!tpu.dma_semaphore, #tpu.memory_space<semaphore_mem>>
      %dma_start3A = arith.constant 4096 : i32
      %dma_start3A_41 = tpu.memref_slice %arg3[%dma_start3A] : memref<65536xf32, #tpu.memory_space<hbm>> -> memref<4096xf32, #tpu.memory_space<hbm>>
      %dma_start3A_42 = arith.constant 4096 : i32
      %dma_start3A_43 = tpu.memref_slice %arg3[%dma_start3A_42] : memref<65536xf32, #tpu.memory_space<hbm>> -> memref<4096xf32, #tpu.memory_space<hbm>>
      tpu.enqueue_dma source(%dma_start3A_43 : memref<4096xf32, #tpu.memory_space<hbm>>) target(%arg6 : memref<4096xf32, #tpu.memory_space<vmem>>) target_semaphore(%run_scoped3A_40 : memref<!tpu.dma_semaphore, #tpu.memory_space<semaphore_mem>>)
      %dma_wait3A_44 = arith.constant 4096 : i32
      %dma_wait3A_45 = tpu.memref_slice %arg3[%dma_wait3A_44] : memref<65536xf32, #tpu.memory_space<hbm>> -> memref<4096xf32, #tpu.memory_space<hbm>>
      %dma_wait3A_46 = arith.constant 4096 : i32
      %dma_wait3A_47 = tpu.memref_slice %arg3[%dma_wait3A_46] : memref<65536xf32, #tpu.memory_space<hbm>> -> memref<4096xf32, #tpu.memory_space<hbm>>
      tpu.wait_dma2 semaphore(%run_scoped3A_40 : memref<!tpu.dma_semaphore, #tpu.memory_space<semaphore_mem>>) src(%dma_wait3A_47 : memref<4096xf32, #tpu.memory_space<hbm>>) dst(%arg6 : memref<4096xf32, #tpu.memory_space<vmem>>)
      tpu.yield
    }) : () -> ()
    "tpu.region"() ({
      %run_scoped3A_40 = tpu.sem_alloc : memref<!tpu.dma_semaphore, #tpu.memory_space<semaphore_mem>>
      %dma_start3A = arith.constant 8192 : i32
      %dma_start3A_41 = tpu.memref_slice %arg3[%dma_start3A] : memref<65536xf32, #tpu.memory_space<hbm>> -> memref<4096xf32, #tpu.memory_space<hbm>>
      %dma_start3A_42 = arith.constant 8192 : i32
      %dma_start3A_43 = tpu.memref_slice %arg3[%dma_start3A_42] : memref<65536xf32, #tpu.memory_space<hbm>> -> memref<4096xf32, #tpu.memory_space<hbm>>
      tpu.enqueue_dma source(%dma_start3A_43 : memref<4096xf32, #tpu.memory_space<hbm>>) target(%arg7 : memref<4096xf32, #tpu.memory_space<vmem>>) target_semaphore(%run_scoped3A_40 : memref<!tpu.dma_semaphore, #tpu.memory_space<semaphore_mem>>)
      %dma_wait3A_44 = arith.constant 8192 : i32
      %dma_wait3A_45 = tpu.memref_slice %arg3[%dma_wait3A_44] : memref<65536xf32, #tpu.memory_space<hbm>> -> memref<4096xf32, #tpu.memory_space<hbm>>
      %dma_wait3A_46 = arith.constant 8192 : i32
      %dma_wait3A_47 = tpu.memref_slice %arg3[%dma_wait3A_46] : memref<65536xf32, #tpu.memory_space<hbm>> -> memref<4096xf32, #tpu.memory_space<hbm>>
      tpu.wait_dma2 semaphore(%run_scoped3A_40 : memref<!tpu.dma_semaphore, #tpu.memory_space<semaphore_mem>>) src(%dma_wait3A_47 : memref<4096xf32, #tpu.memory_space<hbm>>) dst(%arg7 : memref<4096xf32, #tpu.memory_space<vmem>>)
      tpu.yield
    }) : () -> ()
    "tpu.region"() ({
      %run_scoped3A_40 = tpu.sem_alloc : memref<!tpu.dma_semaphore, #tpu.memory_space<semaphore_mem>>
      %dma_start3A = arith.constant 12288 : i32
      %dma_start3A_41 = tpu.memref_slice %arg3[%dma_start3A] : memref<65536xf32, #tpu.memory_space<hbm>> -> memref<4096xf32, #tpu.memory_space<hbm>>
      %dma_start3A_42 = arith.constant 12288 : i32
      %dma_start3A_43 = tpu.memref_slice %arg3[%dma_start3A_42] : memref<65536xf32, #tpu.memory_space<hbm>> -> memref<4096xf32, #tpu.memory_space<hbm>>
      tpu.enqueue_dma source(%dma_start3A_43 : memref<4096xf32, #tpu.memory_space<hbm>>) target(%arg8 : memref<4096xf32, #tpu.memory_space<vmem>>) target_semaphore(%run_scoped3A_40 : memref<!tpu.dma_semaphore, #tpu.memory_space<semaphore_mem>>)
      %dma_wait3A_44 = arith.constant 12288 : i32
      %dma_wait3A_45 = tpu.memref_slice %arg3[%dma_wait3A_44] : memref<65536xf32, #tpu.memory_space<hbm>> -> memref<4096xf32, #tpu.memory_space<hbm>>
      %dma_wait3A_46 = arith.constant 12288 : i32
      %dma_wait3A_47 = tpu.memref_slice %arg3[%dma_wait3A_46] : memref<65536xf32, #tpu.memory_space<hbm>> -> memref<4096xf32, #tpu.memory_space<hbm>>
      tpu.wait_dma2 semaphore(%run_scoped3A_40 : memref<!tpu.dma_semaphore, #tpu.memory_space<semaphore_mem>>) src(%dma_wait3A_47 : memref<4096xf32, #tpu.memory_space<hbm>>) dst(%arg8 : memref<4096xf32, #tpu.memory_space<vmem>>)
      tpu.yield
    }) : () -> ()
    "tpu.region"() ({
      %run_scoped3A_40 = tpu.sem_alloc : memref<!tpu.dma_semaphore, #tpu.memory_space<semaphore_mem>>
      %dma_start3A = arith.constant 16384 : i32
      %dma_start3A_41 = tpu.memref_slice %arg3[%dma_start3A] : memref<65536xf32, #tpu.memory_space<hbm>> -> memref<4096xf32, #tpu.memory_space<hbm>>
      %dma_start3A_42 = arith.constant 16384 : i32
      %dma_start3A_43 = tpu.memref_slice %arg3[%dma_start3A_42] : memref<65536xf32, #tpu.memory_space<hbm>> -> memref<4096xf32, #tpu.memory_space<hbm>>
      tpu.enqueue_dma source(%dma_start3A_43 : memref<4096xf32, #tpu.memory_space<hbm>>) target(%arg9 : memref<4096xf32, #tpu.memory_space<vmem>>) target_semaphore(%run_scoped3A_40 : memref<!tpu.dma_semaphore, #tpu.memory_space<semaphore_mem>>)
      %dma_wait3A_44 = arith.constant 16384 : i32
      %dma_wait3A_45 = tpu.memref_slice %arg3[%dma_wait3A_44] : memref<65536xf32, #tpu.memory_space<hbm>> -> memref<4096xf32, #tpu.memory_space<hbm>>
      %dma_wait3A_46 = arith.constant 16384 : i32
      %dma_wait3A_47 = tpu.memref_slice %arg3[%dma_wait3A_46] : memref<65536xf32, #tpu.memory_space<hbm>> -> memref<4096xf32, #tpu.memory_space<hbm>>
      tpu.wait_dma2 semaphore(%run_scoped3A_40 : memref<!tpu.dma_semaphore, #tpu.memory_space<semaphore_mem>>) src(%dma_wait3A_47 : memref<4096xf32, #tpu.memory_space<hbm>>) dst(%arg9 : memref<4096xf32, #tpu.memory_space<vmem>>)
      tpu.yield
    }) : () -> ()
    "tpu.region"() ({
      %run_scoped3A_40 = tpu.sem_alloc : memref<!tpu.dma_semaphore, #tpu.memory_space<semaphore_mem>>
      %dma_start3A = arith.constant 20480 : i32
      %dma_start3A_41 = tpu.memref_slice %arg3[%dma_start3A] : memref<65536xf32, #tpu.memory_space<hbm>> -> memref<4096xf32, #tpu.memory_space<hbm>>
      %dma_start3A_42 = arith.constant 20480 : i32
      %dma_start3A_43 = tpu.memref_slice %arg3[%dma_start3A_42] : memref<65536xf32, #tpu.memory_space<hbm>> -> memref<4096xf32, #tpu.memory_space<hbm>>
      tpu.enqueue_dma source(%dma_start3A_43 : memref<4096xf32, #tpu.memory_space<hbm>>) target(%arg10 : memref<4096xf32, #tpu.memory_space<vmem>>) target_semaphore(%run_scoped3A_40 : memref<!tpu.dma_semaphore, #tpu.memory_space<semaphore_mem>>)
      %dma_wait3A_44 = arith.constant 20480 : i32
      %dma_wait3A_45 = tpu.memref_slice %arg3[%dma_wait3A_44] : memref<65536xf32, #tpu.memory_space<hbm>> -> memref<4096xf32, #tpu.memory_space<hbm>>
      %dma_wait3A_46 = arith.constant 20480 : i32
      %dma_wait3A_47 = tpu.memref_slice %arg3[%dma_wait3A_46] : memref<65536xf32, #tpu.memory_space<hbm>> -> memref<4096xf32, #tpu.memory_space<hbm>>
      tpu.wait_dma2 semaphore(%run_scoped3A_40 : memref<!tpu.dma_semaphore, #tpu.memory_space<semaphore_mem>>) src(%dma_wait3A_47 : memref<4096xf32, #tpu.memory_space<hbm>>) dst(%arg10 : memref<4096xf32, #tpu.memory_space<vmem>>)
      tpu.yield
    }) : () -> ()
    "tpu.region"() ({
      %run_scoped3A_40 = tpu.sem_alloc : memref<!tpu.dma_semaphore, #tpu.memory_space<semaphore_mem>>
      %dma_start3A = arith.constant 24576 : i32
      %dma_start3A_41 = tpu.memref_slice %arg3[%dma_start3A] : memref<65536xf32, #tpu.memory_space<hbm>> -> memref<4096xf32, #tpu.memory_space<hbm>>
      %dma_start3A_42 = arith.constant 24576 : i32
      %dma_start3A_43 = tpu.memref_slice %arg3[%dma_start3A_42] : memref<65536xf32, #tpu.memory_space<hbm>> -> memref<4096xf32, #tpu.memory_space<hbm>>
      tpu.enqueue_dma source(%dma_start3A_43 : memref<4096xf32, #tpu.memory_space<hbm>>) target(%arg11 : memref<4096xf32, #tpu.memory_space<vmem>>) target_semaphore(%run_scoped3A_40 : memref<!tpu.dma_semaphore, #tpu.memory_space<semaphore_mem>>)
      %dma_wait3A_44 = arith.constant 24576 : i32
      %dma_wait3A_45 = tpu.memref_slice %arg3[%dma_wait3A_44] : memref<65536xf32, #tpu.memory_space<hbm>> -> memref<4096xf32, #tpu.memory_space<hbm>>
      %dma_wait3A_46 = arith.constant 24576 : i32
      %dma_wait3A_47 = tpu.memref_slice %arg3[%dma_wait3A_46] : memref<65536xf32, #tpu.memory_space<hbm>> -> memref<4096xf32, #tpu.memory_space<hbm>>
      tpu.wait_dma2 semaphore(%run_scoped3A_40 : memref<!tpu.dma_semaphore, #tpu.memory_space<semaphore_mem>>) src(%dma_wait3A_47 : memref<4096xf32, #tpu.memory_space<hbm>>) dst(%arg11 : memref<4096xf32, #tpu.memory_space<vmem>>)
      tpu.yield
    }) : () -> ()
    "tpu.region"() ({
      %run_scoped3A_40 = tpu.sem_alloc : memref<!tpu.dma_semaphore, #tpu.memory_space<semaphore_mem>>
      %dma_start3A = arith.constant 28672 : i32
      %dma_start3A_41 = tpu.memref_slice %arg3[%dma_start3A] : memref<65536xf32, #tpu.memory_space<hbm>> -> memref<4096xf32, #tpu.memory_space<hbm>>
      %dma_start3A_42 = arith.constant 28672 : i32
      %dma_start3A_43 = tpu.memref_slice %arg3[%dma_start3A_42] : memref<65536xf32, #tpu.memory_space<hbm>> -> memref<4096xf32, #tpu.memory_space<hbm>>
      tpu.enqueue_dma source(%dma_start3A_43 : memref<4096xf32, #tpu.memory_space<hbm>>) target(%arg12 : memref<4096xf32, #tpu.memory_space<vmem>>) target_semaphore(%run_scoped3A_40 : memref<!tpu.dma_semaphore, #tpu.memory_space<semaphore_mem>>)
      %dma_wait3A_44 = arith.constant 28672 : i32
      %dma_wait3A_45 = tpu.memref_slice %arg3[%dma_wait3A_44] : memref<65536xf32, #tpu.memory_space<hbm>> -> memref<4096xf32, #tpu.memory_space<hbm>>
      %dma_wait3A_46 = arith.constant 28672 : i32
      %dma_wait3A_47 = tpu.memref_slice %arg3[%dma_wait3A_46] : memref<65536xf32, #tpu.memory_space<hbm>> -> memref<4096xf32, #tpu.memory_space<hbm>>
      tpu.wait_dma2 semaphore(%run_scoped3A_40 : memref<!tpu.dma_semaphore, #tpu.memory_space<semaphore_mem>>) src(%dma_wait3A_47 : memref<4096xf32, #tpu.memory_space<hbm>>) dst(%arg12 : memref<4096xf32, #tpu.memory_space<vmem>>)
      tpu.yield
    }) : () -> ()
    "tpu.region"() ({
      %run_scoped3A_40 = tpu.sem_alloc : memref<!tpu.dma_semaphore, #tpu.memory_space<semaphore_mem>>
      %dma_start3A = arith.constant 32768 : i32
      %dma_start3A_41 = tpu.memref_slice %arg3[%dma_start3A] : memref<65536xf32, #tpu.memory_space<hbm>> -> memref<4096xf32, #tpu.memory_space<hbm>>
      %dma_start3A_42 = arith.constant 32768 : i32
      %dma_start3A_43 = tpu.memref_slice %arg3[%dma_start3A_42] : memref<65536xf32, #tpu.memory_space<hbm>> -> memref<4096xf32, #tpu.memory_space<hbm>>
      tpu.enqueue_dma source(%dma_start3A_43 : memref<4096xf32, #tpu.memory_space<hbm>>) target(%arg13 : memref<4096xf32, #tpu.memory_space<vmem>>) target_semaphore(%run_scoped3A_40 : memref<!tpu.dma_semaphore, #tpu.memory_space<semaphore_mem>>)
      %dma_wait3A_44 = arith.constant 32768 : i32
      %dma_wait3A_45 = tpu.memref_slice %arg3[%dma_wait3A_44] : memref<65536xf32, #tpu.memory_space<hbm>> -> memref<4096xf32, #tpu.memory_space<hbm>>
      %dma_wait3A_46 = arith.constant 32768 : i32
      %dma_wait3A_47 = tpu.memref_slice %arg3[%dma_wait3A_46] : memref<65536xf32, #tpu.memory_space<hbm>> -> memref<4096xf32, #tpu.memory_space<hbm>>
      tpu.wait_dma2 semaphore(%run_scoped3A_40 : memref<!tpu.dma_semaphore, #tpu.memory_space<semaphore_mem>>) src(%dma_wait3A_47 : memref<4096xf32, #tpu.memory_space<hbm>>) dst(%arg13 : memref<4096xf32, #tpu.memory_space<vmem>>)
      tpu.yield
    }) : () -> ()
    "tpu.region"() ({
      %run_scoped3A_40 = tpu.sem_alloc : memref<!tpu.dma_semaphore, #tpu.memory_space<semaphore_mem>>
      %dma_start3A = arith.constant 36864 : i32
      %dma_start3A_41 = tpu.memref_slice %arg3[%dma_start3A] : memref<65536xf32, #tpu.memory_space<hbm>> -> memref<4096xf32, #tpu.memory_space<hbm>>
      %dma_start3A_42 = arith.constant 36864 : i32
      %dma_start3A_43 = tpu.memref_slice %arg3[%dma_start3A_42] : memref<65536xf32, #tpu.memory_space<hbm>> -> memref<4096xf32, #tpu.memory_space<hbm>>
      tpu.enqueue_dma source(%dma_start3A_43 : memref<4096xf32, #tpu.memory_space<hbm>>) target(%arg14 : memref<4096xf32, #tpu.memory_space<vmem>>) target_semaphore(%run_scoped3A_40 : memref<!tpu.dma_semaphore, #tpu.memory_space<semaphore_mem>>)
      %dma_wait3A_44 = arith.constant 36864 : i32
      %dma_wait3A_45 = tpu.memref_slice %arg3[%dma_wait3A_44] : memref<65536xf32, #tpu.memory_space<hbm>> -> memref<4096xf32, #tpu.memory_space<hbm>>
      %dma_wait3A_46 = arith.constant 36864 : i32
      %dma_wait3A_47 = tpu.memref_slice %arg3[%dma_wait3A_46] : memref<65536xf32, #tpu.memory_space<hbm>> -> memref<4096xf32, #tpu.memory_space<hbm>>
      tpu.wait_dma2 semaphore(%run_scoped3A_40 : memref<!tpu.dma_semaphore, #tpu.memory_space<semaphore_mem>>) src(%dma_wait3A_47 : memref<4096xf32, #tpu.memory_space<hbm>>) dst(%arg14 : memref<4096xf32, #tpu.memory_space<vmem>>)
      tpu.yield
    }) : () -> ()
    "tpu.region"() ({
      %run_scoped3A_40 = tpu.sem_alloc : memref<!tpu.dma_semaphore, #tpu.memory_space<semaphore_mem>>
      %dma_start3A = arith.constant 40960 : i32
      %dma_start3A_41 = tpu.memref_slice %arg3[%dma_start3A] : memref<65536xf32, #tpu.memory_space<hbm>> -> memref<4096xf32, #tpu.memory_space<hbm>>
      %dma_start3A_42 = arith.constant 40960 : i32
      %dma_start3A_43 = tpu.memref_slice %arg3[%dma_start3A_42] : memref<65536xf32, #tpu.memory_space<hbm>> -> memref<4096xf32, #tpu.memory_space<hbm>>
      tpu.enqueue_dma source(%dma_start3A_43 : memref<4096xf32, #tpu.memory_space<hbm>>) target(%arg15 : memref<4096xf32, #tpu.memory_space<vmem>>) target_semaphore(%run_scoped3A_40 : memref<!tpu.dma_semaphore, #tpu.memory_space<semaphore_mem>>)
      %dma_wait3A_44 = arith.constant 40960 : i32
      %dma_wait3A_45 = tpu.memref_slice %arg3[%dma_wait3A_44] : memref<65536xf32, #tpu.memory_space<hbm>> -> memref<4096xf32, #tpu.memory_space<hbm>>
      %dma_wait3A_46 = arith.constant 40960 : i32
      %dma_wait3A_47 = tpu.memref_slice %arg3[%dma_wait3A_46] : memref<65536xf32, #tpu.memory_space<hbm>> -> memref<4096xf32, #tpu.memory_space<hbm>>
      tpu.wait_dma2 semaphore(%run_scoped3A_40 : memref<!tpu.dma_semaphore, #tpu.memory_space<semaphore_mem>>) src(%dma_wait3A_47 : memref<4096xf32, #tpu.memory_space<hbm>>) dst(%arg15 : memref<4096xf32, #tpu.memory_space<vmem>>)
      tpu.yield
    }) : () -> ()
    "tpu.region"() ({
      %run_scoped3A_40 = tpu.sem_alloc : memref<!tpu.dma_semaphore, #tpu.memory_space<semaphore_mem>>
      %dma_start3A = arith.constant 45056 : i32
      %dma_start3A_41 = tpu.memref_slice %arg3[%dma_start3A] : memref<65536xf32, #tpu.memory_space<hbm>> -> memref<4096xf32, #tpu.memory_space<hbm>>
      %dma_start3A_42 = arith.constant 45056 : i32
      %dma_start3A_43 = tpu.memref_slice %arg3[%dma_start3A_42] : memref<65536xf32, #tpu.memory_space<hbm>> -> memref<4096xf32, #tpu.memory_space<hbm>>
      tpu.enqueue_dma source(%dma_start3A_43 : memref<4096xf32, #tpu.memory_space<hbm>>) target(%arg16 : memref<4096xf32, #tpu.memory_space<vmem>>) target_semaphore(%run_scoped3A_40 : memref<!tpu.dma_semaphore, #tpu.memory_space<semaphore_mem>>)
      %dma_wait3A_44 = arith.constant 45056 : i32
      %dma_wait3A_45 = tpu.memref_slice %arg3[%dma_wait3A_44] : memref<65536xf32, #tpu.memory_space<hbm>> -> memref<4096xf32, #tpu.memory_space<hbm>>
      %dma_wait3A_46 = arith.constant 45056 : i32
      %dma_wait3A_47 = tpu.memref_slice %arg3[%dma_wait3A_46] : memref<65536xf32, #tpu.memory_space<hbm>> -> memref<4096xf32, #tpu.memory_space<hbm>>
      tpu.wait_dma2 semaphore(%run_scoped3A_40 : memref<!tpu.dma_semaphore, #tpu.memory_space<semaphore_mem>>) src(%dma_wait3A_47 : memref<4096xf32, #tpu.memory_space<hbm>>) dst(%arg16 : memref<4096xf32, #tpu.memory_space<vmem>>)
      tpu.yield
    }) : () -> ()
    "tpu.region"() ({
      %run_scoped3A_40 = tpu.sem_alloc : memref<!tpu.dma_semaphore, #tpu.memory_space<semaphore_mem>>
      %dma_start3A = arith.constant 49152 : i32
      %dma_start3A_41 = tpu.memref_slice %arg3[%dma_start3A] : memref<65536xf32, #tpu.memory_space<hbm>> -> memref<4096xf32, #tpu.memory_space<hbm>>
      %dma_start3A_42 = arith.constant 49152 : i32
      %dma_start3A_43 = tpu.memref_slice %arg3[%dma_start3A_42] : memref<65536xf32, #tpu.memory_space<hbm>> -> memref<4096xf32, #tpu.memory_space<hbm>>
      tpu.enqueue_dma source(%dma_start3A_43 : memref<4096xf32, #tpu.memory_space<hbm>>) target(%arg17 : memref<4096xf32, #tpu.memory_space<vmem>>) target_semaphore(%run_scoped3A_40 : memref<!tpu.dma_semaphore, #tpu.memory_space<semaphore_mem>>)
      %dma_wait3A_44 = arith.constant 49152 : i32
      %dma_wait3A_45 = tpu.memref_slice %arg3[%dma_wait3A_44] : memref<65536xf32, #tpu.memory_space<hbm>> -> memref<4096xf32, #tpu.memory_space<hbm>>
      %dma_wait3A_46 = arith.constant 49152 : i32
      %dma_wait3A_47 = tpu.memref_slice %arg3[%dma_wait3A_46] : memref<65536xf32, #tpu.memory_space<hbm>> -> memref<4096xf32, #tpu.memory_space<hbm>>
      tpu.wait_dma2 semaphore(%run_scoped3A_40 : memref<!tpu.dma_semaphore, #tpu.memory_space<semaphore_mem>>) src(%dma_wait3A_47 : memref<4096xf32, #tpu.memory_space<hbm>>) dst(%arg17 : memref<4096xf32, #tpu.memory_space<vmem>>)
      tpu.yield
    }) : () -> ()
    "tpu.region"() ({
      %run_scoped3A_40 = tpu.sem_alloc : memref<!tpu.dma_semaphore, #tpu.memory_space<semaphore_mem>>
      %dma_start3A = arith.constant 53248 : i32
      %dma_start3A_41 = tpu.memref_slice %arg3[%dma_start3A] : memref<65536xf32, #tpu.memory_space<hbm>> -> memref<4096xf32, #tpu.memory_space<hbm>>
      %dma_start3A_42 = arith.constant 53248 : i32
      %dma_start3A_43 = tpu.memref_slice %arg3[%dma_start3A_42] : memref<65536xf32, #tpu.memory_space<hbm>> -> memref<4096xf32, #tpu.memory_space<hbm>>
      tpu.enqueue_dma source(%dma_start3A_43 : memref<4096xf32, #tpu.memory_space<hbm>>) target(%arg18 : memref<4096xf32, #tpu.memory_space<vmem>>) target_semaphore(%run_scoped3A_40 : memref<!tpu.dma_semaphore, #tpu.memory_space<semaphore_mem>>)
      %dma_wait3A_44 = arith.constant 53248 : i32
      %dma_wait3A_45 = tpu.memref_slice %arg3[%dma_wait3A_44] : memref<65536xf32, #tpu.memory_space<hbm>> -> memref<4096xf32, #tpu.memory_space<hbm>>
      %dma_wait3A_46 = arith.constant 53248 : i32
      %dma_wait3A_47 = tpu.memref_slice %arg3[%dma_wait3A_46] : memref<65536xf32, #tpu.memory_space<hbm>> -> memref<4096xf32, #tpu.memory_space<hbm>>
      tpu.wait_dma2 semaphore(%run_scoped3A_40 : memref<!tpu.dma_semaphore, #tpu.memory_space<semaphore_mem>>) src(%dma_wait3A_47 : memref<4096xf32, #tpu.memory_space<hbm>>) dst(%arg18 : memref<4096xf32, #tpu.memory_space<vmem>>)
      tpu.yield
    }) : () -> ()
    "tpu.region"() ({
      %run_scoped3A_40 = tpu.sem_alloc : memref<!tpu.dma_semaphore, #tpu.memory_space<semaphore_mem>>
      %dma_start3A = arith.constant 57344 : i32
      %dma_start3A_41 = tpu.memref_slice %arg3[%dma_start3A] : memref<65536xf32, #tpu.memory_space<hbm>> -> memref<4096xf32, #tpu.memory_space<hbm>>
      %dma_start3A_42 = arith.constant 57344 : i32
      %dma_start3A_43 = tpu.memref_slice %arg3[%dma_start3A_42] : memref<65536xf32, #tpu.memory_space<hbm>> -> memref<4096xf32, #tpu.memory_space<hbm>>
      tpu.enqueue_dma source(%dma_start3A_43 : memref<4096xf32, #tpu.memory_space<hbm>>) target(%arg19 : memref<4096xf32, #tpu.memory_space<vmem>>) target_semaphore(%run_scoped3A_40 : memref<!tpu.dma_semaphore, #tpu.memory_space<semaphore_mem>>)
      %dma_wait3A_44 = arith.constant 57344 : i32
      %dma_wait3A_45 = tpu.memref_slice %arg3[%dma_wait3A_44] : memref<65536xf32, #tpu.memory_space<hbm>> -> memref<4096xf32, #tpu.memory_space<hbm>>
      %dma_wait3A_46 = arith.constant 57344 : i32
      %dma_wait3A_47 = tpu.memref_slice %arg3[%dma_wait3A_46] : memref<65536xf32, #tpu.memory_space<hbm>> -> memref<4096xf32, #tpu.memory_space<hbm>>
      tpu.wait_dma2 semaphore(%run_scoped3A_40 : memref<!tpu.dma_semaphore, #tpu.memory_space<semaphore_mem>>) src(%dma_wait3A_47 : memref<4096xf32, #tpu.memory_space<hbm>>) dst(%arg19 : memref<4096xf32, #tpu.memory_space<vmem>>)
      tpu.yield
    }) : () -> ()
    "tpu.region"() ({
      %run_scoped3A_40 = tpu.sem_alloc : memref<!tpu.dma_semaphore, #tpu.memory_space<semaphore_mem>>
      %dma_start3A = arith.constant 61440 : i32
      %dma_start3A_41 = tpu.memref_slice %arg3[%dma_start3A] : memref<65536xf32, #tpu.memory_space<hbm>> -> memref<4096xf32, #tpu.memory_space<hbm>>
      %dma_start3A_42 = arith.constant 61440 : i32
      %dma_start3A_43 = tpu.memref_slice %arg3[%dma_start3A_42] : memref<65536xf32, #tpu.memory_space<hbm>> -> memref<4096xf32, #tpu.memory_space<hbm>>
      tpu.enqueue_dma source(%dma_start3A_43 : memref<4096xf32, #tpu.memory_space<hbm>>) target(%arg20 : memref<4096xf32, #tpu.memory_space<vmem>>) target_semaphore(%run_scoped3A_40 : memref<!tpu.dma_semaphore, #tpu.memory_space<semaphore_mem>>)
      %dma_wait3A_44 = arith.constant 61440 : i32
      %dma_wait3A_45 = tpu.memref_slice %arg3[%dma_wait3A_44] : memref<65536xf32, #tpu.memory_space<hbm>> -> memref<4096xf32, #tpu.memory_space<hbm>>
      %dma_wait3A_46 = arith.constant 61440 : i32
      %dma_wait3A_47 = tpu.memref_slice %arg3[%dma_wait3A_46] : memref<65536xf32, #tpu.memory_space<hbm>> -> memref<4096xf32, #tpu.memory_space<hbm>>
      tpu.wait_dma2 semaphore(%run_scoped3A_40 : memref<!tpu.dma_semaphore, #tpu.memory_space<semaphore_mem>>) src(%dma_wait3A_47 : memref<4096xf32, #tpu.memory_space<hbm>>) dst(%arg20 : memref<4096xf32, #tpu.memory_space<vmem>>)
      tpu.yield
    }) : () -> ()
    %add3A_3 = arith.constant 0 : i32
    %add3A_4 = arith.addi %add3A_3, %mul3A_2 : i32
    %run_scoped3A = arith.constant 0 : i32
    "tpu.region"() ({
      %run_scoped3A_40 = tpu.sem_alloc : memref<!tpu.dma_semaphore, #tpu.memory_space<semaphore_mem>>
      %dma_start3A = tpu.memref_slice %arg2[%run_scoped3A, %add3A_4] : memref<2x262144xf32, #tpu.memory_space<hbm>> -> memref<1x8192xf32, #tpu.memory_space<hbm>>
      %dma_start3A_41 = tpu.memref_squeeze %dma_start3A : memref<1x8192xf32, #tpu.memory_space<hbm>> -> memref<8192xf32, #tpu.memory_space<hbm>>
      %dma_start3A_42 = tpu.memref_slice %arg2[%run_scoped3A, %add3A_4] : memref<2x262144xf32, #tpu.memory_space<hbm>> -> memref<1x8192xf32, #tpu.memory_space<hbm>>
      %dma_start3A_43 = tpu.memref_squeeze %dma_start3A_42 : memref<1x8192xf32, #tpu.memory_space<hbm>> -> memref<8192xf32, #tpu.memory_space<hbm>>
      tpu.enqueue_dma source(%dma_start3A_43 : memref<8192xf32, #tpu.memory_space<hbm>>) target(%arg21 : memref<8192xf32, #tpu.memory_space<vmem>>) target_semaphore(%run_scoped3A_40 : memref<!tpu.dma_semaphore, #tpu.memory_space<semaphore_mem>>)
      %dma_wait3A_44 = tpu.memref_slice %arg2[%run_scoped3A, %add3A_4] : memref<2x262144xf32, #tpu.memory_space<hbm>> -> memref<1x8192xf32, #tpu.memory_space<hbm>>
      %dma_wait3A_45 = tpu.memref_squeeze %dma_wait3A_44 : memref<1x8192xf32, #tpu.memory_space<hbm>> -> memref<8192xf32, #tpu.memory_space<hbm>>
      %dma_wait3A_46 = tpu.memref_slice %arg2[%run_scoped3A, %add3A_4] : memref<2x262144xf32, #tpu.memory_space<hbm>> -> memref<1x8192xf32, #tpu.memory_space<hbm>>
      %dma_wait3A_47 = tpu.memref_squeeze %dma_wait3A_46 : memref<1x8192xf32, #tpu.memory_space<hbm>> -> memref<8192xf32, #tpu.memory_space<hbm>>
      tpu.wait_dma2 semaphore(%run_scoped3A_40 : memref<!tpu.dma_semaphore, #tpu.memory_space<semaphore_mem>>) src(%dma_wait3A_47 : memref<8192xf32, #tpu.memory_space<hbm>>) dst(%arg21 : memref<8192xf32, #tpu.memory_space<vmem>>)
      tpu.yield
    }) : () -> ()
    %add3A_5 = arith.constant 0 : i32
    %add3A_6 = arith.addi %add3A_5, %mul3A_2 : i32
    %run_scoped3A_7 = arith.constant 1 : i32
    "tpu.region"() ({
      %run_scoped3A_40 = tpu.sem_alloc : memref<!tpu.dma_semaphore, #tpu.memory_space<semaphore_mem>>
      %dma_start3A = tpu.memref_slice %arg2[%run_scoped3A_7, %add3A_6] : memref<2x262144xf32, #tpu.memory_space<hbm>> -> memref<1x8192xf32, #tpu.memory_space<hbm>>
      %dma_start3A_41 = tpu.memref_squeeze %dma_start3A : memref<1x8192xf32, #tpu.memory_space<hbm>> -> memref<8192xf32, #tpu.memory_space<hbm>>
      %dma_start3A_42 = tpu.memref_slice %arg2[%run_scoped3A_7, %add3A_6] : memref<2x262144xf32, #tpu.memory_space<hbm>> -> memref<1x8192xf32, #tpu.memory_space<hbm>>
      %dma_start3A_43 = tpu.memref_squeeze %dma_start3A_42 : memref<1x8192xf32, #tpu.memory_space<hbm>> -> memref<8192xf32, #tpu.memory_space<hbm>>
      tpu.enqueue_dma source(%dma_start3A_43 : memref<8192xf32, #tpu.memory_space<hbm>>) target(%arg22 : memref<8192xf32, #tpu.memory_space<vmem>>) target_semaphore(%run_scoped3A_40 : memref<!tpu.dma_semaphore, #tpu.memory_space<semaphore_mem>>)
      %dma_wait3A_44 = tpu.memref_slice %arg2[%run_scoped3A_7, %add3A_6] : memref<2x262144xf32, #tpu.memory_space<hbm>> -> memref<1x8192xf32, #tpu.memory_space<hbm>>
      %dma_wait3A_45 = tpu.memref_squeeze %dma_wait3A_44 : memref<1x8192xf32, #tpu.memory_space<hbm>> -> memref<8192xf32, #tpu.memory_space<hbm>>
      %dma_wait3A_46 = tpu.memref_slice %arg2[%run_scoped3A_7, %add3A_6] : memref<2x262144xf32, #tpu.memory_space<hbm>> -> memref<1x8192xf32, #tpu.memory_space<hbm>>
      %dma_wait3A_47 = tpu.memref_squeeze %dma_wait3A_46 : memref<1x8192xf32, #tpu.memory_space<hbm>> -> memref<8192xf32, #tpu.memory_space<hbm>>
      tpu.wait_dma2 semaphore(%run_scoped3A_40 : memref<!tpu.dma_semaphore, #tpu.memory_space<semaphore_mem>>) src(%dma_wait3A_47 : memref<8192xf32, #tpu.memory_space<hbm>>) dst(%arg22 : memref<8192xf32, #tpu.memory_space<vmem>>)
      tpu.yield
    }) : () -> ()
    %scan3A = arith.constant 0 : i32
    %scan3A_8 = arith.constant -1640531535 : i32
    %scan3A_9 = arith.constant 4095 : i32
    %scan3A_10 = arith.constant 0 : i32
    %scan3A_11 = arith.constant 4 : i32
    %scan3A_12 = arith.addi %scan3A_10, %scan3A_11 : i32
    %scan3A_13 = arith.constant 1 : i32
    scf.for %scan3A_40 = %scan3A_10 to %scan3A_12 step %scan3A_13  : i32 {
      %mul3A_41 = arith.constant 2048 : i32
      %mul3A_42 = arith.muli %scan3A_40, %mul3A_41 : i32
      %add3A_43 = arith.constant 0 : i32
      %add3A_44 = arith.addi %mul3A_42, %add3A_43 : i32
      %gt3A = arith.constant 0 : i32
      %gt3A_45 = arith.cmpi sgt, %scan3A_40, %gt3A : i32
      %convert_element_type3A = arith.extui %gt3A_45 : i1 to i32
      %cond3A = arith.constant 0 : i32
      %cond3A_46 = arith.cmpi ne, %convert_element_type3A, %cond3A : i32
      scf.if %cond3A_46 {
        %dma_wait3A_88 = arith.constant 0 : i32
        %dma_wait3A_89 = arith.constant 0 : i32
        %dma_wait3A_90 = arith.constant 0 : i32
        %dma_wait3A_91 = tpu.memref_slice %arg23[%dma_wait3A_88, %dma_wait3A_89, %dma_wait3A_90] : memref<2x8x1024xf32, #tpu.memory_space<vmem>> -> memref<1x8x1024xf32, #tpu.memory_space<vmem>>
        %dma_wait3A_92 = tpu.memref_squeeze %dma_wait3A_91 : memref<1x8x1024xf32, #tpu.memory_space<vmem>> -> memref<8x1024xf32, #tpu.memory_space<vmem>>
        %dma_wait3A_93 = arith.constant 0 : i32
        %dma_wait3A_94 = tpu.memref_slice %arg4[%dma_wait3A_93, %mul3A_2] : memref<8x262144xf32, #tpu.memory_space<hbm>> -> memref<8x1024xf32, #tpu.memory_space<hbm>>
        %dma_wait3A_95 = arith.constant 0 : i32
        %dma_wait3A_96 = arith.constant 0 : i32
        %dma_wait3A_97 = tpu.memref_slice %arg23[%dma_wait3A_88, %dma_wait3A_95, %dma_wait3A_96] : memref<2x8x1024xf32, #tpu.memory_space<vmem>> -> memref<1x8x1024xf32, #tpu.memory_space<vmem>>
        %dma_wait3A_98 = tpu.memref_squeeze %dma_wait3A_97 : memref<1x8x1024xf32, #tpu.memory_space<vmem>> -> memref<8x1024xf32, #tpu.memory_space<vmem>>
        %dma_wait3A_99 = arith.constant 0 : i32
        %dma_wait3A_100 = tpu.memref_slice %arg4[%dma_wait3A_99, %mul3A_2] : memref<8x262144xf32, #tpu.memory_space<hbm>> -> memref<8x1024xf32, #tpu.memory_space<hbm>>
        tpu.wait_dma2 semaphore(%arg24 : memref<!tpu.dma_semaphore, #tpu.memory_space<semaphore_mem>>) src(%dma_wait3A_100 : memref<8x1024xf32, #tpu.memory_space<hbm>>) dst(%dma_wait3A_98 : memref<8x1024xf32, #tpu.memory_space<vmem>>)
      } else {
      }
      %parallel_loop3A = arith.constant 0 : i32
      %parallel_loop3A_47 = arith.constant 64 : i32
      %parallel_loop3A_48 = arith.constant 1 : i32
      scf.for %parallel_loop3A_88 = %parallel_loop3A to %parallel_loop3A_47 step %parallel_loop3A_48  : i32 {
        %parallel_loop3A_89 = arith.constant 16 : i32
        %parallel_loop3A_90 = arith.muli %parallel_loop3A_88, %parallel_loop3A_89 : i32
        %parallel_loop3A_91 = arith.addi %add3A_44, %parallel_loop3A_90 : i32
        %parallel_loop3A_92 = arith.index_cast %parallel_loop3A_91 : i32 to index
        %parallel_loop3A_93 = tpu.vector_load %arg21[%parallel_loop3A_92] {strides = array<i32>} : memref<8192xf32, #tpu.memory_space<vmem>>, vector<16xf32>,
        %parallel_loop3A_94 = arith.constant 16 : i32
        %parallel_loop3A_95 = arith.muli %parallel_loop3A_88, %parallel_loop3A_94 : i32
        %parallel_loop3A_96 = arith.addi %add3A_44, %parallel_loop3A_95 : i32
        %parallel_loop3A_97 = arith.index_cast %parallel_loop3A_96 : i32 to index
        %parallel_loop3A_98 = tpu.vector_load %arg22[%parallel_loop3A_97] {strides = array<i32>} : memref<8192xf32, #tpu.memory_space<vmem>>, vector<16xf32>,
        %parallel_loop3A_99 = arith.constant 1.600000e+01 : f32
        %parallel_loop3A_100 = vector.broadcast %parallel_loop3A_99 : f32 to vector<16xf32>
        %parallel_loop3A_101 = arith.mulf %parallel_loop3A_93, %parallel_loop3A_100 : vector<16xf32>
        %parallel_loop3A_102 = arith.constant 1.600000e+01 : f32
        %parallel_loop3A_103 = vector.broadcast %parallel_loop3A_102 : f32 to vector<16xf32>
        %parallel_loop3A_104 = arith.mulf %parallel_loop3A_98, %parallel_loop3A_103 : vector<16xf32>
        %parallel_loop3A_105 = arith.fptosi %parallel_loop3A_101 : vector<16xf32> to vector<16xi32>
        %parallel_loop3A_106 = arith.fptosi %parallel_loop3A_104 : vector<16xf32> to vector<16xi32>
        %parallel_loop3A_107 = arith.sitofp %parallel_loop3A_105 : vector<16xi32> to vector<16xf32>
        %parallel_loop3A_108 = arith.subf %parallel_loop3A_101, %parallel_loop3A_107 : vector<16xf32>
        %parallel_loop3A_109 = arith.sitofp %parallel_loop3A_106 : vector<16xi32> to vector<16xf32>
        %parallel_loop3A_110 = arith.subf %parallel_loop3A_104, %parallel_loop3A_109 : vector<16xf32>
        %parallel_loop3A_111 = vector.broadcast %scan3A_8 : i32 to vector<16xi32>
        %parallel_loop3A_112 = arith.muli %parallel_loop3A_106, %parallel_loop3A_111 : vector<16xi32>
        %parallel_loop3A_113 = vector.broadcast %scan3A_8 : i32 to vector<16xi32>
        %parallel_loop3A_114 = arith.addi %parallel_loop3A_112, %parallel_loop3A_113 : vector<16xi32>
        %parallel_loop3A_115 = arith.constant 1 : i32
        %parallel_loop3A_116 = vector.broadcast %parallel_loop3A_115 : i32 to vector<16xi32>
        %parallel_loop3A_117 = arith.addi %parallel_loop3A_105, %parallel_loop3A_116 : vector<16xi32>
        %parallel_loop3A_118 = arith.xori %parallel_loop3A_105, %parallel_loop3A_112 : vector<16xi32>
        %parallel_loop3A_119 = vector.broadcast %scan3A_9 : i32 to vector<16xi32>
        %parallel_loop3A_120 = arith.andi %parallel_loop3A_118, %parallel_loop3A_119 : vector<16xi32>
        %parallel_loop3A_121 = arith.xori %parallel_loop3A_117, %parallel_loop3A_112 : vector<16xi32>
        %parallel_loop3A_122 = vector.broadcast %scan3A_9 : i32 to vector<16xi32>
        %parallel_loop3A_123 = arith.andi %parallel_loop3A_121, %parallel_loop3A_122 : vector<16xi32>
        %parallel_loop3A_124 = arith.xori %parallel_loop3A_105, %parallel_loop3A_114 : vector<16xi32>
        %parallel_loop3A_125 = vector.broadcast %scan3A_9 : i32 to vector<16xi32>
        %parallel_loop3A_126 = arith.andi %parallel_loop3A_124, %parallel_loop3A_125 : vector<16xi32>
        %parallel_loop3A_127 = arith.xori %parallel_loop3A_117, %parallel_loop3A_114 : vector<16xi32>
        %parallel_loop3A_128 = vector.broadcast %scan3A_9 : i32 to vector<16xi32>
        %parallel_loop3A_129 = arith.andi %parallel_loop3A_127, %parallel_loop3A_128 : vector<16xi32>
        %parallel_loop3A_130 = tpu.vector_load_idx %arg5[%parallel_loop3A_120] : memref<4096xf32, #tpu.memory_space<vmem>>[vector<16xi32>], vector<16xf32>,
        %parallel_loop3A_131 = tpu.vector_load_idx %arg5[%parallel_loop3A_123] : memref<4096xf32, #tpu.memory_space<vmem>>[vector<16xi32>], vector<16xf32>,
        %parallel_loop3A_132 = tpu.vector_load_idx %arg5[%parallel_loop3A_126] : memref<4096xf32, #tpu.memory_space<vmem>>[vector<16xi32>], vector<16xf32>,
        %parallel_loop3A_133 = tpu.vector_load_idx %arg5[%parallel_loop3A_129] : memref<4096xf32, #tpu.memory_space<vmem>>[vector<16xi32>], vector<16xf32>,
        %parallel_loop3A_134 = arith.subf %parallel_loop3A_131, %parallel_loop3A_130 : vector<16xf32>
        %parallel_loop3A_135 = arith.mulf %parallel_loop3A_108, %parallel_loop3A_134 : vector<16xf32>
        %parallel_loop3A_136 = arith.addf %parallel_loop3A_130, %parallel_loop3A_135 : vector<16xf32>
        %parallel_loop3A_137 = arith.subf %parallel_loop3A_133, %parallel_loop3A_132 : vector<16xf32>
        %parallel_loop3A_138 = arith.mulf %parallel_loop3A_108, %parallel_loop3A_137 : vector<16xf32>
        %parallel_loop3A_139 = arith.addf %parallel_loop3A_132, %parallel_loop3A_138 : vector<16xf32>
        %parallel_loop3A_140 = arith.subf %parallel_loop3A_139, %parallel_loop3A_136 : vector<16xf32>
        %parallel_loop3A_141 = arith.mulf %parallel_loop3A_110, %parallel_loop3A_140 : vector<16xf32>
        %parallel_loop3A_142 = arith.addf %parallel_loop3A_136, %parallel_loop3A_141 : vector<16xf32>
        %parallel_loop3A_143 = arith.constant 2.000000e+01 : f32
        %parallel_loop3A_144 = vector.broadcast %parallel_loop3A_143 : f32 to vector<16xf32>
        %parallel_loop3A_145 = arith.mulf %parallel_loop3A_93, %parallel_loop3A_144 : vector<16xf32>
        %parallel_loop3A_146 = arith.constant 2.000000e+01 : f32
        %parallel_loop3A_147 = vector.broadcast %parallel_loop3A_146 : f32 to vector<16xf32>
        %parallel_loop3A_148 = arith.mulf %parallel_loop3A_98, %parallel_loop3A_147 : vector<16xf32>
        %parallel_loop3A_149 = arith.fptosi %parallel_loop3A_145 : vector<16xf32> to vector<16xi32>
        %parallel_loop3A_150 = arith.fptosi %parallel_loop3A_148 : vector<16xf32> to vector<16xi32>
        %parallel_loop3A_151 = arith.sitofp %parallel_loop3A_149 : vector<16xi32> to vector<16xf32>
        %parallel_loop3A_152 = arith.subf %parallel_loop3A_145, %parallel_loop3A_151 : vector<16xf32>
        %parallel_loop3A_153 = arith.sitofp %parallel_loop3A_150 : vector<16xi32> to vector<16xf32>
        %parallel_loop3A_154 = arith.subf %parallel_loop3A_148, %parallel_loop3A_153 : vector<16xf32>
        %parallel_loop3A_155 = vector.broadcast %scan3A_8 : i32 to vector<16xi32>
        %parallel_loop3A_156 = arith.muli %parallel_loop3A_150, %parallel_loop3A_155 : vector<16xi32>
        %parallel_loop3A_157 = vector.broadcast %scan3A_8 : i32 to vector<16xi32>
        %parallel_loop3A_158 = arith.addi %parallel_loop3A_156, %parallel_loop3A_157 : vector<16xi32>
        %parallel_loop3A_159 = arith.constant 1 : i32
        %parallel_loop3A_160 = vector.broadcast %parallel_loop3A_159 : i32 to vector<16xi32>
        %parallel_loop3A_161 = arith.addi %parallel_loop3A_149, %parallel_loop3A_160 : vector<16xi32>
        %parallel_loop3A_162 = arith.xori %parallel_loop3A_149, %parallel_loop3A_156 : vector<16xi32>
        %parallel_loop3A_163 = vector.broadcast %scan3A_9 : i32 to vector<16xi32>
        %parallel_loop3A_164 = arith.andi %parallel_loop3A_162, %parallel_loop3A_163 : vector<16xi32>
        %parallel_loop3A_165 = arith.xori %parallel_loop3A_161, %parallel_loop3A_156 : vector<16xi32>
        %parallel_loop3A_166 = vector.broadcast %scan3A_9 : i32 to vector<16xi32>
        %parallel_loop3A_167 = arith.andi %parallel_loop3A_165, %parallel_loop3A_166 : vector<16xi32>
        %parallel_loop3A_168 = arith.xori %parallel_loop3A_149, %parallel_loop3A_158 : vector<16xi32>
        %parallel_loop3A_169 = vector.broadcast %scan3A_9 : i32 to vector<16xi32>
        %parallel_loop3A_170 = arith.andi %parallel_loop3A_168, %parallel_loop3A_169 : vector<16xi32>
        %parallel_loop3A_171 = arith.xori %parallel_loop3A_161, %parallel_loop3A_158 : vector<16xi32>
        %parallel_loop3A_172 = vector.broadcast %scan3A_9 : i32 to vector<16xi32>
        %parallel_loop3A_173 = arith.andi %parallel_loop3A_171, %parallel_loop3A_172 : vector<16xi32>
        %parallel_loop3A_174 = tpu.vector_load_idx %arg6[%parallel_loop3A_164] : memref<4096xf32, #tpu.memory_space<vmem>>[vector<16xi32>], vector<16xf32>,
        %parallel_loop3A_175 = tpu.vector_load_idx %arg6[%parallel_loop3A_167] : memref<4096xf32, #tpu.memory_space<vmem>>[vector<16xi32>], vector<16xf32>,
        %parallel_loop3A_176 = tpu.vector_load_idx %arg6[%parallel_loop3A_170] : memref<4096xf32, #tpu.memory_space<vmem>>[vector<16xi32>], vector<16xf32>,
        %parallel_loop3A_177 = tpu.vector_load_idx %arg6[%parallel_loop3A_173] : memref<4096xf32, #tpu.memory_space<vmem>>[vector<16xi32>], vector<16xf32>,
        %parallel_loop3A_178 = arith.subf %parallel_loop3A_175, %parallel_loop3A_174 : vector<16xf32>
        %parallel_loop3A_179 = arith.mulf %parallel_loop3A_152, %parallel_loop3A_178 : vector<16xf32>
        %parallel_loop3A_180 = arith.addf %parallel_loop3A_174, %parallel_loop3A_179 : vector<16xf32>
        %parallel_loop3A_181 = arith.subf %parallel_loop3A_177, %parallel_loop3A_176 : vector<16xf32>
        %parallel_loop3A_182 = arith.mulf %parallel_loop3A_152, %parallel_loop3A_181 : vector<16xf32>
        %parallel_loop3A_183 = arith.addf %parallel_loop3A_176, %parallel_loop3A_182 : vector<16xf32>
        %parallel_loop3A_184 = arith.subf %parallel_loop3A_183, %parallel_loop3A_180 : vector<16xf32>
        %parallel_loop3A_185 = arith.mulf %parallel_loop3A_154, %parallel_loop3A_184 : vector<16xf32>
        %parallel_loop3A_186 = arith.addf %parallel_loop3A_180, %parallel_loop3A_185 : vector<16xf32>
        %parallel_loop3A_187 = tpu.pack_subelements %parallel_loop3A_142, %parallel_loop3A_186 {pack_format = #tpu.pack_format<interleaved>, positions = array<i32: 0, 1>} : vector<16xf32>, vector<16xf32> -> vector<32xbf16>
        %parallel_loop3A_188 = vector.bitcast %parallel_loop3A_187 : vector<32xbf16> to vector<16xf32>
        %parallel_loop3A_189 = arith.constant 16 : i32
        %parallel_loop3A_190 = arith.muli %parallel_loop3A_88, %parallel_loop3A_189 : i32
        %parallel_loop3A_191 = arith.constant 0 : i32
        %parallel_loop3A_192 = arith.constant 0 : i32
        %parallel_loop3A_193 = arith.index_cast %parallel_loop3A_191 : i32 to index
        %parallel_loop3A_194 = arith.index_cast %parallel_loop3A_192 : i32 to index
        %parallel_loop3A_195 = arith.index_cast %parallel_loop3A_190 : i32 to index
        %parallel_loop3A_196 = tpu.vector_load %arg23[%parallel_loop3A_193, %parallel_loop3A_194, %parallel_loop3A_195] {strides = array<i32>} : memref<2x8x1024xf32, #tpu.memory_space<vmem>>, vector<16xf32>,
        tpu.vector_store %arg23[%parallel_loop3A_193, %parallel_loop3A_194, %parallel_loop3A_195], %parallel_loop3A_188 {strides = array<i32>} : memref<2x8x1024xf32, #tpu.memory_space<vmem>>, vector<16xf32>,
        %parallel_loop3A_197 = arith.constant 2.500000e+01 : f32
        %parallel_loop3A_198 = vector.broadcast %parallel_loop3A_197 : f32 to vector<16xf32>
        %parallel_loop3A_199 = arith.mulf %parallel_loop3A_93, %parallel_loop3A_198 : vector<16xf32>
        %parallel_loop3A_200 = arith.constant 2.500000e+01 : f32
        %parallel_loop3A_201 = vector.broadcast %parallel_loop3A_200 : f32 to vector<16xf32>
        %parallel_loop3A_202 = arith.mulf %parallel_loop3A_98, %parallel_loop3A_201 : vector<16xf32>
        %parallel_loop3A_203 = arith.fptosi %parallel_loop3A_199 : vector<16xf32> to vector<16xi32>
        %parallel_loop3A_204 = arith.fptosi %parallel_loop3A_202 : vector<16xf32> to vector<16xi32>
        %parallel_loop3A_205 = arith.sitofp %parallel_loop3A_203 : vector<16xi32> to vector<16xf32>
        %parallel_loop3A_206 = arith.subf %parallel_loop3A_199, %parallel_loop3A_205 : vector<16xf32>
        %parallel_loop3A_207 = arith.sitofp %parallel_loop3A_204 : vector<16xi32> to vector<16xf32>
        %parallel_loop3A_208 = arith.subf %parallel_loop3A_202, %parallel_loop3A_207 : vector<16xf32>
        %parallel_loop3A_209 = vector.broadcast %scan3A_8 : i32 to vector<16xi32>
        %parallel_loop3A_210 = arith.muli %parallel_loop3A_204, %parallel_loop3A_209 : vector<16xi32>
        %parallel_loop3A_211 = vector.broadcast %scan3A_8 : i32 to vector<16xi32>
        %parallel_loop3A_212 = arith.addi %parallel_loop3A_210, %parallel_loop3A_211 : vector<16xi32>
        %parallel_loop3A_213 = arith.constant 1 : i32
        %parallel_loop3A_214 = vector.broadcast %parallel_loop3A_213 : i32 to vector<16xi32>
        %parallel_loop3A_215 = arith.addi %parallel_loop3A_203, %parallel_loop3A_214 : vector<16xi32>
        %parallel_loop3A_216 = arith.xori %parallel_loop3A_203, %parallel_loop3A_210 : vector<16xi32>
        %parallel_loop3A_217 = vector.broadcast %scan3A_9 : i32 to vector<16xi32>
        %parallel_loop3A_218 = arith.andi %parallel_loop3A_216, %parallel_loop3A_217 : vector<16xi32>
        %parallel_loop3A_219 = arith.xori %parallel_loop3A_215, %parallel_loop3A_210 : vector<16xi32>
        %parallel_loop3A_220 = vector.broadcast %scan3A_9 : i32 to vector<16xi32>
        %parallel_loop3A_221 = arith.andi %parallel_loop3A_219, %parallel_loop3A_220 : vector<16xi32>
        %parallel_loop3A_222 = arith.xori %parallel_loop3A_203, %parallel_loop3A_212 : vector<16xi32>
        %parallel_loop3A_223 = vector.broadcast %scan3A_9 : i32 to vector<16xi32>
        %parallel_loop3A_224 = arith.andi %parallel_loop3A_222, %parallel_loop3A_223 : vector<16xi32>
        %parallel_loop3A_225 = arith.xori %parallel_loop3A_215, %parallel_loop3A_212 : vector<16xi32>
        %parallel_loop3A_226 = vector.broadcast %scan3A_9 : i32 to vector<16xi32>
        %parallel_loop3A_227 = arith.andi %parallel_loop3A_225, %parallel_loop3A_226 : vector<16xi32>
        %parallel_loop3A_228 = tpu.vector_load_idx %arg7[%parallel_loop3A_218] : memref<4096xf32, #tpu.memory_space<vmem>>[vector<16xi32>], vector<16xf32>,
        %parallel_loop3A_229 = tpu.vector_load_idx %arg7[%parallel_loop3A_221] : memref<4096xf32, #tpu.memory_space<vmem>>[vector<16xi32>], vector<16xf32>,
        %parallel_loop3A_230 = tpu.vector_load_idx %arg7[%parallel_loop3A_224] : memref<4096xf32, #tpu.memory_space<vmem>>[vector<16xi32>], vector<16xf32>,
        %parallel_loop3A_231 = tpu.vector_load_idx %arg7[%parallel_loop3A_227] : memref<4096xf32, #tpu.memory_space<vmem>>[vector<16xi32>], vector<16xf32>,
        %parallel_loop3A_232 = arith.subf %parallel_loop3A_229, %parallel_loop3A_228 : vector<16xf32>
        %parallel_loop3A_233 = arith.mulf %parallel_loop3A_206, %parallel_loop3A_232 : vector<16xf32>
        %parallel_loop3A_234 = arith.addf %parallel_loop3A_228, %parallel_loop3A_233 : vector<16xf32>
        %parallel_loop3A_235 = arith.subf %parallel_loop3A_231, %parallel_loop3A_230 : vector<16xf32>
        %parallel_loop3A_236 = arith.mulf %parallel_loop3A_206, %parallel_loop3A_235 : vector<16xf32>
        %parallel_loop3A_237 = arith.addf %parallel_loop3A_230, %parallel_loop3A_236 : vector<16xf32>
        %parallel_loop3A_238 = arith.subf %parallel_loop3A_237, %parallel_loop3A_234 : vector<16xf32>
        %parallel_loop3A_239 = arith.mulf %parallel_loop3A_208, %parallel_loop3A_238 : vector<16xf32>
        %parallel_loop3A_240 = arith.addf %parallel_loop3A_234, %parallel_loop3A_239 : vector<16xf32>
        %parallel_loop3A_241 = arith.constant 3.200000e+01 : f32
        %parallel_loop3A_242 = vector.broadcast %parallel_loop3A_241 : f32 to vector<16xf32>
        %parallel_loop3A_243 = arith.mulf %parallel_loop3A_93, %parallel_loop3A_242 : vector<16xf32>
        %parallel_loop3A_244 = arith.constant 3.200000e+01 : f32
        %parallel_loop3A_245 = vector.broadcast %parallel_loop3A_244 : f32 to vector<16xf32>
        %parallel_loop3A_246 = arith.mulf %parallel_loop3A_98, %parallel_loop3A_245 : vector<16xf32>
        %parallel_loop3A_247 = arith.fptosi %parallel_loop3A_243 : vector<16xf32> to vector<16xi32>
        %parallel_loop3A_248 = arith.fptosi %parallel_loop3A_246 : vector<16xf32> to vector<16xi32>
        %parallel_loop3A_249 = arith.sitofp %parallel_loop3A_247 : vector<16xi32> to vector<16xf32>
        %parallel_loop3A_250 = arith.subf %parallel_loop3A_243, %parallel_loop3A_249 : vector<16xf32>
        %parallel_loop3A_251 = arith.sitofp %parallel_loop3A_248 : vector<16xi32> to vector<16xf32>
        %parallel_loop3A_252 = arith.subf %parallel_loop3A_246, %parallel_loop3A_251 : vector<16xf32>
        %parallel_loop3A_253 = vector.broadcast %scan3A_8 : i32 to vector<16xi32>
        %parallel_loop3A_254 = arith.muli %parallel_loop3A_248, %parallel_loop3A_253 : vector<16xi32>
        %parallel_loop3A_255 = vector.broadcast %scan3A_8 : i32 to vector<16xi32>
        %parallel_loop3A_256 = arith.addi %parallel_loop3A_254, %parallel_loop3A_255 : vector<16xi32>
        %parallel_loop3A_257 = arith.constant 1 : i32
        %parallel_loop3A_258 = vector.broadcast %parallel_loop3A_257 : i32 to vector<16xi32>
        %parallel_loop3A_259 = arith.addi %parallel_loop3A_247, %parallel_loop3A_258 : vector<16xi32>
        %parallel_loop3A_260 = arith.xori %parallel_loop3A_247, %parallel_loop3A_254 : vector<16xi32>
        %parallel_loop3A_261 = vector.broadcast %scan3A_9 : i32 to vector<16xi32>
        %parallel_loop3A_262 = arith.andi %parallel_loop3A_260, %parallel_loop3A_261 : vector<16xi32>
        %parallel_loop3A_263 = arith.xori %parallel_loop3A_259, %parallel_loop3A_254 : vector<16xi32>
        %parallel_loop3A_264 = vector.broadcast %scan3A_9 : i32 to vector<16xi32>
        %parallel_loop3A_265 = arith.andi %parallel_loop3A_263, %parallel_loop3A_264 : vector<16xi32>
        %parallel_loop3A_266 = arith.xori %parallel_loop3A_247, %parallel_loop3A_256 : vector<16xi32>
        %parallel_loop3A_267 = vector.broadcast %scan3A_9 : i32 to vector<16xi32>
        %parallel_loop3A_268 = arith.andi %parallel_loop3A_266, %parallel_loop3A_267 : vector<16xi32>
        %parallel_loop3A_269 = arith.xori %parallel_loop3A_259, %parallel_loop3A_256 : vector<16xi32>
        %parallel_loop3A_270 = vector.broadcast %scan3A_9 : i32 to vector<16xi32>
        %parallel_loop3A_271 = arith.andi %parallel_loop3A_269, %parallel_loop3A_270 : vector<16xi32>
        %parallel_loop3A_272 = tpu.vector_load_idx %arg8[%parallel_loop3A_262] : memref<4096xf32, #tpu.memory_space<vmem>>[vector<16xi32>], vector<16xf32>,
        %parallel_loop3A_273 = tpu.vector_load_idx %arg8[%parallel_loop3A_265] : memref<4096xf32, #tpu.memory_space<vmem>>[vector<16xi32>], vector<16xf32>,
        %parallel_loop3A_274 = tpu.vector_load_idx %arg8[%parallel_loop3A_268] : memref<4096xf32, #tpu.memory_space<vmem>>[vector<16xi32>], vector<16xf32>,
        %parallel_loop3A_275 = tpu.vector_load_idx %arg8[%parallel_loop3A_271] : memref<4096xf32, #tpu.memory_space<vmem>>[vector<16xi32>], vector<16xf32>,
        %parallel_loop3A_276 = arith.subf %parallel_loop3A_273, %parallel_loop3A_272 : vector<16xf32>
        %parallel_loop3A_277 = arith.mulf %parallel_loop3A_250, %parallel_loop3A_276 : vector<16xf32>
        %parallel_loop3A_278 = arith.addf %parallel_loop3A_272, %parallel_loop3A_277 : vector<16xf32>
        %parallel_loop3A_279 = arith.subf %parallel_loop3A_275, %parallel_loop3A_274 : vector<16xf32>
        %parallel_loop3A_280 = arith.mulf %parallel_loop3A_250, %parallel_loop3A_279 : vector<16xf32>
        %parallel_loop3A_281 = arith.addf %parallel_loop3A_274, %parallel_loop3A_280 : vector<16xf32>
        %parallel_loop3A_282 = arith.subf %parallel_loop3A_281, %parallel_loop3A_278 : vector<16xf32>
        %parallel_loop3A_283 = arith.mulf %parallel_loop3A_252, %parallel_loop3A_282 : vector<16xf32>
        %parallel_loop3A_284 = arith.addf %parallel_loop3A_278, %parallel_loop3A_283 : vector<16xf32>
        %parallel_loop3A_285 = tpu.pack_subelements %parallel_loop3A_240, %parallel_loop3A_284 {pack_format = #tpu.pack_format<interleaved>, positions = array<i32: 0, 1>} : vector<16xf32>, vector<16xf32> -> vector<32xbf16>
        %parallel_loop3A_286 = vector.bitcast %parallel_loop3A_285 : vector<32xbf16> to vector<16xf32>
        %parallel_loop3A_287 = arith.constant 16 : i32
        %parallel_loop3A_288 = arith.muli %parallel_loop3A_88, %parallel_loop3A_287 : i32
        %parallel_loop3A_289 = arith.constant 0 : i32
        %parallel_loop3A_290 = arith.constant 1 : i32
        %parallel_loop3A_291 = arith.index_cast %parallel_loop3A_289 : i32 to index
        %parallel_loop3A_292 = arith.index_cast %parallel_loop3A_290 : i32 to index
        %parallel_loop3A_293 = arith.index_cast %parallel_loop3A_288 : i32 to index
        %parallel_loop3A_294 = tpu.vector_load %arg23[%parallel_loop3A_291, %parallel_loop3A_292, %parallel_loop3A_293] {strides = array<i32>} : memref<2x8x1024xf32, #tpu.memory_space<vmem>>, vector<16xf32>,
        tpu.vector_store %arg23[%parallel_loop3A_291, %parallel_loop3A_292, %parallel_loop3A_293], %parallel_loop3A_286 {strides = array<i32>} : memref<2x8x1024xf32, #tpu.memory_space<vmem>>, vector<16xf32>,
        %parallel_loop3A_295 = arith.constant 4.000000e+01 : f32
        %parallel_loop3A_296 = vector.broadcast %parallel_loop3A_295 : f32 to vector<16xf32>
        %parallel_loop3A_297 = arith.mulf %parallel_loop3A_93, %parallel_loop3A_296 : vector<16xf32>
        %parallel_loop3A_298 = arith.constant 4.000000e+01 : f32
        %parallel_loop3A_299 = vector.broadcast %parallel_loop3A_298 : f32 to vector<16xf32>
        %parallel_loop3A_300 = arith.mulf %parallel_loop3A_98, %parallel_loop3A_299 : vector<16xf32>
        %parallel_loop3A_301 = arith.fptosi %parallel_loop3A_297 : vector<16xf32> to vector<16xi32>
        %parallel_loop3A_302 = arith.fptosi %parallel_loop3A_300 : vector<16xf32> to vector<16xi32>
        %parallel_loop3A_303 = arith.sitofp %parallel_loop3A_301 : vector<16xi32> to vector<16xf32>
        %parallel_loop3A_304 = arith.subf %parallel_loop3A_297, %parallel_loop3A_303 : vector<16xf32>
        %parallel_loop3A_305 = arith.sitofp %parallel_loop3A_302 : vector<16xi32> to vector<16xf32>
        %parallel_loop3A_306 = arith.subf %parallel_loop3A_300, %parallel_loop3A_305 : vector<16xf32>
        %parallel_loop3A_307 = vector.broadcast %scan3A_8 : i32 to vector<16xi32>
        %parallel_loop3A_308 = arith.muli %parallel_loop3A_302, %parallel_loop3A_307 : vector<16xi32>
        %parallel_loop3A_309 = vector.broadcast %scan3A_8 : i32 to vector<16xi32>
        %parallel_loop3A_310 = arith.addi %parallel_loop3A_308, %parallel_loop3A_309 : vector<16xi32>
        %parallel_loop3A_311 = arith.constant 1 : i32
        %parallel_loop3A_312 = vector.broadcast %parallel_loop3A_311 : i32 to vector<16xi32>
        %parallel_loop3A_313 = arith.addi %parallel_loop3A_301, %parallel_loop3A_312 : vector<16xi32>
        %parallel_loop3A_314 = arith.xori %parallel_loop3A_301, %parallel_loop3A_308 : vector<16xi32>
        %parallel_loop3A_315 = vector.broadcast %scan3A_9 : i32 to vector<16xi32>
        %parallel_loop3A_316 = arith.andi %parallel_loop3A_314, %parallel_loop3A_315 : vector<16xi32>
        %parallel_loop3A_317 = arith.xori %parallel_loop3A_313, %parallel_loop3A_308 : vector<16xi32>
        %parallel_loop3A_318 = vector.broadcast %scan3A_9 : i32 to vector<16xi32>
        %parallel_loop3A_319 = arith.andi %parallel_loop3A_317, %parallel_loop3A_318 : vector<16xi32>
        %parallel_loop3A_320 = arith.xori %parallel_loop3A_301, %parallel_loop3A_310 : vector<16xi32>
        %parallel_loop3A_321 = vector.broadcast %scan3A_9 : i32 to vector<16xi32>
        %parallel_loop3A_322 = arith.andi %parallel_loop3A_320, %parallel_loop3A_321 : vector<16xi32>
        %parallel_loop3A_323 = arith.xori %parallel_loop3A_313, %parallel_loop3A_310 : vector<16xi32>
        %parallel_loop3A_324 = vector.broadcast %scan3A_9 : i32 to vector<16xi32>
        %parallel_loop3A_325 = arith.andi %parallel_loop3A_323, %parallel_loop3A_324 : vector<16xi32>
        %parallel_loop3A_326 = tpu.vector_load_idx %arg9[%parallel_loop3A_316] : memref<4096xf32, #tpu.memory_space<vmem>>[vector<16xi32>], vector<16xf32>,
        %parallel_loop3A_327 = tpu.vector_load_idx %arg9[%parallel_loop3A_319] : memref<4096xf32, #tpu.memory_space<vmem>>[vector<16xi32>], vector<16xf32>,
        %parallel_loop3A_328 = tpu.vector_load_idx %arg9[%parallel_loop3A_322] : memref<4096xf32, #tpu.memory_space<vmem>>[vector<16xi32>], vector<16xf32>,
        %parallel_loop3A_329 = tpu.vector_load_idx %arg9[%parallel_loop3A_325] : memref<4096xf32, #tpu.memory_space<vmem>>[vector<16xi32>], vector<16xf32>,
        %parallel_loop3A_330 = arith.subf %parallel_loop3A_327, %parallel_loop3A_326 : vector<16xf32>
        %parallel_loop3A_331 = arith.mulf %parallel_loop3A_304, %parallel_loop3A_330 : vector<16xf32>
        %parallel_loop3A_332 = arith.addf %parallel_loop3A_326, %parallel_loop3A_331 : vector<16xf32>
        %parallel_loop3A_333 = arith.subf %parallel_loop3A_329, %parallel_loop3A_328 : vector<16xf32>
        %parallel_loop3A_334 = arith.mulf %parallel_loop3A_304, %parallel_loop3A_333 : vector<16xf32>
        %parallel_loop3A_335 = arith.addf %parallel_loop3A_328, %parallel_loop3A_334 : vector<16xf32>
        %parallel_loop3A_336 = arith.subf %parallel_loop3A_335, %parallel_loop3A_332 : vector<16xf32>
        %parallel_loop3A_337 = arith.mulf %parallel_loop3A_306, %parallel_loop3A_336 : vector<16xf32>
        %parallel_loop3A_338 = arith.addf %parallel_loop3A_332, %parallel_loop3A_337 : vector<16xf32>
        %parallel_loop3A_339 = arith.constant 5.000000e+01 : f32
        %parallel_loop3A_340 = vector.broadcast %parallel_loop3A_339 : f32 to vector<16xf32>
        %parallel_loop3A_341 = arith.mulf %parallel_loop3A_93, %parallel_loop3A_340 : vector<16xf32>
        %parallel_loop3A_342 = arith.constant 5.000000e+01 : f32
        %parallel_loop3A_343 = vector.broadcast %parallel_loop3A_342 : f32 to vector<16xf32>
        %parallel_loop3A_344 = arith.mulf %parallel_loop3A_98, %parallel_loop3A_343 : vector<16xf32>
        %parallel_loop3A_345 = arith.fptosi %parallel_loop3A_341 : vector<16xf32> to vector<16xi32>
        %parallel_loop3A_346 = arith.fptosi %parallel_loop3A_344 : vector<16xf32> to vector<16xi32>
        %parallel_loop3A_347 = arith.sitofp %parallel_loop3A_345 : vector<16xi32> to vector<16xf32>
        %parallel_loop3A_348 = arith.subf %parallel_loop3A_341, %parallel_loop3A_347 : vector<16xf32>
        %parallel_loop3A_349 = arith.sitofp %parallel_loop3A_346 : vector<16xi32> to vector<16xf32>
        %parallel_loop3A_350 = arith.subf %parallel_loop3A_344, %parallel_loop3A_349 : vector<16xf32>
        %parallel_loop3A_351 = vector.broadcast %scan3A_8 : i32 to vector<16xi32>
        %parallel_loop3A_352 = arith.muli %parallel_loop3A_346, %parallel_loop3A_351 : vector<16xi32>
        %parallel_loop3A_353 = vector.broadcast %scan3A_8 : i32 to vector<16xi32>
        %parallel_loop3A_354 = arith.addi %parallel_loop3A_352, %parallel_loop3A_353 : vector<16xi32>
        %parallel_loop3A_355 = arith.constant 1 : i32
        %parallel_loop3A_356 = vector.broadcast %parallel_loop3A_355 : i32 to vector<16xi32>
        %parallel_loop3A_357 = arith.addi %parallel_loop3A_345, %parallel_loop3A_356 : vector<16xi32>
        %parallel_loop3A_358 = arith.xori %parallel_loop3A_345, %parallel_loop3A_352 : vector<16xi32>
        %parallel_loop3A_359 = vector.broadcast %scan3A_9 : i32 to vector<16xi32>
        %parallel_loop3A_360 = arith.andi %parallel_loop3A_358, %parallel_loop3A_359 : vector<16xi32>
        %parallel_loop3A_361 = arith.xori %parallel_loop3A_357, %parallel_loop3A_352 : vector<16xi32>
        %parallel_loop3A_362 = vector.broadcast %scan3A_9 : i32 to vector<16xi32>
        %parallel_loop3A_363 = arith.andi %parallel_loop3A_361, %parallel_loop3A_362 : vector<16xi32>
        %parallel_loop3A_364 = arith.xori %parallel_loop3A_345, %parallel_loop3A_354 : vector<16xi32>
        %parallel_loop3A_365 = vector.broadcast %scan3A_9 : i32 to vector<16xi32>
        %parallel_loop3A_366 = arith.andi %parallel_loop3A_364, %parallel_loop3A_365 : vector<16xi32>
        %parallel_loop3A_367 = arith.xori %parallel_loop3A_357, %parallel_loop3A_354 : vector<16xi32>
        %parallel_loop3A_368 = vector.broadcast %scan3A_9 : i32 to vector<16xi32>
        %parallel_loop3A_369 = arith.andi %parallel_loop3A_367, %parallel_loop3A_368 : vector<16xi32>
        %parallel_loop3A_370 = tpu.vector_load_idx %arg10[%parallel_loop3A_360] : memref<4096xf32, #tpu.memory_space<vmem>>[vector<16xi32>], vector<16xf32>,
        %parallel_loop3A_371 = tpu.vector_load_idx %arg10[%parallel_loop3A_363] : memref<4096xf32, #tpu.memory_space<vmem>>[vector<16xi32>], vector<16xf32>,
        %parallel_loop3A_372 = tpu.vector_load_idx %arg10[%parallel_loop3A_366] : memref<4096xf32, #tpu.memory_space<vmem>>[vector<16xi32>], vector<16xf32>,
        %parallel_loop3A_373 = tpu.vector_load_idx %arg10[%parallel_loop3A_369] : memref<4096xf32, #tpu.memory_space<vmem>>[vector<16xi32>], vector<16xf32>,
        %parallel_loop3A_374 = arith.subf %parallel_loop3A_371, %parallel_loop3A_370 : vector<16xf32>
        %parallel_loop3A_375 = arith.mulf %parallel_loop3A_348, %parallel_loop3A_374 : vector<16xf32>
        %parallel_loop3A_376 = arith.addf %parallel_loop3A_370, %parallel_loop3A_375 : vector<16xf32>
        %parallel_loop3A_377 = arith.subf %parallel_loop3A_373, %parallel_loop3A_372 : vector<16xf32>
        %parallel_loop3A_378 = arith.mulf %parallel_loop3A_348, %parallel_loop3A_377 : vector<16xf32>
        %parallel_loop3A_379 = arith.addf %parallel_loop3A_372, %parallel_loop3A_378 : vector<16xf32>
        %parallel_loop3A_380 = arith.subf %parallel_loop3A_379, %parallel_loop3A_376 : vector<16xf32>
        %parallel_loop3A_381 = arith.mulf %parallel_loop3A_350, %parallel_loop3A_380 : vector<16xf32>
        %parallel_loop3A_382 = arith.addf %parallel_loop3A_376, %parallel_loop3A_381 : vector<16xf32>
        %parallel_loop3A_383 = tpu.pack_subelements %parallel_loop3A_338, %parallel_loop3A_382 {pack_format = #tpu.pack_format<interleaved>, positions = array<i32: 0, 1>} : vector<16xf32>, vector<16xf32> -> vector<32xbf16>
        %parallel_loop3A_384 = vector.bitcast %parallel_loop3A_383 : vector<32xbf16> to vector<16xf32>
        %parallel_loop3A_385 = arith.constant 16 : i32
        %parallel_loop3A_386 = arith.muli %parallel_loop3A_88, %parallel_loop3A_385 : i32
        %parallel_loop3A_387 = arith.constant 0 : i32
        %parallel_loop3A_388 = arith.constant 2 : i32
        %parallel_loop3A_389 = arith.index_cast %parallel_loop3A_387 : i32 to index
        %parallel_loop3A_390 = arith.index_cast %parallel_loop3A_388 : i32 to index
        %parallel_loop3A_391 = arith.index_cast %parallel_loop3A_386 : i32 to index
        %parallel_loop3A_392 = tpu.vector_load %arg23[%parallel_loop3A_389, %parallel_loop3A_390, %parallel_loop3A_391] {strides = array<i32>} : memref<2x8x1024xf32, #tpu.memory_space<vmem>>, vector<16xf32>,
        tpu.vector_store %arg23[%parallel_loop3A_389, %parallel_loop3A_390, %parallel_loop3A_391], %parallel_loop3A_384 {strides = array<i32>} : memref<2x8x1024xf32, #tpu.memory_space<vmem>>, vector<16xf32>,
        %parallel_loop3A_393 = arith.constant 6.400000e+01 : f32
        %parallel_loop3A_394 = vector.broadcast %parallel_loop3A_393 : f32 to vector<16xf32>
        %parallel_loop3A_395 = arith.mulf %parallel_loop3A_93, %parallel_loop3A_394 : vector<16xf32>
        %parallel_loop3A_396 = arith.constant 6.400000e+01 : f32
        %parallel_loop3A_397 = vector.broadcast %parallel_loop3A_396 : f32 to vector<16xf32>
        %parallel_loop3A_398 = arith.mulf %parallel_loop3A_98, %parallel_loop3A_397 : vector<16xf32>
        %parallel_loop3A_399 = arith.fptosi %parallel_loop3A_395 : vector<16xf32> to vector<16xi32>
        %parallel_loop3A_400 = arith.fptosi %parallel_loop3A_398 : vector<16xf32> to vector<16xi32>
        %parallel_loop3A_401 = arith.sitofp %parallel_loop3A_399 : vector<16xi32> to vector<16xf32>
        %parallel_loop3A_402 = arith.subf %parallel_loop3A_395, %parallel_loop3A_401 : vector<16xf32>
        %parallel_loop3A_403 = arith.sitofp %parallel_loop3A_400 : vector<16xi32> to vector<16xf32>
        %parallel_loop3A_404 = arith.subf %parallel_loop3A_398, %parallel_loop3A_403 : vector<16xf32>
        %parallel_loop3A_405 = vector.broadcast %scan3A_8 : i32 to vector<16xi32>
        %parallel_loop3A_406 = arith.muli %parallel_loop3A_400, %parallel_loop3A_405 : vector<16xi32>
        %parallel_loop3A_407 = vector.broadcast %scan3A_8 : i32 to vector<16xi32>
        %parallel_loop3A_408 = arith.addi %parallel_loop3A_406, %parallel_loop3A_407 : vector<16xi32>
        %parallel_loop3A_409 = arith.constant 1 : i32
        %parallel_loop3A_410 = vector.broadcast %parallel_loop3A_409 : i32 to vector<16xi32>
        %parallel_loop3A_411 = arith.addi %parallel_loop3A_399, %parallel_loop3A_410 : vector<16xi32>
        %parallel_loop3A_412 = arith.xori %parallel_loop3A_399, %parallel_loop3A_406 : vector<16xi32>
        %parallel_loop3A_413 = vector.broadcast %scan3A_9 : i32 to vector<16xi32>
        %parallel_loop3A_414 = arith.andi %parallel_loop3A_412, %parallel_loop3A_413 : vector<16xi32>
        %parallel_loop3A_415 = arith.xori %parallel_loop3A_411, %parallel_loop3A_406 : vector<16xi32>
        %parallel_loop3A_416 = vector.broadcast %scan3A_9 : i32 to vector<16xi32>
        %parallel_loop3A_417 = arith.andi %parallel_loop3A_415, %parallel_loop3A_416 : vector<16xi32>
        %parallel_loop3A_418 = arith.xori %parallel_loop3A_399, %parallel_loop3A_408 : vector<16xi32>
        %parallel_loop3A_419 = vector.broadcast %scan3A_9 : i32 to vector<16xi32>
        %parallel_loop3A_420 = arith.andi %parallel_loop3A_418, %parallel_loop3A_419 : vector<16xi32>
        %parallel_loop3A_421 = arith.xori %parallel_loop3A_411, %parallel_loop3A_408 : vector<16xi32>
        %parallel_loop3A_422 = vector.broadcast %scan3A_9 : i32 to vector<16xi32>
        %parallel_loop3A_423 = arith.andi %parallel_loop3A_421, %parallel_loop3A_422 : vector<16xi32>
        %parallel_loop3A_424 = tpu.vector_load_idx %arg11[%parallel_loop3A_414] : memref<4096xf32, #tpu.memory_space<vmem>>[vector<16xi32>], vector<16xf32>,
        %parallel_loop3A_425 = tpu.vector_load_idx %arg11[%parallel_loop3A_417] : memref<4096xf32, #tpu.memory_space<vmem>>[vector<16xi32>], vector<16xf32>,
        %parallel_loop3A_426 = tpu.vector_load_idx %arg11[%parallel_loop3A_420] : memref<4096xf32, #tpu.memory_space<vmem>>[vector<16xi32>], vector<16xf32>,
        %parallel_loop3A_427 = tpu.vector_load_idx %arg11[%parallel_loop3A_423] : memref<4096xf32, #tpu.memory_space<vmem>>[vector<16xi32>], vector<16xf32>,
        %parallel_loop3A_428 = arith.subf %parallel_loop3A_425, %parallel_loop3A_424 : vector<16xf32>
        %parallel_loop3A_429 = arith.mulf %parallel_loop3A_402, %parallel_loop3A_428 : vector<16xf32>
        %parallel_loop3A_430 = arith.addf %parallel_loop3A_424, %parallel_loop3A_429 : vector<16xf32>
        %parallel_loop3A_431 = arith.subf %parallel_loop3A_427, %parallel_loop3A_426 : vector<16xf32>
        %parallel_loop3A_432 = arith.mulf %parallel_loop3A_402, %parallel_loop3A_431 : vector<16xf32>
        %parallel_loop3A_433 = arith.addf %parallel_loop3A_426, %parallel_loop3A_432 : vector<16xf32>
        %parallel_loop3A_434 = arith.subf %parallel_loop3A_433, %parallel_loop3A_430 : vector<16xf32>
        %parallel_loop3A_435 = arith.mulf %parallel_loop3A_404, %parallel_loop3A_434 : vector<16xf32>
        %parallel_loop3A_436 = arith.addf %parallel_loop3A_430, %parallel_loop3A_435 : vector<16xf32>
        %parallel_loop3A_437 = arith.constant 8.000000e+01 : f32
        %parallel_loop3A_438 = vector.broadcast %parallel_loop3A_437 : f32 to vector<16xf32>
        %parallel_loop3A_439 = arith.mulf %parallel_loop3A_93, %parallel_loop3A_438 : vector<16xf32>
        %parallel_loop3A_440 = arith.constant 8.000000e+01 : f32
        %parallel_loop3A_441 = vector.broadcast %parallel_loop3A_440 : f32 to vector<16xf32>
        %parallel_loop3A_442 = arith.mulf %parallel_loop3A_98, %parallel_loop3A_441 : vector<16xf32>
        %parallel_loop3A_443 = arith.fptosi %parallel_loop3A_439 : vector<16xf32> to vector<16xi32>
        %parallel_loop3A_444 = arith.fptosi %parallel_loop3A_442 : vector<16xf32> to vector<16xi32>
        %parallel_loop3A_445 = arith.sitofp %parallel_loop3A_443 : vector<16xi32> to vector<16xf32>
        %parallel_loop3A_446 = arith.subf %parallel_loop3A_439, %parallel_loop3A_445 : vector<16xf32>
        %parallel_loop3A_447 = arith.sitofp %parallel_loop3A_444 : vector<16xi32> to vector<16xf32>
        %parallel_loop3A_448 = arith.subf %parallel_loop3A_442, %parallel_loop3A_447 : vector<16xf32>
        %parallel_loop3A_449 = vector.broadcast %scan3A_8 : i32 to vector<16xi32>
        %parallel_loop3A_450 = arith.muli %parallel_loop3A_444, %parallel_loop3A_449 : vector<16xi32>
        %parallel_loop3A_451 = vector.broadcast %scan3A_8 : i32 to vector<16xi32>
        %parallel_loop3A_452 = arith.addi %parallel_loop3A_450, %parallel_loop3A_451 : vector<16xi32>
        %parallel_loop3A_453 = arith.constant 1 : i32
        %parallel_loop3A_454 = vector.broadcast %parallel_loop3A_453 : i32 to vector<16xi32>
        %parallel_loop3A_455 = arith.addi %parallel_loop3A_443, %parallel_loop3A_454 : vector<16xi32>
        %parallel_loop3A_456 = arith.xori %parallel_loop3A_443, %parallel_loop3A_450 : vector<16xi32>
        %parallel_loop3A_457 = vector.broadcast %scan3A_9 : i32 to vector<16xi32>
        %parallel_loop3A_458 = arith.andi %parallel_loop3A_456, %parallel_loop3A_457 : vector<16xi32>
        %parallel_loop3A_459 = arith.xori %parallel_loop3A_455, %parallel_loop3A_450 : vector<16xi32>
        %parallel_loop3A_460 = vector.broadcast %scan3A_9 : i32 to vector<16xi32>
        %parallel_loop3A_461 = arith.andi %parallel_loop3A_459, %parallel_loop3A_460 : vector<16xi32>
        %parallel_loop3A_462 = arith.xori %parallel_loop3A_443, %parallel_loop3A_452 : vector<16xi32>
        %parallel_loop3A_463 = vector.broadcast %scan3A_9 : i32 to vector<16xi32>
        %parallel_loop3A_464 = arith.andi %parallel_loop3A_462, %parallel_loop3A_463 : vector<16xi32>
        %parallel_loop3A_465 = arith.xori %parallel_loop3A_455, %parallel_loop3A_452 : vector<16xi32>
        %parallel_loop3A_466 = vector.broadcast %scan3A_9 : i32 to vector<16xi32>
        %parallel_loop3A_467 = arith.andi %parallel_loop3A_465, %parallel_loop3A_466 : vector<16xi32>
        %parallel_loop3A_468 = tpu.vector_load_idx %arg12[%parallel_loop3A_458] : memref<4096xf32, #tpu.memory_space<vmem>>[vector<16xi32>], vector<16xf32>,
        %parallel_loop3A_469 = tpu.vector_load_idx %arg12[%parallel_loop3A_461] : memref<4096xf32, #tpu.memory_space<vmem>>[vector<16xi32>], vector<16xf32>,
        %parallel_loop3A_470 = tpu.vector_load_idx %arg12[%parallel_loop3A_464] : memref<4096xf32, #tpu.memory_space<vmem>>[vector<16xi32>], vector<16xf32>,
        %parallel_loop3A_471 = tpu.vector_load_idx %arg12[%parallel_loop3A_467] : memref<4096xf32, #tpu.memory_space<vmem>>[vector<16xi32>], vector<16xf32>,
        %parallel_loop3A_472 = arith.subf %parallel_loop3A_469, %parallel_loop3A_468 : vector<16xf32>
        %parallel_loop3A_473 = arith.mulf %parallel_loop3A_446, %parallel_loop3A_472 : vector<16xf32>
        %parallel_loop3A_474 = arith.addf %parallel_loop3A_468, %parallel_loop3A_473 : vector<16xf32>
        %parallel_loop3A_475 = arith.subf %parallel_loop3A_471, %parallel_loop3A_470 : vector<16xf32>
        %parallel_loop3A_476 = arith.mulf %parallel_loop3A_446, %parallel_loop3A_475 : vector<16xf32>
        %parallel_loop3A_477 = arith.addf %parallel_loop3A_470, %parallel_loop3A_476 : vector<16xf32>
        %parallel_loop3A_478 = arith.subf %parallel_loop3A_477, %parallel_loop3A_474 : vector<16xf32>
        %parallel_loop3A_479 = arith.mulf %parallel_loop3A_448, %parallel_loop3A_478 : vector<16xf32>
        %parallel_loop3A_480 = arith.addf %parallel_loop3A_474, %parallel_loop3A_479 : vector<16xf32>
        %parallel_loop3A_481 = tpu.pack_subelements %parallel_loop3A_436, %parallel_loop3A_480 {pack_format = #tpu.pack_format<interleaved>, positions = array<i32: 0, 1>} : vector<16xf32>, vector<16xf32> -> vector<32xbf16>
        %parallel_loop3A_482 = vector.bitcast %parallel_loop3A_481 : vector<32xbf16> to vector<16xf32>
        %parallel_loop3A_483 = arith.constant 16 : i32
        %parallel_loop3A_484 = arith.muli %parallel_loop3A_88, %parallel_loop3A_483 : i32
        %parallel_loop3A_485 = arith.constant 0 : i32
        %parallel_loop3A_486 = arith.constant 3 : i32
        %parallel_loop3A_487 = arith.index_cast %parallel_loop3A_485 : i32 to index
        %parallel_loop3A_488 = arith.index_cast %parallel_loop3A_486 : i32 to index
        %parallel_loop3A_489 = arith.index_cast %parallel_loop3A_484 : i32 to index
        %parallel_loop3A_490 = tpu.vector_load %arg23[%parallel_loop3A_487, %parallel_loop3A_488, %parallel_loop3A_489] {strides = array<i32>} : memref<2x8x1024xf32, #tpu.memory_space<vmem>>, vector<16xf32>,
        tpu.vector_store %arg23[%parallel_loop3A_487, %parallel_loop3A_488, %parallel_loop3A_489], %parallel_loop3A_482 {strides = array<i32>} : memref<2x8x1024xf32, #tpu.memory_space<vmem>>, vector<16xf32>,
        %parallel_loop3A_491 = arith.constant 1.010000e+02 : f32
        %parallel_loop3A_492 = vector.broadcast %parallel_loop3A_491 : f32 to vector<16xf32>
        %parallel_loop3A_493 = arith.mulf %parallel_loop3A_93, %parallel_loop3A_492 : vector<16xf32>
        %parallel_loop3A_494 = arith.constant 1.010000e+02 : f32
        %parallel_loop3A_495 = vector.broadcast %parallel_loop3A_494 : f32 to vector<16xf32>
        %parallel_loop3A_496 = arith.mulf %parallel_loop3A_98, %parallel_loop3A_495 : vector<16xf32>
        %parallel_loop3A_497 = arith.fptosi %parallel_loop3A_493 : vector<16xf32> to vector<16xi32>
        %parallel_loop3A_498 = arith.fptosi %parallel_loop3A_496 : vector<16xf32> to vector<16xi32>
        %parallel_loop3A_499 = arith.sitofp %parallel_loop3A_497 : vector<16xi32> to vector<16xf32>
        %parallel_loop3A_500 = arith.subf %parallel_loop3A_493, %parallel_loop3A_499 : vector<16xf32>
        %parallel_loop3A_501 = arith.sitofp %parallel_loop3A_498 : vector<16xi32> to vector<16xf32>
        %parallel_loop3A_502 = arith.subf %parallel_loop3A_496, %parallel_loop3A_501 : vector<16xf32>
        %parallel_loop3A_503 = vector.broadcast %scan3A_8 : i32 to vector<16xi32>
        %parallel_loop3A_504 = arith.muli %parallel_loop3A_498, %parallel_loop3A_503 : vector<16xi32>
        %parallel_loop3A_505 = vector.broadcast %scan3A_8 : i32 to vector<16xi32>
        %parallel_loop3A_506 = arith.addi %parallel_loop3A_504, %parallel_loop3A_505 : vector<16xi32>
        %parallel_loop3A_507 = arith.constant 1 : i32
        %parallel_loop3A_508 = vector.broadcast %parallel_loop3A_507 : i32 to vector<16xi32>
        %parallel_loop3A_509 = arith.addi %parallel_loop3A_497, %parallel_loop3A_508 : vector<16xi32>
        %parallel_loop3A_510 = arith.xori %parallel_loop3A_497, %parallel_loop3A_504 : vector<16xi32>
        %parallel_loop3A_511 = vector.broadcast %scan3A_9 : i32 to vector<16xi32>
        %parallel_loop3A_512 = arith.andi %parallel_loop3A_510, %parallel_loop3A_511 : vector<16xi32>
        %parallel_loop3A_513 = arith.xori %parallel_loop3A_509, %parallel_loop3A_504 : vector<16xi32>
        %parallel_loop3A_514 = vector.broadcast %scan3A_9 : i32 to vector<16xi32>
        %parallel_loop3A_515 = arith.andi %parallel_loop3A_513, %parallel_loop3A_514 : vector<16xi32>
        %parallel_loop3A_516 = arith.xori %parallel_loop3A_497, %parallel_loop3A_506 : vector<16xi32>
        %parallel_loop3A_517 = vector.broadcast %scan3A_9 : i32 to vector<16xi32>
        %parallel_loop3A_518 = arith.andi %parallel_loop3A_516, %parallel_loop3A_517 : vector<16xi32>
        %parallel_loop3A_519 = arith.xori %parallel_loop3A_509, %parallel_loop3A_506 : vector<16xi32>
        %parallel_loop3A_520 = vector.broadcast %scan3A_9 : i32 to vector<16xi32>
        %parallel_loop3A_521 = arith.andi %parallel_loop3A_519, %parallel_loop3A_520 : vector<16xi32>
        %parallel_loop3A_522 = tpu.vector_load_idx %arg13[%parallel_loop3A_512] : memref<4096xf32, #tpu.memory_space<vmem>>[vector<16xi32>], vector<16xf32>,
        %parallel_loop3A_523 = tpu.vector_load_idx %arg13[%parallel_loop3A_515] : memref<4096xf32, #tpu.memory_space<vmem>>[vector<16xi32>], vector<16xf32>,
        %parallel_loop3A_524 = tpu.vector_load_idx %arg13[%parallel_loop3A_518] : memref<4096xf32, #tpu.memory_space<vmem>>[vector<16xi32>], vector<16xf32>,
        %parallel_loop3A_525 = tpu.vector_load_idx %arg13[%parallel_loop3A_521] : memref<4096xf32, #tpu.memory_space<vmem>>[vector<16xi32>], vector<16xf32>,
        %parallel_loop3A_526 = arith.subf %parallel_loop3A_523, %parallel_loop3A_522 : vector<16xf32>
        %parallel_loop3A_527 = arith.mulf %parallel_loop3A_500, %parallel_loop3A_526 : vector<16xf32>
        %parallel_loop3A_528 = arith.addf %parallel_loop3A_522, %parallel_loop3A_527 : vector<16xf32>
        %parallel_loop3A_529 = arith.subf %parallel_loop3A_525, %parallel_loop3A_524 : vector<16xf32>
        %parallel_loop3A_530 = arith.mulf %parallel_loop3A_500, %parallel_loop3A_529 : vector<16xf32>
        %parallel_loop3A_531 = arith.addf %parallel_loop3A_524, %parallel_loop3A_530 : vector<16xf32>
        %parallel_loop3A_532 = arith.subf %parallel_loop3A_531, %parallel_loop3A_528 : vector<16xf32>
        %parallel_loop3A_533 = arith.mulf %parallel_loop3A_502, %parallel_loop3A_532 : vector<16xf32>
        %parallel_loop3A_534 = arith.addf %parallel_loop3A_528, %parallel_loop3A_533 : vector<16xf32>
        %parallel_loop3A_535 = arith.constant 1.280000e+02 : f32
        %parallel_loop3A_536 = vector.broadcast %parallel_loop3A_535 : f32 to vector<16xf32>
        %parallel_loop3A_537 = arith.mulf %parallel_loop3A_93, %parallel_loop3A_536 : vector<16xf32>
        %parallel_loop3A_538 = arith.constant 1.280000e+02 : f32
        %parallel_loop3A_539 = vector.broadcast %parallel_loop3A_538 : f32 to vector<16xf32>
        %parallel_loop3A_540 = arith.mulf %parallel_loop3A_98, %parallel_loop3A_539 : vector<16xf32>
        %parallel_loop3A_541 = arith.fptosi %parallel_loop3A_537 : vector<16xf32> to vector<16xi32>
        %parallel_loop3A_542 = arith.fptosi %parallel_loop3A_540 : vector<16xf32> to vector<16xi32>
        %parallel_loop3A_543 = arith.sitofp %parallel_loop3A_541 : vector<16xi32> to vector<16xf32>
        %parallel_loop3A_544 = arith.subf %parallel_loop3A_537, %parallel_loop3A_543 : vector<16xf32>
        %parallel_loop3A_545 = arith.sitofp %parallel_loop3A_542 : vector<16xi32> to vector<16xf32>
        %parallel_loop3A_546 = arith.subf %parallel_loop3A_540, %parallel_loop3A_545 : vector<16xf32>
        %parallel_loop3A_547 = vector.broadcast %scan3A_8 : i32 to vector<16xi32>
        %parallel_loop3A_548 = arith.muli %parallel_loop3A_542, %parallel_loop3A_547 : vector<16xi32>
        %parallel_loop3A_549 = vector.broadcast %scan3A_8 : i32 to vector<16xi32>
        %parallel_loop3A_550 = arith.addi %parallel_loop3A_548, %parallel_loop3A_549 : vector<16xi32>
        %parallel_loop3A_551 = arith.constant 1 : i32
        %parallel_loop3A_552 = vector.broadcast %parallel_loop3A_551 : i32 to vector<16xi32>
        %parallel_loop3A_553 = arith.addi %parallel_loop3A_541, %parallel_loop3A_552 : vector<16xi32>
        %parallel_loop3A_554 = arith.xori %parallel_loop3A_541, %parallel_loop3A_548 : vector<16xi32>
        %parallel_loop3A_555 = vector.broadcast %scan3A_9 : i32 to vector<16xi32>
        %parallel_loop3A_556 = arith.andi %parallel_loop3A_554, %parallel_loop3A_555 : vector<16xi32>
        %parallel_loop3A_557 = arith.xori %parallel_loop3A_553, %parallel_loop3A_548 : vector<16xi32>
        %parallel_loop3A_558 = vector.broadcast %scan3A_9 : i32 to vector<16xi32>
        %parallel_loop3A_559 = arith.andi %parallel_loop3A_557, %parallel_loop3A_558 : vector<16xi32>
        %parallel_loop3A_560 = arith.xori %parallel_loop3A_541, %parallel_loop3A_550 : vector<16xi32>
        %parallel_loop3A_561 = vector.broadcast %scan3A_9 : i32 to vector<16xi32>
        %parallel_loop3A_562 = arith.andi %parallel_loop3A_560, %parallel_loop3A_561 : vector<16xi32>
        %parallel_loop3A_563 = arith.xori %parallel_loop3A_553, %parallel_loop3A_550 : vector<16xi32>
        %parallel_loop3A_564 = vector.broadcast %scan3A_9 : i32 to vector<16xi32>
        %parallel_loop3A_565 = arith.andi %parallel_loop3A_563, %parallel_loop3A_564 : vector<16xi32>
        %parallel_loop3A_566 = tpu.vector_load_idx %arg14[%parallel_loop3A_556] : memref<4096xf32, #tpu.memory_space<vmem>>[vector<16xi32>], vector<16xf32>,
        %parallel_loop3A_567 = tpu.vector_load_idx %arg14[%parallel_loop3A_559] : memref<4096xf32, #tpu.memory_space<vmem>>[vector<16xi32>], vector<16xf32>,
        %parallel_loop3A_568 = tpu.vector_load_idx %arg14[%parallel_loop3A_562] : memref<4096xf32, #tpu.memory_space<vmem>>[vector<16xi32>], vector<16xf32>,
        %parallel_loop3A_569 = tpu.vector_load_idx %arg14[%parallel_loop3A_565] : memref<4096xf32, #tpu.memory_space<vmem>>[vector<16xi32>], vector<16xf32>,
        %parallel_loop3A_570 = arith.subf %parallel_loop3A_567, %parallel_loop3A_566 : vector<16xf32>
        %parallel_loop3A_571 = arith.mulf %parallel_loop3A_544, %parallel_loop3A_570 : vector<16xf32>
        %parallel_loop3A_572 = arith.addf %parallel_loop3A_566, %parallel_loop3A_571 : vector<16xf32>
        %parallel_loop3A_573 = arith.subf %parallel_loop3A_569, %parallel_loop3A_568 : vector<16xf32>
        %parallel_loop3A_574 = arith.mulf %parallel_loop3A_544, %parallel_loop3A_573 : vector<16xf32>
        %parallel_loop3A_575 = arith.addf %parallel_loop3A_568, %parallel_loop3A_574 : vector<16xf32>
        %parallel_loop3A_576 = arith.subf %parallel_loop3A_575, %parallel_loop3A_572 : vector<16xf32>
        %parallel_loop3A_577 = arith.mulf %parallel_loop3A_546, %parallel_loop3A_576 : vector<16xf32>
        %parallel_loop3A_578 = arith.addf %parallel_loop3A_572, %parallel_loop3A_577 : vector<16xf32>
        %parallel_loop3A_579 = tpu.pack_subelements %parallel_loop3A_534, %parallel_loop3A_578 {pack_format = #tpu.pack_format<interleaved>, positions = array<i32: 0, 1>} : vector<16xf32>, vector<16xf32> -> vector<32xbf16>
        %parallel_loop3A_580 = vector.bitcast %parallel_loop3A_579 : vector<32xbf16> to vector<16xf32>
        %parallel_loop3A_581 = arith.constant 16 : i32
        %parallel_loop3A_582 = arith.muli %parallel_loop3A_88, %parallel_loop3A_581 : i32
        %parallel_loop3A_583 = arith.constant 0 : i32
        %parallel_loop3A_584 = arith.constant 4 : i32
        %parallel_loop3A_585 = arith.index_cast %parallel_loop3A_583 : i32 to index
        %parallel_loop3A_586 = arith.index_cast %parallel_loop3A_584 : i32 to index
        %parallel_loop3A_587 = arith.index_cast %parallel_loop3A_582 : i32 to index
        %parallel_loop3A_588 = tpu.vector_load %arg23[%parallel_loop3A_585, %parallel_loop3A_586, %parallel_loop3A_587] {strides = array<i32>} : memref<2x8x1024xf32, #tpu.memory_space<vmem>>, vector<16xf32>,
        tpu.vector_store %arg23[%parallel_loop3A_585, %parallel_loop3A_586, %parallel_loop3A_587], %parallel_loop3A_580 {strides = array<i32>} : memref<2x8x1024xf32, #tpu.memory_space<vmem>>, vector<16xf32>,
        %parallel_loop3A_589 = arith.constant 1.610000e+02 : f32
        %parallel_loop3A_590 = vector.broadcast %parallel_loop3A_589 : f32 to vector<16xf32>
        %parallel_loop3A_591 = arith.mulf %parallel_loop3A_93, %parallel_loop3A_590 : vector<16xf32>
        %parallel_loop3A_592 = arith.constant 1.610000e+02 : f32
        %parallel_loop3A_593 = vector.broadcast %parallel_loop3A_592 : f32 to vector<16xf32>
        %parallel_loop3A_594 = arith.mulf %parallel_loop3A_98, %parallel_loop3A_593 : vector<16xf32>
        %parallel_loop3A_595 = arith.fptosi %parallel_loop3A_591 : vector<16xf32> to vector<16xi32>
        %parallel_loop3A_596 = arith.fptosi %parallel_loop3A_594 : vector<16xf32> to vector<16xi32>
        %parallel_loop3A_597 = arith.sitofp %parallel_loop3A_595 : vector<16xi32> to vector<16xf32>
        %parallel_loop3A_598 = arith.subf %parallel_loop3A_591, %parallel_loop3A_597 : vector<16xf32>
        %parallel_loop3A_599 = arith.sitofp %parallel_loop3A_596 : vector<16xi32> to vector<16xf32>
        %parallel_loop3A_600 = arith.subf %parallel_loop3A_594, %parallel_loop3A_599 : vector<16xf32>
        %parallel_loop3A_601 = vector.broadcast %scan3A_8 : i32 to vector<16xi32>
        %parallel_loop3A_602 = arith.muli %parallel_loop3A_596, %parallel_loop3A_601 : vector<16xi32>
        %parallel_loop3A_603 = vector.broadcast %scan3A_8 : i32 to vector<16xi32>
        %parallel_loop3A_604 = arith.addi %parallel_loop3A_602, %parallel_loop3A_603 : vector<16xi32>
        %parallel_loop3A_605 = arith.constant 1 : i32
        %parallel_loop3A_606 = vector.broadcast %parallel_loop3A_605 : i32 to vector<16xi32>
        %parallel_loop3A_607 = arith.addi %parallel_loop3A_595, %parallel_loop3A_606 : vector<16xi32>
        %parallel_loop3A_608 = arith.xori %parallel_loop3A_595, %parallel_loop3A_602 : vector<16xi32>
        %parallel_loop3A_609 = vector.broadcast %scan3A_9 : i32 to vector<16xi32>
        %parallel_loop3A_610 = arith.andi %parallel_loop3A_608, %parallel_loop3A_609 : vector<16xi32>
        %parallel_loop3A_611 = arith.xori %parallel_loop3A_607, %parallel_loop3A_602 : vector<16xi32>
        %parallel_loop3A_612 = vector.broadcast %scan3A_9 : i32 to vector<16xi32>
        %parallel_loop3A_613 = arith.andi %parallel_loop3A_611, %parallel_loop3A_612 : vector<16xi32>
        %parallel_loop3A_614 = arith.xori %parallel_loop3A_595, %parallel_loop3A_604 : vector<16xi32>
        %parallel_loop3A_615 = vector.broadcast %scan3A_9 : i32 to vector<16xi32>
        %parallel_loop3A_616 = arith.andi %parallel_loop3A_614, %parallel_loop3A_615 : vector<16xi32>
        %parallel_loop3A_617 = arith.xori %parallel_loop3A_607, %parallel_loop3A_604 : vector<16xi32>
        %parallel_loop3A_618 = vector.broadcast %scan3A_9 : i32 to vector<16xi32>
        %parallel_loop3A_619 = arith.andi %parallel_loop3A_617, %parallel_loop3A_618 : vector<16xi32>
        %parallel_loop3A_620 = tpu.vector_load_idx %arg15[%parallel_loop3A_610] : memref<4096xf32, #tpu.memory_space<vmem>>[vector<16xi32>], vector<16xf32>,
        %parallel_loop3A_621 = tpu.vector_load_idx %arg15[%parallel_loop3A_613] : memref<4096xf32, #tpu.memory_space<vmem>>[vector<16xi32>], vector<16xf32>,
        %parallel_loop3A_622 = tpu.vector_load_idx %arg15[%parallel_loop3A_616] : memref<4096xf32, #tpu.memory_space<vmem>>[vector<16xi32>], vector<16xf32>,
        %parallel_loop3A_623 = tpu.vector_load_idx %arg15[%parallel_loop3A_619] : memref<4096xf32, #tpu.memory_space<vmem>>[vector<16xi32>], vector<16xf32>,
        %parallel_loop3A_624 = arith.subf %parallel_loop3A_621, %parallel_loop3A_620 : vector<16xf32>
        %parallel_loop3A_625 = arith.mulf %parallel_loop3A_598, %parallel_loop3A_624 : vector<16xf32>
        %parallel_loop3A_626 = arith.addf %parallel_loop3A_620, %parallel_loop3A_625 : vector<16xf32>
        %parallel_loop3A_627 = arith.subf %parallel_loop3A_623, %parallel_loop3A_622 : vector<16xf32>
        %parallel_loop3A_628 = arith.mulf %parallel_loop3A_598, %parallel_loop3A_627 : vector<16xf32>
        %parallel_loop3A_629 = arith.addf %parallel_loop3A_622, %parallel_loop3A_628 : vector<16xf32>
        %parallel_loop3A_630 = arith.subf %parallel_loop3A_629, %parallel_loop3A_626 : vector<16xf32>
        %parallel_loop3A_631 = arith.mulf %parallel_loop3A_600, %parallel_loop3A_630 : vector<16xf32>
        %parallel_loop3A_632 = arith.addf %parallel_loop3A_626, %parallel_loop3A_631 : vector<16xf32>
        %parallel_loop3A_633 = arith.constant 2.030000e+02 : f32
        %parallel_loop3A_634 = vector.broadcast %parallel_loop3A_633 : f32 to vector<16xf32>
        %parallel_loop3A_635 = arith.mulf %parallel_loop3A_93, %parallel_loop3A_634 : vector<16xf32>
        %parallel_loop3A_636 = arith.constant 2.030000e+02 : f32
        %parallel_loop3A_637 = vector.broadcast %parallel_loop3A_636 : f32 to vector<16xf32>
        %parallel_loop3A_638 = arith.mulf %parallel_loop3A_98, %parallel_loop3A_637 : vector<16xf32>
        %parallel_loop3A_639 = arith.fptosi %parallel_loop3A_635 : vector<16xf32> to vector<16xi32>
        %parallel_loop3A_640 = arith.fptosi %parallel_loop3A_638 : vector<16xf32> to vector<16xi32>
        %parallel_loop3A_641 = arith.sitofp %parallel_loop3A_639 : vector<16xi32> to vector<16xf32>
        %parallel_loop3A_642 = arith.subf %parallel_loop3A_635, %parallel_loop3A_641 : vector<16xf32>
        %parallel_loop3A_643 = arith.sitofp %parallel_loop3A_640 : vector<16xi32> to vector<16xf32>
        %parallel_loop3A_644 = arith.subf %parallel_loop3A_638, %parallel_loop3A_643 : vector<16xf32>
        %parallel_loop3A_645 = vector.broadcast %scan3A_8 : i32 to vector<16xi32>
        %parallel_loop3A_646 = arith.muli %parallel_loop3A_640, %parallel_loop3A_645 : vector<16xi32>
        %parallel_loop3A_647 = vector.broadcast %scan3A_8 : i32 to vector<16xi32>
        %parallel_loop3A_648 = arith.addi %parallel_loop3A_646, %parallel_loop3A_647 : vector<16xi32>
        %parallel_loop3A_649 = arith.constant 1 : i32
        %parallel_loop3A_650 = vector.broadcast %parallel_loop3A_649 : i32 to vector<16xi32>
        %parallel_loop3A_651 = arith.addi %parallel_loop3A_639, %parallel_loop3A_650 : vector<16xi32>
        %parallel_loop3A_652 = arith.xori %parallel_loop3A_639, %parallel_loop3A_646 : vector<16xi32>
        %parallel_loop3A_653 = vector.broadcast %scan3A_9 : i32 to vector<16xi32>
        %parallel_loop3A_654 = arith.andi %parallel_loop3A_652, %parallel_loop3A_653 : vector<16xi32>
        %parallel_loop3A_655 = arith.xori %parallel_loop3A_651, %parallel_loop3A_646 : vector<16xi32>
        %parallel_loop3A_656 = vector.broadcast %scan3A_9 : i32 to vector<16xi32>
        %parallel_loop3A_657 = arith.andi %parallel_loop3A_655, %parallel_loop3A_656 : vector<16xi32>
        %parallel_loop3A_658 = arith.xori %parallel_loop3A_639, %parallel_loop3A_648 : vector<16xi32>
        %parallel_loop3A_659 = vector.broadcast %scan3A_9 : i32 to vector<16xi32>
        %parallel_loop3A_660 = arith.andi %parallel_loop3A_658, %parallel_loop3A_659 : vector<16xi32>
        %parallel_loop3A_661 = arith.xori %parallel_loop3A_651, %parallel_loop3A_648 : vector<16xi32>
        %parallel_loop3A_662 = vector.broadcast %scan3A_9 : i32 to vector<16xi32>
        %parallel_loop3A_663 = arith.andi %parallel_loop3A_661, %parallel_loop3A_662 : vector<16xi32>
        %parallel_loop3A_664 = tpu.vector_load_idx %arg16[%parallel_loop3A_654] : memref<4096xf32, #tpu.memory_space<vmem>>[vector<16xi32>], vector<16xf32>,
        %parallel_loop3A_665 = tpu.vector_load_idx %arg16[%parallel_loop3A_657] : memref<4096xf32, #tpu.memory_space<vmem>>[vector<16xi32>], vector<16xf32>,
        %parallel_loop3A_666 = tpu.vector_load_idx %arg16[%parallel_loop3A_660] : memref<4096xf32, #tpu.memory_space<vmem>>[vector<16xi32>], vector<16xf32>,
        %parallel_loop3A_667 = tpu.vector_load_idx %arg16[%parallel_loop3A_663] : memref<4096xf32, #tpu.memory_space<vmem>>[vector<16xi32>], vector<16xf32>,
        %parallel_loop3A_668 = arith.subf %parallel_loop3A_665, %parallel_loop3A_664 : vector<16xf32>
        %parallel_loop3A_669 = arith.mulf %parallel_loop3A_642, %parallel_loop3A_668 : vector<16xf32>
        %parallel_loop3A_670 = arith.addf %parallel_loop3A_664, %parallel_loop3A_669 : vector<16xf32>
        %parallel_loop3A_671 = arith.subf %parallel_loop3A_667, %parallel_loop3A_666 : vector<16xf32>
        %parallel_loop3A_672 = arith.mulf %parallel_loop3A_642, %parallel_loop3A_671 : vector<16xf32>
        %parallel_loop3A_673 = arith.addf %parallel_loop3A_666, %parallel_loop3A_672 : vector<16xf32>
        %parallel_loop3A_674 = arith.subf %parallel_loop3A_673, %parallel_loop3A_670 : vector<16xf32>
        %parallel_loop3A_675 = arith.mulf %parallel_loop3A_644, %parallel_loop3A_674 : vector<16xf32>
        %parallel_loop3A_676 = arith.addf %parallel_loop3A_670, %parallel_loop3A_675 : vector<16xf32>
        %parallel_loop3A_677 = tpu.pack_subelements %parallel_loop3A_632, %parallel_loop3A_676 {pack_format = #tpu.pack_format<interleaved>, positions = array<i32: 0, 1>} : vector<16xf32>, vector<16xf32> -> vector<32xbf16>
        %parallel_loop3A_678 = vector.bitcast %parallel_loop3A_677 : vector<32xbf16> to vector<16xf32>
        %parallel_loop3A_679 = arith.constant 16 : i32
        %parallel_loop3A_680 = arith.muli %parallel_loop3A_88, %parallel_loop3A_679 : i32
        %parallel_loop3A_681 = arith.constant 0 : i32
        %parallel_loop3A_682 = arith.constant 5 : i32
        %parallel_loop3A_683 = arith.index_cast %parallel_loop3A_681 : i32 to index
        %parallel_loop3A_684 = arith.index_cast %parallel_loop3A_682 : i32 to index
        %parallel_loop3A_685 = arith.index_cast %parallel_loop3A_680 : i32 to index
        %parallel_loop3A_686 = tpu.vector_load %arg23[%parallel_loop3A_683, %parallel_loop3A_684, %parallel_loop3A_685] {strides = array<i32>} : memref<2x8x1024xf32, #tpu.memory_space<vmem>>, vector<16xf32>,
        tpu.vector_store %arg23[%parallel_loop3A_683, %parallel_loop3A_684, %parallel_loop3A_685], %parallel_loop3A_678 {strides = array<i32>} : memref<2x8x1024xf32, #tpu.memory_space<vmem>>, vector<16xf32>,
        %parallel_loop3A_687 = arith.constant 2.560000e+02 : f32
        %parallel_loop3A_688 = vector.broadcast %parallel_loop3A_687 : f32 to vector<16xf32>
        %parallel_loop3A_689 = arith.mulf %parallel_loop3A_93, %parallel_loop3A_688 : vector<16xf32>
        %parallel_loop3A_690 = arith.constant 2.560000e+02 : f32
        %parallel_loop3A_691 = vector.broadcast %parallel_loop3A_690 : f32 to vector<16xf32>
        %parallel_loop3A_692 = arith.mulf %parallel_loop3A_98, %parallel_loop3A_691 : vector<16xf32>
        %parallel_loop3A_693 = arith.fptosi %parallel_loop3A_689 : vector<16xf32> to vector<16xi32>
        %parallel_loop3A_694 = arith.fptosi %parallel_loop3A_692 : vector<16xf32> to vector<16xi32>
        %parallel_loop3A_695 = arith.sitofp %parallel_loop3A_693 : vector<16xi32> to vector<16xf32>
        %parallel_loop3A_696 = arith.subf %parallel_loop3A_689, %parallel_loop3A_695 : vector<16xf32>
        %parallel_loop3A_697 = arith.sitofp %parallel_loop3A_694 : vector<16xi32> to vector<16xf32>
        %parallel_loop3A_698 = arith.subf %parallel_loop3A_692, %parallel_loop3A_697 : vector<16xf32>
        %parallel_loop3A_699 = vector.broadcast %scan3A_8 : i32 to vector<16xi32>
        %parallel_loop3A_700 = arith.muli %parallel_loop3A_694, %parallel_loop3A_699 : vector<16xi32>
        %parallel_loop3A_701 = vector.broadcast %scan3A_8 : i32 to vector<16xi32>
        %parallel_loop3A_702 = arith.addi %parallel_loop3A_700, %parallel_loop3A_701 : vector<16xi32>
        %parallel_loop3A_703 = arith.constant 1 : i32
        %parallel_loop3A_704 = vector.broadcast %parallel_loop3A_703 : i32 to vector<16xi32>
        %parallel_loop3A_705 = arith.addi %parallel_loop3A_693, %parallel_loop3A_704 : vector<16xi32>
        %parallel_loop3A_706 = arith.xori %parallel_loop3A_693, %parallel_loop3A_700 : vector<16xi32>
        %parallel_loop3A_707 = vector.broadcast %scan3A_9 : i32 to vector<16xi32>
        %parallel_loop3A_708 = arith.andi %parallel_loop3A_706, %parallel_loop3A_707 : vector<16xi32>
        %parallel_loop3A_709 = arith.xori %parallel_loop3A_705, %parallel_loop3A_700 : vector<16xi32>
        %parallel_loop3A_710 = vector.broadcast %scan3A_9 : i32 to vector<16xi32>
        %parallel_loop3A_711 = arith.andi %parallel_loop3A_709, %parallel_loop3A_710 : vector<16xi32>
        %parallel_loop3A_712 = arith.xori %parallel_loop3A_693, %parallel_loop3A_702 : vector<16xi32>
        %parallel_loop3A_713 = vector.broadcast %scan3A_9 : i32 to vector<16xi32>
        %parallel_loop3A_714 = arith.andi %parallel_loop3A_712, %parallel_loop3A_713 : vector<16xi32>
        %parallel_loop3A_715 = arith.xori %parallel_loop3A_705, %parallel_loop3A_702 : vector<16xi32>
        %parallel_loop3A_716 = vector.broadcast %scan3A_9 : i32 to vector<16xi32>
        %parallel_loop3A_717 = arith.andi %parallel_loop3A_715, %parallel_loop3A_716 : vector<16xi32>
        %parallel_loop3A_718 = tpu.vector_load_idx %arg17[%parallel_loop3A_708] : memref<4096xf32, #tpu.memory_space<vmem>>[vector<16xi32>], vector<16xf32>,
        %parallel_loop3A_719 = tpu.vector_load_idx %arg17[%parallel_loop3A_711] : memref<4096xf32, #tpu.memory_space<vmem>>[vector<16xi32>], vector<16xf32>,
        %parallel_loop3A_720 = tpu.vector_load_idx %arg17[%parallel_loop3A_714] : memref<4096xf32, #tpu.memory_space<vmem>>[vector<16xi32>], vector<16xf32>,
        %parallel_loop3A_721 = tpu.vector_load_idx %arg17[%parallel_loop3A_717] : memref<4096xf32, #tpu.memory_space<vmem>>[vector<16xi32>], vector<16xf32>,
        %parallel_loop3A_722 = arith.subf %parallel_loop3A_719, %parallel_loop3A_718 : vector<16xf32>
        %parallel_loop3A_723 = arith.mulf %parallel_loop3A_696, %parallel_loop3A_722 : vector<16xf32>
        %parallel_loop3A_724 = arith.addf %parallel_loop3A_718, %parallel_loop3A_723 : vector<16xf32>
        %parallel_loop3A_725 = arith.subf %parallel_loop3A_721, %parallel_loop3A_720 : vector<16xf32>
        %parallel_loop3A_726 = arith.mulf %parallel_loop3A_696, %parallel_loop3A_725 : vector<16xf32>
        %parallel_loop3A_727 = arith.addf %parallel_loop3A_720, %parallel_loop3A_726 : vector<16xf32>
        %parallel_loop3A_728 = arith.subf %parallel_loop3A_727, %parallel_loop3A_724 : vector<16xf32>
        %parallel_loop3A_729 = arith.mulf %parallel_loop3A_698, %parallel_loop3A_728 : vector<16xf32>
        %parallel_loop3A_730 = arith.addf %parallel_loop3A_724, %parallel_loop3A_729 : vector<16xf32>
        %parallel_loop3A_731 = arith.constant 3.220000e+02 : f32
        %parallel_loop3A_732 = vector.broadcast %parallel_loop3A_731 : f32 to vector<16xf32>
        %parallel_loop3A_733 = arith.mulf %parallel_loop3A_93, %parallel_loop3A_732 : vector<16xf32>
        %parallel_loop3A_734 = arith.constant 3.220000e+02 : f32
        %parallel_loop3A_735 = vector.broadcast %parallel_loop3A_734 : f32 to vector<16xf32>
        %parallel_loop3A_736 = arith.mulf %parallel_loop3A_98, %parallel_loop3A_735 : vector<16xf32>
        %parallel_loop3A_737 = arith.fptosi %parallel_loop3A_733 : vector<16xf32> to vector<16xi32>
        %parallel_loop3A_738 = arith.fptosi %parallel_loop3A_736 : vector<16xf32> to vector<16xi32>
        %parallel_loop3A_739 = arith.sitofp %parallel_loop3A_737 : vector<16xi32> to vector<16xf32>
        %parallel_loop3A_740 = arith.subf %parallel_loop3A_733, %parallel_loop3A_739 : vector<16xf32>
        %parallel_loop3A_741 = arith.sitofp %parallel_loop3A_738 : vector<16xi32> to vector<16xf32>
        %parallel_loop3A_742 = arith.subf %parallel_loop3A_736, %parallel_loop3A_741 : vector<16xf32>
        %parallel_loop3A_743 = vector.broadcast %scan3A_8 : i32 to vector<16xi32>
        %parallel_loop3A_744 = arith.muli %parallel_loop3A_738, %parallel_loop3A_743 : vector<16xi32>
        %parallel_loop3A_745 = vector.broadcast %scan3A_8 : i32 to vector<16xi32>
        %parallel_loop3A_746 = arith.addi %parallel_loop3A_744, %parallel_loop3A_745 : vector<16xi32>
        %parallel_loop3A_747 = arith.constant 1 : i32
        %parallel_loop3A_748 = vector.broadcast %parallel_loop3A_747 : i32 to vector<16xi32>
        %parallel_loop3A_749 = arith.addi %parallel_loop3A_737, %parallel_loop3A_748 : vector<16xi32>
        %parallel_loop3A_750 = arith.xori %parallel_loop3A_737, %parallel_loop3A_744 : vector<16xi32>
        %parallel_loop3A_751 = vector.broadcast %scan3A_9 : i32 to vector<16xi32>
        %parallel_loop3A_752 = arith.andi %parallel_loop3A_750, %parallel_loop3A_751 : vector<16xi32>
        %parallel_loop3A_753 = arith.xori %parallel_loop3A_749, %parallel_loop3A_744 : vector<16xi32>
        %parallel_loop3A_754 = vector.broadcast %scan3A_9 : i32 to vector<16xi32>
        %parallel_loop3A_755 = arith.andi %parallel_loop3A_753, %parallel_loop3A_754 : vector<16xi32>
        %parallel_loop3A_756 = arith.xori %parallel_loop3A_737, %parallel_loop3A_746 : vector<16xi32>
        %parallel_loop3A_757 = vector.broadcast %scan3A_9 : i32 to vector<16xi32>
        %parallel_loop3A_758 = arith.andi %parallel_loop3A_756, %parallel_loop3A_757 : vector<16xi32>
        %parallel_loop3A_759 = arith.xori %parallel_loop3A_749, %parallel_loop3A_746 : vector<16xi32>
        %parallel_loop3A_760 = vector.broadcast %scan3A_9 : i32 to vector<16xi32>
        %parallel_loop3A_761 = arith.andi %parallel_loop3A_759, %parallel_loop3A_760 : vector<16xi32>
        %parallel_loop3A_762 = tpu.vector_load_idx %arg18[%parallel_loop3A_752] : memref<4096xf32, #tpu.memory_space<vmem>>[vector<16xi32>], vector<16xf32>,
        %parallel_loop3A_763 = tpu.vector_load_idx %arg18[%parallel_loop3A_755] : memref<4096xf32, #tpu.memory_space<vmem>>[vector<16xi32>], vector<16xf32>,
        %parallel_loop3A_764 = tpu.vector_load_idx %arg18[%parallel_loop3A_758] : memref<4096xf32, #tpu.memory_space<vmem>>[vector<16xi32>], vector<16xf32>,
        %parallel_loop3A_765 = tpu.vector_load_idx %arg18[%parallel_loop3A_761] : memref<4096xf32, #tpu.memory_space<vmem>>[vector<16xi32>], vector<16xf32>,
        %parallel_loop3A_766 = arith.subf %parallel_loop3A_763, %parallel_loop3A_762 : vector<16xf32>
        %parallel_loop3A_767 = arith.mulf %parallel_loop3A_740, %parallel_loop3A_766 : vector<16xf32>
        %parallel_loop3A_768 = arith.addf %parallel_loop3A_762, %parallel_loop3A_767 : vector<16xf32>
        %parallel_loop3A_769 = arith.subf %parallel_loop3A_765, %parallel_loop3A_764 : vector<16xf32>
        %parallel_loop3A_770 = arith.mulf %parallel_loop3A_740, %parallel_loop3A_769 : vector<16xf32>
        %parallel_loop3A_771 = arith.addf %parallel_loop3A_764, %parallel_loop3A_770 : vector<16xf32>
        %parallel_loop3A_772 = arith.subf %parallel_loop3A_771, %parallel_loop3A_768 : vector<16xf32>
        %parallel_loop3A_773 = arith.mulf %parallel_loop3A_742, %parallel_loop3A_772 : vector<16xf32>
        %parallel_loop3A_774 = arith.addf %parallel_loop3A_768, %parallel_loop3A_773 : vector<16xf32>
        %parallel_loop3A_775 = tpu.pack_subelements %parallel_loop3A_730, %parallel_loop3A_774 {pack_format = #tpu.pack_format<interleaved>, positions = array<i32: 0, 1>} : vector<16xf32>, vector<16xf32> -> vector<32xbf16>
        %parallel_loop3A_776 = vector.bitcast %parallel_loop3A_775 : vector<32xbf16> to vector<16xf32>
        %parallel_loop3A_777 = arith.constant 16 : i32
        %parallel_loop3A_778 = arith.muli %parallel_loop3A_88, %parallel_loop3A_777 : i32
        %parallel_loop3A_779 = arith.constant 0 : i32
        %parallel_loop3A_780 = arith.constant 6 : i32
        %parallel_loop3A_781 = arith.index_cast %parallel_loop3A_779 : i32 to index
        %parallel_loop3A_782 = arith.index_cast %parallel_loop3A_780 : i32 to index
        %parallel_loop3A_783 = arith.index_cast %parallel_loop3A_778 : i32 to index
        %parallel_loop3A_784 = tpu.vector_load %arg23[%parallel_loop3A_781, %parallel_loop3A_782, %parallel_loop3A_783] {strides = array<i32>} : memref<2x8x1024xf32, #tpu.memory_space<vmem>>, vector<16xf32>,
        tpu.vector_store %arg23[%parallel_loop3A_781, %parallel_loop3A_782, %parallel_loop3A_783], %parallel_loop3A_776 {strides = array<i32>} : memref<2x8x1024xf32, #tpu.memory_space<vmem>>, vector<16xf32>,
        %parallel_loop3A_785 = arith.constant 4.060000e+02 : f32
        %parallel_loop3A_786 = vector.broadcast %parallel_loop3A_785 : f32 to vector<16xf32>
        %parallel_loop3A_787 = arith.mulf %parallel_loop3A_93, %parallel_loop3A_786 : vector<16xf32>
        %parallel_loop3A_788 = arith.constant 4.060000e+02 : f32
        %parallel_loop3A_789 = vector.broadcast %parallel_loop3A_788 : f32 to vector<16xf32>
        %parallel_loop3A_790 = arith.mulf %parallel_loop3A_98, %parallel_loop3A_789 : vector<16xf32>
        %parallel_loop3A_791 = arith.fptosi %parallel_loop3A_787 : vector<16xf32> to vector<16xi32>
        %parallel_loop3A_792 = arith.fptosi %parallel_loop3A_790 : vector<16xf32> to vector<16xi32>
        %parallel_loop3A_793 = arith.sitofp %parallel_loop3A_791 : vector<16xi32> to vector<16xf32>
        %parallel_loop3A_794 = arith.subf %parallel_loop3A_787, %parallel_loop3A_793 : vector<16xf32>
        %parallel_loop3A_795 = arith.sitofp %parallel_loop3A_792 : vector<16xi32> to vector<16xf32>
        %parallel_loop3A_796 = arith.subf %parallel_loop3A_790, %parallel_loop3A_795 : vector<16xf32>
        %parallel_loop3A_797 = vector.broadcast %scan3A_8 : i32 to vector<16xi32>
        %parallel_loop3A_798 = arith.muli %parallel_loop3A_792, %parallel_loop3A_797 : vector<16xi32>
        %parallel_loop3A_799 = vector.broadcast %scan3A_8 : i32 to vector<16xi32>
        %parallel_loop3A_800 = arith.addi %parallel_loop3A_798, %parallel_loop3A_799 : vector<16xi32>
        %parallel_loop3A_801 = arith.constant 1 : i32
        %parallel_loop3A_802 = vector.broadcast %parallel_loop3A_801 : i32 to vector<16xi32>
        %parallel_loop3A_803 = arith.addi %parallel_loop3A_791, %parallel_loop3A_802 : vector<16xi32>
        %parallel_loop3A_804 = arith.xori %parallel_loop3A_791, %parallel_loop3A_798 : vector<16xi32>
        %parallel_loop3A_805 = vector.broadcast %scan3A_9 : i32 to vector<16xi32>
        %parallel_loop3A_806 = arith.andi %parallel_loop3A_804, %parallel_loop3A_805 : vector<16xi32>
        %parallel_loop3A_807 = arith.xori %parallel_loop3A_803, %parallel_loop3A_798 : vector<16xi32>
        %parallel_loop3A_808 = vector.broadcast %scan3A_9 : i32 to vector<16xi32>
        %parallel_loop3A_809 = arith.andi %parallel_loop3A_807, %parallel_loop3A_808 : vector<16xi32>
        %parallel_loop3A_810 = arith.xori %parallel_loop3A_791, %parallel_loop3A_800 : vector<16xi32>
        %parallel_loop3A_811 = vector.broadcast %scan3A_9 : i32 to vector<16xi32>
        %parallel_loop3A_812 = arith.andi %parallel_loop3A_810, %parallel_loop3A_811 : vector<16xi32>
        %parallel_loop3A_813 = arith.xori %parallel_loop3A_803, %parallel_loop3A_800 : vector<16xi32>
        %parallel_loop3A_814 = vector.broadcast %scan3A_9 : i32 to vector<16xi32>
        %parallel_loop3A_815 = arith.andi %parallel_loop3A_813, %parallel_loop3A_814 : vector<16xi32>
        %parallel_loop3A_816 = tpu.vector_load_idx %arg19[%parallel_loop3A_806] : memref<4096xf32, #tpu.memory_space<vmem>>[vector<16xi32>], vector<16xf32>,
        %parallel_loop3A_817 = tpu.vector_load_idx %arg19[%parallel_loop3A_809] : memref<4096xf32, #tpu.memory_space<vmem>>[vector<16xi32>], vector<16xf32>,
        %parallel_loop3A_818 = tpu.vector_load_idx %arg19[%parallel_loop3A_812] : memref<4096xf32, #tpu.memory_space<vmem>>[vector<16xi32>], vector<16xf32>,
        %parallel_loop3A_819 = tpu.vector_load_idx %arg19[%parallel_loop3A_815] : memref<4096xf32, #tpu.memory_space<vmem>>[vector<16xi32>], vector<16xf32>,
        %parallel_loop3A_820 = arith.subf %parallel_loop3A_817, %parallel_loop3A_816 : vector<16xf32>
        %parallel_loop3A_821 = arith.mulf %parallel_loop3A_794, %parallel_loop3A_820 : vector<16xf32>
        %parallel_loop3A_822 = arith.addf %parallel_loop3A_816, %parallel_loop3A_821 : vector<16xf32>
        %parallel_loop3A_823 = arith.subf %parallel_loop3A_819, %parallel_loop3A_818 : vector<16xf32>
        %parallel_loop3A_824 = arith.mulf %parallel_loop3A_794, %parallel_loop3A_823 : vector<16xf32>
        %parallel_loop3A_825 = arith.addf %parallel_loop3A_818, %parallel_loop3A_824 : vector<16xf32>
        %parallel_loop3A_826 = arith.subf %parallel_loop3A_825, %parallel_loop3A_822 : vector<16xf32>
        %parallel_loop3A_827 = arith.mulf %parallel_loop3A_796, %parallel_loop3A_826 : vector<16xf32>
        %parallel_loop3A_828 = arith.addf %parallel_loop3A_822, %parallel_loop3A_827 : vector<16xf32>
        %parallel_loop3A_829 = arith.constant 5.120000e+02 : f32
        %parallel_loop3A_830 = vector.broadcast %parallel_loop3A_829 : f32 to vector<16xf32>
        %parallel_loop3A_831 = arith.mulf %parallel_loop3A_93, %parallel_loop3A_830 : vector<16xf32>
        %parallel_loop3A_832 = arith.constant 5.120000e+02 : f32
        %parallel_loop3A_833 = vector.broadcast %parallel_loop3A_832 : f32 to vector<16xf32>
        %parallel_loop3A_834 = arith.mulf %parallel_loop3A_98, %parallel_loop3A_833 : vector<16xf32>
        %parallel_loop3A_835 = arith.fptosi %parallel_loop3A_831 : vector<16xf32> to vector<16xi32>
        %parallel_loop3A_836 = arith.fptosi %parallel_loop3A_834 : vector<16xf32> to vector<16xi32>
        %parallel_loop3A_837 = arith.sitofp %parallel_loop3A_835 : vector<16xi32> to vector<16xf32>
        %parallel_loop3A_838 = arith.subf %parallel_loop3A_831, %parallel_loop3A_837 : vector<16xf32>
        %parallel_loop3A_839 = arith.sitofp %parallel_loop3A_836 : vector<16xi32> to vector<16xf32>
        %parallel_loop3A_840 = arith.subf %parallel_loop3A_834, %parallel_loop3A_839 : vector<16xf32>
        %parallel_loop3A_841 = vector.broadcast %scan3A_8 : i32 to vector<16xi32>
        %parallel_loop3A_842 = arith.muli %parallel_loop3A_836, %parallel_loop3A_841 : vector<16xi32>
        %parallel_loop3A_843 = vector.broadcast %scan3A_8 : i32 to vector<16xi32>
        %parallel_loop3A_844 = arith.addi %parallel_loop3A_842, %parallel_loop3A_843 : vector<16xi32>
        %parallel_loop3A_845 = arith.constant 1 : i32
        %parallel_loop3A_846 = vector.broadcast %parallel_loop3A_845 : i32 to vector<16xi32>
        %parallel_loop3A_847 = arith.addi %parallel_loop3A_835, %parallel_loop3A_846 : vector<16xi32>
        %parallel_loop3A_848 = arith.xori %parallel_loop3A_835, %parallel_loop3A_842 : vector<16xi32>
        %parallel_loop3A_849 = vector.broadcast %scan3A_9 : i32 to vector<16xi32>
        %parallel_loop3A_850 = arith.andi %parallel_loop3A_848, %parallel_loop3A_849 : vector<16xi32>
        %parallel_loop3A_851 = arith.xori %parallel_loop3A_847, %parallel_loop3A_842 : vector<16xi32>
        %parallel_loop3A_852 = vector.broadcast %scan3A_9 : i32 to vector<16xi32>
        %parallel_loop3A_853 = arith.andi %parallel_loop3A_851, %parallel_loop3A_852 : vector<16xi32>
        %parallel_loop3A_854 = arith.xori %parallel_loop3A_835, %parallel_loop3A_844 : vector<16xi32>
        %parallel_loop3A_855 = vector.broadcast %scan3A_9 : i32 to vector<16xi32>
        %parallel_loop3A_856 = arith.andi %parallel_loop3A_854, %parallel_loop3A_855 : vector<16xi32>
        %parallel_loop3A_857 = arith.xori %parallel_loop3A_847, %parallel_loop3A_844 : vector<16xi32>
        %parallel_loop3A_858 = vector.broadcast %scan3A_9 : i32 to vector<16xi32>
        %parallel_loop3A_859 = arith.andi %parallel_loop3A_857, %parallel_loop3A_858 : vector<16xi32>
        %parallel_loop3A_860 = tpu.vector_load_idx %arg20[%parallel_loop3A_850] : memref<4096xf32, #tpu.memory_space<vmem>>[vector<16xi32>], vector<16xf32>,
        %parallel_loop3A_861 = tpu.vector_load_idx %arg20[%parallel_loop3A_853] : memref<4096xf32, #tpu.memory_space<vmem>>[vector<16xi32>], vector<16xf32>,
        %parallel_loop3A_862 = tpu.vector_load_idx %arg20[%parallel_loop3A_856] : memref<4096xf32, #tpu.memory_space<vmem>>[vector<16xi32>], vector<16xf32>,
        %parallel_loop3A_863 = tpu.vector_load_idx %arg20[%parallel_loop3A_859] : memref<4096xf32, #tpu.memory_space<vmem>>[vector<16xi32>], vector<16xf32>,
        %parallel_loop3A_864 = arith.subf %parallel_loop3A_861, %parallel_loop3A_860 : vector<16xf32>
        %parallel_loop3A_865 = arith.mulf %parallel_loop3A_838, %parallel_loop3A_864 : vector<16xf32>
        %parallel_loop3A_866 = arith.addf %parallel_loop3A_860, %parallel_loop3A_865 : vector<16xf32>
        %parallel_loop3A_867 = arith.subf %parallel_loop3A_863, %parallel_loop3A_862 : vector<16xf32>
        %parallel_loop3A_868 = arith.mulf %parallel_loop3A_838, %parallel_loop3A_867 : vector<16xf32>
        %parallel_loop3A_869 = arith.addf %parallel_loop3A_862, %parallel_loop3A_868 : vector<16xf32>
        %parallel_loop3A_870 = arith.subf %parallel_loop3A_869, %parallel_loop3A_866 : vector<16xf32>
        %parallel_loop3A_871 = arith.mulf %parallel_loop3A_840, %parallel_loop3A_870 : vector<16xf32>
        %parallel_loop3A_872 = arith.addf %parallel_loop3A_866, %parallel_loop3A_871 : vector<16xf32>
        %parallel_loop3A_873 = tpu.pack_subelements %parallel_loop3A_828, %parallel_loop3A_872 {pack_format = #tpu.pack_format<interleaved>, positions = array<i32: 0, 1>} : vector<16xf32>, vector<16xf32> -> vector<32xbf16>
        %parallel_loop3A_874 = vector.bitcast %parallel_loop3A_873 : vector<32xbf16> to vector<16xf32>
        %parallel_loop3A_875 = arith.constant 16 : i32
        %parallel_loop3A_876 = arith.muli %parallel_loop3A_88, %parallel_loop3A_875 : i32
        %parallel_loop3A_877 = arith.constant 0 : i32
        %parallel_loop3A_878 = arith.constant 7 : i32
        %parallel_loop3A_879 = arith.index_cast %parallel_loop3A_877 : i32 to index
        %parallel_loop3A_880 = arith.index_cast %parallel_loop3A_878 : i32 to index
        %parallel_loop3A_881 = arith.index_cast %parallel_loop3A_876 : i32 to index
        %parallel_loop3A_882 = tpu.vector_load %arg23[%parallel_loop3A_879, %parallel_loop3A_880, %parallel_loop3A_881] {strides = array<i32>} : memref<2x8x1024xf32, #tpu.memory_space<vmem>>, vector<16xf32>,
        tpu.vector_store %arg23[%parallel_loop3A_879, %parallel_loop3A_880, %parallel_loop3A_881], %parallel_loop3A_874 {strides = array<i32>} : memref<2x8x1024xf32, #tpu.memory_space<vmem>>, vector<16xf32>,
      } {sc.loop_unroll_factor = 4 : i64, sc.parallel_access}
      %add3A_49 = arith.addi %mul3A_2, %add3A_44 : i32
      %dma_start3A = arith.constant 0 : i32
      %dma_start3A_50 = arith.constant 0 : i32
      %dma_start3A_51 = arith.constant 0 : i32
      %dma_start3A_52 = tpu.memref_slice %arg23[%dma_start3A, %dma_start3A_50, %dma_start3A_51] : memref<2x8x1024xf32, #tpu.memory_space<vmem>> -> memref<1x8x1024xf32, #tpu.memory_space<vmem>>
      %dma_start3A_53 = tpu.memref_squeeze %dma_start3A_52 : memref<1x8x1024xf32, #tpu.memory_space<vmem>> -> memref<8x1024xf32, #tpu.memory_space<vmem>>
      %dma_start3A_54 = arith.constant 0 : i32
      %dma_start3A_55 = tpu.memref_slice %arg4[%dma_start3A_54, %add3A_49] : memref<8x262144xf32, #tpu.memory_space<hbm>> -> memref<8x1024xf32, #tpu.memory_space<hbm>>
      %dma_start3A_56 = arith.constant 0 : i32
      %dma_start3A_57 = tpu.memref_slice %arg4[%dma_start3A_56, %add3A_49] : memref<8x262144xf32, #tpu.memory_space<hbm>> -> memref<8x1024xf32, #tpu.memory_space<hbm>>
      %dma_start3A_58 = arith.constant 0 : i32
      %dma_start3A_59 = arith.constant 0 : i32
      %dma_start3A_60 = tpu.memref_slice %arg23[%dma_start3A, %dma_start3A_58, %dma_start3A_59] : memref<2x8x1024xf32, #tpu.memory_space<vmem>> -> memref<1x8x1024xf32, #tpu.memory_space<vmem>>
      %dma_start3A_61 = tpu.memref_squeeze %dma_start3A_60 : memref<1x8x1024xf32, #tpu.memory_space<vmem>> -> memref<8x1024xf32, #tpu.memory_space<vmem>>
      tpu.enqueue_dma source(%dma_start3A_61 : memref<8x1024xf32, #tpu.memory_space<vmem>>) target(%dma_start3A_57 : memref<8x1024xf32, #tpu.memory_space<hbm>>) target_semaphore(%arg24 : memref<!tpu.dma_semaphore, #tpu.memory_space<semaphore_mem>>)
      %mul3A_62 = arith.constant 2048 : i32
      %mul3A_63 = arith.muli %scan3A_40, %mul3A_62 : i32
      %add3A_64 = arith.constant 1024 : i32
      %add3A_65 = arith.addi %mul3A_63, %add3A_64 : i32
      %gt3A_66 = arith.constant 0 : i32
      %gt3A_67 = arith.cmpi sgt, %scan3A_40, %gt3A_66 : i32
      %convert_element_type3A_68 = arith.extui %gt3A_67 : i1 to i32
      %cond3A_69 = arith.constant 0 : i32
      %cond3A_70 = arith.cmpi ne, %convert_element_type3A_68, %cond3A_69 : i32
      scf.if %cond3A_70 {
        %dma_wait3A_88 = arith.constant 1 : i32
        %dma_wait3A_89 = arith.constant 0 : i32
        %dma_wait3A_90 = arith.constant 0 : i32
        %dma_wait3A_91 = tpu.memref_slice %arg23[%dma_wait3A_88, %dma_wait3A_89, %dma_wait3A_90] : memref<2x8x1024xf32, #tpu.memory_space<vmem>> -> memref<1x8x1024xf32, #tpu.memory_space<vmem>>
        %dma_wait3A_92 = tpu.memref_squeeze %dma_wait3A_91 : memref<1x8x1024xf32, #tpu.memory_space<vmem>> -> memref<8x1024xf32, #tpu.memory_space<vmem>>
        %dma_wait3A_93 = arith.constant 0 : i32
        %dma_wait3A_94 = tpu.memref_slice %arg4[%dma_wait3A_93, %mul3A_2] : memref<8x262144xf32, #tpu.memory_space<hbm>> -> memref<8x1024xf32, #tpu.memory_space<hbm>>
        %dma_wait3A_95 = arith.constant 0 : i32
        %dma_wait3A_96 = arith.constant 0 : i32
        %dma_wait3A_97 = tpu.memref_slice %arg23[%dma_wait3A_88, %dma_wait3A_95, %dma_wait3A_96] : memref<2x8x1024xf32, #tpu.memory_space<vmem>> -> memref<1x8x1024xf32, #tpu.memory_space<vmem>>
        %dma_wait3A_98 = tpu.memref_squeeze %dma_wait3A_97 : memref<1x8x1024xf32, #tpu.memory_space<vmem>> -> memref<8x1024xf32, #tpu.memory_space<vmem>>
        %dma_wait3A_99 = arith.constant 0 : i32
        %dma_wait3A_100 = tpu.memref_slice %arg4[%dma_wait3A_99, %mul3A_2] : memref<8x262144xf32, #tpu.memory_space<hbm>> -> memref<8x1024xf32, #tpu.memory_space<hbm>>
        tpu.wait_dma2 semaphore(%arg25 : memref<!tpu.dma_semaphore, #tpu.memory_space<semaphore_mem>>) src(%dma_wait3A_100 : memref<8x1024xf32, #tpu.memory_space<hbm>>) dst(%dma_wait3A_98 : memref<8x1024xf32, #tpu.memory_space<vmem>>)
      } else {
      }
      %parallel_loop3A_71 = arith.constant 0 : i32
      %parallel_loop3A_72 = arith.constant 64 : i32
      %parallel_loop3A_73 = arith.constant 1 : i32
      scf.for %parallel_loop3A_88 = %parallel_loop3A_71 to %parallel_loop3A_72 step %parallel_loop3A_73  : i32 {
        %parallel_loop3A_89 = arith.constant 16 : i32
        %parallel_loop3A_90 = arith.muli %parallel_loop3A_88, %parallel_loop3A_89 : i32
        %parallel_loop3A_91 = arith.addi %add3A_65, %parallel_loop3A_90 : i32
        %parallel_loop3A_92 = arith.index_cast %parallel_loop3A_91 : i32 to index
        %parallel_loop3A_93 = tpu.vector_load %arg21[%parallel_loop3A_92] {strides = array<i32>} : memref<8192xf32, #tpu.memory_space<vmem>>, vector<16xf32>,
        %parallel_loop3A_94 = arith.constant 16 : i32
        %parallel_loop3A_95 = arith.muli %parallel_loop3A_88, %parallel_loop3A_94 : i32
        %parallel_loop3A_96 = arith.addi %add3A_65, %parallel_loop3A_95 : i32
        %parallel_loop3A_97 = arith.index_cast %parallel_loop3A_96 : i32 to index
        %parallel_loop3A_98 = tpu.vector_load %arg22[%parallel_loop3A_97] {strides = array<i32>} : memref<8192xf32, #tpu.memory_space<vmem>>, vector<16xf32>,
        %parallel_loop3A_99 = arith.constant 1.600000e+01 : f32
        %parallel_loop3A_100 = vector.broadcast %parallel_loop3A_99 : f32 to vector<16xf32>
        %parallel_loop3A_101 = arith.mulf %parallel_loop3A_93, %parallel_loop3A_100 : vector<16xf32>
        %parallel_loop3A_102 = arith.constant 1.600000e+01 : f32
        %parallel_loop3A_103 = vector.broadcast %parallel_loop3A_102 : f32 to vector<16xf32>
        %parallel_loop3A_104 = arith.mulf %parallel_loop3A_98, %parallel_loop3A_103 : vector<16xf32>
        %parallel_loop3A_105 = arith.fptosi %parallel_loop3A_101 : vector<16xf32> to vector<16xi32>
        %parallel_loop3A_106 = arith.fptosi %parallel_loop3A_104 : vector<16xf32> to vector<16xi32>
        %parallel_loop3A_107 = arith.sitofp %parallel_loop3A_105 : vector<16xi32> to vector<16xf32>
        %parallel_loop3A_108 = arith.subf %parallel_loop3A_101, %parallel_loop3A_107 : vector<16xf32>
        %parallel_loop3A_109 = arith.sitofp %parallel_loop3A_106 : vector<16xi32> to vector<16xf32>
        %parallel_loop3A_110 = arith.subf %parallel_loop3A_104, %parallel_loop3A_109 : vector<16xf32>
        %parallel_loop3A_111 = vector.broadcast %scan3A_8 : i32 to vector<16xi32>
        %parallel_loop3A_112 = arith.muli %parallel_loop3A_106, %parallel_loop3A_111 : vector<16xi32>
        %parallel_loop3A_113 = vector.broadcast %scan3A_8 : i32 to vector<16xi32>
        %parallel_loop3A_114 = arith.addi %parallel_loop3A_112, %parallel_loop3A_113 : vector<16xi32>
        %parallel_loop3A_115 = arith.constant 1 : i32
        %parallel_loop3A_116 = vector.broadcast %parallel_loop3A_115 : i32 to vector<16xi32>
        %parallel_loop3A_117 = arith.addi %parallel_loop3A_105, %parallel_loop3A_116 : vector<16xi32>
        %parallel_loop3A_118 = arith.xori %parallel_loop3A_105, %parallel_loop3A_112 : vector<16xi32>
        %parallel_loop3A_119 = vector.broadcast %scan3A_9 : i32 to vector<16xi32>
        %parallel_loop3A_120 = arith.andi %parallel_loop3A_118, %parallel_loop3A_119 : vector<16xi32>
        %parallel_loop3A_121 = arith.xori %parallel_loop3A_117, %parallel_loop3A_112 : vector<16xi32>
        %parallel_loop3A_122 = vector.broadcast %scan3A_9 : i32 to vector<16xi32>
        %parallel_loop3A_123 = arith.andi %parallel_loop3A_121, %parallel_loop3A_122 : vector<16xi32>
        %parallel_loop3A_124 = arith.xori %parallel_loop3A_105, %parallel_loop3A_114 : vector<16xi32>
        %parallel_loop3A_125 = vector.broadcast %scan3A_9 : i32 to vector<16xi32>
        %parallel_loop3A_126 = arith.andi %parallel_loop3A_124, %parallel_loop3A_125 : vector<16xi32>
        %parallel_loop3A_127 = arith.xori %parallel_loop3A_117, %parallel_loop3A_114 : vector<16xi32>
        %parallel_loop3A_128 = vector.broadcast %scan3A_9 : i32 to vector<16xi32>
        %parallel_loop3A_129 = arith.andi %parallel_loop3A_127, %parallel_loop3A_128 : vector<16xi32>
        %parallel_loop3A_130 = tpu.vector_load_idx %arg5[%parallel_loop3A_120] : memref<4096xf32, #tpu.memory_space<vmem>>[vector<16xi32>], vector<16xf32>,
        %parallel_loop3A_131 = tpu.vector_load_idx %arg5[%parallel_loop3A_123] : memref<4096xf32, #tpu.memory_space<vmem>>[vector<16xi32>], vector<16xf32>,
        %parallel_loop3A_132 = tpu.vector_load_idx %arg5[%parallel_loop3A_126] : memref<4096xf32, #tpu.memory_space<vmem>>[vector<16xi32>], vector<16xf32>,
        %parallel_loop3A_133 = tpu.vector_load_idx %arg5[%parallel_loop3A_129] : memref<4096xf32, #tpu.memory_space<vmem>>[vector<16xi32>], vector<16xf32>,
        %parallel_loop3A_134 = arith.subf %parallel_loop3A_131, %parallel_loop3A_130 : vector<16xf32>
        %parallel_loop3A_135 = arith.mulf %parallel_loop3A_108, %parallel_loop3A_134 : vector<16xf32>
        %parallel_loop3A_136 = arith.addf %parallel_loop3A_130, %parallel_loop3A_135 : vector<16xf32>
        %parallel_loop3A_137 = arith.subf %parallel_loop3A_133, %parallel_loop3A_132 : vector<16xf32>
        %parallel_loop3A_138 = arith.mulf %parallel_loop3A_108, %parallel_loop3A_137 : vector<16xf32>
        %parallel_loop3A_139 = arith.addf %parallel_loop3A_132, %parallel_loop3A_138 : vector<16xf32>
        %parallel_loop3A_140 = arith.subf %parallel_loop3A_139, %parallel_loop3A_136 : vector<16xf32>
        %parallel_loop3A_141 = arith.mulf %parallel_loop3A_110, %parallel_loop3A_140 : vector<16xf32>
        %parallel_loop3A_142 = arith.addf %parallel_loop3A_136, %parallel_loop3A_141 : vector<16xf32>
        %parallel_loop3A_143 = arith.constant 2.000000e+01 : f32
        %parallel_loop3A_144 = vector.broadcast %parallel_loop3A_143 : f32 to vector<16xf32>
        %parallel_loop3A_145 = arith.mulf %parallel_loop3A_93, %parallel_loop3A_144 : vector<16xf32>
        %parallel_loop3A_146 = arith.constant 2.000000e+01 : f32
        %parallel_loop3A_147 = vector.broadcast %parallel_loop3A_146 : f32 to vector<16xf32>
        %parallel_loop3A_148 = arith.mulf %parallel_loop3A_98, %parallel_loop3A_147 : vector<16xf32>
        %parallel_loop3A_149 = arith.fptosi %parallel_loop3A_145 : vector<16xf32> to vector<16xi32>
        %parallel_loop3A_150 = arith.fptosi %parallel_loop3A_148 : vector<16xf32> to vector<16xi32>
        %parallel_loop3A_151 = arith.sitofp %parallel_loop3A_149 : vector<16xi32> to vector<16xf32>
        %parallel_loop3A_152 = arith.subf %parallel_loop3A_145, %parallel_loop3A_151 : vector<16xf32>
        %parallel_loop3A_153 = arith.sitofp %parallel_loop3A_150 : vector<16xi32> to vector<16xf32>
        %parallel_loop3A_154 = arith.subf %parallel_loop3A_148, %parallel_loop3A_153 : vector<16xf32>
        %parallel_loop3A_155 = vector.broadcast %scan3A_8 : i32 to vector<16xi32>
        %parallel_loop3A_156 = arith.muli %parallel_loop3A_150, %parallel_loop3A_155 : vector<16xi32>
        %parallel_loop3A_157 = vector.broadcast %scan3A_8 : i32 to vector<16xi32>
        %parallel_loop3A_158 = arith.addi %parallel_loop3A_156, %parallel_loop3A_157 : vector<16xi32>
        %parallel_loop3A_159 = arith.constant 1 : i32
        %parallel_loop3A_160 = vector.broadcast %parallel_loop3A_159 : i32 to vector<16xi32>
        %parallel_loop3A_161 = arith.addi %parallel_loop3A_149, %parallel_loop3A_160 : vector<16xi32>
        %parallel_loop3A_162 = arith.xori %parallel_loop3A_149, %parallel_loop3A_156 : vector<16xi32>
        %parallel_loop3A_163 = vector.broadcast %scan3A_9 : i32 to vector<16xi32>
        %parallel_loop3A_164 = arith.andi %parallel_loop3A_162, %parallel_loop3A_163 : vector<16xi32>
        %parallel_loop3A_165 = arith.xori %parallel_loop3A_161, %parallel_loop3A_156 : vector<16xi32>
        %parallel_loop3A_166 = vector.broadcast %scan3A_9 : i32 to vector<16xi32>
        %parallel_loop3A_167 = arith.andi %parallel_loop3A_165, %parallel_loop3A_166 : vector<16xi32>
        %parallel_loop3A_168 = arith.xori %parallel_loop3A_149, %parallel_loop3A_158 : vector<16xi32>
        %parallel_loop3A_169 = vector.broadcast %scan3A_9 : i32 to vector<16xi32>
        %parallel_loop3A_170 = arith.andi %parallel_loop3A_168, %parallel_loop3A_169 : vector<16xi32>
        %parallel_loop3A_171 = arith.xori %parallel_loop3A_161, %parallel_loop3A_158 : vector<16xi32>
        %parallel_loop3A_172 = vector.broadcast %scan3A_9 : i32 to vector<16xi32>
        %parallel_loop3A_173 = arith.andi %parallel_loop3A_171, %parallel_loop3A_172 : vector<16xi32>
        %parallel_loop3A_174 = tpu.vector_load_idx %arg6[%parallel_loop3A_164] : memref<4096xf32, #tpu.memory_space<vmem>>[vector<16xi32>], vector<16xf32>,
        %parallel_loop3A_175 = tpu.vector_load_idx %arg6[%parallel_loop3A_167] : memref<4096xf32, #tpu.memory_space<vmem>>[vector<16xi32>], vector<16xf32>,
        %parallel_loop3A_176 = tpu.vector_load_idx %arg6[%parallel_loop3A_170] : memref<4096xf32, #tpu.memory_space<vmem>>[vector<16xi32>], vector<16xf32>,
        %parallel_loop3A_177 = tpu.vector_load_idx %arg6[%parallel_loop3A_173] : memref<4096xf32, #tpu.memory_space<vmem>>[vector<16xi32>], vector<16xf32>,
        %parallel_loop3A_178 = arith.subf %parallel_loop3A_175, %parallel_loop3A_174 : vector<16xf32>
        %parallel_loop3A_179 = arith.mulf %parallel_loop3A_152, %parallel_loop3A_178 : vector<16xf32>
        %parallel_loop3A_180 = arith.addf %parallel_loop3A_174, %parallel_loop3A_179 : vector<16xf32>
        %parallel_loop3A_181 = arith.subf %parallel_loop3A_177, %parallel_loop3A_176 : vector<16xf32>
        %parallel_loop3A_182 = arith.mulf %parallel_loop3A_152, %parallel_loop3A_181 : vector<16xf32>
        %parallel_loop3A_183 = arith.addf %parallel_loop3A_176, %parallel_loop3A_182 : vector<16xf32>
        %parallel_loop3A_184 = arith.subf %parallel_loop3A_183, %parallel_loop3A_180 : vector<16xf32>
        %parallel_loop3A_185 = arith.mulf %parallel_loop3A_154, %parallel_loop3A_184 : vector<16xf32>
        %parallel_loop3A_186 = arith.addf %parallel_loop3A_180, %parallel_loop3A_185 : vector<16xf32>
        %parallel_loop3A_187 = tpu.pack_subelements %parallel_loop3A_142, %parallel_loop3A_186 {pack_format = #tpu.pack_format<interleaved>, positions = array<i32: 0, 1>} : vector<16xf32>, vector<16xf32> -> vector<32xbf16>
        %parallel_loop3A_188 = vector.bitcast %parallel_loop3A_187 : vector<32xbf16> to vector<16xf32>
        %parallel_loop3A_189 = arith.constant 16 : i32
        %parallel_loop3A_190 = arith.muli %parallel_loop3A_88, %parallel_loop3A_189 : i32
        %parallel_loop3A_191 = arith.constant 1 : i32
        %parallel_loop3A_192 = arith.constant 0 : i32
        %parallel_loop3A_193 = arith.index_cast %parallel_loop3A_191 : i32 to index
        %parallel_loop3A_194 = arith.index_cast %parallel_loop3A_192 : i32 to index
        %parallel_loop3A_195 = arith.index_cast %parallel_loop3A_190 : i32 to index
        %parallel_loop3A_196 = tpu.vector_load %arg23[%parallel_loop3A_193, %parallel_loop3A_194, %parallel_loop3A_195] {strides = array<i32>} : memref<2x8x1024xf32, #tpu.memory_space<vmem>>, vector<16xf32>,
        tpu.vector_store %arg23[%parallel_loop3A_193, %parallel_loop3A_194, %parallel_loop3A_195], %parallel_loop3A_188 {strides = array<i32>} : memref<2x8x1024xf32, #tpu.memory_space<vmem>>, vector<16xf32>,
        %parallel_loop3A_197 = arith.constant 2.500000e+01 : f32
        %parallel_loop3A_198 = vector.broadcast %parallel_loop3A_197 : f32 to vector<16xf32>
        %parallel_loop3A_199 = arith.mulf %parallel_loop3A_93, %parallel_loop3A_198 : vector<16xf32>
        %parallel_loop3A_200 = arith.constant 2.500000e+01 : f32
        %parallel_loop3A_201 = vector.broadcast %parallel_loop3A_200 : f32 to vector<16xf32>
        %parallel_loop3A_202 = arith.mulf %parallel_loop3A_98, %parallel_loop3A_201 : vector<16xf32>
        %parallel_loop3A_203 = arith.fptosi %parallel_loop3A_199 : vector<16xf32> to vector<16xi32>
        %parallel_loop3A_204 = arith.fptosi %parallel_loop3A_202 : vector<16xf32> to vector<16xi32>
        %parallel_loop3A_205 = arith.sitofp %parallel_loop3A_203 : vector<16xi32> to vector<16xf32>
        %parallel_loop3A_206 = arith.subf %parallel_loop3A_199, %parallel_loop3A_205 : vector<16xf32>
        %parallel_loop3A_207 = arith.sitofp %parallel_loop3A_204 : vector<16xi32> to vector<16xf32>
        %parallel_loop3A_208 = arith.subf %parallel_loop3A_202, %parallel_loop3A_207 : vector<16xf32>
        %parallel_loop3A_209 = vector.broadcast %scan3A_8 : i32 to vector<16xi32>
        %parallel_loop3A_210 = arith.muli %parallel_loop3A_204, %parallel_loop3A_209 : vector<16xi32>
        %parallel_loop3A_211 = vector.broadcast %scan3A_8 : i32 to vector<16xi32>
        %parallel_loop3A_212 = arith.addi %parallel_loop3A_210, %parallel_loop3A_211 : vector<16xi32>
        %parallel_loop3A_213 = arith.constant 1 : i32
        %parallel_loop3A_214 = vector.broadcast %parallel_loop3A_213 : i32 to vector<16xi32>
        %parallel_loop3A_215 = arith.addi %parallel_loop3A_203, %parallel_loop3A_214 : vector<16xi32>
        %parallel_loop3A_216 = arith.xori %parallel_loop3A_203, %parallel_loop3A_210 : vector<16xi32>
        %parallel_loop3A_217 = vector.broadcast %scan3A_9 : i32 to vector<16xi32>
        %parallel_loop3A_218 = arith.andi %parallel_loop3A_216, %parallel_loop3A_217 : vector<16xi32>
        %parallel_loop3A_219 = arith.xori %parallel_loop3A_215, %parallel_loop3A_210 : vector<16xi32>
        %parallel_loop3A_220 = vector.broadcast %scan3A_9 : i32 to vector<16xi32>
        %parallel_loop3A_221 = arith.andi %parallel_loop3A_219, %parallel_loop3A_220 : vector<16xi32>
        %parallel_loop3A_222 = arith.xori %parallel_loop3A_203, %parallel_loop3A_212 : vector<16xi32>
        %parallel_loop3A_223 = vector.broadcast %scan3A_9 : i32 to vector<16xi32>
        %parallel_loop3A_224 = arith.andi %parallel_loop3A_222, %parallel_loop3A_223 : vector<16xi32>
        %parallel_loop3A_225 = arith.xori %parallel_loop3A_215, %parallel_loop3A_212 : vector<16xi32>
        %parallel_loop3A_226 = vector.broadcast %scan3A_9 : i32 to vector<16xi32>
        %parallel_loop3A_227 = arith.andi %parallel_loop3A_225, %parallel_loop3A_226 : vector<16xi32>
        %parallel_loop3A_228 = tpu.vector_load_idx %arg7[%parallel_loop3A_218] : memref<4096xf32, #tpu.memory_space<vmem>>[vector<16xi32>], vector<16xf32>,
        %parallel_loop3A_229 = tpu.vector_load_idx %arg7[%parallel_loop3A_221] : memref<4096xf32, #tpu.memory_space<vmem>>[vector<16xi32>], vector<16xf32>,
        %parallel_loop3A_230 = tpu.vector_load_idx %arg7[%parallel_loop3A_224] : memref<4096xf32, #tpu.memory_space<vmem>>[vector<16xi32>], vector<16xf32>,
        %parallel_loop3A_231 = tpu.vector_load_idx %arg7[%parallel_loop3A_227] : memref<4096xf32, #tpu.memory_space<vmem>>[vector<16xi32>], vector<16xf32>,
        %parallel_loop3A_232 = arith.subf %parallel_loop3A_229, %parallel_loop3A_228 : vector<16xf32>
        %parallel_loop3A_233 = arith.mulf %parallel_loop3A_206, %parallel_loop3A_232 : vector<16xf32>
        %parallel_loop3A_234 = arith.addf %parallel_loop3A_228, %parallel_loop3A_233 : vector<16xf32>
        %parallel_loop3A_235 = arith.subf %parallel_loop3A_231, %parallel_loop3A_230 : vector<16xf32>
        %parallel_loop3A_236 = arith.mulf %parallel_loop3A_206, %parallel_loop3A_235 : vector<16xf32>
        %parallel_loop3A_237 = arith.addf %parallel_loop3A_230, %parallel_loop3A_236 : vector<16xf32>
        %parallel_loop3A_238 = arith.subf %parallel_loop3A_237, %parallel_loop3A_234 : vector<16xf32>
        %parallel_loop3A_239 = arith.mulf %parallel_loop3A_208, %parallel_loop3A_238 : vector<16xf32>
        %parallel_loop3A_240 = arith.addf %parallel_loop3A_234, %parallel_loop3A_239 : vector<16xf32>
        %parallel_loop3A_241 = arith.constant 3.200000e+01 : f32
        %parallel_loop3A_242 = vector.broadcast %parallel_loop3A_241 : f32 to vector<16xf32>
        %parallel_loop3A_243 = arith.mulf %parallel_loop3A_93, %parallel_loop3A_242 : vector<16xf32>
        %parallel_loop3A_244 = arith.constant 3.200000e+01 : f32
        %parallel_loop3A_245 = vector.broadcast %parallel_loop3A_244 : f32 to vector<16xf32>
        %parallel_loop3A_246 = arith.mulf %parallel_loop3A_98, %parallel_loop3A_245 : vector<16xf32>
        %parallel_loop3A_247 = arith.fptosi %parallel_loop3A_243 : vector<16xf32> to vector<16xi32>
        %parallel_loop3A_248 = arith.fptosi %parallel_loop3A_246 : vector<16xf32> to vector<16xi32>
        %parallel_loop3A_249 = arith.sitofp %parallel_loop3A_247 : vector<16xi32> to vector<16xf32>
        %parallel_loop3A_250 = arith.subf %parallel_loop3A_243, %parallel_loop3A_249 : vector<16xf32>
        %parallel_loop3A_251 = arith.sitofp %parallel_loop3A_248 : vector<16xi32> to vector<16xf32>
        %parallel_loop3A_252 = arith.subf %parallel_loop3A_246, %parallel_loop3A_251 : vector<16xf32>
        %parallel_loop3A_253 = vector.broadcast %scan3A_8 : i32 to vector<16xi32>
        %parallel_loop3A_254 = arith.muli %parallel_loop3A_248, %parallel_loop3A_253 : vector<16xi32>
        %parallel_loop3A_255 = vector.broadcast %scan3A_8 : i32 to vector<16xi32>
        %parallel_loop3A_256 = arith.addi %parallel_loop3A_254, %parallel_loop3A_255 : vector<16xi32>
        %parallel_loop3A_257 = arith.constant 1 : i32
        %parallel_loop3A_258 = vector.broadcast %parallel_loop3A_257 : i32 to vector<16xi32>
        %parallel_loop3A_259 = arith.addi %parallel_loop3A_247, %parallel_loop3A_258 : vector<16xi32>
        %parallel_loop3A_260 = arith.xori %parallel_loop3A_247, %parallel_loop3A_254 : vector<16xi32>
        %parallel_loop3A_261 = vector.broadcast %scan3A_9 : i32 to vector<16xi32>
        %parallel_loop3A_262 = arith.andi %parallel_loop3A_260, %parallel_loop3A_261 : vector<16xi32>
        %parallel_loop3A_263 = arith.xori %parallel_loop3A_259, %parallel_loop3A_254 : vector<16xi32>
        %parallel_loop3A_264 = vector.broadcast %scan3A_9 : i32 to vector<16xi32>
        %parallel_loop3A_265 = arith.andi %parallel_loop3A_263, %parallel_loop3A_264 : vector<16xi32>
        %parallel_loop3A_266 = arith.xori %parallel_loop3A_247, %parallel_loop3A_256 : vector<16xi32>
        %parallel_loop3A_267 = vector.broadcast %scan3A_9 : i32 to vector<16xi32>
        %parallel_loop3A_268 = arith.andi %parallel_loop3A_266, %parallel_loop3A_267 : vector<16xi32>
        %parallel_loop3A_269 = arith.xori %parallel_loop3A_259, %parallel_loop3A_256 : vector<16xi32>
        %parallel_loop3A_270 = vector.broadcast %scan3A_9 : i32 to vector<16xi32>
        %parallel_loop3A_271 = arith.andi %parallel_loop3A_269, %parallel_loop3A_270 : vector<16xi32>
        %parallel_loop3A_272 = tpu.vector_load_idx %arg8[%parallel_loop3A_262] : memref<4096xf32, #tpu.memory_space<vmem>>[vector<16xi32>], vector<16xf32>,
        %parallel_loop3A_273 = tpu.vector_load_idx %arg8[%parallel_loop3A_265] : memref<4096xf32, #tpu.memory_space<vmem>>[vector<16xi32>], vector<16xf32>,
        %parallel_loop3A_274 = tpu.vector_load_idx %arg8[%parallel_loop3A_268] : memref<4096xf32, #tpu.memory_space<vmem>>[vector<16xi32>], vector<16xf32>,
        %parallel_loop3A_275 = tpu.vector_load_idx %arg8[%parallel_loop3A_271] : memref<4096xf32, #tpu.memory_space<vmem>>[vector<16xi32>], vector<16xf32>,
        %parallel_loop3A_276 = arith.subf %parallel_loop3A_273, %parallel_loop3A_272 : vector<16xf32>
        %parallel_loop3A_277 = arith.mulf %parallel_loop3A_250, %parallel_loop3A_276 : vector<16xf32>
        %parallel_loop3A_278 = arith.addf %parallel_loop3A_272, %parallel_loop3A_277 : vector<16xf32>
        %parallel_loop3A_279 = arith.subf %parallel_loop3A_275, %parallel_loop3A_274 : vector<16xf32>
        %parallel_loop3A_280 = arith.mulf %parallel_loop3A_250, %parallel_loop3A_279 : vector<16xf32>
        %parallel_loop3A_281 = arith.addf %parallel_loop3A_274, %parallel_loop3A_280 : vector<16xf32>
        %parallel_loop3A_282 = arith.subf %parallel_loop3A_281, %parallel_loop3A_278 : vector<16xf32>
        %parallel_loop3A_283 = arith.mulf %parallel_loop3A_252, %parallel_loop3A_282 : vector<16xf32>
        %parallel_loop3A_284 = arith.addf %parallel_loop3A_278, %parallel_loop3A_283 : vector<16xf32>
        %parallel_loop3A_285 = tpu.pack_subelements %parallel_loop3A_240, %parallel_loop3A_284 {pack_format = #tpu.pack_format<interleaved>, positions = array<i32: 0, 1>} : vector<16xf32>, vector<16xf32> -> vector<32xbf16>
        %parallel_loop3A_286 = vector.bitcast %parallel_loop3A_285 : vector<32xbf16> to vector<16xf32>
        %parallel_loop3A_287 = arith.constant 16 : i32
        %parallel_loop3A_288 = arith.muli %parallel_loop3A_88, %parallel_loop3A_287 : i32
        %parallel_loop3A_289 = arith.constant 1 : i32
        %parallel_loop3A_290 = arith.constant 1 : i32
        %parallel_loop3A_291 = arith.index_cast %parallel_loop3A_289 : i32 to index
        %parallel_loop3A_292 = arith.index_cast %parallel_loop3A_290 : i32 to index
        %parallel_loop3A_293 = arith.index_cast %parallel_loop3A_288 : i32 to index
        %parallel_loop3A_294 = tpu.vector_load %arg23[%parallel_loop3A_291, %parallel_loop3A_292, %parallel_loop3A_293] {strides = array<i32>} : memref<2x8x1024xf32, #tpu.memory_space<vmem>>, vector<16xf32>,
        tpu.vector_store %arg23[%parallel_loop3A_291, %parallel_loop3A_292, %parallel_loop3A_293], %parallel_loop3A_286 {strides = array<i32>} : memref<2x8x1024xf32, #tpu.memory_space<vmem>>, vector<16xf32>,
        %parallel_loop3A_295 = arith.constant 4.000000e+01 : f32
        %parallel_loop3A_296 = vector.broadcast %parallel_loop3A_295 : f32 to vector<16xf32>
        %parallel_loop3A_297 = arith.mulf %parallel_loop3A_93, %parallel_loop3A_296 : vector<16xf32>
        %parallel_loop3A_298 = arith.constant 4.000000e+01 : f32
        %parallel_loop3A_299 = vector.broadcast %parallel_loop3A_298 : f32 to vector<16xf32>
        %parallel_loop3A_300 = arith.mulf %parallel_loop3A_98, %parallel_loop3A_299 : vector<16xf32>
        %parallel_loop3A_301 = arith.fptosi %parallel_loop3A_297 : vector<16xf32> to vector<16xi32>
        %parallel_loop3A_302 = arith.fptosi %parallel_loop3A_300 : vector<16xf32> to vector<16xi32>
        %parallel_loop3A_303 = arith.sitofp %parallel_loop3A_301 : vector<16xi32> to vector<16xf32>
        %parallel_loop3A_304 = arith.subf %parallel_loop3A_297, %parallel_loop3A_303 : vector<16xf32>
        %parallel_loop3A_305 = arith.sitofp %parallel_loop3A_302 : vector<16xi32> to vector<16xf32>
        %parallel_loop3A_306 = arith.subf %parallel_loop3A_300, %parallel_loop3A_305 : vector<16xf32>
        %parallel_loop3A_307 = vector.broadcast %scan3A_8 : i32 to vector<16xi32>
        %parallel_loop3A_308 = arith.muli %parallel_loop3A_302, %parallel_loop3A_307 : vector<16xi32>
        %parallel_loop3A_309 = vector.broadcast %scan3A_8 : i32 to vector<16xi32>
        %parallel_loop3A_310 = arith.addi %parallel_loop3A_308, %parallel_loop3A_309 : vector<16xi32>
        %parallel_loop3A_311 = arith.constant 1 : i32
        %parallel_loop3A_312 = vector.broadcast %parallel_loop3A_311 : i32 to vector<16xi32>
        %parallel_loop3A_313 = arith.addi %parallel_loop3A_301, %parallel_loop3A_312 : vector<16xi32>
        %parallel_loop3A_314 = arith.xori %parallel_loop3A_301, %parallel_loop3A_308 : vector<16xi32>
        %parallel_loop3A_315 = vector.broadcast %scan3A_9 : i32 to vector<16xi32>
        %parallel_loop3A_316 = arith.andi %parallel_loop3A_314, %parallel_loop3A_315 : vector<16xi32>
        %parallel_loop3A_317 = arith.xori %parallel_loop3A_313, %parallel_loop3A_308 : vector<16xi32>
        %parallel_loop3A_318 = vector.broadcast %scan3A_9 : i32 to vector<16xi32>
        %parallel_loop3A_319 = arith.andi %parallel_loop3A_317, %parallel_loop3A_318 : vector<16xi32>
        %parallel_loop3A_320 = arith.xori %parallel_loop3A_301, %parallel_loop3A_310 : vector<16xi32>
        %parallel_loop3A_321 = vector.broadcast %scan3A_9 : i32 to vector<16xi32>
        %parallel_loop3A_322 = arith.andi %parallel_loop3A_320, %parallel_loop3A_321 : vector<16xi32>
        %parallel_loop3A_323 = arith.xori %parallel_loop3A_313, %parallel_loop3A_310 : vector<16xi32>
        %parallel_loop3A_324 = vector.broadcast %scan3A_9 : i32 to vector<16xi32>
        %parallel_loop3A_325 = arith.andi %parallel_loop3A_323, %parallel_loop3A_324 : vector<16xi32>
        %parallel_loop3A_326 = tpu.vector_load_idx %arg9[%parallel_loop3A_316] : memref<4096xf32, #tpu.memory_space<vmem>>[vector<16xi32>], vector<16xf32>,
        %parallel_loop3A_327 = tpu.vector_load_idx %arg9[%parallel_loop3A_319] : memref<4096xf32, #tpu.memory_space<vmem>>[vector<16xi32>], vector<16xf32>,
        %parallel_loop3A_328 = tpu.vector_load_idx %arg9[%parallel_loop3A_322] : memref<4096xf32, #tpu.memory_space<vmem>>[vector<16xi32>], vector<16xf32>,
        %parallel_loop3A_329 = tpu.vector_load_idx %arg9[%parallel_loop3A_325] : memref<4096xf32, #tpu.memory_space<vmem>>[vector<16xi32>], vector<16xf32>,
        %parallel_loop3A_330 = arith.subf %parallel_loop3A_327, %parallel_loop3A_326 : vector<16xf32>
        %parallel_loop3A_331 = arith.mulf %parallel_loop3A_304, %parallel_loop3A_330 : vector<16xf32>
        %parallel_loop3A_332 = arith.addf %parallel_loop3A_326, %parallel_loop3A_331 : vector<16xf32>
        %parallel_loop3A_333 = arith.subf %parallel_loop3A_329, %parallel_loop3A_328 : vector<16xf32>
        %parallel_loop3A_334 = arith.mulf %parallel_loop3A_304, %parallel_loop3A_333 : vector<16xf32>
        %parallel_loop3A_335 = arith.addf %parallel_loop3A_328, %parallel_loop3A_334 : vector<16xf32>
        %parallel_loop3A_336 = arith.subf %parallel_loop3A_335, %parallel_loop3A_332 : vector<16xf32>
        %parallel_loop3A_337 = arith.mulf %parallel_loop3A_306, %parallel_loop3A_336 : vector<16xf32>
        %parallel_loop3A_338 = arith.addf %parallel_loop3A_332, %parallel_loop3A_337 : vector<16xf32>
        %parallel_loop3A_339 = arith.constant 5.000000e+01 : f32
        %parallel_loop3A_340 = vector.broadcast %parallel_loop3A_339 : f32 to vector<16xf32>
        %parallel_loop3A_341 = arith.mulf %parallel_loop3A_93, %parallel_loop3A_340 : vector<16xf32>
        %parallel_loop3A_342 = arith.constant 5.000000e+01 : f32
        %parallel_loop3A_343 = vector.broadcast %parallel_loop3A_342 : f32 to vector<16xf32>
        %parallel_loop3A_344 = arith.mulf %parallel_loop3A_98, %parallel_loop3A_343 : vector<16xf32>
        %parallel_loop3A_345 = arith.fptosi %parallel_loop3A_341 : vector<16xf32> to vector<16xi32>
        %parallel_loop3A_346 = arith.fptosi %parallel_loop3A_344 : vector<16xf32> to vector<16xi32>
        %parallel_loop3A_347 = arith.sitofp %parallel_loop3A_345 : vector<16xi32> to vector<16xf32>
        %parallel_loop3A_348 = arith.subf %parallel_loop3A_341, %parallel_loop3A_347 : vector<16xf32>
        %parallel_loop3A_349 = arith.sitofp %parallel_loop3A_346 : vector<16xi32> to vector<16xf32>
        %parallel_loop3A_350 = arith.subf %parallel_loop3A_344, %parallel_loop3A_349 : vector<16xf32>
        %parallel_loop3A_351 = vector.broadcast %scan3A_8 : i32 to vector<16xi32>
        %parallel_loop3A_352 = arith.muli %parallel_loop3A_346, %parallel_loop3A_351 : vector<16xi32>
        %parallel_loop3A_353 = vector.broadcast %scan3A_8 : i32 to vector<16xi32>
        %parallel_loop3A_354 = arith.addi %parallel_loop3A_352, %parallel_loop3A_353 : vector<16xi32>
        %parallel_loop3A_355 = arith.constant 1 : i32
        %parallel_loop3A_356 = vector.broadcast %parallel_loop3A_355 : i32 to vector<16xi32>
        %parallel_loop3A_357 = arith.addi %parallel_loop3A_345, %parallel_loop3A_356 : vector<16xi32>
        %parallel_loop3A_358 = arith.xori %parallel_loop3A_345, %parallel_loop3A_352 : vector<16xi32>
        %parallel_loop3A_359 = vector.broadcast %scan3A_9 : i32 to vector<16xi32>
        %parallel_loop3A_360 = arith.andi %parallel_loop3A_358, %parallel_loop3A_359 : vector<16xi32>
        %parallel_loop3A_361 = arith.xori %parallel_loop3A_357, %parallel_loop3A_352 : vector<16xi32>
        %parallel_loop3A_362 = vector.broadcast %scan3A_9 : i32 to vector<16xi32>
        %parallel_loop3A_363 = arith.andi %parallel_loop3A_361, %parallel_loop3A_362 : vector<16xi32>
        %parallel_loop3A_364 = arith.xori %parallel_loop3A_345, %parallel_loop3A_354 : vector<16xi32>
        %parallel_loop3A_365 = vector.broadcast %scan3A_9 : i32 to vector<16xi32>
        %parallel_loop3A_366 = arith.andi %parallel_loop3A_364, %parallel_loop3A_365 : vector<16xi32>
        %parallel_loop3A_367 = arith.xori %parallel_loop3A_357, %parallel_loop3A_354 : vector<16xi32>
        %parallel_loop3A_368 = vector.broadcast %scan3A_9 : i32 to vector<16xi32>
        %parallel_loop3A_369 = arith.andi %parallel_loop3A_367, %parallel_loop3A_368 : vector<16xi32>
        %parallel_loop3A_370 = tpu.vector_load_idx %arg10[%parallel_loop3A_360] : memref<4096xf32, #tpu.memory_space<vmem>>[vector<16xi32>], vector<16xf32>,
        %parallel_loop3A_371 = tpu.vector_load_idx %arg10[%parallel_loop3A_363] : memref<4096xf32, #tpu.memory_space<vmem>>[vector<16xi32>], vector<16xf32>,
        %parallel_loop3A_372 = tpu.vector_load_idx %arg10[%parallel_loop3A_366] : memref<4096xf32, #tpu.memory_space<vmem>>[vector<16xi32>], vector<16xf32>,
        %parallel_loop3A_373 = tpu.vector_load_idx %arg10[%parallel_loop3A_369] : memref<4096xf32, #tpu.memory_space<vmem>>[vector<16xi32>], vector<16xf32>,
        %parallel_loop3A_374 = arith.subf %parallel_loop3A_371, %parallel_loop3A_370 : vector<16xf32>
        %parallel_loop3A_375 = arith.mulf %parallel_loop3A_348, %parallel_loop3A_374 : vector<16xf32>
        %parallel_loop3A_376 = arith.addf %parallel_loop3A_370, %parallel_loop3A_375 : vector<16xf32>
        %parallel_loop3A_377 = arith.subf %parallel_loop3A_373, %parallel_loop3A_372 : vector<16xf32>
        %parallel_loop3A_378 = arith.mulf %parallel_loop3A_348, %parallel_loop3A_377 : vector<16xf32>
        %parallel_loop3A_379 = arith.addf %parallel_loop3A_372, %parallel_loop3A_378 : vector<16xf32>
        %parallel_loop3A_380 = arith.subf %parallel_loop3A_379, %parallel_loop3A_376 : vector<16xf32>
        %parallel_loop3A_381 = arith.mulf %parallel_loop3A_350, %parallel_loop3A_380 : vector<16xf32>
        %parallel_loop3A_382 = arith.addf %parallel_loop3A_376, %parallel_loop3A_381 : vector<16xf32>
        %parallel_loop3A_383 = tpu.pack_subelements %parallel_loop3A_338, %parallel_loop3A_382 {pack_format = #tpu.pack_format<interleaved>, positions = array<i32: 0, 1>} : vector<16xf32>, vector<16xf32> -> vector<32xbf16>
        %parallel_loop3A_384 = vector.bitcast %parallel_loop3A_383 : vector<32xbf16> to vector<16xf32>
        %parallel_loop3A_385 = arith.constant 16 : i32
        %parallel_loop3A_386 = arith.muli %parallel_loop3A_88, %parallel_loop3A_385 : i32
        %parallel_loop3A_387 = arith.constant 1 : i32
        %parallel_loop3A_388 = arith.constant 2 : i32
        %parallel_loop3A_389 = arith.index_cast %parallel_loop3A_387 : i32 to index
        %parallel_loop3A_390 = arith.index_cast %parallel_loop3A_388 : i32 to index
        %parallel_loop3A_391 = arith.index_cast %parallel_loop3A_386 : i32 to index
        %parallel_loop3A_392 = tpu.vector_load %arg23[%parallel_loop3A_389, %parallel_loop3A_390, %parallel_loop3A_391] {strides = array<i32>} : memref<2x8x1024xf32, #tpu.memory_space<vmem>>, vector<16xf32>,
        tpu.vector_store %arg23[%parallel_loop3A_389, %parallel_loop3A_390, %parallel_loop3A_391], %parallel_loop3A_384 {strides = array<i32>} : memref<2x8x1024xf32, #tpu.memory_space<vmem>>, vector<16xf32>,
        %parallel_loop3A_393 = arith.constant 6.400000e+01 : f32
        %parallel_loop3A_394 = vector.broadcast %parallel_loop3A_393 : f32 to vector<16xf32>
        %parallel_loop3A_395 = arith.mulf %parallel_loop3A_93, %parallel_loop3A_394 : vector<16xf32>
        %parallel_loop3A_396 = arith.constant 6.400000e+01 : f32
        %parallel_loop3A_397 = vector.broadcast %parallel_loop3A_396 : f32 to vector<16xf32>
        %parallel_loop3A_398 = arith.mulf %parallel_loop3A_98, %parallel_loop3A_397 : vector<16xf32>
        %parallel_loop3A_399 = arith.fptosi %parallel_loop3A_395 : vector<16xf32> to vector<16xi32>
        %parallel_loop3A_400 = arith.fptosi %parallel_loop3A_398 : vector<16xf32> to vector<16xi32>
        %parallel_loop3A_401 = arith.sitofp %parallel_loop3A_399 : vector<16xi32> to vector<16xf32>
        %parallel_loop3A_402 = arith.subf %parallel_loop3A_395, %parallel_loop3A_401 : vector<16xf32>
        %parallel_loop3A_403 = arith.sitofp %parallel_loop3A_400 : vector<16xi32> to vector<16xf32>
        %parallel_loop3A_404 = arith.subf %parallel_loop3A_398, %parallel_loop3A_403 : vector<16xf32>
        %parallel_loop3A_405 = vector.broadcast %scan3A_8 : i32 to vector<16xi32>
        %parallel_loop3A_406 = arith.muli %parallel_loop3A_400, %parallel_loop3A_405 : vector<16xi32>
        %parallel_loop3A_407 = vector.broadcast %scan3A_8 : i32 to vector<16xi32>
        %parallel_loop3A_408 = arith.addi %parallel_loop3A_406, %parallel_loop3A_407 : vector<16xi32>
        %parallel_loop3A_409 = arith.constant 1 : i32
        %parallel_loop3A_410 = vector.broadcast %parallel_loop3A_409 : i32 to vector<16xi32>
        %parallel_loop3A_411 = arith.addi %parallel_loop3A_399, %parallel_loop3A_410 : vector<16xi32>
        %parallel_loop3A_412 = arith.xori %parallel_loop3A_399, %parallel_loop3A_406 : vector<16xi32>
        %parallel_loop3A_413 = vector.broadcast %scan3A_9 : i32 to vector<16xi32>
        %parallel_loop3A_414 = arith.andi %parallel_loop3A_412, %parallel_loop3A_413 : vector<16xi32>
        %parallel_loop3A_415 = arith.xori %parallel_loop3A_411, %parallel_loop3A_406 : vector<16xi32>
        %parallel_loop3A_416 = vector.broadcast %scan3A_9 : i32 to vector<16xi32>
        %parallel_loop3A_417 = arith.andi %parallel_loop3A_415, %parallel_loop3A_416 : vector<16xi32>
        %parallel_loop3A_418 = arith.xori %parallel_loop3A_399, %parallel_loop3A_408 : vector<16xi32>
        %parallel_loop3A_419 = vector.broadcast %scan3A_9 : i32 to vector<16xi32>
        %parallel_loop3A_420 = arith.andi %parallel_loop3A_418, %parallel_loop3A_419 : vector<16xi32>
        %parallel_loop3A_421 = arith.xori %parallel_loop3A_411, %parallel_loop3A_408 : vector<16xi32>
        %parallel_loop3A_422 = vector.broadcast %scan3A_9 : i32 to vector<16xi32>
        %parallel_loop3A_423 = arith.andi %parallel_loop3A_421, %parallel_loop3A_422 : vector<16xi32>
        %parallel_loop3A_424 = tpu.vector_load_idx %arg11[%parallel_loop3A_414] : memref<4096xf32, #tpu.memory_space<vmem>>[vector<16xi32>], vector<16xf32>,
        %parallel_loop3A_425 = tpu.vector_load_idx %arg11[%parallel_loop3A_417] : memref<4096xf32, #tpu.memory_space<vmem>>[vector<16xi32>], vector<16xf32>,
        %parallel_loop3A_426 = tpu.vector_load_idx %arg11[%parallel_loop3A_420] : memref<4096xf32, #tpu.memory_space<vmem>>[vector<16xi32>], vector<16xf32>,
        %parallel_loop3A_427 = tpu.vector_load_idx %arg11[%parallel_loop3A_423] : memref<4096xf32, #tpu.memory_space<vmem>>[vector<16xi32>], vector<16xf32>,
        %parallel_loop3A_428 = arith.subf %parallel_loop3A_425, %parallel_loop3A_424 : vector<16xf32>
        %parallel_loop3A_429 = arith.mulf %parallel_loop3A_402, %parallel_loop3A_428 : vector<16xf32>
        %parallel_loop3A_430 = arith.addf %parallel_loop3A_424, %parallel_loop3A_429 : vector<16xf32>
        %parallel_loop3A_431 = arith.subf %parallel_loop3A_427, %parallel_loop3A_426 : vector<16xf32>
        %parallel_loop3A_432 = arith.mulf %parallel_loop3A_402, %parallel_loop3A_431 : vector<16xf32>
        %parallel_loop3A_433 = arith.addf %parallel_loop3A_426, %parallel_loop3A_432 : vector<16xf32>
        %parallel_loop3A_434 = arith.subf %parallel_loop3A_433, %parallel_loop3A_430 : vector<16xf32>
        %parallel_loop3A_435 = arith.mulf %parallel_loop3A_404, %parallel_loop3A_434 : vector<16xf32>
        %parallel_loop3A_436 = arith.addf %parallel_loop3A_430, %parallel_loop3A_435 : vector<16xf32>
        %parallel_loop3A_437 = arith.constant 8.000000e+01 : f32
        %parallel_loop3A_438 = vector.broadcast %parallel_loop3A_437 : f32 to vector<16xf32>
        %parallel_loop3A_439 = arith.mulf %parallel_loop3A_93, %parallel_loop3A_438 : vector<16xf32>
        %parallel_loop3A_440 = arith.constant 8.000000e+01 : f32
        %parallel_loop3A_441 = vector.broadcast %parallel_loop3A_440 : f32 to vector<16xf32>
        %parallel_loop3A_442 = arith.mulf %parallel_loop3A_98, %parallel_loop3A_441 : vector<16xf32>
        %parallel_loop3A_443 = arith.fptosi %parallel_loop3A_439 : vector<16xf32> to vector<16xi32>
        %parallel_loop3A_444 = arith.fptosi %parallel_loop3A_442 : vector<16xf32> to vector<16xi32>
        %parallel_loop3A_445 = arith.sitofp %parallel_loop3A_443 : vector<16xi32> to vector<16xf32>
        %parallel_loop3A_446 = arith.subf %parallel_loop3A_439, %parallel_loop3A_445 : vector<16xf32>
        %parallel_loop3A_447 = arith.sitofp %parallel_loop3A_444 : vector<16xi32> to vector<16xf32>
        %parallel_loop3A_448 = arith.subf %parallel_loop3A_442, %parallel_loop3A_447 : vector<16xf32>
        %parallel_loop3A_449 = vector.broadcast %scan3A_8 : i32 to vector<16xi32>
        %parallel_loop3A_450 = arith.muli %parallel_loop3A_444, %parallel_loop3A_449 : vector<16xi32>
        %parallel_loop3A_451 = vector.broadcast %scan3A_8 : i32 to vector<16xi32>
        %parallel_loop3A_452 = arith.addi %parallel_loop3A_450, %parallel_loop3A_451 : vector<16xi32>
        %parallel_loop3A_453 = arith.constant 1 : i32
        %parallel_loop3A_454 = vector.broadcast %parallel_loop3A_453 : i32 to vector<16xi32>
        %parallel_loop3A_455 = arith.addi %parallel_loop3A_443, %parallel_loop3A_454 : vector<16xi32>
        %parallel_loop3A_456 = arith.xori %parallel_loop3A_443, %parallel_loop3A_450 : vector<16xi32>
        %parallel_loop3A_457 = vector.broadcast %scan3A_9 : i32 to vector<16xi32>
        %parallel_loop3A_458 = arith.andi %parallel_loop3A_456, %parallel_loop3A_457 : vector<16xi32>
        %parallel_loop3A_459 = arith.xori %parallel_loop3A_455, %parallel_loop3A_450 : vector<16xi32>
        %parallel_loop3A_460 = vector.broadcast %scan3A_9 : i32 to vector<16xi32>
        %parallel_loop3A_461 = arith.andi %parallel_loop3A_459, %parallel_loop3A_460 : vector<16xi32>
        %parallel_loop3A_462 = arith.xori %parallel_loop3A_443, %parallel_loop3A_452 : vector<16xi32>
        %parallel_loop3A_463 = vector.broadcast %scan3A_9 : i32 to vector<16xi32>
        %parallel_loop3A_464 = arith.andi %parallel_loop3A_462, %parallel_loop3A_463 : vector<16xi32>
        %parallel_loop3A_465 = arith.xori %parallel_loop3A_455, %parallel_loop3A_452 : vector<16xi32>
        %parallel_loop3A_466 = vector.broadcast %scan3A_9 : i32 to vector<16xi32>
        %parallel_loop3A_467 = arith.andi %parallel_loop3A_465, %parallel_loop3A_466 : vector<16xi32>
        %parallel_loop3A_468 = tpu.vector_load_idx %arg12[%parallel_loop3A_458] : memref<4096xf32, #tpu.memory_space<vmem>>[vector<16xi32>], vector<16xf32>,
        %parallel_loop3A_469 = tpu.vector_load_idx %arg12[%parallel_loop3A_461] : memref<4096xf32, #tpu.memory_space<vmem>>[vector<16xi32>], vector<16xf32>,
        %parallel_loop3A_470 = tpu.vector_load_idx %arg12[%parallel_loop3A_464] : memref<4096xf32, #tpu.memory_space<vmem>>[vector<16xi32>], vector<16xf32>,
        %parallel_loop3A_471 = tpu.vector_load_idx %arg12[%parallel_loop3A_467] : memref<4096xf32, #tpu.memory_space<vmem>>[vector<16xi32>], vector<16xf32>,
        %parallel_loop3A_472 = arith.subf %parallel_loop3A_469, %parallel_loop3A_468 : vector<16xf32>
        %parallel_loop3A_473 = arith.mulf %parallel_loop3A_446, %parallel_loop3A_472 : vector<16xf32>
        %parallel_loop3A_474 = arith.addf %parallel_loop3A_468, %parallel_loop3A_473 : vector<16xf32>
        %parallel_loop3A_475 = arith.subf %parallel_loop3A_471, %parallel_loop3A_470 : vector<16xf32>
        %parallel_loop3A_476 = arith.mulf %parallel_loop3A_446, %parallel_loop3A_475 : vector<16xf32>
        %parallel_loop3A_477 = arith.addf %parallel_loop3A_470, %parallel_loop3A_476 : vector<16xf32>
        %parallel_loop3A_478 = arith.subf %parallel_loop3A_477, %parallel_loop3A_474 : vector<16xf32>
        %parallel_loop3A_479 = arith.mulf %parallel_loop3A_448, %parallel_loop3A_478 : vector<16xf32>
        %parallel_loop3A_480 = arith.addf %parallel_loop3A_474, %parallel_loop3A_479 : vector<16xf32>
        %parallel_loop3A_481 = tpu.pack_subelements %parallel_loop3A_436, %parallel_loop3A_480 {pack_format = #tpu.pack_format<interleaved>, positions = array<i32: 0, 1>} : vector<16xf32>, vector<16xf32> -> vector<32xbf16>
        %parallel_loop3A_482 = vector.bitcast %parallel_loop3A_481 : vector<32xbf16> to vector<16xf32>
        %parallel_loop3A_483 = arith.constant 16 : i32
        %parallel_loop3A_484 = arith.muli %parallel_loop3A_88, %parallel_loop3A_483 : i32
        %parallel_loop3A_485 = arith.constant 1 : i32
        %parallel_loop3A_486 = arith.constant 3 : i32
        %parallel_loop3A_487 = arith.index_cast %parallel_loop3A_485 : i32 to index
        %parallel_loop3A_488 = arith.index_cast %parallel_loop3A_486 : i32 to index
        %parallel_loop3A_489 = arith.index_cast %parallel_loop3A_484 : i32 to index
        %parallel_loop3A_490 = tpu.vector_load %arg23[%parallel_loop3A_487, %parallel_loop3A_488, %parallel_loop3A_489] {strides = array<i32>} : memref<2x8x1024xf32, #tpu.memory_space<vmem>>, vector<16xf32>,
        tpu.vector_store %arg23[%parallel_loop3A_487, %parallel_loop3A_488, %parallel_loop3A_489], %parallel_loop3A_482 {strides = array<i32>} : memref<2x8x1024xf32, #tpu.memory_space<vmem>>, vector<16xf32>,
        %parallel_loop3A_491 = arith.constant 1.010000e+02 : f32
        %parallel_loop3A_492 = vector.broadcast %parallel_loop3A_491 : f32 to vector<16xf32>
        %parallel_loop3A_493 = arith.mulf %parallel_loop3A_93, %parallel_loop3A_492 : vector<16xf32>
        %parallel_loop3A_494 = arith.constant 1.010000e+02 : f32
        %parallel_loop3A_495 = vector.broadcast %parallel_loop3A_494 : f32 to vector<16xf32>
        %parallel_loop3A_496 = arith.mulf %parallel_loop3A_98, %parallel_loop3A_495 : vector<16xf32>
        %parallel_loop3A_497 = arith.fptosi %parallel_loop3A_493 : vector<16xf32> to vector<16xi32>
        %parallel_loop3A_498 = arith.fptosi %parallel_loop3A_496 : vector<16xf32> to vector<16xi32>
        %parallel_loop3A_499 = arith.sitofp %parallel_loop3A_497 : vector<16xi32> to vector<16xf32>
        %parallel_loop3A_500 = arith.subf %parallel_loop3A_493, %parallel_loop3A_499 : vector<16xf32>
        %parallel_loop3A_501 = arith.sitofp %parallel_loop3A_498 : vector<16xi32> to vector<16xf32>
        %parallel_loop3A_502 = arith.subf %parallel_loop3A_496, %parallel_loop3A_501 : vector<16xf32>
        %parallel_loop3A_503 = vector.broadcast %scan3A_8 : i32 to vector<16xi32>
        %parallel_loop3A_504 = arith.muli %parallel_loop3A_498, %parallel_loop3A_503 : vector<16xi32>
        %parallel_loop3A_505 = vector.broadcast %scan3A_8 : i32 to vector<16xi32>
        %parallel_loop3A_506 = arith.addi %parallel_loop3A_504, %parallel_loop3A_505 : vector<16xi32>
        %parallel_loop3A_507 = arith.constant 1 : i32
        %parallel_loop3A_508 = vector.broadcast %parallel_loop3A_507 : i32 to vector<16xi32>
        %parallel_loop3A_509 = arith.addi %parallel_loop3A_497, %parallel_loop3A_508 : vector<16xi32>
        %parallel_loop3A_510 = arith.xori %parallel_loop3A_497, %parallel_loop3A_504 : vector<16xi32>
        %parallel_loop3A_511 = vector.broadcast %scan3A_9 : i32 to vector<16xi32>
        %parallel_loop3A_512 = arith.andi %parallel_loop3A_510, %parallel_loop3A_511 : vector<16xi32>
        %parallel_loop3A_513 = arith.xori %parallel_loop3A_509, %parallel_loop3A_504 : vector<16xi32>
        %parallel_loop3A_514 = vector.broadcast %scan3A_9 : i32 to vector<16xi32>
        %parallel_loop3A_515 = arith.andi %parallel_loop3A_513, %parallel_loop3A_514 : vector<16xi32>
        %parallel_loop3A_516 = arith.xori %parallel_loop3A_497, %parallel_loop3A_506 : vector<16xi32>
        %parallel_loop3A_517 = vector.broadcast %scan3A_9 : i32 to vector<16xi32>
        %parallel_loop3A_518 = arith.andi %parallel_loop3A_516, %parallel_loop3A_517 : vector<16xi32>
        %parallel_loop3A_519 = arith.xori %parallel_loop3A_509, %parallel_loop3A_506 : vector<16xi32>
        %parallel_loop3A_520 = vector.broadcast %scan3A_9 : i32 to vector<16xi32>
        %parallel_loop3A_521 = arith.andi %parallel_loop3A_519, %parallel_loop3A_520 : vector<16xi32>
        %parallel_loop3A_522 = tpu.vector_load_idx %arg13[%parallel_loop3A_512] : memref<4096xf32, #tpu.memory_space<vmem>>[vector<16xi32>], vector<16xf32>,
        %parallel_loop3A_523 = tpu.vector_load_idx %arg13[%parallel_loop3A_515] : memref<4096xf32, #tpu.memory_space<vmem>>[vector<16xi32>], vector<16xf32>,
        %parallel_loop3A_524 = tpu.vector_load_idx %arg13[%parallel_loop3A_518] : memref<4096xf32, #tpu.memory_space<vmem>>[vector<16xi32>], vector<16xf32>,
        %parallel_loop3A_525 = tpu.vector_load_idx %arg13[%parallel_loop3A_521] : memref<4096xf32, #tpu.memory_space<vmem>>[vector<16xi32>], vector<16xf32>,
        %parallel_loop3A_526 = arith.subf %parallel_loop3A_523, %parallel_loop3A_522 : vector<16xf32>
        %parallel_loop3A_527 = arith.mulf %parallel_loop3A_500, %parallel_loop3A_526 : vector<16xf32>
        %parallel_loop3A_528 = arith.addf %parallel_loop3A_522, %parallel_loop3A_527 : vector<16xf32>
        %parallel_loop3A_529 = arith.subf %parallel_loop3A_525, %parallel_loop3A_524 : vector<16xf32>
        %parallel_loop3A_530 = arith.mulf %parallel_loop3A_500, %parallel_loop3A_529 : vector<16xf32>
        %parallel_loop3A_531 = arith.addf %parallel_loop3A_524, %parallel_loop3A_530 : vector<16xf32>
        %parallel_loop3A_532 = arith.subf %parallel_loop3A_531, %parallel_loop3A_528 : vector<16xf32>
        %parallel_loop3A_533 = arith.mulf %parallel_loop3A_502, %parallel_loop3A_532 : vector<16xf32>
        %parallel_loop3A_534 = arith.addf %parallel_loop3A_528, %parallel_loop3A_533 : vector<16xf32>
        %parallel_loop3A_535 = arith.constant 1.280000e+02 : f32
        %parallel_loop3A_536 = vector.broadcast %parallel_loop3A_535 : f32 to vector<16xf32>
        %parallel_loop3A_537 = arith.mulf %parallel_loop3A_93, %parallel_loop3A_536 : vector<16xf32>
        %parallel_loop3A_538 = arith.constant 1.280000e+02 : f32
        %parallel_loop3A_539 = vector.broadcast %parallel_loop3A_538 : f32 to vector<16xf32>
        %parallel_loop3A_540 = arith.mulf %parallel_loop3A_98, %parallel_loop3A_539 : vector<16xf32>
        %parallel_loop3A_541 = arith.fptosi %parallel_loop3A_537 : vector<16xf32> to vector<16xi32>
        %parallel_loop3A_542 = arith.fptosi %parallel_loop3A_540 : vector<16xf32> to vector<16xi32>
        %parallel_loop3A_543 = arith.sitofp %parallel_loop3A_541 : vector<16xi32> to vector<16xf32>
        %parallel_loop3A_544 = arith.subf %parallel_loop3A_537, %parallel_loop3A_543 : vector<16xf32>
        %parallel_loop3A_545 = arith.sitofp %parallel_loop3A_542 : vector<16xi32> to vector<16xf32>
        %parallel_loop3A_546 = arith.subf %parallel_loop3A_540, %parallel_loop3A_545 : vector<16xf32>
        %parallel_loop3A_547 = vector.broadcast %scan3A_8 : i32 to vector<16xi32>
        %parallel_loop3A_548 = arith.muli %parallel_loop3A_542, %parallel_loop3A_547 : vector<16xi32>
        %parallel_loop3A_549 = vector.broadcast %scan3A_8 : i32 to vector<16xi32>
        %parallel_loop3A_550 = arith.addi %parallel_loop3A_548, %parallel_loop3A_549 : vector<16xi32>
        %parallel_loop3A_551 = arith.constant 1 : i32
        %parallel_loop3A_552 = vector.broadcast %parallel_loop3A_551 : i32 to vector<16xi32>
        %parallel_loop3A_553 = arith.addi %parallel_loop3A_541, %parallel_loop3A_552 : vector<16xi32>
        %parallel_loop3A_554 = arith.xori %parallel_loop3A_541, %parallel_loop3A_548 : vector<16xi32>
        %parallel_loop3A_555 = vector.broadcast %scan3A_9 : i32 to vector<16xi32>
        %parallel_loop3A_556 = arith.andi %parallel_loop3A_554, %parallel_loop3A_555 : vector<16xi32>
        %parallel_loop3A_557 = arith.xori %parallel_loop3A_553, %parallel_loop3A_548 : vector<16xi32>
        %parallel_loop3A_558 = vector.broadcast %scan3A_9 : i32 to vector<16xi32>
        %parallel_loop3A_559 = arith.andi %parallel_loop3A_557, %parallel_loop3A_558 : vector<16xi32>
        %parallel_loop3A_560 = arith.xori %parallel_loop3A_541, %parallel_loop3A_550 : vector<16xi32>
        %parallel_loop3A_561 = vector.broadcast %scan3A_9 : i32 to vector<16xi32>
        %parallel_loop3A_562 = arith.andi %parallel_loop3A_560, %parallel_loop3A_561 : vector<16xi32>
        %parallel_loop3A_563 = arith.xori %parallel_loop3A_553, %parallel_loop3A_550 : vector<16xi32>
        %parallel_loop3A_564 = vector.broadcast %scan3A_9 : i32 to vector<16xi32>
        %parallel_loop3A_565 = arith.andi %parallel_loop3A_563, %parallel_loop3A_564 : vector<16xi32>
        %parallel_loop3A_566 = tpu.vector_load_idx %arg14[%parallel_loop3A_556] : memref<4096xf32, #tpu.memory_space<vmem>>[vector<16xi32>], vector<16xf32>,
        %parallel_loop3A_567 = tpu.vector_load_idx %arg14[%parallel_loop3A_559] : memref<4096xf32, #tpu.memory_space<vmem>>[vector<16xi32>], vector<16xf32>,
        %parallel_loop3A_568 = tpu.vector_load_idx %arg14[%parallel_loop3A_562] : memref<4096xf32, #tpu.memory_space<vmem>>[vector<16xi32>], vector<16xf32>,
        %parallel_loop3A_569 = tpu.vector_load_idx %arg14[%parallel_loop3A_565] : memref<4096xf32, #tpu.memory_space<vmem>>[vector<16xi32>], vector<16xf32>,
        %parallel_loop3A_570 = arith.subf %parallel_loop3A_567, %parallel_loop3A_566 : vector<16xf32>
        %parallel_loop3A_571 = arith.mulf %parallel_loop3A_544, %parallel_loop3A_570 : vector<16xf32>
        %parallel_loop3A_572 = arith.addf %parallel_loop3A_566, %parallel_loop3A_571 : vector<16xf32>
        %parallel_loop3A_573 = arith.subf %parallel_loop3A_569, %parallel_loop3A_568 : vector<16xf32>
        %parallel_loop3A_574 = arith.mulf %parallel_loop3A_544, %parallel_loop3A_573 : vector<16xf32>
        %parallel_loop3A_575 = arith.addf %parallel_loop3A_568, %parallel_loop3A_574 : vector<16xf32>
        %parallel_loop3A_576 = arith.subf %parallel_loop3A_575, %parallel_loop3A_572 : vector<16xf32>
        %parallel_loop3A_577 = arith.mulf %parallel_loop3A_546, %parallel_loop3A_576 : vector<16xf32>
        %parallel_loop3A_578 = arith.addf %parallel_loop3A_572, %parallel_loop3A_577 : vector<16xf32>
        %parallel_loop3A_579 = tpu.pack_subelements %parallel_loop3A_534, %parallel_loop3A_578 {pack_format = #tpu.pack_format<interleaved>, positions = array<i32: 0, 1>} : vector<16xf32>, vector<16xf32> -> vector<32xbf16>
        %parallel_loop3A_580 = vector.bitcast %parallel_loop3A_579 : vector<32xbf16> to vector<16xf32>
        %parallel_loop3A_581 = arith.constant 16 : i32
        %parallel_loop3A_582 = arith.muli %parallel_loop3A_88, %parallel_loop3A_581 : i32
        %parallel_loop3A_583 = arith.constant 1 : i32
        %parallel_loop3A_584 = arith.constant 4 : i32
        %parallel_loop3A_585 = arith.index_cast %parallel_loop3A_583 : i32 to index
        %parallel_loop3A_586 = arith.index_cast %parallel_loop3A_584 : i32 to index
        %parallel_loop3A_587 = arith.index_cast %parallel_loop3A_582 : i32 to index
        %parallel_loop3A_588 = tpu.vector_load %arg23[%parallel_loop3A_585, %parallel_loop3A_586, %parallel_loop3A_587] {strides = array<i32>} : memref<2x8x1024xf32, #tpu.memory_space<vmem>>, vector<16xf32>,
        tpu.vector_store %arg23[%parallel_loop3A_585, %parallel_loop3A_586, %parallel_loop3A_587], %parallel_loop3A_580 {strides = array<i32>} : memref<2x8x1024xf32, #tpu.memory_space<vmem>>, vector<16xf32>,
        %parallel_loop3A_589 = arith.constant 1.610000e+02 : f32
        %parallel_loop3A_590 = vector.broadcast %parallel_loop3A_589 : f32 to vector<16xf32>
        %parallel_loop3A_591 = arith.mulf %parallel_loop3A_93, %parallel_loop3A_590 : vector<16xf32>
        %parallel_loop3A_592 = arith.constant 1.610000e+02 : f32
        %parallel_loop3A_593 = vector.broadcast %parallel_loop3A_592 : f32 to vector<16xf32>
        %parallel_loop3A_594 = arith.mulf %parallel_loop3A_98, %parallel_loop3A_593 : vector<16xf32>
        %parallel_loop3A_595 = arith.fptosi %parallel_loop3A_591 : vector<16xf32> to vector<16xi32>
        %parallel_loop3A_596 = arith.fptosi %parallel_loop3A_594 : vector<16xf32> to vector<16xi32>
        %parallel_loop3A_597 = arith.sitofp %parallel_loop3A_595 : vector<16xi32> to vector<16xf32>
        %parallel_loop3A_598 = arith.subf %parallel_loop3A_591, %parallel_loop3A_597 : vector<16xf32>
        %parallel_loop3A_599 = arith.sitofp %parallel_loop3A_596 : vector<16xi32> to vector<16xf32>
        %parallel_loop3A_600 = arith.subf %parallel_loop3A_594, %parallel_loop3A_599 : vector<16xf32>
        %parallel_loop3A_601 = vector.broadcast %scan3A_8 : i32 to vector<16xi32>
        %parallel_loop3A_602 = arith.muli %parallel_loop3A_596, %parallel_loop3A_601 : vector<16xi32>
        %parallel_loop3A_603 = vector.broadcast %scan3A_8 : i32 to vector<16xi32>
        %parallel_loop3A_604 = arith.addi %parallel_loop3A_602, %parallel_loop3A_603 : vector<16xi32>
        %parallel_loop3A_605 = arith.constant 1 : i32
        %parallel_loop3A_606 = vector.broadcast %parallel_loop3A_605 : i32 to vector<16xi32>
        %parallel_loop3A_607 = arith.addi %parallel_loop3A_595, %parallel_loop3A_606 : vector<16xi32>
        %parallel_loop3A_608 = arith.xori %parallel_loop3A_595, %parallel_loop3A_602 : vector<16xi32>
        %parallel_loop3A_609 = vector.broadcast %scan3A_9 : i32 to vector<16xi32>
        %parallel_loop3A_610 = arith.andi %parallel_loop3A_608, %parallel_loop3A_609 : vector<16xi32>
        %parallel_loop3A_611 = arith.xori %parallel_loop3A_607, %parallel_loop3A_602 : vector<16xi32>
        %parallel_loop3A_612 = vector.broadcast %scan3A_9 : i32 to vector<16xi32>
        %parallel_loop3A_613 = arith.andi %parallel_loop3A_611, %parallel_loop3A_612 : vector<16xi32>
        %parallel_loop3A_614 = arith.xori %parallel_loop3A_595, %parallel_loop3A_604 : vector<16xi32>
        %parallel_loop3A_615 = vector.broadcast %scan3A_9 : i32 to vector<16xi32>
        %parallel_loop3A_616 = arith.andi %parallel_loop3A_614, %parallel_loop3A_615 : vector<16xi32>
        %parallel_loop3A_617 = arith.xori %parallel_loop3A_607, %parallel_loop3A_604 : vector<16xi32>
        %parallel_loop3A_618 = vector.broadcast %scan3A_9 : i32 to vector<16xi32>
        %parallel_loop3A_619 = arith.andi %parallel_loop3A_617, %parallel_loop3A_618 : vector<16xi32>
        %parallel_loop3A_620 = tpu.vector_load_idx %arg15[%parallel_loop3A_610] : memref<4096xf32, #tpu.memory_space<vmem>>[vector<16xi32>], vector<16xf32>,
        %parallel_loop3A_621 = tpu.vector_load_idx %arg15[%parallel_loop3A_613] : memref<4096xf32, #tpu.memory_space<vmem>>[vector<16xi32>], vector<16xf32>,
        %parallel_loop3A_622 = tpu.vector_load_idx %arg15[%parallel_loop3A_616] : memref<4096xf32, #tpu.memory_space<vmem>>[vector<16xi32>], vector<16xf32>,
        %parallel_loop3A_623 = tpu.vector_load_idx %arg15[%parallel_loop3A_619] : memref<4096xf32, #tpu.memory_space<vmem>>[vector<16xi32>], vector<16xf32>,
        %parallel_loop3A_624 = arith.subf %parallel_loop3A_621, %parallel_loop3A_620 : vector<16xf32>
        %parallel_loop3A_625 = arith.mulf %parallel_loop3A_598, %parallel_loop3A_624 : vector<16xf32>
        %parallel_loop3A_626 = arith.addf %parallel_loop3A_620, %parallel_loop3A_625 : vector<16xf32>
        %parallel_loop3A_627 = arith.subf %parallel_loop3A_623, %parallel_loop3A_622 : vector<16xf32>
        %parallel_loop3A_628 = arith.mulf %parallel_loop3A_598, %parallel_loop3A_627 : vector<16xf32>
        %parallel_loop3A_629 = arith.addf %parallel_loop3A_622, %parallel_loop3A_628 : vector<16xf32>
        %parallel_loop3A_630 = arith.subf %parallel_loop3A_629, %parallel_loop3A_626 : vector<16xf32>
        %parallel_loop3A_631 = arith.mulf %parallel_loop3A_600, %parallel_loop3A_630 : vector<16xf32>
        %parallel_loop3A_632 = arith.addf %parallel_loop3A_626, %parallel_loop3A_631 : vector<16xf32>
        %parallel_loop3A_633 = arith.constant 2.030000e+02 : f32
        %parallel_loop3A_634 = vector.broadcast %parallel_loop3A_633 : f32 to vector<16xf32>
        %parallel_loop3A_635 = arith.mulf %parallel_loop3A_93, %parallel_loop3A_634 : vector<16xf32>
        %parallel_loop3A_636 = arith.constant 2.030000e+02 : f32
        %parallel_loop3A_637 = vector.broadcast %parallel_loop3A_636 : f32 to vector<16xf32>
        %parallel_loop3A_638 = arith.mulf %parallel_loop3A_98, %parallel_loop3A_637 : vector<16xf32>
        %parallel_loop3A_639 = arith.fptosi %parallel_loop3A_635 : vector<16xf32> to vector<16xi32>
        %parallel_loop3A_640 = arith.fptosi %parallel_loop3A_638 : vector<16xf32> to vector<16xi32>
        %parallel_loop3A_641 = arith.sitofp %parallel_loop3A_639 : vector<16xi32> to vector<16xf32>
        %parallel_loop3A_642 = arith.subf %parallel_loop3A_635, %parallel_loop3A_641 : vector<16xf32>
        %parallel_loop3A_643 = arith.sitofp %parallel_loop3A_640 : vector<16xi32> to vector<16xf32>
        %parallel_loop3A_644 = arith.subf %parallel_loop3A_638, %parallel_loop3A_643 : vector<16xf32>
        %parallel_loop3A_645 = vector.broadcast %scan3A_8 : i32 to vector<16xi32>
        %parallel_loop3A_646 = arith.muli %parallel_loop3A_640, %parallel_loop3A_645 : vector<16xi32>
        %parallel_loop3A_647 = vector.broadcast %scan3A_8 : i32 to vector<16xi32>
        %parallel_loop3A_648 = arith.addi %parallel_loop3A_646, %parallel_loop3A_647 : vector<16xi32>
        %parallel_loop3A_649 = arith.constant 1 : i32
        %parallel_loop3A_650 = vector.broadcast %parallel_loop3A_649 : i32 to vector<16xi32>
        %parallel_loop3A_651 = arith.addi %parallel_loop3A_639, %parallel_loop3A_650 : vector<16xi32>
        %parallel_loop3A_652 = arith.xori %parallel_loop3A_639, %parallel_loop3A_646 : vector<16xi32>
        %parallel_loop3A_653 = vector.broadcast %scan3A_9 : i32 to vector<16xi32>
        %parallel_loop3A_654 = arith.andi %parallel_loop3A_652, %parallel_loop3A_653 : vector<16xi32>
        %parallel_loop3A_655 = arith.xori %parallel_loop3A_651, %parallel_loop3A_646 : vector<16xi32>
        %parallel_loop3A_656 = vector.broadcast %scan3A_9 : i32 to vector<16xi32>
        %parallel_loop3A_657 = arith.andi %parallel_loop3A_655, %parallel_loop3A_656 : vector<16xi32>
        %parallel_loop3A_658 = arith.xori %parallel_loop3A_639, %parallel_loop3A_648 : vector<16xi32>
        %parallel_loop3A_659 = vector.broadcast %scan3A_9 : i32 to vector<16xi32>
        %parallel_loop3A_660 = arith.andi %parallel_loop3A_658, %parallel_loop3A_659 : vector<16xi32>
        %parallel_loop3A_661 = arith.xori %parallel_loop3A_651, %parallel_loop3A_648 : vector<16xi32>
        %parallel_loop3A_662 = vector.broadcast %scan3A_9 : i32 to vector<16xi32>
        %parallel_loop3A_663 = arith.andi %parallel_loop3A_661, %parallel_loop3A_662 : vector<16xi32>
        %parallel_loop3A_664 = tpu.vector_load_idx %arg16[%parallel_loop3A_654] : memref<4096xf32, #tpu.memory_space<vmem>>[vector<16xi32>], vector<16xf32>,
        %parallel_loop3A_665 = tpu.vector_load_idx %arg16[%parallel_loop3A_657] : memref<4096xf32, #tpu.memory_space<vmem>>[vector<16xi32>], vector<16xf32>,
        %parallel_loop3A_666 = tpu.vector_load_idx %arg16[%parallel_loop3A_660] : memref<4096xf32, #tpu.memory_space<vmem>>[vector<16xi32>], vector<16xf32>,
        %parallel_loop3A_667 = tpu.vector_load_idx %arg16[%parallel_loop3A_663] : memref<4096xf32, #tpu.memory_space<vmem>>[vector<16xi32>], vector<16xf32>,
        %parallel_loop3A_668 = arith.subf %parallel_loop3A_665, %parallel_loop3A_664 : vector<16xf32>
        %parallel_loop3A_669 = arith.mulf %parallel_loop3A_642, %parallel_loop3A_668 : vector<16xf32>
        %parallel_loop3A_670 = arith.addf %parallel_loop3A_664, %parallel_loop3A_669 : vector<16xf32>
        %parallel_loop3A_671 = arith.subf %parallel_loop3A_667, %parallel_loop3A_666 : vector<16xf32>
        %parallel_loop3A_672 = arith.mulf %parallel_loop3A_642, %parallel_loop3A_671 : vector<16xf32>
        %parallel_loop3A_673 = arith.addf %parallel_loop3A_666, %parallel_loop3A_672 : vector<16xf32>
        %parallel_loop3A_674 = arith.subf %parallel_loop3A_673, %parallel_loop3A_670 : vector<16xf32>
        %parallel_loop3A_675 = arith.mulf %parallel_loop3A_644, %parallel_loop3A_674 : vector<16xf32>
        %parallel_loop3A_676 = arith.addf %parallel_loop3A_670, %parallel_loop3A_675 : vector<16xf32>
        %parallel_loop3A_677 = tpu.pack_subelements %parallel_loop3A_632, %parallel_loop3A_676 {pack_format = #tpu.pack_format<interleaved>, positions = array<i32: 0, 1>} : vector<16xf32>, vector<16xf32> -> vector<32xbf16>
        %parallel_loop3A_678 = vector.bitcast %parallel_loop3A_677 : vector<32xbf16> to vector<16xf32>
        %parallel_loop3A_679 = arith.constant 16 : i32
        %parallel_loop3A_680 = arith.muli %parallel_loop3A_88, %parallel_loop3A_679 : i32
        %parallel_loop3A_681 = arith.constant 1 : i32
        %parallel_loop3A_682 = arith.constant 5 : i32
        %parallel_loop3A_683 = arith.index_cast %parallel_loop3A_681 : i32 to index
        %parallel_loop3A_684 = arith.index_cast %parallel_loop3A_682 : i32 to index
        %parallel_loop3A_685 = arith.index_cast %parallel_loop3A_680 : i32 to index
        %parallel_loop3A_686 = tpu.vector_load %arg23[%parallel_loop3A_683, %parallel_loop3A_684, %parallel_loop3A_685] {strides = array<i32>} : memref<2x8x1024xf32, #tpu.memory_space<vmem>>, vector<16xf32>,
        tpu.vector_store %arg23[%parallel_loop3A_683, %parallel_loop3A_684, %parallel_loop3A_685], %parallel_loop3A_678 {strides = array<i32>} : memref<2x8x1024xf32, #tpu.memory_space<vmem>>, vector<16xf32>,
        %parallel_loop3A_687 = arith.constant 2.560000e+02 : f32
        %parallel_loop3A_688 = vector.broadcast %parallel_loop3A_687 : f32 to vector<16xf32>
        %parallel_loop3A_689 = arith.mulf %parallel_loop3A_93, %parallel_loop3A_688 : vector<16xf32>
        %parallel_loop3A_690 = arith.constant 2.560000e+02 : f32
        %parallel_loop3A_691 = vector.broadcast %parallel_loop3A_690 : f32 to vector<16xf32>
        %parallel_loop3A_692 = arith.mulf %parallel_loop3A_98, %parallel_loop3A_691 : vector<16xf32>
        %parallel_loop3A_693 = arith.fptosi %parallel_loop3A_689 : vector<16xf32> to vector<16xi32>
        %parallel_loop3A_694 = arith.fptosi %parallel_loop3A_692 : vector<16xf32> to vector<16xi32>
        %parallel_loop3A_695 = arith.sitofp %parallel_loop3A_693 : vector<16xi32> to vector<16xf32>
        %parallel_loop3A_696 = arith.subf %parallel_loop3A_689, %parallel_loop3A_695 : vector<16xf32>
        %parallel_loop3A_697 = arith.sitofp %parallel_loop3A_694 : vector<16xi32> to vector<16xf32>
        %parallel_loop3A_698 = arith.subf %parallel_loop3A_692, %parallel_loop3A_697 : vector<16xf32>
        %parallel_loop3A_699 = vector.broadcast %scan3A_8 : i32 to vector<16xi32>
        %parallel_loop3A_700 = arith.muli %parallel_loop3A_694, %parallel_loop3A_699 : vector<16xi32>
        %parallel_loop3A_701 = vector.broadcast %scan3A_8 : i32 to vector<16xi32>
        %parallel_loop3A_702 = arith.addi %parallel_loop3A_700, %parallel_loop3A_701 : vector<16xi32>
        %parallel_loop3A_703 = arith.constant 1 : i32
        %parallel_loop3A_704 = vector.broadcast %parallel_loop3A_703 : i32 to vector<16xi32>
        %parallel_loop3A_705 = arith.addi %parallel_loop3A_693, %parallel_loop3A_704 : vector<16xi32>
        %parallel_loop3A_706 = arith.xori %parallel_loop3A_693, %parallel_loop3A_700 : vector<16xi32>
        %parallel_loop3A_707 = vector.broadcast %scan3A_9 : i32 to vector<16xi32>
        %parallel_loop3A_708 = arith.andi %parallel_loop3A_706, %parallel_loop3A_707 : vector<16xi32>
        %parallel_loop3A_709 = arith.xori %parallel_loop3A_705, %parallel_loop3A_700 : vector<16xi32>
        %parallel_loop3A_710 = vector.broadcast %scan3A_9 : i32 to vector<16xi32>
        %parallel_loop3A_711 = arith.andi %parallel_loop3A_709, %parallel_loop3A_710 : vector<16xi32>
        %parallel_loop3A_712 = arith.xori %parallel_loop3A_693, %parallel_loop3A_702 : vector<16xi32>
        %parallel_loop3A_713 = vector.broadcast %scan3A_9 : i32 to vector<16xi32>
        %parallel_loop3A_714 = arith.andi %parallel_loop3A_712, %parallel_loop3A_713 : vector<16xi32>
        %parallel_loop3A_715 = arith.xori %parallel_loop3A_705, %parallel_loop3A_702 : vector<16xi32>
        %parallel_loop3A_716 = vector.broadcast %scan3A_9 : i32 to vector<16xi32>
        %parallel_loop3A_717 = arith.andi %parallel_loop3A_715, %parallel_loop3A_716 : vector<16xi32>
        %parallel_loop3A_718 = tpu.vector_load_idx %arg17[%parallel_loop3A_708] : memref<4096xf32, #tpu.memory_space<vmem>>[vector<16xi32>], vector<16xf32>,
        %parallel_loop3A_719 = tpu.vector_load_idx %arg17[%parallel_loop3A_711] : memref<4096xf32, #tpu.memory_space<vmem>>[vector<16xi32>], vector<16xf32>,
        %parallel_loop3A_720 = tpu.vector_load_idx %arg17[%parallel_loop3A_714] : memref<4096xf32, #tpu.memory_space<vmem>>[vector<16xi32>], vector<16xf32>,
        %parallel_loop3A_721 = tpu.vector_load_idx %arg17[%parallel_loop3A_717] : memref<4096xf32, #tpu.memory_space<vmem>>[vector<16xi32>], vector<16xf32>,
        %parallel_loop3A_722 = arith.subf %parallel_loop3A_719, %parallel_loop3A_718 : vector<16xf32>
        %parallel_loop3A_723 = arith.mulf %parallel_loop3A_696, %parallel_loop3A_722 : vector<16xf32>
        %parallel_loop3A_724 = arith.addf %parallel_loop3A_718, %parallel_loop3A_723 : vector<16xf32>
        %parallel_loop3A_725 = arith.subf %parallel_loop3A_721, %parallel_loop3A_720 : vector<16xf32>
        %parallel_loop3A_726 = arith.mulf %parallel_loop3A_696, %parallel_loop3A_725 : vector<16xf32>
        %parallel_loop3A_727 = arith.addf %parallel_loop3A_720, %parallel_loop3A_726 : vector<16xf32>
        %parallel_loop3A_728 = arith.subf %parallel_loop3A_727, %parallel_loop3A_724 : vector<16xf32>
        %parallel_loop3A_729 = arith.mulf %parallel_loop3A_698, %parallel_loop3A_728 : vector<16xf32>
        %parallel_loop3A_730 = arith.addf %parallel_loop3A_724, %parallel_loop3A_729 : vector<16xf32>
        %parallel_loop3A_731 = arith.constant 3.220000e+02 : f32
        %parallel_loop3A_732 = vector.broadcast %parallel_loop3A_731 : f32 to vector<16xf32>
        %parallel_loop3A_733 = arith.mulf %parallel_loop3A_93, %parallel_loop3A_732 : vector<16xf32>
        %parallel_loop3A_734 = arith.constant 3.220000e+02 : f32
        %parallel_loop3A_735 = vector.broadcast %parallel_loop3A_734 : f32 to vector<16xf32>
        %parallel_loop3A_736 = arith.mulf %parallel_loop3A_98, %parallel_loop3A_735 : vector<16xf32>
        %parallel_loop3A_737 = arith.fptosi %parallel_loop3A_733 : vector<16xf32> to vector<16xi32>
        %parallel_loop3A_738 = arith.fptosi %parallel_loop3A_736 : vector<16xf32> to vector<16xi32>
        %parallel_loop3A_739 = arith.sitofp %parallel_loop3A_737 : vector<16xi32> to vector<16xf32>
        %parallel_loop3A_740 = arith.subf %parallel_loop3A_733, %parallel_loop3A_739 : vector<16xf32>
        %parallel_loop3A_741 = arith.sitofp %parallel_loop3A_738 : vector<16xi32> to vector<16xf32>
        %parallel_loop3A_742 = arith.subf %parallel_loop3A_736, %parallel_loop3A_741 : vector<16xf32>
        %parallel_loop3A_743 = vector.broadcast %scan3A_8 : i32 to vector<16xi32>
        %parallel_loop3A_744 = arith.muli %parallel_loop3A_738, %parallel_loop3A_743 : vector<16xi32>
        %parallel_loop3A_745 = vector.broadcast %scan3A_8 : i32 to vector<16xi32>
        %parallel_loop3A_746 = arith.addi %parallel_loop3A_744, %parallel_loop3A_745 : vector<16xi32>
        %parallel_loop3A_747 = arith.constant 1 : i32
        %parallel_loop3A_748 = vector.broadcast %parallel_loop3A_747 : i32 to vector<16xi32>
        %parallel_loop3A_749 = arith.addi %parallel_loop3A_737, %parallel_loop3A_748 : vector<16xi32>
        %parallel_loop3A_750 = arith.xori %parallel_loop3A_737, %parallel_loop3A_744 : vector<16xi32>
        %parallel_loop3A_751 = vector.broadcast %scan3A_9 : i32 to vector<16xi32>
        %parallel_loop3A_752 = arith.andi %parallel_loop3A_750, %parallel_loop3A_751 : vector<16xi32>
        %parallel_loop3A_753 = arith.xori %parallel_loop3A_749, %parallel_loop3A_744 : vector<16xi32>
        %parallel_loop3A_754 = vector.broadcast %scan3A_9 : i32 to vector<16xi32>
        %parallel_loop3A_755 = arith.andi %parallel_loop3A_753, %parallel_loop3A_754 : vector<16xi32>
        %parallel_loop3A_756 = arith.xori %parallel_loop3A_737, %parallel_loop3A_746 : vector<16xi32>
        %parallel_loop3A_757 = vector.broadcast %scan3A_9 : i32 to vector<16xi32>
        %parallel_loop3A_758 = arith.andi %parallel_loop3A_756, %parallel_loop3A_757 : vector<16xi32>
        %parallel_loop3A_759 = arith.xori %parallel_loop3A_749, %parallel_loop3A_746 : vector<16xi32>
        %parallel_loop3A_760 = vector.broadcast %scan3A_9 : i32 to vector<16xi32>
        %parallel_loop3A_761 = arith.andi %parallel_loop3A_759, %parallel_loop3A_760 : vector<16xi32>
        %parallel_loop3A_762 = tpu.vector_load_idx %arg18[%parallel_loop3A_752] : memref<4096xf32, #tpu.memory_space<vmem>>[vector<16xi32>], vector<16xf32>,
        %parallel_loop3A_763 = tpu.vector_load_idx %arg18[%parallel_loop3A_755] : memref<4096xf32, #tpu.memory_space<vmem>>[vector<16xi32>], vector<16xf32>,
        %parallel_loop3A_764 = tpu.vector_load_idx %arg18[%parallel_loop3A_758] : memref<4096xf32, #tpu.memory_space<vmem>>[vector<16xi32>], vector<16xf32>,
        %parallel_loop3A_765 = tpu.vector_load_idx %arg18[%parallel_loop3A_761] : memref<4096xf32, #tpu.memory_space<vmem>>[vector<16xi32>], vector<16xf32>,
        %parallel_loop3A_766 = arith.subf %parallel_loop3A_763, %parallel_loop3A_762 : vector<16xf32>
        %parallel_loop3A_767 = arith.mulf %parallel_loop3A_740, %parallel_loop3A_766 : vector<16xf32>
        %parallel_loop3A_768 = arith.addf %parallel_loop3A_762, %parallel_loop3A_767 : vector<16xf32>
        %parallel_loop3A_769 = arith.subf %parallel_loop3A_765, %parallel_loop3A_764 : vector<16xf32>
        %parallel_loop3A_770 = arith.mulf %parallel_loop3A_740, %parallel_loop3A_769 : vector<16xf32>
        %parallel_loop3A_771 = arith.addf %parallel_loop3A_764, %parallel_loop3A_770 : vector<16xf32>
        %parallel_loop3A_772 = arith.subf %parallel_loop3A_771, %parallel_loop3A_768 : vector<16xf32>
        %parallel_loop3A_773 = arith.mulf %parallel_loop3A_742, %parallel_loop3A_772 : vector<16xf32>
        %parallel_loop3A_774 = arith.addf %parallel_loop3A_768, %parallel_loop3A_773 : vector<16xf32>
        %parallel_loop3A_775 = tpu.pack_subelements %parallel_loop3A_730, %parallel_loop3A_774 {pack_format = #tpu.pack_format<interleaved>, positions = array<i32: 0, 1>} : vector<16xf32>, vector<16xf32> -> vector<32xbf16>
        %parallel_loop3A_776 = vector.bitcast %parallel_loop3A_775 : vector<32xbf16> to vector<16xf32>
        %parallel_loop3A_777 = arith.constant 16 : i32
        %parallel_loop3A_778 = arith.muli %parallel_loop3A_88, %parallel_loop3A_777 : i32
        %parallel_loop3A_779 = arith.constant 1 : i32
        %parallel_loop3A_780 = arith.constant 6 : i32
        %parallel_loop3A_781 = arith.index_cast %parallel_loop3A_779 : i32 to index
        %parallel_loop3A_782 = arith.index_cast %parallel_loop3A_780 : i32 to index
        %parallel_loop3A_783 = arith.index_cast %parallel_loop3A_778 : i32 to index
        %parallel_loop3A_784 = tpu.vector_load %arg23[%parallel_loop3A_781, %parallel_loop3A_782, %parallel_loop3A_783] {strides = array<i32>} : memref<2x8x1024xf32, #tpu.memory_space<vmem>>, vector<16xf32>,
        tpu.vector_store %arg23[%parallel_loop3A_781, %parallel_loop3A_782, %parallel_loop3A_783], %parallel_loop3A_776 {strides = array<i32>} : memref<2x8x1024xf32, #tpu.memory_space<vmem>>, vector<16xf32>,
        %parallel_loop3A_785 = arith.constant 4.060000e+02 : f32
        %parallel_loop3A_786 = vector.broadcast %parallel_loop3A_785 : f32 to vector<16xf32>
        %parallel_loop3A_787 = arith.mulf %parallel_loop3A_93, %parallel_loop3A_786 : vector<16xf32>
        %parallel_loop3A_788 = arith.constant 4.060000e+02 : f32
        %parallel_loop3A_789 = vector.broadcast %parallel_loop3A_788 : f32 to vector<16xf32>
        %parallel_loop3A_790 = arith.mulf %parallel_loop3A_98, %parallel_loop3A_789 : vector<16xf32>
        %parallel_loop3A_791 = arith.fptosi %parallel_loop3A_787 : vector<16xf32> to vector<16xi32>
        %parallel_loop3A_792 = arith.fptosi %parallel_loop3A_790 : vector<16xf32> to vector<16xi32>
        %parallel_loop3A_793 = arith.sitofp %parallel_loop3A_791 : vector<16xi32> to vector<16xf32>
        %parallel_loop3A_794 = arith.subf %parallel_loop3A_787, %parallel_loop3A_793 : vector<16xf32>
        %parallel_loop3A_795 = arith.sitofp %parallel_loop3A_792 : vector<16xi32> to vector<16xf32>
        %parallel_loop3A_796 = arith.subf %parallel_loop3A_790, %parallel_loop3A_795 : vector<16xf32>
        %parallel_loop3A_797 = vector.broadcast %scan3A_8 : i32 to vector<16xi32>
        %parallel_loop3A_798 = arith.muli %parallel_loop3A_792, %parallel_loop3A_797 : vector<16xi32>
        %parallel_loop3A_799 = vector.broadcast %scan3A_8 : i32 to vector<16xi32>
        %parallel_loop3A_800 = arith.addi %parallel_loop3A_798, %parallel_loop3A_799 : vector<16xi32>
        %parallel_loop3A_801 = arith.constant 1 : i32
        %parallel_loop3A_802 = vector.broadcast %parallel_loop3A_801 : i32 to vector<16xi32>
        %parallel_loop3A_803 = arith.addi %parallel_loop3A_791, %parallel_loop3A_802 : vector<16xi32>
        %parallel_loop3A_804 = arith.xori %parallel_loop3A_791, %parallel_loop3A_798 : vector<16xi32>
        %parallel_loop3A_805 = vector.broadcast %scan3A_9 : i32 to vector<16xi32>
        %parallel_loop3A_806 = arith.andi %parallel_loop3A_804, %parallel_loop3A_805 : vector<16xi32>
        %parallel_loop3A_807 = arith.xori %parallel_loop3A_803, %parallel_loop3A_798 : vector<16xi32>
        %parallel_loop3A_808 = vector.broadcast %scan3A_9 : i32 to vector<16xi32>
        %parallel_loop3A_809 = arith.andi %parallel_loop3A_807, %parallel_loop3A_808 : vector<16xi32>
        %parallel_loop3A_810 = arith.xori %parallel_loop3A_791, %parallel_loop3A_800 : vector<16xi32>
        %parallel_loop3A_811 = vector.broadcast %scan3A_9 : i32 to vector<16xi32>
        %parallel_loop3A_812 = arith.andi %parallel_loop3A_810, %parallel_loop3A_811 : vector<16xi32>
        %parallel_loop3A_813 = arith.xori %parallel_loop3A_803, %parallel_loop3A_800 : vector<16xi32>
        %parallel_loop3A_814 = vector.broadcast %scan3A_9 : i32 to vector<16xi32>
        %parallel_loop3A_815 = arith.andi %parallel_loop3A_813, %parallel_loop3A_814 : vector<16xi32>
        %parallel_loop3A_816 = tpu.vector_load_idx %arg19[%parallel_loop3A_806] : memref<4096xf32, #tpu.memory_space<vmem>>[vector<16xi32>], vector<16xf32>,
        %parallel_loop3A_817 = tpu.vector_load_idx %arg19[%parallel_loop3A_809] : memref<4096xf32, #tpu.memory_space<vmem>>[vector<16xi32>], vector<16xf32>,
        %parallel_loop3A_818 = tpu.vector_load_idx %arg19[%parallel_loop3A_812] : memref<4096xf32, #tpu.memory_space<vmem>>[vector<16xi32>], vector<16xf32>,
        %parallel_loop3A_819 = tpu.vector_load_idx %arg19[%parallel_loop3A_815] : memref<4096xf32, #tpu.memory_space<vmem>>[vector<16xi32>], vector<16xf32>,
        %parallel_loop3A_820 = arith.subf %parallel_loop3A_817, %parallel_loop3A_816 : vector<16xf32>
        %parallel_loop3A_821 = arith.mulf %parallel_loop3A_794, %parallel_loop3A_820 : vector<16xf32>
        %parallel_loop3A_822 = arith.addf %parallel_loop3A_816, %parallel_loop3A_821 : vector<16xf32>
        %parallel_loop3A_823 = arith.subf %parallel_loop3A_819, %parallel_loop3A_818 : vector<16xf32>
        %parallel_loop3A_824 = arith.mulf %parallel_loop3A_794, %parallel_loop3A_823 : vector<16xf32>
        %parallel_loop3A_825 = arith.addf %parallel_loop3A_818, %parallel_loop3A_824 : vector<16xf32>
        %parallel_loop3A_826 = arith.subf %parallel_loop3A_825, %parallel_loop3A_822 : vector<16xf32>
        %parallel_loop3A_827 = arith.mulf %parallel_loop3A_796, %parallel_loop3A_826 : vector<16xf32>
        %parallel_loop3A_828 = arith.addf %parallel_loop3A_822, %parallel_loop3A_827 : vector<16xf32>
        %parallel_loop3A_829 = arith.constant 5.120000e+02 : f32
        %parallel_loop3A_830 = vector.broadcast %parallel_loop3A_829 : f32 to vector<16xf32>
        %parallel_loop3A_831 = arith.mulf %parallel_loop3A_93, %parallel_loop3A_830 : vector<16xf32>
        %parallel_loop3A_832 = arith.constant 5.120000e+02 : f32
        %parallel_loop3A_833 = vector.broadcast %parallel_loop3A_832 : f32 to vector<16xf32>
        %parallel_loop3A_834 = arith.mulf %parallel_loop3A_98, %parallel_loop3A_833 : vector<16xf32>
        %parallel_loop3A_835 = arith.fptosi %parallel_loop3A_831 : vector<16xf32> to vector<16xi32>
        %parallel_loop3A_836 = arith.fptosi %parallel_loop3A_834 : vector<16xf32> to vector<16xi32>
        %parallel_loop3A_837 = arith.sitofp %parallel_loop3A_835 : vector<16xi32> to vector<16xf32>
        %parallel_loop3A_838 = arith.subf %parallel_loop3A_831, %parallel_loop3A_837 : vector<16xf32>
        %parallel_loop3A_839 = arith.sitofp %parallel_loop3A_836 : vector<16xi32> to vector<16xf32>
        %parallel_loop3A_840 = arith.subf %parallel_loop3A_834, %parallel_loop3A_839 : vector<16xf32>
        %parallel_loop3A_841 = vector.broadcast %scan3A_8 : i32 to vector<16xi32>
        %parallel_loop3A_842 = arith.muli %parallel_loop3A_836, %parallel_loop3A_841 : vector<16xi32>
        %parallel_loop3A_843 = vector.broadcast %scan3A_8 : i32 to vector<16xi32>
        %parallel_loop3A_844 = arith.addi %parallel_loop3A_842, %parallel_loop3A_843 : vector<16xi32>
        %parallel_loop3A_845 = arith.constant 1 : i32
        %parallel_loop3A_846 = vector.broadcast %parallel_loop3A_845 : i32 to vector<16xi32>
        %parallel_loop3A_847 = arith.addi %parallel_loop3A_835, %parallel_loop3A_846 : vector<16xi32>
        %parallel_loop3A_848 = arith.xori %parallel_loop3A_835, %parallel_loop3A_842 : vector<16xi32>
        %parallel_loop3A_849 = vector.broadcast %scan3A_9 : i32 to vector<16xi32>
        %parallel_loop3A_850 = arith.andi %parallel_loop3A_848, %parallel_loop3A_849 : vector<16xi32>
        %parallel_loop3A_851 = arith.xori %parallel_loop3A_847, %parallel_loop3A_842 : vector<16xi32>
        %parallel_loop3A_852 = vector.broadcast %scan3A_9 : i32 to vector<16xi32>
        %parallel_loop3A_853 = arith.andi %parallel_loop3A_851, %parallel_loop3A_852 : vector<16xi32>
        %parallel_loop3A_854 = arith.xori %parallel_loop3A_835, %parallel_loop3A_844 : vector<16xi32>
        %parallel_loop3A_855 = vector.broadcast %scan3A_9 : i32 to vector<16xi32>
        %parallel_loop3A_856 = arith.andi %parallel_loop3A_854, %parallel_loop3A_855 : vector<16xi32>
        %parallel_loop3A_857 = arith.xori %parallel_loop3A_847, %parallel_loop3A_844 : vector<16xi32>
        %parallel_loop3A_858 = vector.broadcast %scan3A_9 : i32 to vector<16xi32>
        %parallel_loop3A_859 = arith.andi %parallel_loop3A_857, %parallel_loop3A_858 : vector<16xi32>
        %parallel_loop3A_860 = tpu.vector_load_idx %arg20[%parallel_loop3A_850] : memref<4096xf32, #tpu.memory_space<vmem>>[vector<16xi32>], vector<16xf32>,
        %parallel_loop3A_861 = tpu.vector_load_idx %arg20[%parallel_loop3A_853] : memref<4096xf32, #tpu.memory_space<vmem>>[vector<16xi32>], vector<16xf32>,
        %parallel_loop3A_862 = tpu.vector_load_idx %arg20[%parallel_loop3A_856] : memref<4096xf32, #tpu.memory_space<vmem>>[vector<16xi32>], vector<16xf32>,
        %parallel_loop3A_863 = tpu.vector_load_idx %arg20[%parallel_loop3A_859] : memref<4096xf32, #tpu.memory_space<vmem>>[vector<16xi32>], vector<16xf32>,
        %parallel_loop3A_864 = arith.subf %parallel_loop3A_861, %parallel_loop3A_860 : vector<16xf32>
        %parallel_loop3A_865 = arith.mulf %parallel_loop3A_838, %parallel_loop3A_864 : vector<16xf32>
        %parallel_loop3A_866 = arith.addf %parallel_loop3A_860, %parallel_loop3A_865 : vector<16xf32>
        %parallel_loop3A_867 = arith.subf %parallel_loop3A_863, %parallel_loop3A_862 : vector<16xf32>
        %parallel_loop3A_868 = arith.mulf %parallel_loop3A_838, %parallel_loop3A_867 : vector<16xf32>
        %parallel_loop3A_869 = arith.addf %parallel_loop3A_862, %parallel_loop3A_868 : vector<16xf32>
        %parallel_loop3A_870 = arith.subf %parallel_loop3A_869, %parallel_loop3A_866 : vector<16xf32>
        %parallel_loop3A_871 = arith.mulf %parallel_loop3A_840, %parallel_loop3A_870 : vector<16xf32>
        %parallel_loop3A_872 = arith.addf %parallel_loop3A_866, %parallel_loop3A_871 : vector<16xf32>
        %parallel_loop3A_873 = tpu.pack_subelements %parallel_loop3A_828, %parallel_loop3A_872 {pack_format = #tpu.pack_format<interleaved>, positions = array<i32: 0, 1>} : vector<16xf32>, vector<16xf32> -> vector<32xbf16>
        %parallel_loop3A_874 = vector.bitcast %parallel_loop3A_873 : vector<32xbf16> to vector<16xf32>
        %parallel_loop3A_875 = arith.constant 16 : i32
        %parallel_loop3A_876 = arith.muli %parallel_loop3A_88, %parallel_loop3A_875 : i32
        %parallel_loop3A_877 = arith.constant 1 : i32
        %parallel_loop3A_878 = arith.constant 7 : i32
        %parallel_loop3A_879 = arith.index_cast %parallel_loop3A_877 : i32 to index
        %parallel_loop3A_880 = arith.index_cast %parallel_loop3A_878 : i32 to index
        %parallel_loop3A_881 = arith.index_cast %parallel_loop3A_876 : i32 to index
        %parallel_loop3A_882 = tpu.vector_load %arg23[%parallel_loop3A_879, %parallel_loop3A_880, %parallel_loop3A_881] {strides = array<i32>} : memref<2x8x1024xf32, #tpu.memory_space<vmem>>, vector<16xf32>,
        tpu.vector_store %arg23[%parallel_loop3A_879, %parallel_loop3A_880, %parallel_loop3A_881], %parallel_loop3A_874 {strides = array<i32>} : memref<2x8x1024xf32, #tpu.memory_space<vmem>>, vector<16xf32>,
      } {sc.loop_unroll_factor = 4 : i64, sc.parallel_access}
      %add3A_74 = arith.addi %mul3A_2, %add3A_65 : i32
      %dma_start3A_75 = arith.constant 1 : i32
      %dma_start3A_76 = arith.constant 0 : i32
      %dma_start3A_77 = arith.constant 0 : i32
      %dma_start3A_78 = tpu.memref_slice %arg23[%dma_start3A_75, %dma_start3A_76, %dma_start3A_77] : memref<2x8x1024xf32, #tpu.memory_space<vmem>> -> memref<1x8x1024xf32, #tpu.memory_space<vmem>>
      %dma_start3A_79 = tpu.memref_squeeze %dma_start3A_78 : memref<1x8x1024xf32, #tpu.memory_space<vmem>> -> memref<8x1024xf32, #tpu.memory_space<vmem>>
      %dma_start3A_80 = arith.constant 0 : i32
      %dma_start3A_81 = tpu.memref_slice %arg4[%dma_start3A_80, %add3A_74] : memref<8x262144xf32, #tpu.memory_space<hbm>> -> memref<8x1024xf32, #tpu.memory_space<hbm>>
      %dma_start3A_82 = arith.constant 0 : i32
      %dma_start3A_83 = tpu.memref_slice %arg4[%dma_start3A_82, %add3A_74] : memref<8x262144xf32, #tpu.memory_space<hbm>> -> memref<8x1024xf32, #tpu.memory_space<hbm>>
      %dma_start3A_84 = arith.constant 0 : i32
      %dma_start3A_85 = arith.constant 0 : i32
      %dma_start3A_86 = tpu.memref_slice %arg23[%dma_start3A_75, %dma_start3A_84, %dma_start3A_85] : memref<2x8x1024xf32, #tpu.memory_space<vmem>> -> memref<1x8x1024xf32, #tpu.memory_space<vmem>>
      %dma_start3A_87 = tpu.memref_squeeze %dma_start3A_86 : memref<1x8x1024xf32, #tpu.memory_space<vmem>> -> memref<8x1024xf32, #tpu.memory_space<vmem>>
      tpu.enqueue_dma source(%dma_start3A_87 : memref<8x1024xf32, #tpu.memory_space<vmem>>) target(%dma_start3A_83 : memref<8x1024xf32, #tpu.memory_space<hbm>>) target_semaphore(%arg25 : memref<!tpu.dma_semaphore, #tpu.memory_space<semaphore_mem>>)
    }
    %scan3A_14 = arith.constant 4 : i32
    %dma_wait3A = arith.constant 0 : i32
    %dma_wait3A_15 = arith.constant 0 : i32
    %dma_wait3A_16 = arith.constant 0 : i32
    %dma_wait3A_17 = tpu.memref_slice %arg23[%dma_wait3A, %dma_wait3A_15, %dma_wait3A_16] : memref<2x8x1024xf32, #tpu.memory_space<vmem>> -> memref<1x8x1024xf32, #tpu.memory_space<vmem>>
    %dma_wait3A_18 = tpu.memref_squeeze %dma_wait3A_17 : memref<1x8x1024xf32, #tpu.memory_space<vmem>> -> memref<8x1024xf32, #tpu.memory_space<vmem>>
    %dma_wait3A_19 = arith.constant 0 : i32
    %dma_wait3A_20 = tpu.memref_slice %arg4[%dma_wait3A_19, %mul3A_2] : memref<8x262144xf32, #tpu.memory_space<hbm>> -> memref<8x1024xf32, #tpu.memory_space<hbm>>
    %dma_wait3A_21 = arith.constant 0 : i32
    %dma_wait3A_22 = arith.constant 0 : i32
    %dma_wait3A_23 = tpu.memref_slice %arg23[%dma_wait3A, %dma_wait3A_21, %dma_wait3A_22] : memref<2x8x1024xf32, #tpu.memory_space<vmem>> -> memref<1x8x1024xf32, #tpu.memory_space<vmem>>
    %dma_wait3A_24 = tpu.memref_squeeze %dma_wait3A_23 : memref<1x8x1024xf32, #tpu.memory_space<vmem>> -> memref<8x1024xf32, #tpu.memory_space<vmem>>
    %dma_wait3A_25 = arith.constant 0 : i32
    %dma_wait3A_26 = tpu.memref_slice %arg4[%dma_wait3A_25, %mul3A_2] : memref<8x262144xf32, #tpu.memory_space<hbm>> -> memref<8x1024xf32, #tpu.memory_space<hbm>>
    tpu.wait_dma2 semaphore(%arg24 : memref<!tpu.dma_semaphore, #tpu.memory_space<semaphore_mem>>) src(%dma_wait3A_26 : memref<8x1024xf32, #tpu.memory_space<hbm>>) dst(%dma_wait3A_24 : memref<8x1024xf32, #tpu.memory_space<vmem>>)
    %dma_wait3A_27 = arith.constant 1 : i32
    %dma_wait3A_28 = arith.constant 0 : i32
    %dma_wait3A_29 = arith.constant 0 : i32
    %dma_wait3A_30 = tpu.memref_slice %arg23[%dma_wait3A_27, %dma_wait3A_28, %dma_wait3A_29] : memref<2x8x1024xf32, #tpu.memory_space<vmem>> -> memref<1x8x1024xf32, #tpu.memory_space<vmem>>
    %dma_wait3A_31 = tpu.memref_squeeze %dma_wait3A_30 : memref<1x8x1024xf32, #tpu.memory_space<vmem>> -> memref<8x1024xf32, #tpu.memory_space<vmem>>
    %dma_wait3A_32 = arith.constant 0 : i32
    %dma_wait3A_33 = tpu.memref_slice %arg4[%dma_wait3A_32, %mul3A_2] : memref<8x262144xf32, #tpu.memory_space<hbm>> -> memref<8x1024xf32, #tpu.memory_space<hbm>>
    %dma_wait3A_34 = arith.constant 0 : i32
    %dma_wait3A_35 = arith.constant 0 : i32
    %dma_wait3A_36 = tpu.memref_slice %arg23[%dma_wait3A_27, %dma_wait3A_34, %dma_wait3A_35] : memref<2x8x1024xf32, #tpu.memory_space<vmem>> -> memref<1x8x1024xf32, #tpu.memory_space<vmem>>
    %dma_wait3A_37 = tpu.memref_squeeze %dma_wait3A_36 : memref<1x8x1024xf32, #tpu.memory_space<vmem>> -> memref<8x1024xf32, #tpu.memory_space<vmem>>
    %dma_wait3A_38 = arith.constant 0 : i32
    %dma_wait3A_39 = tpu.memref_slice %arg4[%dma_wait3A_38, %mul3A_2] : memref<8x262144xf32, #tpu.memory_space<hbm>> -> memref<8x1024xf32, #tpu.memory_space<hbm>>
    tpu.wait_dma2 semaphore(%arg25 : memref<!tpu.dma_semaphore, #tpu.memory_space<semaphore_mem>>) src(%dma_wait3A_39 : memref<8x1024xf32, #tpu.memory_space<hbm>>) dst(%dma_wait3A_37 : memref<8x1024xf32, #tpu.memory_space<vmem>>)
    return
  }
}

module attributes {stable_mosaic.version = 14 : i64} {
  func.func @_mlp_body(%arg0: i32, %arg1: memref<8x131072xf32, #tpu.memory_space<vmem>>, %arg2: memref<16x16xf32, #tpu.memory_space<vmem>>, %arg3: memref<16x1xf32, #tpu.memory_space<vmem>>, %arg4: memref<3x16xf32, #tpu.memory_space<vmem>>, %arg5: memref<3x1xf32, #tpu.memory_space<vmem>>, %arg6: memref<3x131072xf32, #tpu.memory_space<vmem>>) attributes {dimension_semantics = [#tpu.dimension_semantics<arbitrary>], iteration_bounds = array<i64: 2>, scalar_prefetch = 0 : i64, scratch_operands = 0 : i64, tpu.core_type = #tpu.core_type<tc>, window_params = [{transform_indices = @transform_0, window_bounds = array<i64: 8, 131072>}, {pipeline_mode = #tpu.pipeline_mode<synchronous>, transform_indices = @transform_1, window_bounds = array<i64: 16, 16>}, {pipeline_mode = #tpu.pipeline_mode<synchronous>, transform_indices = @transform_2, window_bounds = array<i64: 16, 1>}, {pipeline_mode = #tpu.pipeline_mode<synchronous>, transform_indices = @transform_3, window_bounds = array<i64: 3, 16>}, {pipeline_mode = #tpu.pipeline_mode<synchronous>, transform_indices = @transform_4, window_bounds = array<i64: 3, 1>}, {transform_indices = @transform_5, window_bounds = array<i64: 3, 131072>}]} {
    %get3A = arith.constant 0 : index
    %get3A_0 = arith.constant 0 : index
    %get3A_1 = vector.load %arg1[%get3A, %get3A_0] : memref<8x131072xf32, #tpu.memory_space<vmem>>, vector<8x131072xf32>
    %bitcast3A = tpu.bitcast %get3A_1 : vector<8x131072xf32> -> vector<16x131072xbf16>
    %convert_element_type3A = arith.extf %bitcast3A : vector<16x131072xbf16> to vector<16x131072xf32>
    %get3A_2 = arith.constant 0 : index
    %get3A_3 = arith.constant 0 : index
    %get3A_4 = vector.load %arg2[%get3A_2, %get3A_3] : memref<16x16xf32, #tpu.memory_space<vmem>>, vector<16x16xf32>
    %dot_general3A = arith.constant dense<0.000000e+00> : vector<16x131072xf32>
    %dot_general3A_5 = tpu.matmul %get3A_4, %convert_element_type3A, %dot_general3A {dimension_numbers = #tpu.dot_dimension_numbers<[1], [0], [0], [1], [0, 0, 1, 1], [], []>, transpose_lhs_hint = false} : vector<16x16xf32>, vector<16x131072xf32>, vector<16x131072xf32> -> vector<16x131072xf32>
    %get3A_6 = arith.constant 0 : index
    %get3A_7 = arith.constant 0 : index
    %get3A_8 = vector.load %arg3[%get3A_6, %get3A_7] : memref<16x1xf32, #tpu.memory_space<vmem>>, vector<16x1xf32>
    %add3A = vector.broadcast %get3A_8 : vector<16x1xf32> to vector<16x131072xf32>
    %add3A_9 = arith.addf %dot_general3A_5, %add3A : vector<16x131072xf32>
    %max3A = arith.constant 0.000000e+00 : f32
    %max3A_10 = vector.broadcast %max3A : f32 to vector<16x131072xf32>
    %max3A_11 = arith.maximumf %add3A_9, %max3A_10 : vector<16x131072xf32>
    %get3A_12 = arith.constant 0 : index
    %get3A_13 = arith.constant 0 : index
    %get3A_14 = vector.load %arg4[%get3A_12, %get3A_13] : memref<3x16xf32, #tpu.memory_space<vmem>>, vector<3x16xf32>
    %dot_general3A_15 = arith.constant dense<0.000000e+00> : vector<3x131072xf32>
    %dot_general3A_16 = tpu.matmul %get3A_14, %max3A_11, %dot_general3A_15 {dimension_numbers = #tpu.dot_dimension_numbers<[1], [0], [0], [1], [0, 0, 1, 1], [], []>, transpose_lhs_hint = false} : vector<3x16xf32>, vector<16x131072xf32>, vector<3x131072xf32> -> vector<3x131072xf32>
    %get3A_17 = arith.constant 0 : index
    %get3A_18 = arith.constant 0 : index
    %get3A_19 = vector.load %arg5[%get3A_17, %get3A_18] : memref<3x1xf32, #tpu.memory_space<vmem>>, vector<3x1xf32>
    %add3A_20 = vector.broadcast %get3A_19 : vector<3x1xf32> to vector<3x131072xf32>
    %add3A_21 = arith.addf %dot_general3A_16, %add3A_20 : vector<3x131072xf32>
    %neg3A = arith.constant 0.000000e+00 : f32
    %neg3A_22 = vector.broadcast %neg3A : f32 to vector<3x131072xf32>
    %neg3A_23 = arith.subf %neg3A_22, %add3A_21 : vector<3x131072xf32>
    %exp3A = math.exp %neg3A_23 : vector<3x131072xf32>
    %add3A_24 = arith.constant 1.000000e+00 : f32
    %add3A_25 = vector.broadcast %add3A_24 : f32 to vector<3x131072xf32>
    %add3A_26 = arith.addf %add3A_25, %exp3A : vector<3x131072xf32>
    %div3A = arith.constant 1.000000e+00 : f32
    %div3A_27 = vector.broadcast %div3A : f32 to vector<3x131072xf32>
    %div3A_28 = arith.divf %div3A_27, %add3A_26 : vector<3x131072xf32>
    %swap3A = arith.constant 0 : index
    %swap3A_29 = arith.constant 0 : index
    %swap3A_30 = vector.load %arg6[%swap3A, %swap3A_29] : memref<3x131072xf32, #tpu.memory_space<vmem>>, vector<3x131072xf32>
    tpu.vector_store %arg6[%swap3A, %swap3A_29], %div3A_28 {strides = array<i32>} : memref<3x131072xf32, #tpu.memory_space<vmem>>, vector<3x131072xf32>,
    return
  }
  func.func @transform_0(%arg0: i32) -> (i32, i32) {
    %c0_i32 = arith.constant 0 : i32
    %c0_i32_0 = arith.constant 0 : i32
    return %c0_i32, %arg0 : i32, i32
  }
  func.func @transform_1(%arg0: i32) -> (i32, i32) {
    %c0_i32 = arith.constant 0 : i32
    %c0_i32_0 = arith.constant 0 : i32
    %c0_i32_1 = arith.constant 0 : i32
    return %c0_i32, %c0_i32_0 : i32, i32
  }
  func.func @transform_2(%arg0: i32) -> (i32, i32) {
    %c0_i32 = arith.constant 0 : i32
    %c0_i32_0 = arith.constant 0 : i32
    %c0_i32_1 = arith.constant 0 : i32
    return %c0_i32, %c0_i32_0 : i32, i32
  }
  func.func @transform_3(%arg0: i32) -> (i32, i32) {
    %c0_i32 = arith.constant 0 : i32
    %c0_i32_0 = arith.constant 0 : i32
    %c0_i32_1 = arith.constant 0 : i32
    return %c0_i32, %c0_i32_0 : i32, i32
  }
  func.func @transform_4(%arg0: i32) -> (i32, i32) {
    %c0_i32 = arith.constant 0 : i32
    %c0_i32_0 = arith.constant 0 : i32
    %c0_i32_1 = arith.constant 0 : i32
    return %c0_i32, %c0_i32_0 : i32, i32
  }
  func.func @transform_5(%arg0: i32) -> (i32, i32) {
    %c0_i32 = arith.constant 0 : i32
    %c0_i32_0 = arith.constant 0 : i32
    return %c0_i32, %arg0 : i32, i32
  }
}

</mosaic_0001>

<sc_bundles>
// kernel: kernel.4.cloned.1.call-start
scs
__scs_entry_jumppad:
0x0: {  	(pc) =	sbr.rel $0x88, $3  }
0x1: {  	(tag) =	ssettag $0x0;
	lr =	simm.s32 $0x1  }
0x2: {  	[smem:$0x3F99] =	sst lr;
	_ =	strace $0xD0000000  }
0x3: {  	_ = 	snop  }
0x4: {  	_ = 	snop  }
0x5: {  	_ = 	snop  }
0x6: {  	_ = 	snop  }
0x7: {  	_ = 	snop  }
__scs_overlays_trampoline_lowered:
0x8: {  	[smem:$0x3FA8] =	sst s0  }
0x9: {  	[smem:$0x3FA9] =	sst s1  }
0xa: {  	[smem:$0x3FAA] =	sst s2  }
0xb: {  	[smem:$0x3FAB] =	sst s3  }
0xc: {  	[smem:$0x3FAC] =	sst s4  }
0xd: {  	[smem:$0x3FAD] =	sst s5  }
0xe: {  	[smem:$0x3FAE] =	sst s6  }
0xf: {  	[smem:$0x3FAF] =	sst s7  }
0x10: {  	[smem:$0x3FB0] =	sst s8  }
0x11: {  	[smem:$0x3FB1] =	sst s9;
	s0 =	simm.s32 @!p0 $0x0  }
0x12: {  	s1 =	sld [smem:$0x3F97];
	s0 =	simm.s32 @p0 $0x1  }
0x13: {  	[smem:$0x3FB2] =	sst s0;
	s0 =	simm.s32 @!p1 $0x0  }
0x14: {  	s2 =	sld [smem:$0x3F96];
	s0 =	simm.s32 @p1 $0x1  }
0x15: {  	[smem:$0x3FB3] =	sst s0;
	s0 =	simm.s32 @!p2 $0x0  }
0x16: {  	s3 =	sld [smem:$0x3FDB];
	s0 =	simm.s32 @p2 $0x1  }
0x17: {  	s4 =	simm.s32 $0x1BF5;
	[smem:$0x3FB5] =	sst s0  }
0x18: {  	s0 =	sld [smem:$0x3F98];
	_ =	swait.ge [sflag:s4], $0x0  }
0x19: {  	s7 =	sld [smem:$0x3F99]  }
0x1a: {  	s8 =	sadd.s32 $0xFFFFE003, lr  }
0x1b: {  	s9 =	sadd.s32 $0xFFFFFEF7, lr;
	s5 =	simm.s32 $0xFFFFFFFF;
	p2 =	slt.u32 s8, $0xFFFFF086  }
0x1c: {  	p1 =	slt.u32 s9, $0xF7A;
	s5 =	simm.s32 @!p2 $0x0  }
0x1d: {  	s5 =	simm.s32 @p1 $0x1;
	p0 =	seq.s32 s7, s2  }
0x1e: {  	s7 =	smul.u32 @!p0 $0xF7A, s2;
	p2 =	seq.s32 @!p0 s5, $0x0  }
0x1f: {  	s9 =	smul.u32 $0xF7A, s1;
	s8 =	simm.s32 @!p0 $0x1BF5;
	p2 =	por !p2, p0  }
0x20: {  	[sflag:s8] =	ssyncset.s32 @!p0 $0xFFFFF086;
	s6 =	sadd.s32 @!p0 s3, s7;
	s7 =	simm.s32 @!p0 $0x108  }
0x21: {  	s3 =	sadd.s32 s3, s9;
	s6 =	sadd.s32 @!p0 $0x88, s6;
	s7 =	simm.s32 @p2 $0x1082  }
0x22: {  	[simem:s7], [sflag:s8] =	dma.local @!p0 [hbm:s6], $0xF7A  }
0x23: {  	s9 =	sor.u32 $0xD0000000, s2;
	s6 =	simm.s32 $0x108;
	_ =	swait.ge @!p0 [sflag:s8], $0x0  }
0x24: {  	s3 =	sadd.s32 $0x88, s3;
	s6 =	simm.s32 @!p1 $0x1082;
	[sflag:s4] =	ssyncset.s32 $0xFFFFF086  }
0x25: {  	[simem:s6], [sflag:s4] =	dma.local [hbm:s3], $0xF7A  }
0x26: {  	[smem:$0x3F99] =	sst s1;
	(tag) =	ssettag s2;
	_ =	strace s9  }
0x27: {  	s1 =	sld [smem:$0x3FA9]  }
0x28: {  	s2 =	sld [smem:$0x3FAA]  }
0x29: {  	s4 =	sld [smem:$0x3FAC]  }
0x2a: {  	p0 =	seq.s32 s5, $0x0;
	s5 =	sld [smem:$0x3FAD]  }
0x2b: {  	s6 =	sld [smem:$0x3FAE]  }
0x2c: {  	s7 =	sld [smem:$0x3FAF]  }
0x2d: {  	s3 =	simm.s32 $0x108;
	s8 =	sld [smem:$0x3FB0]  }
0x2e: {  	s3 =	simm.s32 @!p0 $0x1082;
	s9 =	sld [smem:$0x3FB1]  }
0x2f: {  	lr =	sadd.s32 s0, s3;
	s0 =	sld [smem:$0x3FA8]  }
0x30: {  	s3 =	sld [smem:$0x3FAB]  }
0x31: {  	[smem:$0x3FB4] =	sst s10  }
0x32: {  	s10 =	sld [smem:$0x3FB2];
	_ =	sdelay $0x3  }
0x33: {  	p0 =	seq.s32 s10, $0x1;
	s10 =	sld [smem:$0x3FB4];
	_ =	sdelay $0x3  }
0x34: {  	[smem:$0x3FB4] =	sst s10  }
0x35: {  	s10 =	sld [smem:$0x3FB3];
	_ =	sdelay $0x3  }
0x36: {  	p1 =	seq.s32 s10, $0x1;
	s10 =	sld [smem:$0x3FB4];
	_ =	sdelay $0x3  }
0x37: {  	[smem:$0x3FB4] =	sst s10  }
0x38: {  	s10 =	sld [smem:$0x3FB5]  }
0x39: {  	_ = 	snop;
	(pc) =	sbr.ind lr, $3  }
0x3a: {  	_ = 	snop  }
0x3b: {  	_ = 	snop  }
0x3c: {  	p2 =	seq.s32 s10, $0x1;
	s10 =	sld [smem:$0x3FB4]  }
0x3d: {  	_ =	shalt  }
0x3e: {  	_ =	shalt  }
0x3f: {  	_ =	shalt  }
0x40: {  	_ =	shalt  }
0x41: {  	_ =	shalt  }
0x42: {  	_ =	shalt  }
0x43: {  	_ =	shalt  }
0x44: {  	_ =	shalt  }
0x45: {  	_ =	shalt  }
0x46: {  	_ =	shalt  }
0x47: {  	_ =	shalt  }
0x48: {  	_ =	shalt  }
0x49: {  	_ =	shalt  }
0x4a: {  	_ =	shalt  }
0x4b: {  	_ =	shalt  }
0x4c: {  	_ =	shalt  }
0x4d: {  	_ =	shalt  }
0x4e: {  	_ =	shalt  }
0x4f: {  	_ =	shalt  }
0x50: {  	_ =	shalt  }
0x51: {  	_ =	shalt  }
0x52: {  	_ =	shalt  }
0x53: {  	_ =	shalt  }
0x54: {  	_ =	shalt  }
0x55: {  	_ =	shalt  }
0x56: {  	_ =	shalt  }
0x57: {  	_ =	shalt  }
0x58: {  	_ =	shalt  }
0x59: {  	_ =	shalt  }
0x5a: {  	_ =	shalt  }
0x5b: {  	_ =	shalt  }
0x5c: {  	_ =	shalt  }
0x5d: {  	_ =	shalt  }
0x5e: {  	_ =	shalt  }
0x5f: {  	_ =	shalt  }
0x60: {  	_ =	shalt  }
0x61: {  	_ =	shalt  }
0x62: {  	_ =	shalt  }
0x63: {  	_ =	shalt  }
0x64: {  	_ =	shalt  }
0x65: {  	_ =	shalt  }
0x66: {  	_ =	shalt  }
0x67: {  	_ =	shalt  }
0x68: {  	_ =	shalt  }
0x69: {  	_ =	shalt  }
0x6a: {  	_ =	shalt  }
0x6b: {  	_ =	shalt  }
0x6c: {  	_ =	shalt  }
0x6d: {  	_ =	shalt  }
0x6e: {  	_ =	shalt  }
0x6f: {  	_ =	shalt  }
0x70: {  	_ =	shalt  }
0x71: {  	_ =	shalt  }
0x72: {  	_ =	shalt  }
0x73: {  	_ =	shalt  }
0x74: {  	_ =	shalt  }
0x75: {  	_ =	shalt  }
0x76: {  	_ =	shalt  }
0x77: {  	_ =	shalt  }
0x78: {  	_ =	shalt  }
0x79: {  	_ =	shalt  }
0x7a: {  	_ =	shalt  }
0x7b: {  	_ =	shalt  }
0x7c: {  	_ =	shalt  }
0x7d: {  	_ =	shalt  }
0x7e: {  	_ =	shalt  }
0x7f: {  	_ =	shalt  }
0x80: {  	_ =	shalt  }
0x81: {  	_ =	shalt  }
0x82: {  	_ =	shalt  }
0x83: {  	_ =	shalt  }
0x84: {  	_ =	shalt  }
0x85: {  	_ =	shalt  }
0x86: {  	_ =	shalt  }
0x87: {  	_ =	shalt  }
.Lfunc_end0:
.L_simem_size_0:
called_computation_lowered:
.L_overlay_start_0:
0x88: {  	s2 =	sld [smem:$0x3FD9]  }
0x89: {  	s3 =	sld [smem:$0x3FFE];
	_ =	sdelay $0x1  }
0x8a: {  	s1 =	srdreg.scid  }
0x8b: {  	s0 =	sand.u32 $0x1, s1  }
0x8c: {  	s17 =	sshll.u32 s0, $0xA;
	s2 =	sadd.s32 s3, s2  }
0x8d: {  	s2 =	sadd.s32 s2, s17  }
0x8e: {  	[smem:$0x3FC0] =	sst s2  }
0x8f: {  	_ = 	snop  }
0x90: {  	s2 =	sld [smem:$0x3FC9]  }
0x91: {  	s18 =	sld [smem:$0x3FC8];
	(tm) =	ssettm $0x1  }
0x92: {  	s4 =	sld [smem:$0x3FFB];
	_ =	sdelay $0x3  }
0x93: {  	_ =	strace s4  }
0x94: {  	s4 =	sld [smem:$0x3FFC];
	_ =	sdelay $0x3  }
0x95: {  	_ =	strace s4  }
0x96: {  	s4 =	sld [smem:$0x3FFD];
	_ =	sdelay $0x3  }
0x97: {  	_ =	strace s4  }
0x98: {  	_ =	strace $0x8FFFFFFF  }
0x99: {  	s19 =	sld [smem:$0x3FDB];
	_ =	sdelay $0x1  }
0x9a: {  	s5 =	simm.s32 $_scs_section_size  }
0x9b: {  	s6 =	simm.s32 $_size__tile_overlayer_lowered;
	s7 =	simm.s32 $_tile_overlayer_lowered  }
0x9c: {  	s22 =	simm.s32 $0x1BFF;
	s21 =	sshll.u32 s7, $0x1;
	s4 =	sadd.s32 s5, s19  }
0x9d: {  	s8 =	simm.s32 $0x0;
	s20 =	sshll.u32 s6, $0x1;
	s6 =	sadd.s32 s21, s4  }
0x9e: {  	[timem:s8], [sflag:s22] =	dma.local [hbm:s6], s20  }
0x9f: {  	_ =	swait.ge [sflag:s22], s20  }
0xa0: {  	s5 =	ssub.s32 $0x0, s20;
	[sflag:s22] =	ssyncset.done $0x0  }
0xa1: {  	[sflag:s22] =	ssyncadd.s32 s5;
	_ =	sdelay $0x1  }
0xa2: {  	s23 =	simm.s32 $0x1B8B  }
0xa3: {  	_ =	swait.ge [sflag:s23], $0x1  }
0xa4: {  	[sflag:s23] =	ssyncset.done $0x0  }
0xa5: {  	s25 =	simm.s32 $0x1B8E;
	s24 =	sld [smem:$0x3FFE];
	[sflag:s23] =	ssyncadd.s32 $0xFFFFFFFF  }
0xa6: {  	s26 =	simm.s32 $execute0_lowered;
	[smem:$0x3FD2] =	sst s25  }
0xa7: {  	s6 =	sshll.u32 s26, $0x1;
	_ =	strace $0x80000046;
	[dreg:$0x1] =	wrdreg $0xFFFFFFFF  }
0xa8: {  	s28 =	simm.s32 $_size_execute0_lowered;
	s4 =	sadd.s32 s4, s6;
	[dreg:$0x0] =	wrdreg $0x0  }
0xa9: {  	s6 =	sshll.u32 s28, $0x1;
	[dreg:$0x2] =	wrdreg s4  }
0xaa: {  	[dreg:$0x3] =	wrdreg s6  }
0xab: {  	[dreg:$0x4] =	wrdreg $0xC0  }
0xac: {  	_ =	task [dreg:s8], $0x5FFFF  }
0xad: {  	[dreg:$0x1] =	wrdreg $0xFFFFFFFF  }
0xae: {  	[dreg:$0x0] =	wrdreg $0x60  }
0xaf: {  	[dreg:$0x2] =	wrdreg s2  }
0xb0: {  	[dreg:$0x3] =	wrdreg s18  }
0xb1: {  	[dreg:$0x4] =	wrdreg s24  }
0xb2: {  	[dreg:$0x5] =	wrdreg $0x9  }
0xb3: {  	_ =	task.clear_ibuf [dreg:s8], $0x6FFFF;
	_ =	strace $0x90000046  }
0xb4: {  	s29 =	simm.s32 $0x9;
	_ =	strace $0x80000048  }
0xb5: {  	_ =	swait.ge [sflag:s29], $0x1  }
0xb6: {  	[sflag:s29] =	ssyncadd.s32 $0xFFFFFFFF  }
0xb7: {  	_ =	strace $0x90000048  }
0xb8: {  	_ =	sfence  }
0xb9: {  	s30 =	sld [smem:$0x0];
	_ =	sdelay $0x2  }
0xba: {  	s31 =	sshll.u32 s1, $0xD;
	s1 =	sshrl.u32 s1, $0x2  }
0xbb: {  	s3 =	sand.u32 $0x4000, s31;
	s1 =	sadd.s32 s1, s30  }
0xbc: {  	s0 =	sor.u32 s3, s0;
	s1 =	sshll.u32 s1, $0x11  }
0xbd: {  	s0 =	sor.u32 s1, s0  }
0xbe: {  	s0 =	sadd.s32 $0x8F2B, s0  }
0xbf: {  	[sflag:s0] =	ssyncadd.remote.s32 $0x1  }
0xc0: {  	_ =	sfence.sel $0xFFFF  }
0xc1: {  	[dreg:$0x0] =	wrdreg $0xFFFFFFFF;
	(pc) =	sbr.abs _section_cstart, $3  }
0xc2: {  	[dreg:$0x1] =	wrdreg $0xFFFFFFFF  }
0xc3: {  	_ =	task.clear_ibuf [dreg:s8], $0x2FFFF;
	_ =	strace $0x9FFFFFFF  }
0xc4: {  	(tm) =	ssettm $0x7FFFFFFF  }
0xc5: {  	_ =	shalt  }
tec
execute0_lowered:
.L_overlay_start_1:
0x0: {  	(tag) =	ssettag $0x1  }
0x1: {  	s0 =	rddreg [dreg:$0x0]  }
0x2: {  	s6 =	rddreg [dreg:$0x1]  }
0x3: {  	s1 =	rddreg [dreg:$0x2];
	s3 =	simm.s32 $0x0  }
0x4: {  	[smem:$0x7FF] =	sst s3;
	s10 =	sadd.s32 $0x200, s6  }
0x5: {  	s11 =	sadd.s32 $0x400, s6;
	_ =	strace $0x80000047;
	[dreg:$0x4] =	wrdreg s10  }
0x6: {  	s12 =	sadd.s32 $0x600, s6;
	[dreg:$0x5] =	wrdreg s11  }
0x7: {  	s2 =	srdreg.scid;
	s13 =	sadd.s32 $0x800, s6;
	[dreg:$0x6] =	wrdreg s12  }
0x8: {  	s4 =	stileid.u32;
	s14 =	sadd.s32 $0xA00, s6;
	[dreg:$0x7] =	wrdreg s13  }
0x9: {  	s28 =	simm.s32 $0x4000;
	s15 =	sadd.s32 $0xC00, s6;
	[dreg:$0x8] =	wrdreg s14  }
0xa: {  	s29 =	simm.s32 $0x5000;
	s16 =	sadd.s32 $0xE00, s6;
	[dreg:$0x9] =	wrdreg s15  }
0xb: {  	s30 =	simm.s32 $0x6000;
	s17 =	sadd.s32 $0x1000, s6;
	[dreg:$0xa] =	wrdreg s16  }
0xc: {  	s31 =	simm.s32 $0x7000;
	s18 =	sadd.s32 $0x1200, s6;
	[dreg:$0xb] =	wrdreg s17  }
0xd: {  	s7 =	simm.s32 $0xE000;
	s19 =	sadd.s32 $0x1400, s6;
	[dreg:$0xc] =	wrdreg s18  }
0xe: {  	s8 =	simm.s32 $0xF000;
	s20 =	sadd.s32 $0x1600, s6;
	[dreg:$0xd] =	wrdreg s19  }
0xf: {  	s2 =	sand.u32 $0x1, s2;
	s21 =	sadd.s32 $0x1800, s6;
	[dreg:$0xe] =	wrdreg s20  }
0x10: {  	s4 =	sshll.u32 s4, $0xE;
	s22 =	sadd.s32 $0x1A00, s6;
	[dreg:$0xf] =	wrdreg s21  }
0x11: {  	s23 =	sadd.s32 $0x1C00, s6;
	s24 =	sadd.s32 $0x1E00, s6;
	[dreg:$0x10] =	wrdreg s22  }
0x12: {  	s6 =	simm.s32 $0xD000;
	s5 =	sshll.u32 s2, $0xD;
	[dreg:$0x12] =	wrdreg s23  }
0x13: {  	s2 =	ssub.s32 $0x2, s2;
	[dreg:$0x13] =	wrdreg s24;
	s24 =	simm.s32 $0x1000  }
0x14: {  	s11 =	simm.s32 $0x0;
	s4 =	sor.u32 s5, s4;
	s9 =	sshrl.u32 s2, $0x1  }
0x15: {  	s5 =	simm.s32 $0xC000;
	s1 =	sadd.s32 s4, s1;
	s4 =	sshrl.u32 s4, $0x2  }
0x16: {  	s2 =	ssub.s32 s2, s9;
	s0 =	sadd.s32 s0, s4;
	s25 =	sadd.s32 $0x1200, s1  }
0x17: {  	s26 =	smax.u32 s2, $0x1;
	s2 =	simm.s32 $0x9000;
	[dreg:$0x11] =	wrdreg s0  }
0x18: {  	s1 =	simm.s32 $0xA000;
	s4 =	simm.s32 $0xB000;
	[dreg:$0x15] =	wrdreg s25  }
0x19: {  	s0 =	sadd.s32 $0x10, s0;
	[dreg:$0x16] =	wrdreg s26;
	s25 =	simm.s32 $0x2000  }
0x1a: {  	s26 =	simm.s32 $0x3000;
	[dreg:$0x14] =	wrdreg s0;
	s0 =	simm.s32 $0x8000  }
.LBB2_1:
0x1b: {  	[dreg:$0x17] =	wrdreg s11  }
0x1c: {  	s9 =	rddreg [dreg:$0x1];
	s10 =	simm.s32 $0x3  }
0x1d: {  	[tilespmem:s3], [sflag:$0x3] =	stream.linear.gather [hbm4b:s9+s3], $0x1000, $0x38;
	[tilespmem:$0x18000] =	vst v63  }
0x1e: {  	_ =	swait.ge [sflag:s10], $0x1000  }
0x1f: {  	[sflag:s10] =	ssyncset.done $0x0  }
0x20: {  	s16 =	rddreg [dreg:$0x4];
	[sflag:s10] =	ssyncadd.s32 $0xFFFFF000  }
0x21: {  	[tilespmem:s24], [sflag:$0x3] =	stream.linear.gather [hbm4b:s16+s3], $0x1000, $0x38;
	[tilespmem:$0x18000] =	vst v63  }
0x22: {  	_ =	swait.ge [sflag:s10], $0x1000  }
0x23: {  	[sflag:s10] =	ssyncset.done $0x0  }
0x24: {  	s17 =	rddreg [dreg:$0x5];
	[sflag:s10] =	ssyncadd.s32 $0xFFFFF000  }
0x25: {  	[tilespmem:s25], [sflag:$0x3] =	stream.linear.gather [hbm4b:s17+s3], $0x1000, $0x38;
	[tilespmem:$0x18000] =	vst v63  }
0x26: {  	_ =	swait.ge [sflag:s10], $0x1000  }
0x27: {  	[sflag:s10] =	ssyncset.done $0x0  }
0x28: {  	s18 =	rddreg [dreg:$0x6];
	[sflag:s10] =	ssyncadd.s32 $0xFFFFF000  }
0x29: {  	[tilespmem:s26], [sflag:$0x3] =	stream.linear.gather [hbm4b:s18+s3], $0x1000, $0x38;
	[tilespmem:$0x18000] =	vst v63  }
0x2a: {  	_ =	swait.ge [sflag:s10], $0x1000  }
0x2b: {  	[sflag:s10] =	ssyncset.done $0x0  }
0x2c: {  	s19 =	rddreg [dreg:$0x7];
	[sflag:s10] =	ssyncadd.s32 $0xFFFFF000  }
0x2d: {  	[tilespmem:s28], [sflag:$0x3] =	stream.linear.gather [hbm4b:s19+s3], $0x1000, $0x38;
	[tilespmem:$0x18000] =	vst v63  }
0x2e: {  	_ =	swait.ge [sflag:s10], $0x1000  }
0x2f: {  	[sflag:s10] =	ssyncset.done $0x0  }
0x30: {  	s20 =	rddreg [dreg:$0x8];
	[sflag:s10] =	ssyncadd.s32 $0xFFFFF000  }
0x31: {  	[tilespmem:s29], [sflag:$0x3] =	stream.linear.gather [hbm4b:s20+s3], $0x1000, $0x38;
	[tilespmem:$0x18000] =	vst v63  }
0x32: {  	_ =	swait.ge [sflag:s10], $0x1000  }
0x33: {  	[sflag:s10] =	ssyncset.done $0x0  }
0x34: {  	s21 =	rddreg [dreg:$0x9];
	[sflag:s10] =	ssyncadd.s32 $0xFFFFF000  }
0x35: {  	[tilespmem:s30], [sflag:$0x3] =	stream.linear.gather [hbm4b:s21+s3], $0x1000, $0x38;
	[tilespmem:$0x18000] =	vst v63  }
0x36: {  	_ =	swait.ge [sflag:s10], $0x1000  }
0x37: {  	[sflag:s10] =	ssyncset.done $0x0  }
0x38: {  	s22 =	rddreg [dreg:$0xa];
	[sflag:s10] =	ssyncadd.s32 $0xFFFFF000  }
0x39: {  	[tilespmem:s31], [sflag:$0x3] =	stream.linear.gather [hbm4b:s22+s3], $0x1000, $0x38;
	[tilespmem:$0x18000] =	vst v63  }
0x3a: {  	_ =	swait.ge [sflag:s10], $0x1000  }
0x3b: {  	[sflag:s10] =	ssyncset.done $0x0  }
0x3c: {  	s23 =	rddreg [dreg:$0xb];
	[sflag:s10] =	ssyncadd.s32 $0xFFFFF000  }
0x3d: {  	[tilespmem:s0], [sflag:$0x3] =	stream.linear.gather [hbm4b:s23+s3], $0x1000, $0x38;
	[tilespmem:$0x18000] =	vst v63  }
0x3e: {  	_ =	swait.ge [sflag:s10], $0x1000  }
0x3f: {  	[sflag:s10] =	ssyncset.done $0x0  }
0x40: {  	s11 =	rddreg [dreg:$0xc];
	[sflag:s10] =	ssyncadd.s32 $0xFFFFF000  }
0x41: {  	[tilespmem:s2], [sflag:$0x3] =	stream.linear.gather [hbm4b:s11+s3], $0x1000, $0x38;
	[tilespmem:$0x18000] =	vst v63  }
0x42: {  	_ =	swait.ge [sflag:s10], $0x1000  }
0x43: {  	[sflag:s10] =	ssyncset.done $0x0  }
0x44: {  	s12 =	rddreg [dreg:$0xd];
	[sflag:s10] =	ssyncadd.s32 $0xFFFFF000  }
0x45: {  	[tilespmem:s1], [sflag:$0x3] =	stream.linear.gather [hbm4b:s12+s3], $0x1000, $0x38;
	[tilespmem:$0x18000] =	vst v63  }
0x46: {  	_ =	swait.ge [sflag:s10], $0x1000  }
0x47: {  	[sflag:s10] =	ssyncset.done $0x0  }
0x48: {  	s13 =	rddreg [dreg:$0xe];
	[sflag:s10] =	ssyncadd.s32 $0xFFFFF000  }
0x49: {  	[tilespmem:s4], [sflag:$0x3] =	stream.linear.gather [hbm4b:s13+s3], $0x1000, $0x38;
	[tilespmem:$0x18000] =	vst v63  }
0x4a: {  	_ =	swait.ge [sflag:s10], $0x1000  }
0x4b: {  	[sflag:s10] =	ssyncset.done $0x0  }
0x4c: {  	s14 =	rddreg [dreg:$0xf];
	[sflag:s10] =	ssyncadd.s32 $0xFFFFF000  }
0x4d: {  	[tilespmem:s5], [sflag:$0x3] =	stream.linear.gather [hbm4b:s14+s3], $0x1000, $0x38;
	[tilespmem:$0x18000] =	vst v63  }
0x4e: {  	_ =	swait.ge [sflag:s10], $0x1000  }
0x4f: {  	[sflag:s10] =	ssyncset.done $0x0  }
0x50: {  	s15 =	rddreg [dreg:$0x10];
	[sflag:s10] =	ssyncadd.s32 $0xFFFFF000  }
0x51: {  	[tilespmem:s6], [sflag:$0x3] =	stream.linear.gather [hbm4b:s15+s3], $0x1000, $0x38;
	[tilespmem:$0x18000] =	vst v63  }
0x52: {  	_ =	swait.ge [sflag:s10], $0x1000  }
0x53: {  	[sflag:s10] =	ssyncset.done $0x0  }
0x54: {  	s16 =	rddreg [dreg:$0x12];
	[sflag:s10] =	ssyncadd.s32 $0xFFFFF000  }
0x55: {  	[tilespmem:s7], [sflag:$0x3] =	stream.linear.gather [hbm4b:s16+s3], $0x1000, $0x38;
	[tilespmem:$0x18000] =	vst v63  }
0x56: {  	_ =	swait.ge [sflag:s10], $0x1000  }
0x57: {  	[sflag:s10] =	ssyncset.done $0x0  }
0x58: {  	s17 =	rddreg [dreg:$0x13];
	[sflag:s10] =	ssyncadd.s32 $0xFFFFF000  }
0x59: {  	[tilespmem:s8], [sflag:$0x3] =	stream.linear.gather [hbm4b:s17+s3], $0x1000, $0x38;
	[tilespmem:$0x18000] =	vst v63  }
0x5a: {  	_ =	swait.ge [sflag:s10], $0x1000  }
0x5b: {  	s19 =	simm.s32 $0x80;
	s12 =	simm.s32 $0x100;
	[sflag:s10] =	ssyncset.done $0x0  }
0x5c: {  	s13 =	simm.s32 $0x10000;
	s18 =	rddreg [dreg:$0x11];
	[sflag:s10] =	ssyncadd.s32 $0xFFFFF000  }
0x5d: {  	[tilespmem:s13], [sflag:$0x3] =	stream.strided.gather [hbm4b:s18+s19], $0x2000, s12, s19, $0x38;
	[tilespmem:$0x18000] =	vst v63  }
0x5e: {  	_ =	swait.ge [sflag:s10], $0x2000  }
0x5f: {  	s21 =	simm.s32 $0x12000;
	[sflag:s10] =	ssyncset.done $0x0  }
0x60: {  	s22 =	simm.s32 $0x10430;
	s20 =	rddreg [dreg:$0x14];
	[sflag:s10] =	ssyncadd.s32 $0xFFFFE000  }
0x61: {  	[tilespmem:s21], [sflag:$0x3] =	stream.strided.gather [hbm4b:s20+s19], $0x2000, s12, s19, $0x38;
	[tilespmem:$0x18000] =	vst v63  }
0x62: {  	s23 =	simm.s32 $0x12430;
	s14 =	simm.s32 $0x10020;
	_ =	swait.ge [sflag:s10], $0x2000  }
0x63: {  	s15 =	simm.s32 $0x12020;
	[dreg:$0x1a] =	wrdreg s22;
	[sflag:s10] =	ssyncset.done $0x0  }
0x64: {  	[dreg:$0x1b] =	wrdreg s23;
	[sflag:s10] =	ssyncadd.s32 $0xFFFFE000;
	s10 =	simm.s32 $0x0  }
.LBB2_2:
0x65: {  	p0 =	seq.s32 s10, $0x0;
	s20 =	sshll.u32 s10, $0xB;
	s22 =	simm.s32 $0xFFFFFFFC  }
0x66: {  	s17 =	simm.s32 $0x0;
	p1 =	por $0x0, $0x0;
	s9 =	simm.s32 @!p0 $0x1  }
0x67: {  	s13 =	simm.s32 $0x0;
	_ =	swait.ge @!p0 [sflag:s9], $0x2000;
	[dreg:$0x1c] =	wrdreg s10  }
0x68: {  	s11 =	simm.s32 $0x0;
	[dreg:$0x19] =	wrdreg s15;
	[sflag:s9] =	ssyncset.done @!p0 $0x0  }
0x69: {  	[dreg:$0x18] =	wrdreg s14;
	s10 =	simm.s32 $0x0;
	[sflag:s9] =	ssyncadd.s32 @!p0 $0xFFFFE000  }
.LBB2_3:
0x6a: {  	v2 =	vld [tilespmem:s15+$0xFFFFFFE0]  }
0x6b: {  	v1 =	vld [tilespmem:s14+$0xFFFFFFE0];
	_ =	sdelay $0x3  }
0x6c: {  	v0 =	vmul.f32 $1.600000000e+01, v2  }
0x6d: {  	v4 =	vmul.f32 $1.600000000e+01, v1;
	v7 =	vmul.f32 $2.000000000e+01, v2  }
0x6e: {  	v10 =	vmul.f32 $2.000000000e+01, v1;
	v3 =	vtrunc.f32 v0  }
0x6f: {  	v5 =	vtrunc.f32 v4;
	v3 =	vcvt.f32.s32 v3  }
0x70: {  	v11 =	vtrunc.f32 v7;
	v14 =	vtrunc.f32 v10  }
0x71: {  	v5 =	vcvt.f32.s32 v5;
	v11 =	vcvt.f32.s32 v11;
	v6 =	vmul.u32 $0x9E3779B1, v3  }
0x72: {  	v14 =	vcvt.f32.s32 v14  }
0x73: {  	v9 =	vadd.s32 $0x1, v5;
	v15 =	vmul.u32 $0x9E3779B1, v11;
	v12 =	vxor.u32 v5, v6  }
0x74: {  	v8 =	vadd.s32 $0x9E3779B1, v6;
	v6 =	vxor.u32 v9, v6;
	v12 =	vand.u32 $0xFFF, v12  }
0x75: {  	v58 =	vadd.s32 $0x1, v14;
	v16 =	vxor.u32 v14, v15;
	v6 =	vand.u32 $0xFFF, v6  }
0x76: {  	v17 =	vadd.s32 $0x9E3779B1, v15;
	v15 =	vxor.u32 v58, v15;
	v16 =	vand.u32 $0xFFF, v16  }
0x77: {  	v13 =	vxor.u32 v5, v8;
	v15 =	vand.u32 $0xFFF, v15  }
0x78: {  	v8 =	vxor.u32 v9, v8;
	v57 =	vand.u32 $0xFFF, v13  }
0x79: {  	v18 =	vxor.u32 v14, v17;
	v8 =	vand.u32 $0xFFF, v8;
	v12 =	vld.idx.msk [tilespmem:v12+s3+$0x0], $0xffff  }
0x7a: {  	v13 =	vxor.u32 v58, v17;
	v59 =	vand.u32 $0xFFF, v18;
	v6 =	vld.idx.msk [tilespmem:v6+s3+$0x0], $0xffff  }
0x7b: {  	v13 =	vand.u32 $0xFFF, v13;
	v16 =	vld.idx.msk [tilespmem:v16+s24+$0x0], $0xffff  }
0x7c: {  	v15 =	vld.idx.msk [tilespmem:v15+s24+$0x0], $0xffff  }
0x7d: {  	v9 =	vld.idx.msk [tilespmem:v57+s3+$0x0], $0xffff  }
0x7e: {  	v21 =	vmul.f32 $2.500000000e+01, v2;
	v23 =	vmul.f32 $2.500000000e+01, v1;
	v8 =	vld.idx.msk [tilespmem:v8+s3+$0x0], $0xffff  }
0x7f: {  	v27 =	vmul.f32 $3.200000000e+01, v2;
	v30 =	vmul.f32 $3.200000000e+01, v1;
	v17 =	vld.idx.msk [tilespmem:v59+s24+$0x0], $0xffff  }
0x80: {  	v22 =	vtrunc.f32 v21;
	v25 =	vtrunc.f32 v23;
	v13 =	vld.idx.msk [tilespmem:v13+s24+$0x0], $0xffff  }
0x81: {  	v5 =	vcvt.s32.f32 v5;
	v14 =	vcvt.s32.f32 v14  }
0x82: {  	v31 =	vtrunc.f32 v27;
	v34 =	vtrunc.f32 v30  }
0x83: {  	v3 =	vcvt.s32.f32 v3;
	v4 =	vsub.f32 v4, v5;
	v62 =	vsub.f32 v10, v14  }
0x84: {  	v20 =	vcvt.s32.f32 v11;
	v60 =	vsub.f32 v6, v12;
	v61 =	vsub.f32 v8, v9  }
0x85: {  	v63 =	vsub.f32 v15, v16;
	v8 =	vcvt.f32.s32 v22;
	v13 =	vsub.f32 v13, v17  }
0x86: {  	v5 =	vmul.f32 v60, v4;
	v14 =	vmul.f32 v61, v4  }
0x87: {  	v0 =	vsub.f32 v0, v3;
	v18 =	vmul.f32 v63, v62;
	v19 =	vmul.f32 v13, v62  }
0x88: {  	v15 =	vadd.f32 v5, v12;
	v13 =	vcvt.f32.s32 v31;
	v3 =	vadd.f32 v14, v9  }
0x89: {  	v26 =	vmul.u32 $0x9E3779B1, v8;
	v5 =	vadd.f32 v18, v16;
	v6 =	vadd.f32 v19, v17  }
0x8a: {  	v16 =	vcvt.f32.s32 v34;
	v35 =	vmul.u32 $0x9E3779B1, v13;
	v3 =	vsub.f32 v3, v15  }
0x8b: {  	v7 =	vsub.f32 v7, v20;
	v28 =	vadd.s32 $0x9E3779B1, v26;
	v6 =	vsub.f32 v6, v5  }
0x8c: {  	v38 =	vadd.s32 $0x1, v16;
	v39 =	vxor.u32 v16, v35;
	v0 =	vmul.f32 v3, v0  }
0x8d: {  	v40 =	vadd.s32 $0x9E3779B1, v35;
	v17 =	vxor.u32 v38, v35;
	v24 =	vmul.f32 v6, v7  }
0x8e: {  	v6 =	vcvt.f32.s32 v25;
	v0 =	vadd.f32 v0, v15;
	v15 =	vand.u32 $0xFFF, v39  }
0x8f: {  	s9 =	sand.u32 $0x1C00, s11;
	v41 =	vxor.u32 v16, v40;
	v17 =	vand.u32 $0xFFF, v17;
	v3 =	vadd.f32 v24, v5  }
0x90: {  	s12 =	sand.u32 $0x40, s17;
	s9 =	sor.u32 $0x14000, s9;
	v42 =	vand.u32 $0xFFF, v41;
	v29 =	vadd.s32 $0x1, v6;
	v32 =	vxor.u32 v6, v26  }
0x91: {  	s12 =	sor.u32 s12, s9;
	v33 =	vxor.u32 v6, v28;
	v14 =	vand.u32 $0xFFF, v32;
	v0 =	vpack.i.f32.bf16 v3, v0  }
0x92: {  	v7 =	vxor.u32 v29, v26;
	v37 =	vand.u32 $0xFFF, v33;
	[tilespmem:s12+$0x0] =	vst v0  }
0x93: {  	v36 =	vxor.u32 v29, v28;
	v7 =	vand.u32 $0xFFF, v7;
	v15 =	vld.idx.msk [tilespmem:v15+s26+$0x0], $0xffff  }
0x94: {  	v3 =	vand.u32 $0xFFF, v36;
	v0 =	vxor.u32 v38, v40;
	v17 =	vld.idx.msk [tilespmem:v17+s26+$0x0], $0xffff  }
0x95: {  	v0 =	vand.u32 $0xFFF, v0;
	v5 =	vld.idx.msk [tilespmem:v42+s26+$0x0], $0xffff  }
0x96: {  	v14 =	vld.idx.msk [tilespmem:v14+s25+$0x0], $0xffff  }
0x97: {  	v4 =	vld.idx.msk [tilespmem:v37+s25+$0x0], $0xffff  }
0x98: {  	v48 =	vmul.f32 $4.000000000e+01, v2;
	v7 =	vld.idx.msk [tilespmem:v7+s25+$0x0], $0xffff  }
0x99: {  	v50 =	vmul.f32 $4.000000000e+01, v1;
	v53 =	vmul.f32 $5.000000000e+01, v2;
	v3 =	vld.idx.msk [tilespmem:v3+s25+$0x0], $0xffff  }
0x9a: {  	v56 =	vmul.f32 $5.000000000e+01, v1;
	v49 =	vtrunc.f32 v48;
	v0 =	vld.idx.msk [tilespmem:v0+s26+$0x0], $0xffff  }
0x9b: {  	v16 =	vcvt.s32.f32 v16;
	v6 =	vcvt.s32.f32 v6  }
0x9c: {  	v57 =	vtrunc.f32 v53;
	v60 =	vtrunc.f32 v56  }
0x9d: {  	v8 =	vcvt.s32.f32 v8;
	v43 =	vsub.f32 v30, v16;
	v6 =	vsub.f32 v23, v6  }
0x9e: {  	v47 =	vcvt.s32.f32 v13;
	v7 =	vsub.f32 v7, v14;
	v3 =	vsub.f32 v3, v4  }
0x9f: {  	v13 =	vcvt.f32.s32 v57;
	v44 =	vsub.f32 v17, v15;
	v0 =	vsub.f32 v0, v5  }
0xa0: {  	v8 =	vsub.f32 v21, v8;
	v7 =	vmul.f32 v7, v6;
	v3 =	vmul.f32 v3, v6  }
0xa1: {  	v61 =	vmul.u32 $0x9E3779B1, v13;
	v46 =	vmul.f32 v44, v43;
	v0 =	vmul.f32 v0, v43  }
0xa2: {  	v16 =	vcvt.f32.s32 v60;
	v45 =	vadd.f32 v7, v14;
	v3 =	vadd.f32 v3, v4  }
0xa3: {  	v51 =	vtrunc.f32 v50;
	v7 =	vadd.f32 v46, v15;
	v0 =	vadd.f32 v0, v5  }
0xa4: {  	v21 =	vadd.s32 $0x1, v16;
	v23 =	vadd.s32 $0x9E3779B1, v61;
	v4 =	vsub.f32 v27, v47  }
0xa5: {  	v24 =	vxor.u32 v16, v23;
	v3 =	vsub.f32 v3, v45;
	v0 =	vsub.f32 v0, v7  }
0xa6: {  	v22 =	vxor.u32 v16, v61;
	v25 =	vand.u32 $0xFFF, v24;
	v5 =	vcvt.f32.s32 v49  }
0xa7: {  	v17 =	vxor.u32 v21, v61;
	v3 =	vmul.f32 v3, v8;
	v0 =	vmul.f32 v0, v4  }
0xa8: {  	v15 =	vand.u32 $0xFFF, v22;
	v52 =	vmul.u32 $0x9E3779B1, v5;
	v4 =	vcvt.f32.s32 v51  }
0xa9: {  	v17 =	vand.u32 $0xFFF, v17;
	v3 =	vadd.f32 v3, v45;
	v0 =	vadd.f32 v0, v7  }
0xaa: {  	v54 =	vadd.s32 $0x9E3779B1, v52;
	v55 =	vadd.s32 $0x1, v4;
	v58 =	vxor.u32 v4, v52  }
0xab: {  	v59 =	vxor.u32 v4, v54;
	v14 =	vand.u32 $0xFFF, v58;
	v0 =	vpack.i.f32.bf16 v0, v3  }
0xac: {  	v8 =	vxor.u32 v55, v52;
	v63 =	vand.u32 $0xFFF, v59;
	[tilespmem:s12+$0x80] =	vst v0  }
0xad: {  	v62 =	vxor.u32 v55, v54;
	v8 =	vand.u32 $0xFFF, v8;
	v15 =	vld.idx.msk [tilespmem:v15+s29+$0x0], $0xffff  }
0xae: {  	v3 =	vand.u32 $0xFFF, v62;
	v0 =	vxor.u32 v21, v23;
	v17 =	vld.idx.msk [tilespmem:v17+s29+$0x0], $0xffff  }
0xaf: {  	v0 =	vand.u32 $0xFFF, v0;
	v7 =	vld.idx.msk [tilespmem:v25+s29+$0x0], $0xffff  }
0xb0: {  	v14 =	vld.idx.msk [tilespmem:v14+s28+$0x0], $0xffff  }
0xb1: {  	v6 =	vld.idx.msk [tilespmem:v63+s28+$0x0], $0xffff  }
0xb2: {  	v8 =	vld.idx.msk [tilespmem:v8+s28+$0x0], $0xffff  }
0xb3: {  	v31 =	vmul.f32 $6.400000000e+01, v2;
	v30 =	vcvt.s32.f32 v13;
	v3 =	vld.idx.msk [tilespmem:v3+s28+$0x0], $0xffff  }
0xb4: {  	v39 =	vmul.f32 $8.000000000e+01, v1;
	v33 =	vmul.f32 $6.400000000e+01, v1;
	v0 =	vld.idx.msk [tilespmem:v0+s29+$0x0], $0xffff  }
0xb5: {  	v16 =	vcvt.s32.f32 v16;
	v4 =	vcvt.s32.f32 v4  }
0xb6: {  	v32 =	vtrunc.f32 v31;
	v36 =	vmul.f32 $8.000000000e+01, v2  }
0xb7: {  	v34 =	vtrunc.f32 v33;
	v26 =	vsub.f32 v56, v16;
	v4 =	vsub.f32 v50, v4  }
0xb8: {  	v40 =	vtrunc.f32 v36;
	v8 =	vsub.f32 v8, v14;
	v3 =	vsub.f32 v3, v6  }
0xb9: {  	v13 =	vcvt.f32.s32 v40;
	v27 =	vsub.f32 v17, v15;
	v0 =	vsub.f32 v0, v7  }
0xba: {  	v8 =	vmul.f32 v8, v4;
	v3 =	vmul.f32 v3, v4  }
0xbb: {  	v44 =	vmul.u32 $0x9E3779B1, v13;
	v29 =	vmul.f32 v27, v26;
	v0 =	vmul.f32 v0, v26  }
0xbc: {  	v5 =	vcvt.s32.f32 v5;
	v28 =	vadd.f32 v8, v14;
	v3 =	vadd.f32 v3, v6  }
0xbd: {  	v43 =	vtrunc.f32 v39;
	v8 =	vadd.f32 v29, v15;
	v0 =	vadd.f32 v0, v7  }
0xbe: {  	v5 =	vsub.f32 v48, v5;
	v3 =	vsub.f32 v3, v28;
	v7 =	vcvt.f32.s32 v32  }
0xbf: {  	v16 =	vcvt.f32.s32 v43;
	v6 =	vsub.f32 v53, v30;
	v0 =	vsub.f32 v0, v8  }
0xc0: {  	v3 =	vmul.f32 v3, v5;
	v35 =	vmul.u32 $0x9E3779B1, v7;
	v5 =	vcvt.f32.s32 v34  }
0xc1: {  	v49 =	vadd.s32 $0x9E3779B1, v44;
	v47 =	vadd.s32 $0x1, v16  }
0xc2: {  	v48 =	vxor.u32 v16, v44;
	v0 =	vmul.f32 v0, v6;
	v41 =	vxor.u32 v5, v35  }
0xc3: {  	v50 =	vxor.u32 v16, v49;
	v17 =	vxor.u32 v47, v44;
	v14 =	vand.u32 $0xFFF, v41  }
0xc4: {  	v15 =	vand.u32 $0xFFF, v48;
	v3 =	vadd.f32 v3, v28;
	v0 =	vadd.f32 v0, v8  }
0xc5: {  	v51 =	vand.u32 $0xFFF, v50;
	v17 =	vand.u32 $0xFFF, v17;
	v38 =	vadd.s32 $0x1, v5  }
0xc6: {  	v37 =	vadd.s32 $0x9E3779B1, v35;
	v6 =	vxor.u32 v38, v35;
	v0 =	vpack.i.f32.bf16 v0, v3  }
0xc7: {  	v42 =	vxor.u32 v5, v37;
	v6 =	vand.u32 $0xFFF, v6;
	[tilespmem:s12+$0x100] =	vst v0  }
0xc8: {  	v45 =	vxor.u32 v38, v37;
	v46 =	vand.u32 $0xFFF, v42;
	v14 =	vld.idx.msk [tilespmem:v14+s30+$0x0], $0xffff  }
0xc9: {  	v3 =	vand.u32 $0xFFF, v45;
	v0 =	vxor.u32 v47, v49;
	v15 =	vld.idx.msk [tilespmem:v15+s31+$0x0], $0xffff  }
0xca: {  	v0 =	vand.u32 $0xFFF, v0;
	v17 =	vld.idx.msk [tilespmem:v17+s31+$0x0], $0xffff  }
0xcb: {  	v8 =	vld.idx.msk [tilespmem:v51+s31+$0x0], $0xffff  }
0xcc: {  	v57 =	vmul.f32 $1.010000000e+02, v2;
	v6 =	vld.idx.msk [tilespmem:v6+s30+$0x0], $0xffff  }
0xcd: {  	v56 =	vcvt.s32.f32 v13;
	v4 =	vld.idx.msk [tilespmem:v46+s30+$0x0], $0xffff  }
0xce: {  	v58 =	vtrunc.f32 v57;
	v59 =	vmul.f32 $1.010000000e+02, v1;
	v3 =	vld.idx.msk [tilespmem:v3+s30+$0x0], $0xffff  }
0xcf: {  	v16 =	vcvt.s32.f32 v16;
	v62 =	vmul.f32 $1.280000000e+02, v2;
	v0 =	vld.idx.msk [tilespmem:v0+s31+$0x0], $0xffff  }
0xd0: {  	v60 =	vtrunc.f32 v59;
	v5 =	vcvt.s32.f32 v5  }
0xd1: {  	v21 =	vmul.f32 $1.280000000e+02, v1;
	v22 =	vtrunc.f32 v62  }
0xd2: {  	v52 =	vsub.f32 v39, v16;
	v13 =	vcvt.f32.s32 v22;
	v5 =	vsub.f32 v33, v5  }
0xd3: {  	v25 =	vtrunc.f32 v21;
	v53 =	vsub.f32 v17, v15;
	v6 =	vsub.f32 v6, v14  }
0xd4: {  	v16 =	vcvt.f32.s32 v25;
	v3 =	vsub.f32 v3, v4;
	v0 =	vsub.f32 v0, v8  }
0xd5: {  	v55 =	vmul.f32 v53, v52;
	v6 =	vmul.f32 v6, v5  }
0xd6: {  	v26 =	vmul.u32 $0x9E3779B1, v13;
	v3 =	vmul.f32 v3, v5;
	v0 =	vmul.f32 v0, v52  }
0xd7: {  	v7 =	vcvt.s32.f32 v7;
	v54 =	vadd.f32 v6, v14;
	v6 =	vadd.f32 v55, v15  }
0xd8: {  	v29 =	vadd.s32 $0x1, v16;
	v3 =	vadd.f32 v3, v4;
	v0 =	vadd.f32 v0, v8  }
0xd9: {  	v7 =	vsub.f32 v31, v7;
	v31 =	vadd.s32 $0x9E3779B1, v26;
	v4 =	vsub.f32 v36, v56  }
0xda: {  	v32 =	vxor.u32 v16, v31;
	v3 =	vsub.f32 v3, v54;
	v0 =	vsub.f32 v0, v6  }
0xdb: {  	v30 =	vxor.u32 v16, v26;
	v33 =	vand.u32 $0xFFF, v32;
	v8 =	vcvt.f32.s32 v58  }
0xdc: {  	v17 =	vxor.u32 v29, v26;
	v3 =	vmul.f32 v3, v7;
	v0 =	vmul.f32 v0, v4  }
0xdd: {  	v15 =	vand.u32 $0xFFF, v30;
	v61 =	vmul.u32 $0x9E3779B1, v8;
	v4 =	vcvt.f32.s32 v60  }
0xde: {  	v17 =	vand.u32 $0xFFF, v17;
	v3 =	vadd.f32 v3, v54;
	v0 =	vadd.f32 v0, v6  }
0xdf: {  	v63 =	vadd.s32 $0x9E3779B1, v61;
	v20 =	vadd.s32 $0x1, v4;
	v23 =	vxor.u32 v4, v61  }
0xe0: {  	v24 =	vxor.u32 v4, v63;
	v14 =	vand.u32 $0xFFF, v23;
	v0 =	vpack.i.f32.bf16 v0, v3  }
0xe1: {  	v7 =	vxor.u32 v20, v61;
	v28 =	vand.u32 $0xFFF, v24;
	[tilespmem:s12+$0x180] =	vst v0  }
0xe2: {  	v27 =	vxor.u32 v20, v63;
	v7 =	vand.u32 $0xFFF, v7;
	v15 =	vld.idx.msk [tilespmem:v15+s2+$0x0], $0xffff  }
0xe3: {  	v3 =	vand.u32 $0xFFF, v27;
	v0 =	vxor.u32 v29, v31;
	v17 =	vld.idx.msk [tilespmem:v17+s2+$0x0], $0xffff  }
0xe4: {  	v0 =	vand.u32 $0xFFF, v0;
	v6 =	vld.idx.msk [tilespmem:v33+s2+$0x0], $0xffff  }
0xe5: {  	v14 =	vld.idx.msk [tilespmem:v14+s0+$0x0], $0xffff  }
0xe6: {  	v5 =	vld.idx.msk [tilespmem:v28+s0+$0x0], $0xffff  }
0xe7: {  	v7 =	vld.idx.msk [tilespmem:v7+s0+$0x0], $0xffff  }
0xe8: {  	v3 =	vld.idx.msk [tilespmem:v3+s0+$0x0], $0xffff  }
0xe9: {  	v0 =	vld.idx.msk [tilespmem:v0+s2+$0x0], $0xffff  }
0xea: {  	v34 =	vcvt.s32.f32 v16;
	v4 =	vcvt.s32.f32 v4  }
0xeb: {  	v12 =	vmul.f32 $1.610000000e+02, v2  }
0xec: {  	v10 =	vsub.f32 v21, v34;
	v37 =	vmul.f32 $1.610000000e+02, v1;
	v4 =	vsub.f32 v59, v4  }
0xed: {  	v38 =	vtrunc.f32 v12;
	v7 =	vsub.f32 v7, v14;
	v3 =	vsub.f32 v3, v5  }
0xee: {  	v36 =	vcvt.s32.f32 v13;
	v35 =	vsub.f32 v17, v15;
	v0 =	vsub.f32 v0, v6  }
0xef: {  	v7 =	vmul.f32 v7, v4;
	v3 =	vmul.f32 v3, v4  }
0xf0: {  	v4 =	vmul.f32 v35, v10;
	v0 =	vmul.f32 v0, v10  }
0xf1: {  	v8 =	vcvt.s32.f32 v8;
	v7 =	vadd.f32 v7, v14;
	v3 =	vadd.f32 v3, v5  }
0xf2: {  	v39 =	vtrunc.f32 v37;
	v4 =	vadd.f32 v4, v15;
	v0 =	vadd.f32 v0, v6  }
0xf3: {  	v9 =	vsub.f32 v62, v36;
	v8 =	vsub.f32 v57, v8;
	v6 =	vcvt.f32.s32 v38  }
0xf4: {  	v10 =	vcvt.f32.s32 v39;
	v3 =	vsub.f32 v3, v7;
	v0 =	vsub.f32 v0, v4  }
0xf5: {  	v40 =	vmul.u32 $0x9E3779B1, v6  }
0xf6: {  	s12 =	simm.s32 $0x1;
	v41 =	vadd.s32 $0x1, v10;
	v3 =	vmul.f32 v3, v8;
	v0 =	vmul.f32 v0, v9  }
0xf7: {  	v47 =	vmul.f32 $2.030000000e+02, v1;
	s12 =	simm.s32 @!p1 $0x0;
	v42 =	vxor.u32 v10, v40;
	v43 =	vxor.u32 v41, v40  }
0xf8: {  	s12 =	sshll.u32 s12, $0x6;
	v3 =	vadd.f32 v3, v7;
	v9 =	vand.u32 $0xFFF, v42;
	v0 =	vadd.f32 v0, v4  }
0xf9: {  	s12 =	sadd.s32 s12, s11;
	v44 =	vand.u32 $0xFFF, v43  }
0xfa: {  	v52 =	vtrunc.f32 v47;
	s16 =	sor.u32 $0x200, s12;
	v46 =	vadd.s32 $0x9E3779B1, v40;
	v0 =	vpack.i.f32.bf16 v0, v3  }
0xfb: {  	v53 =	vcvt.f32.s32 v52;
	v3 =	vxor.u32 v41, v46;
	[tilespmem:s16+$0x14000] =	vst v0;
	v0 =	vld [tilespmem:s15+$0xFFFFFFF0]  }
0xfc: {  	v51 =	vand.u32 $0xFFF, v3;
	v3 =	vld [tilespmem:s14+$0xFFFFFFF0]  }
0xfd: {  	v55 =	vadd.s32 $0x1, v53;
	v45 =	vld.idx.msk [tilespmem:v9+s1+$0x0], $0xffff;
	v9 =	vmul.f32 $2.030000000e+02, v2  }
0xfe: {  	v15 =	vcvt.s32.f32 v53;
	v6 =	vcvt.s32.f32 v6;
	v11 =	vxor.u32 v10, v46;
	v4 =	vld.idx.msk [tilespmem:v44+s1+$0x0], $0xffff  }
0xff: {  	v10 =	vcvt.s32.f32 v10;
	v49 =	vand.u32 $0xFFF, v11;
	v48 =	vtrunc.f32 v9  }
0x100: {  	v13 =	vsub.f32 v47, v15;
	v50 =	vcvt.f32.s32 v48;
	v57 =	vmul.f32 $1.600000000e+01, v0  }
0x101: {  	v5 =	vsub.f32 v37, v10;
	v22 =	vmul.f32 $1.600000000e+01, v3;
	v24 =	vmul.f32 $2.000000000e+01, v0  }
0x102: {  	v26 =	vmul.f32 $2.000000000e+01, v3;
	v54 =	vmul.u32 $0x9E3779B1, v50;
	v42 =	vcvt.s32.f32 v50  }
0x103: {  	v4 =	vsub.f32 v4, v45;
	v20 =	vtrunc.f32 v57;
	v59 =	vtrunc.f32 v22  }
0x104: {  	v6 =	vsub.f32 v12, v6;
	v8 =	vld.idx.msk [tilespmem:v49+s1+$0x0], $0xffff;
	v27 =	vtrunc.f32 v24;
	v30 =	vtrunc.f32 v26  }
0x105: {  	v14 =	vld.idx.msk [tilespmem:v51+s1+$0x0], $0xffff;
	v56 =	vxor.u32 v53, v54;
	v4 =	vmul.f32 v4, v5;
	v19 =	vxor.u32 v55, v54  }
0x106: {  	v16 =	vadd.s32 $0x9E3779B1, v54;
	v20 =	vcvt.f32.s32 v20;
	v27 =	vcvt.f32.s32 v27  }
0x107: {  	v30 =	vcvt.f32.s32 v30;
	v17 =	vand.u32 $0xFFF, v56;
	v19 =	vand.u32 $0xFFF, v19  }
0x108: {  	v21 =	vxor.u32 v53, v16;
	v10 =	vxor.u32 v55, v16;
	v53 =	vmul.f32 $2.500000000e+01, v0  }
0x109: {  	v56 =	vmul.f32 $2.500000000e+01, v3;
	v58 =	vand.u32 $0xFFF, v21;
	v10 =	vand.u32 $0xFFF, v10  }
0x10a: {  	v23 =	vmul.u32 $0x9E3779B1, v20;
	v21 =	vcvt.f32.s32 v59;
	v14 =	vsub.f32 v14, v8  }
0x10b: {  	v31 =	vmul.u32 $0x9E3779B1, v27;
	v63 =	vadd.s32 $0x1, v30;
	v50 =	vcvt.s32.f32 v30  }
0x10c: {  	v7 =	vadd.f32 v4, v45;
	v20 =	vcvt.s32.f32 v20;
	v52 =	vcvt.s32.f32 v27  }
0x10d: {  	v55 =	vtrunc.f32 v53;
	v61 =	vadd.s32 $0x9E3779B1, v23;
	v25 =	vadd.s32 $0x1, v21  }
0x10e: {  	v28 =	vxor.u32 v21, v23;
	v32 =	vxor.u32 v30, v31;
	v33 =	vadd.s32 $0x9E3779B1, v31  }
0x10f: {  	v31 =	vxor.u32 v63, v31;
	v5 =	vmul.f32 v14, v5;
	v28 =	vand.u32 $0xFFF, v28  }
0x110: {  	v49 =	vcvt.s32.f32 v21;
	v18 =	vsub.f32 v57, v20;
	v32 =	vand.u32 $0xFFF, v32;
	v17 =	vld.idx.msk [tilespmem:v17+s4+$0x0], $0xffff  }
0x111: {  	v57 =	vtrunc.f32 v56;
	v23 =	vxor.u32 v25, v23;
	v31 =	vand.u32 $0xFFF, v31;
	v60 =	vld.idx.msk [tilespmem:v19+s4+$0x0], $0xffff  }
0x112: {  	v29 =	vxor.u32 v21, v61;
	v23 =	vand.u32 $0xFFF, v23;
	v40 =	vadd.f32 v5, v8;
	v16 =	vld.idx.msk [tilespmem:v58+s4+$0x0], $0xffff  }
0x113: {  	v59 =	vcvt.f32.s32 v57;
	v19 =	vxor.u32 v25, v61;
	v62 =	vand.u32 $0xFFF, v29;
	v10 =	vld.idx.msk [tilespmem:v10+s4+$0x0], $0xffff  }
0x114: {  	v34 =	vxor.u32 v30, v33;
	v19 =	vand.u32 $0xFFF, v19;
	v4 =	vsub.f32 v40, v7;
	v28 =	vld.idx.msk [tilespmem:v28+s3+$0x0], $0xffff  }
0x115: {  	v37 =	vxor.u32 v63, v33;
	v63 =	vmul.f32 $3.200000000e+01, v3;
	v11 =	vcvt.s32.f32 v59;
	v44 =	vld.idx.msk [tilespmem:v32+s24+$0x0], $0xffff  }
0x116: {  	v38 =	vand.u32 $0xFFF, v34;
	v5 =	vsub.f32 v9, v42;
	v45 =	vld.idx.msk [tilespmem:v31+s24+$0x0], $0xffff;
	v6 =	vmul.f32 v4, v6  }
0x117: {  	v11 =	vsub.f32 v56, v11;
	v4 =	vmul.f32 $2.560000000e+02, v2;
	v31 =	vtrunc.f32 v63;
	v36 =	vld.idx.msk [tilespmem:v23+s3+$0x0], $0xffff  }
0x118: {  	v15 =	vsub.f32 v60, v17;
	v39 =	vld.idx.msk [tilespmem:v62+s3+$0x0], $0xffff;
	v23 =	vand.u32 $0xFFF, v37;
	v60 =	vmul.f32 $3.200000000e+01, v0  }
0x119: {  	v62 =	vadd.s32 $0x1, v59;
	v10 =	vsub.f32 v10, v16;
	v41 =	vld.idx.msk [tilespmem:v19+s3+$0x0], $0xffff;
	v19 =	vsub.f32 v26, v50  }
0x11a: {  	v54 =	vtrunc.f32 v4;
	v7 =	vadd.f32 v6, v7;
	v15 =	vmul.f32 v15, v13  }
0x11b: {  	v6 =	vcvt.f32.s32 v54;
	v10 =	vmul.f32 v10, v13;
	v13 =	vsub.f32 v24, v52  }
0x11c: {  	v24 =	vcvt.f32.s32 v31;
	v31 =	vmul.f32 $3.220000000e+02, v1;
	v43 =	vadd.f32 v15, v17  }
0x11d: {  	v17 =	vsub.f32 v22, v49;
	v12 =	vsub.f32 v45, v44;
	v15 =	vcvt.f32.s32 v55  }
0x11e: {  	v10 =	vadd.f32 v10, v16;
	v14 =	vsub.f32 v36, v28;
	v35 =	vadd.s32 $0x1, v24  }
0x11f: {  	v47 =	vld.idx.msk [tilespmem:v38+s24+$0x0], $0xffff;
	v8 =	vsub.f32 v41, v39;
	v12 =	vmul.f32 v12, v19;
	v58 =	vmul.u32 $0x9E3779B1, v15  }
0x120: {  	v48 =	vld.idx.msk [tilespmem:v23+s24+$0x0], $0xffff;
	v15 =	vcvt.s32.f32 v15;
	v46 =	vsub.f32 v10, v43;
	v14 =	vmul.f32 v14, v17  }
0x121: {  	v8 =	vmul.f32 v8, v17;
	v12 =	vadd.f32 v12, v44;
	v61 =	vadd.s32 $0x9E3779B1, v58  }
0x122: {  	v29 =	vxor.u32 v59, v58;
	v15 =	vsub.f32 v53, v15;
	v17 =	vmul.f32 $4.000000000e+01, v0  }
0x123: {  	v9 =	vmul.f32 v46, v5;
	v5 =	vmul.f32 $2.560000000e+02, v1;
	v14 =	vadd.f32 v14, v28  }
0x124: {  	v28 =	vtrunc.f32 v60;
	v30 =	vxor.u32 v59, v61;
	v22 =	vand.u32 $0xFFF, v29  }
0x125: {  	v16 =	vsub.f32 v48, v47;
	v8 =	vadd.f32 v8, v39;
	v20 =	vcvt.f32.s32 v28  }
0x126: {  	v39 =	vmul.u32 $0x9E3779B1, v6;
	v51 =	vtrunc.f32 v5;
	v9 =	vadd.f32 v9, v43  }
0x127: {  	v16 =	vmul.f32 v16, v19;
	v8 =	vsub.f32 v8, v14;
	v32 =	vmul.u32 $0x9E3779B1, v20  }
0x128: {  	v21 =	vcvt.f32.s32 v51;
	v41 =	vadd.s32 $0x9E3779B1, v39;
	v9 =	vpack.i.f32.bf16 v9, v7  }
0x129: {  	v10 =	vadd.f32 v16, v47;
	v8 =	vmul.f32 v8, v18;
	v36 =	vxor.u32 v24, v32  }
0x12a: {  	v37 =	vadd.s32 $0x9E3779B1, v32;
	v26 =	vcvt.s32.f32 v21;
	v43 =	vxor.u32 v21, v39  }
0x12b: {  	v42 =	vadd.s32 $0x1, v21;
	v21 =	vxor.u32 v21, v41;
	v45 =	vand.u32 $0xFFF, v43  }
0x12c: {  	s23 =	sadd.s32 $0x10, s17;
	v27 =	vxor.u32 v42, v39;
	v21 =	vand.u32 $0xFFF, v21;
	v10 =	vsub.f32 v10, v12  }
0x12d: {  	s18 =	sand.u32 $0x50, s23;
	v38 =	vxor.u32 v24, v37;
	v28 =	vxor.u32 v42, v41;
	v27 =	vand.u32 $0xFFF, v27  }
0x12e: {  	s16 =	sor.u32 s18, s9;
	s18 =	sor.u32 $0x280, s12;
	v24 =	vcvt.s32.f32 v24;
	v28 =	vand.u32 $0xFFF, v28;
	v10 =	vmul.f32 v10, v13  }
0x12f: {  	v7 =	vmul.f32 $3.220000000e+02, v2;
	v18 =	vxor.u32 v62, v58;
	[tilespmem:s18+$0x14000] =	vst v9;
	v8 =	vadd.f32 v8, v14  }
0x130: {  	v18 =	vand.u32 $0xFFF, v18;
	v49 =	vsub.f32 v63, v24;
	v10 =	vadd.f32 v10, v12;
	v63 =	vld.idx.msk [tilespmem:v45+s5+$0x0], $0xffff  }
0x131: {  	v34 =	vand.u32 $0xFFF, v30;
	v25 =	vxor.u32 v35, v32;
	v44 =	vtrunc.f32 v7;
	v21 =	vld.idx.msk [tilespmem:v21+s5+$0x0], $0xffff  }
0x132: {  	v23 =	vand.u32 $0xFFF, v36;
	v32 =	vcvt.f32.s32 v44;
	v43 =	vld.idx.msk [tilespmem:v27+s5+$0x0], $0xffff;
	v8 =	vpack.i.f32.bf16 v10, v8  }
0x133: {  	v33 =	vxor.u32 v62, v61;
	v46 =	vtrunc.f32 v31;
	v25 =	vand.u32 $0xFFF, v25;
	v28 =	vld.idx.msk [tilespmem:v28+s5+$0x0], $0xffff;
	[tilespmem:s16+$0x0] =	vst v8  }
0x134: {  	v30 =	vcvt.f32.s32 v46;
	v47 =	vmul.u32 $0x9E3779B1, v32;
	v10 =	vand.u32 $0xFFF, v33;
	v22 =	vld.idx.msk [tilespmem:v22+s25+$0x0], $0xffff  }
0x135: {  	v56 =	vtrunc.f32 v17;
	v40 =	vand.u32 $0xFFF, v38;
	v8 =	vxor.u32 v35, v37;
	v18 =	vld.idx.msk [tilespmem:v18+s25+$0x0], $0xffff  }
0x136: {  	v6 =	vcvt.s32.f32 v6;
	v36 =	vxor.u32 v30, v47;
	v12 =	vld.idx.msk [tilespmem:v34+s25+$0x0], $0xffff;
	v8 =	vand.u32 $0xFFF, v8  }
0x137: {  	v54 =	vcvt.s32.f32 v20;
	v41 =	vmul.f32 $5.000000000e+01, v3;
	v57 =	vand.u32 $0xFFF, v36;
	v23 =	vld.idx.msk [tilespmem:v23+s26+$0x0], $0xffff  }
0x138: {  	v4 =	vsub.f32 v4, v6;
	v39 =	vmul.f32 $6.400000000e+01, v3;
	v35 =	vadd.s32 $0x1, v30;
	v25 =	vld.idx.msk [tilespmem:v25+s26+$0x0], $0xffff  }
0x139: {  	v5 =	vsub.f32 v5, v26;
	v46 =	vtrunc.f32 v41;
	v51 =	vxor.u32 v35, v47;
	v10 =	vld.idx.msk [tilespmem:v10+s25+$0x0], $0xffff  }
0x13a: {  	v13 =	vcvt.f32.s32 v56;
	v33 =	vcvt.f32.s32 v46;
	v14 =	vld.idx.msk [tilespmem:v40+s26+$0x0], $0xffff;
	v58 =	vand.u32 $0xFFF, v51  }
0x13b: {  	v46 =	vmul.f32 $8.000000000e+01, v3;
	v34 =	vadd.s32 $0x9E3779B1, v47;
	v8 =	vld.idx.msk [tilespmem:v8+s26+$0x0], $0xffff;
	v48 =	vsub.f32 v18, v22  }
0x13c: {  	v55 =	vxor.u32 v30, v34;
	v51 =	vadd.s32 $0x1, v33;
	v19 =	vld.idx.msk [tilespmem:v57+s6+$0x0], $0xffff;
	v57 =	vsub.f32 v28, v21  }
0x13d: {  	v50 =	vsub.f32 v25, v23;
	v18 =	vand.u32 $0xFFF, v55;
	v16 =	vmul.f32 v48, v11  }
0x13e: {  	v25 =	vsub.f32 v43, v63;
	v43 =	vmul.f32 $8.000000000e+01, v0;
	v10 =	vsub.f32 v10, v12  }
0x13f: {  	v53 =	vmul.f32 v50, v49;
	v50 =	vld.idx.msk [tilespmem:v58+s6+$0x0], $0xffff;
	v58 =	vxor.u32 v35, v34;
	v52 =	vadd.f32 v16, v22  }
0x140: {  	v22 =	vmul.f32 $5.000000000e+01, v0;
	v8 =	vsub.f32 v8, v14;
	v10 =	vmul.f32 v10, v11  }
0x141: {  	v25 =	vmul.f32 v25, v5;
	v5 =	vmul.f32 v57, v5;
	v16 =	vadd.f32 v53, v23  }
0x142: {  	v42 =	vtrunc.f32 v22;
	v8 =	vmul.f32 v8, v49;
	v10 =	vadd.f32 v10, v12  }
0x143: {  	v5 =	vadd.f32 v5, v21;
	v12 =	vsub.f32 v60, v54;
	v24 =	vcvt.f32.s32 v42  }
0x144: {  	v28 =	vand.u32 $0xFFF, v58;
	v8 =	vadd.f32 v8, v14;
	v10 =	vsub.f32 v10, v52  }
0x145: {  	v60 =	vmul.u32 $0x9E3779B1, v13;
	v14 =	vmul.f32 $4.000000000e+01, v3;
	v47 =	vmul.u32 $0x9E3779B1, v24  }
0x146: {  	v11 =	vadd.f32 v25, v63;
	v8 =	vsub.f32 v8, v16;
	v10 =	vmul.f32 v10, v15  }
0x147: {  	v62 =	vadd.s32 $0x9E3779B1, v60;
	v59 =	vtrunc.f32 v14;
	v53 =	vadd.s32 $0x9E3779B1, v47  }
0x148: {  	v8 =	vmul.f32 v8, v12;
	v61 =	vadd.f32 v10, v52;
	v52 =	vxor.u32 v33, v47  }
0x149: {  	v36 =	vxor.u32 v51, v47;
	v12 =	vcvt.f32.s32 v59;
	v29 =	vand.u32 $0xFFF, v52  }
0x14a: {  	v55 =	vxor.u32 v33, v53;
	v36 =	vand.u32 $0xFFF, v36;
	v8 =	vadd.f32 v8, v16  }
0x14b: {  	v56 =	vand.u32 $0xFFF, v55;
	v40 =	vadd.s32 $0x1, v12;
	v44 =	vxor.u32 v12, v60  }
0x14c: {  	v18 =	vld.idx.msk [tilespmem:v18+s6+$0x0], $0xffff;
	v45 =	vxor.u32 v12, v62;
	v27 =	vand.u32 $0xFFF, v44;
	v8 =	vpack.i.f32.bf16 v8, v61  }
0x14d: {  	v5 =	vsub.f32 v5, v11;
	v63 =	vld.idx.msk [tilespmem:v28+s6+$0x0], $0xffff;
	v15 =	vxor.u32 v40, v60;
	v49 =	vand.u32 $0xFFF, v45;
	[tilespmem:s16+$0x80] =	vst v8  }
0x14e: {  	v13 =	vcvt.s32.f32 v13;
	v48 =	vxor.u32 v40, v62;
	v15 =	vand.u32 $0xFFF, v15;
	v59 =	vld.idx.msk [tilespmem:v29+s29+$0x0], $0xffff  }
0x14f: {  	v28 =	vsub.f32 v50, v19;
	v9 =	vand.u32 $0xFFF, v48;
	v8 =	vxor.u32 v51, v53;
	v60 =	vld.idx.msk [tilespmem:v36+s29+$0x0], $0xffff  }
0x150: {  	v50 =	vtrunc.f32 v46;
	v37 =	vcvt.s32.f32 v24;
	v8 =	vand.u32 $0xFFF, v8;
	v20 =	vld.idx.msk [tilespmem:v56+s29+$0x0], $0xffff  }
0x151: {  	v24 =	vcvt.f32.s32 v50;
	v61 =	vcvt.s32.f32 v30;
	v54 =	vld.idx.msk [tilespmem:v27+s28+$0x0], $0xffff  }
0x152: {  	v4 =	vmul.f32 v5, v4;
	v50 =	vmul.f32 $1.280000000e+02, v3;
	v34 =	vsub.f32 v63, v18;
	v10 =	vld.idx.msk [tilespmem:v49+s28+$0x0], $0xffff  }
0x153: {  	v47 =	vtrunc.f32 v43;
	v62 =	vcvt.s32.f32 v32;
	v21 =	vsub.f32 v31, v61;
	v15 =	vld.idx.msk [tilespmem:v15+s28+$0x0], $0xffff  }
0x154: {  	v13 =	vsub.f32 v17, v13;
	v12 =	vcvt.s32.f32 v12;
	v30 =	vcvt.s32.f32 v33;
	v9 =	vld.idx.msk [tilespmem:v9+s28+$0x0], $0xffff  }
0x155: {  	v6 =	vsub.f32 v7, v62;
	v7 =	vmul.f32 v28, v21;
	v40 =	vmul.f32 v34, v21;
	v8 =	vld.idx.msk [tilespmem:v8+s29+$0x0], $0xffff  }
0x156: {  	v4 =	vadd.f32 v4, v11;
	v21 =	vcvt.f32.s32 v47;
	v27 =	vmul.f32 $4.060000000e+02, v2  }
0x157: {  	v12 =	vsub.f32 v14, v12;
	v32 =	vsub.f32 v41, v30;
	v41 =	vtrunc.f32 v39  }
0x158: {  	v18 =	vadd.f32 v40, v18;
	v51 =	vmul.u32 $0x9E3779B1, v21;
	v61 =	vtrunc.f32 v27  }
0x159: {  	v40 =	vcvt.s32.f32 v21;
	v31 =	vsub.f32 v15, v54;
	v9 =	vsub.f32 v9, v10  }
0x15a: {  	v21 =	vmul.f32 $1.280000000e+02, v0;
	v33 =	vsub.f32 v60, v59;
	v8 =	vsub.f32 v8, v20  }
0x15b: {  	v7 =	vadd.f32 v7, v19;
	v14 =	vmul.f32 v31, v12;
	v9 =	vmul.f32 v9, v12  }
0x15c: {  	v55 =	vxor.u32 v24, v51;
	v36 =	vmul.f32 v33, v32;
	v8 =	vmul.f32 v8, v32  }
0x15d: {  	v56 =	vadd.s32 $0x9E3779B1, v51;
	v35 =	vadd.f32 v14, v54;
	v9 =	vadd.f32 v9, v10  }
0x15e: {  	v15 =	vmul.f32 $6.400000000e+01, v0;
	v14 =	vadd.f32 v36, v59;
	v8 =	vadd.f32 v8, v20  }
0x15f: {  	v18 =	vsub.f32 v18, v7;
	v57 =	vxor.u32 v24, v56;
	v10 =	vsub.f32 v22, v37  }
0x160: {  	v38 =	vtrunc.f32 v15;
	v9 =	vsub.f32 v9, v35;
	v8 =	vsub.f32 v8, v14  }
0x161: {  	v23 =	vand.u32 $0xFFF, v55;
	v58 =	vand.u32 $0xFFF, v57;
	v16 =	vcvt.f32.s32 v38  }
0x162: {  	v54 =	vadd.s32 $0x1, v24;
	v9 =	vmul.f32 v9, v13;
	v8 =	vmul.f32 v8, v10  }
0x163: {  	v42 =	vmul.u32 $0x9E3779B1, v16;
	v25 =	vxor.u32 v54, v51;
	v10 =	vcvt.f32.s32 v41  }
0x164: {  	v25 =	vand.u32 $0xFFF, v25;
	v9 =	vadd.f32 v9, v35;
	v8 =	vadd.f32 v8, v14  }
0x165: {  	v44 =	vadd.s32 $0x9E3779B1, v42;
	v45 =	vadd.s32 $0x1, v10;
	v48 =	vxor.u32 v10, v42  }
0x166: {  	v49 =	vxor.u32 v10, v44;
	v22 =	vand.u32 $0xFFF, v48;
	v8 =	vpack.i.f32.bf16 v8, v9  }
0x167: {  	v12 =	vmul.f32 $4.060000000e+02, v1;
	v13 =	vxor.u32 v45, v42;
	v53 =	vand.u32 $0xFFF, v49;
	[tilespmem:s16+$0x100] =	vst v8  }
0x168: {  	v59 =	vmul.f32 v18, v6;
	v52 =	vxor.u32 v45, v44;
	v13 =	vand.u32 $0xFFF, v13;
	v23 =	vld.idx.msk [tilespmem:v23+s31+$0x0], $0xffff  }
0x169: {  	v18 =	vcvt.f32.s32 v61;
	v9 =	vand.u32 $0xFFF, v52;
	v8 =	vxor.u32 v54, v56;
	v63 =	vld.idx.msk [tilespmem:v25+s31+$0x0], $0xffff  }
0x16a: {  	v62 =	vtrunc.f32 v12;
	v24 =	vcvt.s32.f32 v24;
	v8 =	vand.u32 $0xFFF, v8;
	v14 =	vld.idx.msk [tilespmem:v58+s31+$0x0], $0xffff  }
0x16b: {  	v16 =	vcvt.s32.f32 v16;
	v5 =	vadd.f32 v59, v7;
	v32 =	vmul.u32 $0x9E3779B1, v18;
	v22 =	vld.idx.msk [tilespmem:v22+s30+$0x0], $0xffff  }
0x16c: {  	v51 =	vtrunc.f32 v21;
	v7 =	vcvt.f32.s32 v62;
	v38 =	vsub.f32 v46, v24;
	v60 =	vld.idx.msk [tilespmem:v53+s30+$0x0], $0xffff  }
0x16d: {  	v15 =	vsub.f32 v15, v16;
	v4 =	vpack.i.f32.bf16 v5, v4;
	v34 =	vadd.s32 $0x9E3779B1, v32;
	v13 =	vld.idx.msk [tilespmem:v13+s30+$0x0], $0xffff  }
0x16e: {  	v36 =	vxor.u32 v7, v32;
	v37 =	vxor.u32 v7, v34;
	v35 =	vadd.s32 $0x1, v7;
	v9 =	vld.idx.msk [tilespmem:v9+s30+$0x0], $0xffff  }
0x16f: {  	v10 =	vcvt.s32.f32 v10;
	v54 =	vtrunc.f32 v50;
	v25 =	vxor.u32 v35, v32;
	v33 =	vld.idx.msk [tilespmem:v8+s31+$0x0], $0xffff  }
0x170: {  	v44 =	vand.u32 $0xFFF, v25;
	v25 =	vcvt.f32.s32 v54;
	v11 =	vsub.f32 v63, v23  }
0x171: {  	v41 =	vand.u32 $0xFFF, v36;
	v45 =	vand.u32 $0xFFF, v37;
	v10 =	vsub.f32 v39, v10  }
0x172: {  	v58 =	vadd.s32 $0x1, v25;
	v8 =	vxor.u32 v35, v34;
	v11 =	vmul.f32 v11, v38  }
0x173: {  	v34 =	vcvt.s32.f32 v7;
	v13 =	vsub.f32 v13, v22;
	v9 =	vsub.f32 v9, v60  }
0x174: {  	v11 =	vadd.f32 v11, v23;
	v23 =	vcvt.f32.s32 v51;
	v5 =	vsub.f32 v33, v14  }
0x175: {  	v8 =	vand.u32 $0xFFF, v8;
	v13 =	vmul.f32 v13, v10;
	v9 =	vmul.f32 v9, v10  }
0x176: {  	v37 =	vsub.f32 v12, v34;
	v55 =	vmul.u32 $0x9E3779B1, v23;
	v5 =	vmul.f32 v5, v38  }
0x177: {  	v39 =	vadd.f32 v13, v22;
	v6 =	vadd.f32 v9, v60;
	v13 =	vmul.f32 $1.010000000e+02, v0  }
0x178: {  	v9 =	vsub.f32 v43, v40;
	v43 =	vmul.f32 $1.010000000e+02, v3;
	v5 =	vadd.f32 v5, v14  }
0x179: {  	s12 =	sor.u32 $0x300, s12;
	v59 =	vxor.u32 v25, v55;
	v60 =	vadd.s32 $0x9E3779B1, v55;
	v26 =	vxor.u32 v58, v55  }
0x17a: {  	[tilespmem:s12+$0x14000] =	vst v4;
	v6 =	vsub.f32 v6, v39;
	v42 =	vtrunc.f32 v13;
	v5 =	vsub.f32 v5, v11  }
0x17b: {  	v16 =	vld.idx.msk [tilespmem:v41+s7+$0x0], $0xffff;
	v46 =	vtrunc.f32 v43;
	v20 =	vand.u32 $0xFFF, v59;
	v14 =	vcvt.f32.s32 v42  }
0x17c: {  	v19 =	vld.idx.msk [tilespmem:v44+s7+$0x0], $0xffff;
	v61 =	vxor.u32 v25, v60;
	v6 =	vmul.f32 v6, v15;
	v5 =	vmul.f32 v5, v9  }
0x17d: {  	v26 =	vand.u32 $0xFFF, v26;
	v47 =	vmul.u32 $0x9E3779B1, v14;
	v9 =	vcvt.f32.s32 v46  }
0x17e: {  	v57 =	vld.idx.msk [tilespmem:v45+s7+$0x0], $0xffff;
	v62 =	vand.u32 $0xFFF, v61;
	v6 =	vadd.f32 v6, v39;
	v5 =	vadd.f32 v5, v11  }
0x17f: {  	v8 =	vld.idx.msk [tilespmem:v8+s7+$0x0], $0xffff;
	v48 =	vadd.s32 $0x9E3779B1, v47;
	v49 =	vadd.s32 $0x1, v9;
	v52 =	vxor.u32 v9, v47  }
0x180: {  	v53 =	vxor.u32 v9, v48;
	v24 =	vand.u32 $0xFFF, v52;
	v5 =	vpack.i.f32.bf16 v5, v6  }
0x181: {  	v38 =	vsub.f32 v19, v16;
	v15 =	vxor.u32 v49, v47;
	v4 =	vand.u32 $0xFFF, v53;
	[tilespmem:s16+$0x180] =	vst v5  }
0x182: {  	v10 =	vmul.f32 $5.120000000e+02, v1;
	v56 =	vxor.u32 v49, v48;
	v15 =	vand.u32 $0xFFF, v15;
	v35 =	vld.idx.msk [tilespmem:v20+s2+$0x0], $0xffff  }
0x183: {  	v40 =	vcvt.s32.f32 v18;
	v41 =	vmul.f32 v38, v37;
	v6 =	vand.u32 $0xFFF, v56;
	v36 =	vld.idx.msk [tilespmem:v26+s2+$0x0], $0xffff  }
0x184: {  	v8 =	vsub.f32 v8, v57;
	v14 =	vcvt.s32.f32 v14;
	v5 =	vxor.u32 v58, v60;
	v39 =	vld.idx.msk [tilespmem:v62+s2+$0x0], $0xffff  }
0x185: {  	v38 =	vmul.f32 $2.030000000e+02, v3;
	v42 =	vcvt.s32.f32 v25;
	v32 =	vand.u32 $0xFFF, v5;
	v24 =	vld.idx.msk [tilespmem:v24+s0+$0x0], $0xffff  }
0x186: {  	v8 =	vmul.f32 v8, v37;
	v14 =	vsub.f32 v13, v14;
	v13 =	vmul.f32 $1.610000000e+02, v0;
	v63 =	vld.idx.msk [tilespmem:v4+s0+$0x0], $0xffff  }
0x187: {  	v46 =	vsub.f32 v50, v42;
	v9 =	vcvt.s32.f32 v9;
	v53 =	vcvt.s32.f32 v23;
	v15 =	vld.idx.msk [tilespmem:v15+s0+$0x0], $0xffff  }
0x188: {  	v50 =	vadd.f32 v8, v57;
	v56 =	vtrunc.f32 v10;
	v33 =	vld.idx.msk [tilespmem:v6+s0+$0x0], $0xffff;
	v6 =	vmul.f32 $5.120000000e+02, v2  }
0x189: {  	v59 =	vtrunc.f32 v13;
	v43 =	vsub.f32 v43, v9;
	v12 =	vcvt.f32.s32 v56;
	v2 =	vld [tilespmem:s14+$0x0]  }
0x18a: {  	v20 =	vmul.f32 $1.610000000e+02, v3;
	v4 =	vld.idx.msk [tilespmem:v32+s2+$0x0], $0xffff;
	v47 =	vtrunc.f32 v6;
	v48 =	vsub.f32 v36, v35  }
0x18b: {  	v5 =	vsub.f32 v27, v40;
	v60 =	vadd.s32 $0x1, v12;
	v11 =	vcvt.f32.s32 v47  }
0x18c: {  	v62 =	vtrunc.f32 v20;
	v51 =	vmul.f32 v48, v46;
	v44 =	vsub.f32 v15, v24  }
0x18d: {  	v45 =	vsub.f32 v33, v63;
	v15 =	vsub.f32 v21, v53;
	v58 =	vmul.u32 $0x9E3779B1, v11  }
0x18e: {  	v27 =	vmul.f32 $1.600000000e+01, v2;
	v11 =	vcvt.s32.f32 v11;
	v8 =	vadd.f32 v51, v35  }
0x18f: {  	v49 =	vsub.f32 v4, v39;
	v4 =	vadd.f32 v41, v16;
	v9 =	vmul.f32 v44, v43  }
0x190: {  	v1 =	vmul.f32 v45, v43;
	v19 =	vadd.s32 $0x9E3779B1, v58;
	v61 =	vxor.u32 v12, v58  }
0x191: {  	v18 =	vxor.u32 v60, v58;
	v47 =	vtrunc.f32 v27;
	v6 =	vsub.f32 v6, v11  }
0x192: {  	v25 =	vxor.u32 v12, v19;
	v26 =	vcvt.f32.s32 v47;
	v19 =	vxor.u32 v60, v19  }
0x193: {  	v22 =	vand.u32 $0xFFF, v61;
	v18 =	vand.u32 $0xFFF, v18;
	v12 =	vcvt.s32.f32 v12  }
0x194: {  	v52 =	vmul.f32 v49, v46;
	v9 =	vadd.f32 v9, v24;
	v1 =	vadd.f32 v1, v63  }
0x195: {  	v7 =	vsub.f32 v50, v4;
	v63 =	vcvt.f32.s32 v62;
	v25 =	vand.u32 $0xFFF, v25  }
0x196: {  	v19 =	vand.u32 $0xFFF, v19;
	v12 =	vsub.f32 v10, v12;
	v10 =	vmul.f32 $2.560000000e+02, v0  }
0x197: {  	v54 =	vadd.f32 v52, v39;
	v55 =	vsub.f32 v1, v9;
	v52 =	vmul.f32 $2.000000000e+01, v2  }
0x198: {  	v51 =	vadd.s32 $0x1, v26;
	v1 =	vld [tilespmem:s15+$0x0];
	v23 =	vcvt.s32.f32 v63;
	v5 =	vmul.f32 v7, v5  }
0x199: {  	v42 =	vadd.s32 $0x1, v63;
	v16 =	vmul.f32 v55, v14;
	v14 =	vcvt.f32.s32 v59  }
0x19a: {  	v57 =	vsub.f32 v54, v8;
	v37 =	vtrunc.f32 v52;
	v59 =	vtrunc.f32 v38  }
0x19b: {  	v20 =	vsub.f32 v20, v23;
	v4 =	vadd.f32 v5, v4;
	v37 =	vcvt.f32.s32 v37  }
0x19c: {  	v60 =	vcvt.f32.s32 v59;
	v15 =	vmul.f32 v57, v15;
	v9 =	vadd.f32 v16, v9  }
0x19d: {  	v40 =	vmul.u32 $0x9E3779B1, v14;
	v16 =	vmul.f32 $2.030000000e+02, v0;
	v24 =	vmul.f32 $1.600000000e+01, v1  }
0x19e: {  	v14 =	vcvt.s32.f32 v14;
	v31 =	vmul.f32 $2.000000000e+01, v1;
	v57 =	vadd.s32 $0x1, v37  }
0x19f: {  	v8 =	vadd.f32 v15, v8;
	v41 =	vadd.s32 $0x9E3779B1, v40;
	v43 =	vtrunc.f32 v24  }
0x1a0: {  	s19 =	sand.u32 $0x7, s10;
	v44 =	vxor.u32 v63, v40;
	v15 =	vxor.u32 v42, v40;
	v28 =	vcvt.f32.s32 v43  }
0x1a1: {  	s12 =	sshll.u32 s19, $0x4;
	v45 =	vxor.u32 v63, v41;
	v46 =	vand.u32 $0xFFF, v44;
	v53 =	vtrunc.f32 v31  }
0x1a2: {  	s16 =	sadd.s32 s11, s12;
	v49 =	vand.u32 $0xFFF, v15;
	v36 =	vcvt.f32.s32 v53;
	v48 =	vmul.u32 $0x9E3779B1, v28  }
0x1a3: {  	s18 =	sadd.s32 $0x10, s16;
	v8 =	vpack.i.f32.bf16 v8, v9;
	v9 =	vxor.u32 v42, v41;
	v17 =	vand.u32 $0xFFF, v45  }
0x1a4: {  	s21 =	sor.u32 $0x200, s18;
	v9 =	vand.u32 $0xFFF, v9;
	v56 =	vmul.u32 $0x9E3779B1, v36;
	v54 =	vxor.u32 v26, v48  }
0x1a5: {  	v63 =	vcvt.s32.f32 v60;
	[tilespmem:s21+$0x14000] =	vst v8;
	v29 =	vxor.u32 v51, v48;
	v35 =	vand.u32 $0xFFF, v54  }
0x1a6: {  	v43 =	vtrunc.f32 v16;
	v15 =	vld.idx.msk [tilespmem:v46+s1+$0x0], $0xffff;
	v39 =	vxor.u32 v37, v56;
	v29 =	vand.u32 $0xFFF, v29  }
0x1a7: {  	v50 =	vadd.s32 $0x9E3779B1, v48;
	v30 =	vld.idx.msk [tilespmem:v49+s1+$0x0], $0xffff;
	v41 =	vxor.u32 v57, v56;
	v39 =	vand.u32 $0xFFF, v39  }
0x1a8: {  	v40 =	vadd.s32 $0x9E3779B1, v56;
	v55 =	vxor.u32 v26, v50;
	v17 =	vld.idx.msk [tilespmem:v17+s1+$0x0], $0xffff;
	v41 =	vand.u32 $0xFFF, v41  }
0x1a9: {  	v32 =	vxor.u32 v51, v50;
	v42 =	vxor.u32 v37, v40;
	v8 =	vand.u32 $0xFFF, v55;
	v9 =	vld.idx.msk [tilespmem:v9+s1+$0x0], $0xffff  }
0x1aa: {  	v32 =	vand.u32 $0xFFF, v32;
	v58 =	vand.u32 $0xFFF, v42;
	v42 =	vcvt.f32.s32 v43;
	v35 =	vld.idx.msk [tilespmem:v35+s3+$0x0], $0xffff  }
0x1ab: {  	v13 =	vsub.f32 v13, v14;
	v38 =	vsub.f32 v38, v63;
	v33 =	vxor.u32 v57, v40;
	v29 =	vld.idx.msk [tilespmem:v29+s3+$0x0], $0xffff  }
0x1ac: {  	v28 =	vcvt.s32.f32 v28;
	v33 =	vand.u32 $0xFFF, v33;
	v43 =	vmul.u32 $0x9E3779B1, v42;
	v62 =	vld.idx.msk [tilespmem:v39+s24+$0x0], $0xffff  }
0x1ad: {  	v49 =	vadd.s32 $0x1, v60;
	v56 =	vcvt.s32.f32 v36;
	v26 =	vcvt.s32.f32 v26;
	v41 =	vld.idx.msk [tilespmem:v41+s24+$0x0], $0xffff  }
0x1ae: {  	v37 =	vcvt.s32.f32 v37;
	v61 =	vsub.f32 v30, v15;
	v45 =	vxor.u32 v60, v43;
	v8 =	vld.idx.msk [tilespmem:v8+s3+$0x0], $0xffff  }
0x1af: {  	v48 =	vadd.s32 $0x9E3779B1, v43;
	v43 =	vxor.u32 v49, v43;
	v32 =	vld.idx.msk [tilespmem:v32+s3+$0x0], $0xffff;
	v45 =	vand.u32 $0xFFF, v45  }
0x1b0: {  	v40 =	vld.idx.msk [tilespmem:v58+s24+$0x0], $0xffff;
	v44 =	vsub.f32 v9, v17;
	v43 =	vand.u32 $0xFFF, v43;
	v9 =	vxor.u32 v49, v48  }
0x1b1: {  	v52 =	vsub.f32 v52, v37;
	v37 =	vmul.f32 $3.200000000e+01, v2;
	v33 =	vld.idx.msk [tilespmem:v33+s24+$0x0], $0xffff;
	v9 =	vand.u32 $0xFFF, v9  }
0x1b2: {  	v26 =	vsub.f32 v27, v26;
	v23 =	vmul.f32 v61, v20;
	v21 =	vxor.u32 v60, v48  }
0x1b3: {  	v48 =	vtrunc.f32 v37;
	v21 =	vand.u32 $0xFFF, v21;
	v50 =	vsub.f32 v29, v35  }
0x1b4: {  	v20 =	vmul.f32 v44, v20;
	v53 =	vsub.f32 v41, v62;
	v51 =	vsub.f32 v32, v8;
	v32 =	vld.idx.msk [tilespmem:v45+s4+$0x0], $0xffff  }
0x1b5: {  	v23 =	vadd.f32 v23, v15;
	v15 =	vmul.f32 $2.560000000e+02, v3;
	v57 =	vld.idx.msk [tilespmem:v43+s4+$0x0], $0xffff;
	v27 =	vmul.f32 v50, v26  }
0x1b6: {  	v33 =	vsub.f32 v33, v40;
	v54 =	vmul.f32 v53, v52;
	v46 =	vld.idx.msk [tilespmem:v9+s4+$0x0], $0xffff;
	v50 =	vcvt.f32.s32 v48  }
0x1b7: {  	v24 =	vsub.f32 v24, v28;
	v9 =	vld.idx.msk [tilespmem:v25+s8+$0x0], $0xffff;
	v25 =	vmul.f32 $5.000000000e+01, v1;
	v26 =	vmul.f32 v51, v26  }
0x1b8: {  	v19 =	vld.idx.msk [tilespmem:v19+s8+$0x0], $0xffff;
	v55 =	vmul.f32 v33, v52;
	v33 =	vmul.f32 $2.500000000e+01, v1;
	v27 =	vadd.f32 v27, v35  }
0x1b9: {  	v21 =	vld.idx.msk [tilespmem:v21+s4+$0x0], $0xffff;
	v28 =	vadd.f32 v54, v62;
	v35 =	vmul.f32 $3.200000000e+01, v1;
	v8 =	vadd.f32 v26, v8  }
0x1ba: {  	v29 =	vadd.f32 v55, v40;
	v26 =	vsub.f32 v31, v56;
	v58 =	vtrunc.f32 v33  }
0x1bb: {  	v31 =	vmul.f32 $2.500000000e+01, v2;
	v55 =	vadd.s32 $0x1, v50;
	v30 =	vcvt.f32.s32 v58  }
0x1bc: {  	v34 =	vsub.f32 v57, v32;
	v43 =	vtrunc.f32 v35;
	v8 =	vsub.f32 v8, v27  }
0x1bd: {  	v29 =	vsub.f32 v29, v28;
	v60 =	vtrunc.f32 v31;
	v40 =	vcvt.f32.s32 v43  }
0x1be: {  	v41 =	vsub.f32 v46, v21;
	v14 =	vsub.f32 v19, v9;
	v34 =	vmul.f32 v34, v38  }
0x1bf: {  	v61 =	vmul.u32 $0x9E3779B1, v30;
	v8 =	vmul.f32 v8, v24;
	v59 =	vmul.f32 v29, v26  }
0x1c0: {  	v26 =	vcvt.f32.s32 v60;
	v51 =	vmul.u32 $0x9E3779B1, v40;
	v38 =	vmul.f32 v41, v38  }
0x1c1: {  	v60 =	vadd.f32 v20, v17;
	v62 =	vadd.s32 $0x9E3779B1, v61;
	v27 =	vadd.f32 v8, v27  }
0x1c2: {  	v24 =	vadd.f32 v59, v28;
	v63 =	vadd.s32 $0x1, v26;
	v45 =	vxor.u32 v26, v61  }
0x1c3: {  	v47 =	vxor.u32 v26, v62;
	v56 =	vxor.u32 v50, v51;
	v57 =	vadd.s32 $0x9E3779B1, v51  }
0x1c4: {  	v43 =	vxor.u32 v55, v51;
	v21 =	vadd.f32 v38, v21;
	v48 =	vcvt.s32.f32 v26  }
0x1c5: {  	v29 =	vxor.u32 v63, v61;
	v39 =	vand.u32 $0xFFF, v45;
	v52 =	vxor.u32 v63, v62  }
0x1c6: {  	s12 =	sadd.s32 $0x20, s17;
	v53 =	vand.u32 $0xFFF, v47;
	v36 =	vand.u32 $0xFFF, v56;
	v58 =	vxor.u32 v50, v57  }
0x1c7: {  	s19 =	sand.u32 $0x60, s12;
	v18 =	vld.idx.msk [tilespmem:v18+s8+$0x0], $0xffff;
	v43 =	vand.u32 $0xFFF, v43;
	v62 =	vcvt.s32.f32 v42;
	v63 =	vadd.f32 v34, v32  }
0x1c8: {  	s19 =	sor.u32 s19, s9;
	v8 =	vld.idx.msk [tilespmem:v22+s8+$0x0], $0xffff;
	v42 =	vsub.f32 v60, v23;
	v56 =	vtrunc.f32 v10;
	v24 =	vpack.i.f32.bf16 v24, v27  }
0x1c9: {  	v49 =	vand.u32 $0xFFF, v29;
	v54 =	vand.u32 $0xFFF, v52;
	v59 =	vand.u32 $0xFFF, v58;
	[tilespmem:s19+$0x0] =	vst v24  }
0x1ca: {  	v52 =	vtrunc.f32 v15;
	v27 =	vmul.f32 $4.000000000e+01, v1;
	v24 =	vxor.u32 v55, v57;
	v39 =	vld.idx.msk [tilespmem:v39+s25+$0x0], $0xffff  }
0x1cb: {  	v44 =	vsub.f32 v16, v62;
	v47 =	vmul.f32 v42, v13;
	v55 =	vcvt.s32.f32 v40;
	v28 =	vld.idx.msk [tilespmem:v53+s25+$0x0], $0xffff  }
0x1cc: {  	v45 =	vsub.f32 v21, v63;
	v40 =	vtrunc.f32 v25;
	v29 =	vcvt.f32.s32 v52;
	v41 =	vld.idx.msk [tilespmem:v36+s26+$0x0], $0xffff  }
0x1cd: {  	v24 =	vand.u32 $0xFFF, v24;
	v58 =	vtrunc.f32 v27;
	v13 =	vsub.f32 v18, v8;
	v43 =	vld.idx.msk [tilespmem:v43+s26+$0x0], $0xffff  }
0x1ce: {  	v16 =	vmul.f32 v45, v44;
	v18 =	vsub.f32 v31, v48;
	v31 =	vcvt.f32.s32 v58;
	v22 =	vld.idx.msk [tilespmem:v49+s25+$0x0], $0xffff  }
0x1cf: {  	v21 =	vadd.f32 v47, v23;
	v61 =	vld.idx.msk [tilespmem:v54+s25+$0x0], $0xffff;
	v49 =	vcvt.s32.f32 v50;
	v50 =	vcvt.s32.f32 v30  }
0x1d0: {  	v30 =	vmul.f32 $4.000000000e+01, v2;
	v16 =	vadd.f32 v16, v63;
	v63 =	vmul.f32 $5.000000000e+01, v2  }
0x1d1: {  	v46 =	vld.idx.msk [tilespmem:v59+s26+$0x0], $0xffff;
	v60 =	vmul.u32 $0x9E3779B1, v31;
	v13 =	vmul.f32 v13, v12;
	v12 =	vmul.f32 v14, v12  }
0x1d2: {  	v24 =	vld.idx.msk [tilespmem:v24+s26+$0x0], $0xffff;
	v19 =	vsub.f32 v37, v49;
	v26 =	vsub.f32 v33, v50;
	v59 =	vtrunc.f32 v30  }
0x1d3: {  	v16 =	vpack.i.f32.bf16 v16, v21;
	v23 =	vcvt.f32.s32 v59;
	v51 =	vsub.f32 v43, v41  }
0x1d4: {  	v43 =	vtrunc.f32 v63;
	v22 =	vsub.f32 v22, v39;
	v17 =	vsub.f32 v61, v28  }
0x1d5: {  	v61 =	vadd.s32 $0x9E3779B1, v60;
	v34 =	vcvt.f32.s32 v43;
	v54 =	vmul.f32 v51, v19  }
0x1d6: {  	v62 =	vadd.s32 $0x1, v23;
	v22 =	vmul.f32 v22, v18;
	v17 =	vmul.f32 v17, v18  }
0x1d7: {  	v42 =	vxor.u32 v23, v61;
	v45 =	vxor.u32 v62, v61;
	v24 =	vsub.f32 v24, v46  }
0x1d8: {  	v47 =	vadd.s32 $0x1, v34;
	v53 =	vadd.f32 v22, v39;
	v17 =	vadd.f32 v17, v28  }
0x1d9: {  	v19 =	vmul.f32 v24, v19;
	v22 =	vadd.f32 v54, v41;
	v24 =	vsub.f32 v35, v55  }
0x1da: {  	v41 =	vxor.u32 v23, v60;
	v28 =	vcvt.f32.s32 v40;
	v54 =	vadd.s32 $0x1, v29  }
0x1db: {  	v23 =	vcvt.s32.f32 v23;
	v32 =	vand.u32 $0xFFF, v41;
	v19 =	vadd.f32 v19, v46  }
0x1dc: {  	v41 =	vmul.f32 $3.220000000e+02, v3;
	v57 =	vsub.f32 v17, v53;
	v17 =	vcvt.f32.s32 v56  }
0x1dd: {  	v44 =	vmul.u32 $0x9E3779B1, v28;
	v46 =	vand.u32 $0xFFF, v42;
	v19 =	vsub.f32 v19, v22  }
0x1de: {  	v23 =	vsub.f32 v30, v23;
	v30 =	vmul.f32 $6.400000000e+01, v2;
	v58 =	vtrunc.f32 v41  }
0x1df: {  	v20 =	vmul.f32 v57, v26;
	v48 =	vxor.u32 v34, v44;
	v19 =	vmul.f32 v19, v24  }
0x1e0: {  	v49 =	vadd.s32 $0x9E3779B1, v44;
	v35 =	vxor.u32 v47, v44;
	v24 =	vxor.u32 v62, v60  }
0x1e1: {  	v18 =	vadd.f32 v20, v53;
	v24 =	vand.u32 $0xFFF, v24;
	v19 =	vadd.f32 v19, v22  }
0x1e2: {  	v51 =	vmul.u32 $0x9E3779B1, v17;
	v40 =	vcvt.f32.s32 v58;
	v33 =	vand.u32 $0xFFF, v48  }
0x1e3: {  	v50 =	vxor.u32 v34, v49;
	v35 =	vand.u32 $0xFFF, v35;
	v18 =	vpack.i.f32.bf16 v19, v18  }
0x1e4: {  	v34 =	vcvt.s32.f32 v34;
	v36 =	vand.u32 $0xFFF, v50;
	v22 =	vxor.u32 v47, v49;
	[tilespmem:s19+$0x80] =	vst v18  }
0x1e5: {  	v53 =	vadd.s32 $0x9E3779B1, v51;
	v55 =	vxor.u32 v29, v51;
	v52 =	vand.u32 $0xFFF, v22;
	v32 =	vld.idx.msk [tilespmem:v32+s28+$0x0], $0xffff  }
0x1e6: {  	v37 =	vxor.u32 v54, v51;
	v60 =	vcvt.s32.f32 v31;
	v18 =	vmul.f32 $3.220000000e+02, v0;
	v24 =	vld.idx.msk [tilespmem:v24+s28+$0x0], $0xffff  }
0x1e7: {  	v38 =	vxor.u32 v54, v53;
	v57 =	vand.u32 $0xFFF, v55;
	v19 =	vand.u32 $0xFFF, v45;
	v33 =	vld.idx.msk [tilespmem:v33+s29+$0x0], $0xffff  }
0x1e8: {  	v37 =	vand.u32 $0xFFF, v37;
	v26 =	vsub.f32 v63, v34;
	v35 =	vld.idx.msk [tilespmem:v35+s29+$0x0], $0xffff;
	v56 =	vtrunc.f32 v18  }
0x1e9: {  	v34 =	vmul.f32 $8.000000000e+01, v2;
	v38 =	vand.u32 $0xFFF, v38;
	v36 =	vld.idx.msk [tilespmem:v36+s29+$0x0], $0xffff;
	v42 =	vcvt.f32.s32 v56  }
0x1ea: {  	v27 =	vsub.f32 v27, v60;
	v22 =	vcvt.s32.f32 v29;
	v29 =	vxor.u32 v29, v53;
	v21 =	vld.idx.msk [tilespmem:v52+s29+$0x0], $0xffff  }
0x1eb: {  	v47 =	vcvt.s32.f32 v28;
	v29 =	vand.u32 $0xFFF, v29;
	v20 =	vld.idx.msk [tilespmem:v46+s28+$0x0], $0xffff;
	v59 =	vmul.u32 $0x9E3779B1, v42  }
0x1ec: {  	v45 =	vadd.s32 $0x1, v40;
	v15 =	vsub.f32 v15, v22;
	v19 =	vld.idx.msk [tilespmem:v19+s28+$0x0], $0xffff;
	v24 =	vsub.f32 v24, v32  }
0x1ed: {  	v52 =	vtrunc.f32 v30;
	v61 =	vsub.f32 v35, v33;
	v44 =	vadd.s32 $0x9E3779B1, v59  }
0x1ee: {  	v46 =	vxor.u32 v40, v59;
	v62 =	vxor.u32 v45, v59;
	v24 =	vmul.f32 v24, v23  }
0x1ef: {  	v21 =	vsub.f32 v21, v36;
	v43 =	vmul.f32 v61, v26;
	v48 =	vxor.u32 v40, v44  }
0x1f0: {  	v50 =	vand.u32 $0xFFF, v46;
	v51 =	vand.u32 $0xFFF, v62;
	v62 =	vtrunc.f32 v34  }
0x1f1: {  	s21 =	sor.u32 $0x280, s18;
	v40 =	vcvt.s32.f32 v40;
	v19 =	vsub.f32 v19, v20;
	v28 =	vand.u32 $0xFFF, v48  }
0x1f2: {  	[tilespmem:s21+$0x14000] =	vst v16;
	v63 =	vadd.f32 v24, v32;
	v21 =	vmul.f32 v21, v26;
	v26 =	vmul.f32 $6.400000000e+01, v1  }
0x1f3: {  	v59 =	vld.idx.msk [tilespmem:v37+s5+$0x0], $0xffff;
	v24 =	vadd.f32 v43, v33;
	v33 =	vmul.f32 $8.000000000e+01, v1;
	v19 =	vmul.f32 v19, v23  }
0x1f4: {  	v43 =	vcvt.f32.s32 v62;
	v23 =	vld.idx.msk [tilespmem:v57+s5+$0x0], $0xffff;
	v21 =	vadd.f32 v21, v36;
	v49 =	vtrunc.f32 v26  }
0x1f5: {  	v58 =	vtrunc.f32 v33;
	v19 =	vadd.f32 v19, v20;
	v20 =	vsub.f32 v25, v47  }
0x1f6: {  	v25 =	vcvt.f32.s32 v49;
	v35 =	vcvt.f32.s32 v58;
	v31 =	vld.idx.msk [tilespmem:v50+s6+$0x0], $0xffff;
	v21 =	vsub.f32 v21, v24  }
0x1f7: {  	v50 =	vld.idx.msk [tilespmem:v51+s6+$0x0], $0xffff;
	v51 =	vadd.s32 $0x1, v43;
	v58 =	vxor.u32 v45, v44;
	v19 =	vsub.f32 v19, v63  }
0x1f8: {  	v38 =	vld.idx.msk [tilespmem:v38+s5+$0x0], $0xffff;
	v53 =	vmul.u32 $0x9E3779B1, v25;
	v25 =	vcvt.s32.f32 v25;
	v20 =	vmul.f32 v21, v20  }
0x1f9: {  	v29 =	vld.idx.msk [tilespmem:v29+s5+$0x0], $0xffff;
	v21 =	vcvt.f32.s32 v52;
	v36 =	vsub.f32 v59, v23;
	v19 =	vmul.f32 v19, v27  }
0x1fa: {  	v56 =	vadd.s32 $0x9E3779B1, v53;
	v25 =	vsub.f32 v26, v25;
	v55 =	vadd.f32 v20, v24  }
0x1fb: {  	v57 =	vadd.s32 $0x1, v21;
	v60 =	vxor.u32 v21, v53;
	v61 =	vxor.u32 v21, v56  }
0x1fc: {  	v21 =	vcvt.s32.f32 v21;
	v54 =	vadd.f32 v19, v63;
	v27 =	vxor.u32 v57, v53  }
0x1fd: {  	v37 =	vand.u32 $0xFFF, v60;
	v63 =	vmul.u32 $0x9E3779B1, v35;
	v48 =	vxor.u32 v57, v56  }
0x1fe: {  	v49 =	vand.u32 $0xFFF, v61;
	v57 =	vsub.f32 v38, v29;
	v60 =	vand.u32 $0xFFF, v58  }
0x1ff: {  	v61 =	vmul.f32 v36, v15;
	v27 =	vand.u32 $0xFFF, v27;
	v19 =	vand.u32 $0xFFF, v48  }
0x200: {  	v48 =	vsub.f32 v50, v31;
	v50 =	vsub.f32 v30, v21;
	v16 =	vpack.i.f32.bf16 v55, v54  }
0x201: {  	v28 =	vld.idx.msk [tilespmem:v28+s6+$0x0], $0xffff;
	v52 =	vxor.u32 v43, v63;
	v53 =	vadd.s32 $0x9E3779B1, v63;
	v46 =	vxor.u32 v51, v63;
	[tilespmem:s19+$0x100] =	vst v16  }
0x202: {  	v15 =	vmul.f32 v57, v15;
	v63 =	vadd.f32 v12, v9;
	v39 =	vand.u32 $0xFFF, v52;
	v54 =	vld.idx.msk [tilespmem:v37+s30+$0x0], $0xffff  }
0x203: {  	v55 =	vxor.u32 v43, v53;
	v46 =	vand.u32 $0xFFF, v46;
	v16 =	vxor.u32 v51, v53;
	v20 =	vld.idx.msk [tilespmem:v49+s30+$0x0], $0xffff  }
0x204: {  	v56 =	vand.u32 $0xFFF, v55;
	v59 =	vand.u32 $0xFFF, v16;
	v16 =	vadd.f32 v13, v8;
	v14 =	vld.idx.msk [tilespmem:v60+s6+$0x0], $0xffff  }
0x205: {  	v11 =	vadd.f32 v61, v23;
	v37 =	vcvt.s32.f32 v17;
	v49 =	vcvt.s32.f32 v43;
	v27 =	vld.idx.msk [tilespmem:v27+s30+$0x0], $0xffff  }
0x206: {  	v57 =	vmul.f32 $1.010000000e+02, v2;
	v19 =	vld.idx.msk [tilespmem:v19+s30+$0x0], $0xffff;
	v8 =	vsub.f32 v63, v16;
	v63 =	vmul.f32 $1.280000000e+02, v2  }
0x207: {  	v55 =	vmul.f32 $1.010000000e+02, v1;
	v9 =	vsub.f32 v10, v37;
	v24 =	vsub.f32 v34, v49;
	v62 =	vld.idx.msk [tilespmem:v39+s31+$0x0], $0xffff  }
0x208: {  	v38 =	vld.idx.msk [tilespmem:v46+s31+$0x0], $0xffff;
	v39 =	vadd.f32 v15, v29;
	v46 =	vcvt.s32.f32 v42;
	v37 =	vtrunc.f32 v63  }
0x209: {  	v15 =	vsub.f32 v41, v40;
	v5 =	vmul.f32 v8, v6;
	v45 =	vld.idx.msk [tilespmem:v56+s31+$0x0], $0xffff;
	v56 =	vtrunc.f32 v55  }
0x20a: {  	v47 =	vld.idx.msk [tilespmem:v59+s31+$0x0], $0xffff;
	v59 =	vtrunc.f32 v57;
	v13 =	vsub.f32 v39, v11;
	v10 =	vsub.f32 v18, v46  }
0x20b: {  	v6 =	vld [tilespmem:s15+$0x10];
	v29 =	vcvt.f32.s32 v37;
	v14 =	vsub.f32 v14, v28;
	v5 =	vadd.f32 v5, v16  }
0x20c: {  	v18 =	vmul.f32 v48, v15;
	v51 =	vsub.f32 v27, v54;
	v19 =	vsub.f32 v19, v20  }
0x20d: {  	v41 =	vadd.s32 $0x1, v29;
	v14 =	vmul.f32 v14, v15;
	v13 =	vmul.f32 v13, v9  }
0x20e: {  	v18 =	vadd.f32 v18, v31;
	v31 =	vmul.f32 $4.060000000e+02, v3;
	v9 =	vmul.f32 $4.060000000e+02, v0  }
0x20f: {  	v21 =	vmul.f32 v51, v50;
	v12 =	vsub.f32 v38, v62;
	v7 =	vmul.f32 v19, v50  }
0x210: {  	v22 =	vmul.f32 $1.600000000e+01, v6;
	v23 =	vsub.f32 v47, v45;
	v46 =	vtrunc.f32 v31  }
0x211: {  	v14 =	vadd.f32 v14, v28;
	v47 =	vtrunc.f32 v9;
	v12 =	vmul.f32 v12, v24  }
0x212: {  	v52 =	vadd.f32 v21, v54;
	v53 =	vmul.f32 v23, v24;
	v24 =	vmul.f32 $1.280000000e+02, v1  }
0x213: {  	v7 =	vadd.f32 v7, v20;
	v54 =	vcvt.s32.f32 v35;
	v21 =	vcvt.f32.s32 v56  }
0x214: {  	v12 =	vadd.f32 v12, v62;
	v17 =	vadd.f32 v53, v45;
	v34 =	vtrunc.f32 v24  }
0x215: {  	v14 =	vsub.f32 v14, v18;
	v7 =	vsub.f32 v7, v52;
	v26 =	vcvt.f32.s32 v34  }
0x216: {  	v20 =	vsub.f32 v33, v54;
	v60 =	vmul.u32 $0x9E3779B1, v21;
	v17 =	vsub.f32 v17, v12  }
0x217: {  	v10 =	vmul.f32 v14, v10;
	v7 =	vmul.f32 v7, v25;
	v38 =	vmul.u32 $0x9E3779B1, v26  }
0x218: {  	v13 =	vadd.f32 v13, v11;
	v58 =	vmul.f32 v17, v20;
	v17 =	vcvt.f32.s32 v59  }
0x219: {  	v61 =	vadd.s32 $0x9E3779B1, v60;
	v7 =	vadd.f32 v7, v52;
	v42 =	vxor.u32 v29, v38  }
0x21a: {  	v30 =	vadd.s32 $0x9E3779B1, v38;
	v35 =	vxor.u32 v17, v60;
	v28 =	vand.u32 $0xFFF, v42  }
0x21b: {  	v12 =	vadd.f32 v58, v12;
	v36 =	vxor.u32 v17, v61;
	v27 =	vand.u32 $0xFFF, v35  }
0x21c: {  	v62 =	vadd.s32 $0x1, v17;
	v44 =	vxor.u32 v29, v30;
	v40 =	vand.u32 $0xFFF, v36  }
0x21d: {  	v20 =	vxor.u32 v62, v60;
	v45 =	vand.u32 $0xFFF, v44;
	v7 =	vpack.i.f32.bf16 v12, v7  }
0x21e: {  	v11 =	vcvt.f32.s32 v46;
	v39 =	vxor.u32 v62, v61;
	v20 =	vand.u32 $0xFFF, v20;
	[tilespmem:s19+$0x180] =	vst v7  }
0x21f: {  	v10 =	vadd.f32 v10, v18;
	v43 =	vxor.u32 v41, v38;
	v12 =	vand.u32 $0xFFF, v39;
	v48 =	vld.idx.msk [tilespmem:v28+s2+$0x0], $0xffff  }
0x220: {  	v21 =	vcvt.s32.f32 v21;
	v54 =	vcvt.s32.f32 v29;
	v7 =	vand.u32 $0xFFF, v43;
	v27 =	vld.idx.msk [tilespmem:v27+s0+$0x0], $0xffff  }
0x221: {  	v33 =	vmul.f32 $2.000000000e+01, v6;
	v50 =	vpack.i.f32.bf16 v10, v13;
	v19 =	vxor.u32 v41, v30;
	v15 =	vld.idx.msk [tilespmem:v40+s0+$0x0], $0xffff  }
0x222: {  	v10 =	vcvt.s32.f32 v11;
	v17 =	vcvt.s32.f32 v17;
	v19 =	vand.u32 $0xFFF, v19;
	v51 =	vld.idx.msk [tilespmem:v45+s2+$0x0], $0xffff  }
0x223: {  	v56 =	vsub.f32 v63, v54;
	v58 =	vtrunc.f32 v22;
	v42 =	vtrunc.f32 v33;
	v20 =	vld.idx.msk [tilespmem:v20+s0+$0x0], $0xffff  }
0x224: {  	v8 =	vsub.f32 v31, v10;
	v31 =	vmul.f32 $1.610000000e+02, v2;
	v25 =	vcvt.f32.s32 v58;
	v12 =	vld.idx.msk [tilespmem:v12+s0+$0x0], $0xffff  }
0x225: {  	v13 =	vadd.s32 $0x1, v11;
	v60 =	vcvt.s32.f32 v26;
	v28 =	vcvt.f32.s32 v47;
	v49 =	vld.idx.msk [tilespmem:v7+s2+$0x0], $0xffff  }
0x226: {  	v34 =	vcvt.f32.s32 v42;
	v62 =	vmul.u32 $0x9E3779B1, v25;
	v25 =	vcvt.s32.f32 v25;
	v7 =	vld [tilespmem:s14+$0x10]  }
0x227: {  	v10 =	vmul.f32 $5.120000000e+02, v3;
	v17 =	vsub.f32 v57, v17;
	v19 =	vld.idx.msk [tilespmem:v19+s2+$0x0], $0xffff;
	v14 =	vmul.u32 $0x9E3779B1, v28  }
0x228: {  	v24 =	vsub.f32 v24, v60;
	v46 =	vmul.u32 $0x9E3779B1, v34;
	v22 =	vsub.f32 v22, v25  }
0x229: {  	v40 =	vadd.s32 $0x9E3779B1, v62;
	v28 =	vcvt.s32.f32 v28;
	v52 =	vxor.u32 v11, v14  }
0x22a: {  	v53 =	vxor.u32 v13, v14;
	v20 =	vsub.f32 v20, v27;
	v12 =	vsub.f32 v12, v15  }
0x22b: {  	v30 =	vand.u32 $0xFFF, v52;
	v57 =	vsub.f32 v49, v48;
	v23 =	vmul.f32 $2.000000000e+01, v7  }
0x22c: {  	v19 =	vsub.f32 v19, v51;
	v20 =	vmul.f32 v20, v17;
	v12 =	vmul.f32 v12, v17  }
0x22d: {  	v17 =	vsub.f32 v55, v21;
	v55 =	vand.u32 $0xFFF, v53;
	v21 =	vmul.f32 v57, v56  }
0x22e: {  	v45 =	vtrunc.f32 v23;
	v20 =	vadd.f32 v20, v27;
	v12 =	vadd.f32 v12, v15  }
0x22f: {  	v53 =	vadd.s32 $0x9E3779B1, v46;
	v15 =	vmul.f32 v19, v56;
	v37 =	vcvt.f32.s32 v45  }
0x230: {  	v27 =	vmul.f32 $1.600000000e+01, v7;
	v18 =	vadd.f32 v21, v48;
	v59 =	vsub.f32 v12, v20  }
0x231: {  	s18 =	sor.u32 $0x300, s18;
	v63 =	vadd.f32 v15, v51;
	v51 =	vadd.s32 $0x1, v37;
	v52 =	vxor.u32 v37, v46  }
0x232: {  	[tilespmem:s18+$0x14000] =	vst v50;
	v61 =	vtrunc.f32 v27;
	v38 =	vxor.u32 v51, v46;
	v54 =	vand.u32 $0xFFF, v52  }
0x233: {  	v19 =	vcvt.f32.s32 v61;
	v29 =	vld.idx.msk [tilespmem:v55+s7+$0x0], $0xffff;
	v55 =	vxor.u32 v37, v53;
	v38 =	vand.u32 $0xFFF, v38  }
0x234: {  	v12 =	vmul.f32 $1.610000000e+02, v1;
	v56 =	vxor.u32 v51, v53;
	v57 =	vand.u32 $0xFFF, v55  }
0x235: {  	v32 =	vmul.f32 v59, v17;
	v59 =	vand.u32 $0xFFF, v56;
	v43 =	vxor.u32 v19, v62  }
0x236: {  	v15 =	vld.idx.msk [tilespmem:v30+s7+$0x0], $0xffff;
	v41 =	vadd.s32 $0x1, v19;
	v44 =	vxor.u32 v19, v40;
	v35 =	vand.u32 $0xFFF, v43  }
0x237: {  	v37 =	vcvt.s32.f32 v37;
	v26 =	vxor.u32 v41, v62;
	v49 =	vand.u32 $0xFFF, v44;
	v61 =	vld.idx.msk [tilespmem:v54+s24+$0x0], $0xffff  }
0x238: {  	v47 =	vsub.f32 v63, v18;
	v48 =	vxor.u32 v41, v40;
	v26 =	vand.u32 $0xFFF, v26;
	v38 =	vld.idx.msk [tilespmem:v38+s24+$0x0], $0xffff  }
0x239: {  	v58 =	vtrunc.f32 v12;
	v55 =	vcvt.s32.f32 v34;
	v50 =	vand.u32 $0xFFF, v48;
	v36 =	vld.idx.msk [tilespmem:v57+s24+$0x0], $0xffff  }
0x23a: {  	v17 =	vcvt.f32.s32 v58;
	v19 =	vcvt.s32.f32 v19;
	v23 =	vsub.f32 v23, v37;
	v46 =	vld.idx.msk [tilespmem:v59+s24+$0x0], $0xffff  }
0x23b: {  	v24 =	vmul.f32 v47, v24;
	v20 =	vadd.f32 v32, v20;
	v62 =	vtrunc.f32 v31;
	v35 =	vld.idx.msk [tilespmem:v35+s3+$0x0], $0xffff  }
0x23c: {  	v41 =	vmul.f32 $2.030000000e+02, v1;
	v63 =	vmul.u32 $0x9E3779B1, v17;
	v60 =	vsub.f32 v29, v15;
	v21 =	vld.idx.msk [tilespmem:v49+s3+$0x0], $0xffff  }
0x23d: {  	v19 =	vsub.f32 v27, v19;
	v18 =	vadd.f32 v24, v18;
	v24 =	vcvt.f32.s32 v62;
	v26 =	vld.idx.msk [tilespmem:v26+s3+$0x0], $0xffff  }
0x23e: {  	v17 =	vcvt.s32.f32 v17;
	v45 =	vadd.s32 $0x9E3779B1, v63;
	v16 =	vmul.f32 v60, v8;
	v30 =	vld.idx.msk [tilespmem:v50+s3+$0x0], $0xffff  }
0x23f: {  	v44 =	vpack.i.f32.bf16 v18, v20;
	v47 =	vadd.s32 $0x1, v24;
	v51 =	vsub.f32 v38, v61  }
0x240: {  	v48 =	vxor.u32 v24, v63;
	v32 =	vxor.u32 v47, v63;
	v20 =	vsub.f32 v46, v36  }
0x241: {  	v49 =	vxor.u32 v24, v45;
	v18 =	vxor.u32 v47, v45;
	v54 =	vmul.f32 v51, v23  }
0x242: {  	v52 =	vand.u32 $0xFFF, v48;
	v20 =	vmul.f32 v20, v23;
	v23 =	vmul.f32 $2.500000000e+01, v6  }
0x243: {  	v24 =	vcvt.s32.f32 v24;
	v26 =	vsub.f32 v26, v35;
	v50 =	vsub.f32 v30, v21  }
0x244: {  	s19 =	sand.u32 $0x3, s13;
	v56 =	vand.u32 $0xFFF, v32;
	v30 =	vmul.f32 $2.500000000e+01, v7;
	v57 =	vtrunc.f32 v23  }
0x245: {  	s18 =	sshll.u32 s19, $0x5;
	v58 =	vand.u32 $0xFFF, v49;
	v26 =	vmul.f32 v26, v19;
	v19 =	vmul.f32 v50, v19  }
0x246: {  	s18 =	sadd.s32 s11, s18;
	v20 =	vadd.f32 v20, v36;
	v36 =	vmul.f32 $3.200000000e+01, v7;
	v29 =	vcvt.f32.s32 v57  }
0x247: {  	s19 =	sadd.s32 $0x20, s18;
	v59 =	vtrunc.f32 v30;
	v53 =	vadd.f32 v26, v35;
	v19 =	vadd.f32 v19, v21  }
0x248: {  	s18 =	sor.u32 $0x200, s19;
	v45 =	vtrunc.f32 v36;
	v26 =	vadd.f32 v54, v61;
	v21 =	vsub.f32 v33, v55  }
0x249: {  	[tilespmem:s18+$0x14000] =	vst v44;
	v33 =	vmul.f32 $2.030000000e+02, v2;
	v60 =	vmul.u32 $0x9E3779B1, v29;
	v35 =	vmul.f32 $3.200000000e+01, v6  }
0x24a: {  	v27 =	vld.idx.msk [tilespmem:v56+s1+$0x0], $0xffff;
	v61 =	vand.u32 $0xFFF, v18;
	v37 =	vcvt.f32.s32 v45;
	v54 =	vtrunc.f32 v41  }
0x24b: {  	v18 =	vld.idx.msk [tilespmem:v52+s1+$0x0], $0xffff;
	v45 =	vadd.s32 $0x9E3779B1, v14;
	v29 =	vcvt.s32.f32 v29;
	v19 =	vsub.f32 v19, v53  }
0x24c: {  	v20 =	vsub.f32 v20, v26;
	v62 =	vadd.s32 $0x9E3779B1, v60;
	v42 =	vtrunc.f32 v35  }
0x24d: {  	v48 =	vadd.s32 $0x1, v37;
	v39 =	vcvt.f32.s32 v42;
	v42 =	vcvt.f32.s32 v54  }
0x24e: {  	v23 =	vsub.f32 v23, v29;
	v19 =	vmul.f32 v19, v22;
	v20 =	vmul.f32 v20, v21  }
0x24f: {  	v21 =	vcvt.f32.s32 v59;
	v59 =	vtrunc.f32 v10;
	v46 =	vmul.u32 $0x9E3779B1, v39  }
0x250: {  	v57 =	vsub.f32 v27, v18;
	v14 =	vcvt.f32.s32 v59;
	v19 =	vadd.f32 v19, v53  }
0x251: {  	v20 =	vadd.f32 v20, v26;
	v63 =	vadd.s32 $0x1, v21;
	v43 =	vxor.u32 v21, v60  }
0x252: {  	v44 =	vxor.u32 v21, v62;
	v53 =	vtrunc.f32 v33;
	v21 =	vcvt.s32.f32 v21  }
0x253: {  	v22 =	vxor.u32 v63, v60;
	v38 =	vand.u32 $0xFFF, v43;
	v47 =	vxor.u32 v63, v62  }
0x254: {  	v3 =	vand.u32 $0xFFF, v44;
	v49 =	vxor.u32 v37, v46;
	v50 =	vadd.s32 $0x9E3779B1, v46  }
0x255: {  	v40 =	vxor.u32 v48, v46;
	v56 =	vcvt.f32.s32 v53;
	v43 =	vmul.u32 $0x9E3779B1, v42  }
0x256: {  	s18 =	sadd.s32 $0x30, s17;
	v22 =	vand.u32 $0xFFF, v22;
	v19 =	vpack.i.f32.bf16 v20, v19;
	v20 =	vand.u32 $0xFFF, v47  }
0x257: {  	s21 =	sand.u32 $0x70, s18;
	v32 =	vand.u32 $0xFFF, v49;
	v51 =	vxor.u32 v37, v50;
	v40 =	vand.u32 $0xFFF, v40  }
0x258: {  	s9 =	sor.u32 s21, s9;
	v25 =	vld.idx.msk [tilespmem:v58+s1+$0x0], $0xffff;
	v37 =	vcvt.s32.f32 v37;
	v21 =	vsub.f32 v30, v21;
	v30 =	vmul.f32 $4.000000000e+01, v7  }
0x259: {  	v34 =	vld.idx.msk [tilespmem:v61+s1+$0x0], $0xffff;
	[tilespmem:s9+$0x0] =	vst v19;
	v19 =	vxor.u32 v48, v50;
	v52 =	vand.u32 $0xFFF, v51;
	v60 =	vcvt.s32.f32 v56  }
0x25a: {  	v61 =	vadd.s32 $0x9E3779B1, v43;
	v62 =	vadd.s32 $0x1, v56;
	v63 =	vxor.u32 v56, v43;
	v38 =	vld.idx.msk [tilespmem:v38+s25+$0x0], $0xffff  }
0x25b: {  	v51 =	vcvt.s32.f32 v39;
	v19 =	vand.u32 $0xFFF, v19;
	v43 =	vxor.u32 v62, v43;
	v55 =	vld.idx.msk [tilespmem:v3+s25+$0x0], $0xffff  }
0x25c: {  	v46 =	vand.u32 $0xFFF, v63;
	v47 =	vsub.f32 v36, v37;
	v36 =	vmul.f32 $4.000000000e+01, v6;
	v22 =	vld.idx.msk [tilespmem:v22+s25+$0x0], $0xffff  }
0x25d: {  	v37 =	vmul.f32 $5.000000000e+01, v7;
	v43 =	vand.u32 $0xFFF, v43;
	v53 =	vsub.f32 v35, v51;
	v20 =	vld.idx.msk [tilespmem:v20+s25+$0x0], $0xffff  }
0x25e: {  	v35 =	vmul.f32 $5.000000000e+01, v6;
	v3 =	vsub.f32 v9, v28;
	v9 =	vmul.f32 $5.120000000e+02, v0;
	v58 =	vld.idx.msk [tilespmem:v32+s26+$0x0], $0xffff  }
0x25f: {  	v0 =	vsub.f32 v31, v24;
	v31 =	vsub.f32 v34, v25;
	v28 =	vxor.u32 v56, v61;
	v40 =	vld.idx.msk [tilespmem:v40+s26+$0x0], $0xffff  }
0x260: {  	v54 =	vtrunc.f32 v36;
	v32 =	vsub.f32 v33, v60;
	v33 =	vxor.u32 v62, v61;
	v26 =	vld.idx.msk [tilespmem:v52+s26+$0x0], $0xffff  }
0x261: {  	v27 =	vcvt.f32.s32 v54;
	v28 =	vand.u32 $0xFFF, v28;
	v24 =	vmul.f32 v57, v0;
	v19 =	vld.idx.msk [tilespmem:v19+s26+$0x0], $0xffff  }
0x262: {  	v59 =	vtrunc.f32 v35;
	v33 =	vand.u32 $0xFFF, v33;
	v0 =	vmul.f32 v31, v0;
	v29 =	vld.idx.msk [tilespmem:v46+s4+$0x0], $0xffff  }
0x263: {  	v62 =	vtrunc.f32 v37;
	v56 =	vmul.u32 $0x9E3779B1, v27;
	v52 =	vld.idx.msk [tilespmem:v43+s4+$0x0], $0xffff;
	v24 =	vadd.f32 v24, v18  }
0x264: {  	v43 =	vcvt.f32.s32 v62;
	v0 =	vadd.f32 v0, v25;
	v22 =	vsub.f32 v22, v38  }
0x265: {  	v18 =	vxor.u32 v13, v45;
	v57 =	vadd.s32 $0x9E3779B1, v56;
	v20 =	vsub.f32 v20, v55  }
0x266: {  	v18 =	vand.u32 $0xFFF, v18;
	v48 =	vsub.f32 v40, v58;
	v28 =	vld.idx.msk [tilespmem:v28+s4+$0x0], $0xffff;
	v22 =	vmul.f32 v22, v21  }
0x267: {  	v0 =	vsub.f32 v0, v24;
	v33 =	vld.idx.msk [tilespmem:v33+s4+$0x0], $0xffff;
	v19 =	vsub.f32 v19, v26;
	v20 =	vmul.f32 v20, v21  }
0x268: {  	v50 =	vmul.f32 v48, v47;
	v34 =	vsub.f32 v52, v29;
	v49 =	vadd.f32 v22, v38  }
0x269: {  	v19 =	vmul.f32 v19, v47;
	v20 =	vadd.f32 v20, v55;
	v55 =	vtrunc.f32 v30  }
0x26a: {  	v22 =	vadd.f32 v50, v58;
	v38 =	vcvt.f32.s32 v59;
	v54 =	vmul.f32 v34, v32  }
0x26b: {  	v59 =	vtrunc.f32 v9;
	v19 =	vadd.f32 v19, v26;
	v20 =	vsub.f32 v20, v49  }
0x26c: {  	v63 =	vmul.u32 $0x9E3779B1, v38;
	v33 =	vsub.f32 v33, v28;
	v29 =	vadd.f32 v54, v29  }
0x26d: {  	v54 =	vcvt.s32.f32 v38;
	v19 =	vsub.f32 v19, v22;
	v20 =	vmul.f32 v20, v23  }
0x26e: {  	v23 =	vcvt.f32.s32 v55;
	v50 =	vxor.u32 v43, v63;
	v51 =	vadd.s32 $0x9E3779B1, v63  }
0x26f: {  	v32 =	vmul.f32 v33, v32;
	v40 =	vand.u32 $0xFFF, v50;
	v52 =	vxor.u32 v43, v51  }
0x270: {  	v19 =	vmul.f32 v19, v53;
	v20 =	vadd.f32 v20, v49;
	v58 =	vadd.s32 $0x1, v23  }
0x271: {  	v60 =	vxor.u32 v23, v56;
	v61 =	vxor.u32 v23, v57;
	v49 =	vadd.s32 $0x1, v43  }
0x272: {  	v53 =	vand.u32 $0xFFF, v52;
	v46 =	vcvt.s32.f32 v23;
	v26 =	vxor.u32 v58, v56  }
0x273: {  	v39 =	vand.u32 $0xFFF, v60;
	v47 =	vxor.u32 v58, v57;
	v48 =	vand.u32 $0xFFF, v61  }
0x274: {  	v44 =	vxor.u32 v49, v63;
	v56 =	vcvt.s32.f32 v42;
	v57 =	vadd.f32 v32, v28  }
0x275: {  	v60 =	vsub.f32 v12, v17;
	v12 =	vcvt.f32.s32 v59;
	v19 =	vadd.f32 v19, v22  }
0x276: {  	v17 =	vxor.u32 v11, v45;
	v11 =	vmul.f32 $2.560000000e+02, v1;
	v26 =	vand.u32 $0xFFF, v26  }
0x277: {  	v44 =	vand.u32 $0xFFF, v44;
	v13 =	vsub.f32 v30, v46;
	v19 =	vpack.i.f32.bf16 v19, v20  }
0x278: {  	v18 =	vld.idx.msk [tilespmem:v18+s7+$0x0], $0xffff;
	v28 =	vmul.f32 $6.400000000e+01, v7;
	v62 =	vsub.f32 v41, v56;
	v63 =	vsub.f32 v57, v29;
	[tilespmem:s9+$0x80] =	vst v19  }
0x279: {  	v17 =	vand.u32 $0xFFF, v17;
	v32 =	vmul.f32 v0, v60;
	v0 =	vadd.f32 v16, v15;
	v39 =	vld.idx.msk [tilespmem:v39+s28+$0x0], $0xffff  }
0x27a: {  	v20 =	vand.u32 $0xFFF, v47;
	v47 =	vcvt.s32.f32 v43;
	v31 =	vmul.f32 v63, v62;
	v58 =	vld.idx.msk [tilespmem:v40+s29+$0x0], $0xffff  }
0x27b: {  	v19 =	vxor.u32 v49, v51;
	v49 =	vcvt.s32.f32 v27;
	v63 =	vmul.f32 $8.000000000e+01, v7;
	v26 =	vld.idx.msk [tilespmem:v26+s28+$0x0], $0xffff  }
0x27c: {  	v19 =	vand.u32 $0xFFF, v19;
	v61 =	vld.idx.msk [tilespmem:v44+s29+$0x0], $0xffff;
	v60 =	vadd.f32 v31, v29;
	v29 =	vmul.f32 $8.000000000e+01, v6  }
0x27d: {  	v24 =	vadd.f32 v32, v24;
	v21 =	vld.idx.msk [tilespmem:v48+s28+$0x0], $0xffff;
	v15 =	vsub.f32 v37, v47;
	v43 =	vtrunc.f32 v63  }
0x27e: {  	v23 =	vsub.f32 v36, v49;
	v17 =	vld.idx.msk [tilespmem:v17+s7+$0x0], $0xffff;
	v36 =	vcvt.f32.s32 v43;
	v40 =	vtrunc.f32 v29  }
0x27f: {  	v55 =	vld.idx.msk [tilespmem:v20+s28+$0x0], $0xffff;
	v20 =	vcvt.s32.f32 v14;
	v24 =	vpack.i.f32.bf16 v60, v24;
	v32 =	vcvt.f32.s32 v40  }
0x280: {  	v22 =	vld.idx.msk [tilespmem:v53+s29+$0x0], $0xffff;
	v47 =	vadd.s32 $0x1, v36;
	v40 =	vmul.u32 $0x9E3779B1, v12;
	v12 =	vcvt.s32.f32 v12  }
0x281: {  	v44 =	vld.idx.msk [tilespmem:v19+s29+$0x0], $0xffff;
	v19 =	vmul.f32 $2.560000000e+02, v2;
	v48 =	vsub.f32 v26, v39;
	v50 =	vsub.f32 v61, v58  }
0x282: {  	v26 =	vmul.f32 $6.400000000e+01, v6;
	v9 =	vsub.f32 v9, v12;
	v12 =	vmul.f32 $4.060000000e+02, v1  }
0x283: {  	v18 =	vsub.f32 v18, v17;
	v52 =	vtrunc.f32 v19;
	v16 =	vmul.f32 v48, v13  }
0x284: {  	v25 =	vsub.f32 v55, v21;
	v53 =	vmul.f32 v50, v15;
	v55 =	vtrunc.f32 v11  }
0x285: {  	v20 =	vsub.f32 v10, v20;
	v57 =	vtrunc.f32 v26;
	v30 =	vcvt.f32.s32 v52  }
0x286: {  	v8 =	vmul.f32 v18, v8;
	v33 =	vcvt.f32.s32 v57;
	v51 =	vsub.f32 v44, v22  }
0x287: {  	v13 =	vmul.f32 v25, v13;
	v16 =	vadd.f32 v16, v39;
	v25 =	vadd.f32 v53, v58  }
0x288: {  	v58 =	vtrunc.f32 v28;
	v44 =	vmul.u32 $0x9E3779B1, v32;
	v53 =	vadd.s32 $0x1, v30  }
0x289: {  	v59 =	vmul.u32 $0x9E3779B1, v33;
	v15 =	vmul.f32 v51, v15;
	v13 =	vadd.f32 v13, v21  }
0x28a: {  	v21 =	vsub.f32 v35, v54;
	v48 =	vxor.u32 v36, v44;
	v49 =	vadd.s32 $0x9E3779B1, v44  }
0x28b: {  	v37 =	vxor.u32 v47, v44;
	v44 =	vmul.f32 $3.220000000e+02, v2;
	v61 =	vadd.s32 $0x9E3779B1, v59  }
0x28c: {  	v35 =	vand.u32 $0xFFF, v48;
	v50 =	vxor.u32 v36, v49;
	v15 =	vadd.f32 v15, v22  }
0x28d: {  	v37 =	vand.u32 $0xFFF, v37;
	v36 =	vcvt.s32.f32 v36;
	v56 =	vsub.f32 v13, v16  }
0x28e: {  	v13 =	vcvt.f32.s32 v55;
	v38 =	vand.u32 $0xFFF, v50;
	v15 =	vsub.f32 v15, v25  }
0x28f: {  	v50 =	vcvt.s32.f32 v32;
	v31 =	vsub.f32 v63, v36;
	v22 =	vmul.f32 v56, v23  }
0x290: {  	v36 =	vmul.f32 $1.280000000e+02, v6;
	v51 =	vmul.u32 $0x9E3779B1, v13;
	v15 =	vmul.f32 v15, v21  }
0x291: {  	v13 =	vcvt.s32.f32 v13;
	v21 =	vcvt.f32.s32 v58;
	v16 =	vadd.f32 v22, v16  }
0x292: {  	v52 =	vadd.s32 $0x9E3779B1, v51;
	v55 =	vxor.u32 v30, v51;
	v15 =	vadd.f32 v15, v25  }
0x293: {  	v39 =	vxor.u32 v53, v51;
	v11 =	vsub.f32 v11, v13;
	v41 =	vxor.u32 v21, v59  }
0x294: {  	v42 =	vxor.u32 v21, v61;
	v34 =	vand.u32 $0xFFF, v41;
	v15 =	vpack.i.f32.bf16 v15, v16  }
0x295: {  	v62 =	vadd.s32 $0x1, v21;
	v25 =	vxor.u32 v47, v49;
	v46 =	vand.u32 $0xFFF, v42;
	[tilespmem:s9+$0x100] =	vst v15  }
0x296: {  	v13 =	vmul.f32 $4.060000000e+02, v2;
	v45 =	vxor.u32 v62, v61;
	v25 =	vand.u32 $0xFFF, v25;
	v35 =	vld.idx.msk [tilespmem:v35+s31+$0x0], $0xffff  }
0x297: {  	v2 =	vmul.f32 $5.120000000e+02, v2;
	v23 =	vxor.u32 v62, v59;
	v16 =	vand.u32 $0xFFF, v45;
	v37 =	vld.idx.msk [tilespmem:v37+s31+$0x0], $0xffff  }
0x298: {  	v57 =	vxor.u32 v30, v52;
	v27 =	vxor.u32 v53, v52;
	v23 =	vand.u32 $0xFFF, v23;
	v38 =	vld.idx.msk [tilespmem:v38+s31+$0x0], $0xffff  }
0x299: {  	v58 =	vand.u32 $0xFFF, v55;
	v30 =	vcvt.s32.f32 v30;
	v15 =	vmul.f32 $3.220000000e+02, v1;
	v34 =	vld.idx.msk [tilespmem:v34+s30+$0x0], $0xffff  }
0x29a: {  	v39 =	vand.u32 $0xFFF, v39;
	v21 =	vcvt.s32.f32 v21;
	v59 =	vtrunc.f32 v44;
	v22 =	vld.idx.msk [tilespmem:v46+s30+$0x0], $0xffff  }
0x29b: {  	v27 =	vand.u32 $0xFFF, v27;
	v61 =	vcvt.s32.f32 v33;
	v56 =	vtrunc.f32 v15;
	v25 =	vld.idx.msk [tilespmem:v25+s31+$0x0], $0xffff  }
0x29c: {  	v33 =	vmul.f32 $1.010000000e+02, v7;
	v19 =	vsub.f32 v19, v30;
	v54 =	vld.idx.msk [tilespmem:v16+s30+$0x0], $0xffff;
	v16 =	vcvt.f32.s32 v56  }
0x29d: {  	v43 =	vcvt.f32.s32 v59;
	v45 =	vand.u32 $0xFFF, v57;
	v21 =	vsub.f32 v28, v21;
	v23 =	vld.idx.msk [tilespmem:v23+s30+$0x0], $0xffff  }
0x29e: {  	v59 =	vtrunc.f32 v36;
	v26 =	vsub.f32 v26, v61;
	v60 =	vmul.u32 $0x9E3779B1, v16  }
0x29f: {  	v55 =	vtrunc.f32 v33;
	v1 =	vmul.f32 $5.120000000e+02, v1;
	v48 =	vadd.s32 $0x1, v43  }
0x2a0: {  	v63 =	vsub.f32 v37, v35;
	v37 =	vmul.f32 $1.280000000e+02, v7;
	v47 =	vadd.s32 $0x9E3779B1, v60  }
0x2a1: {  	v49 =	vxor.u32 v43, v60;
	v25 =	vsub.f32 v25, v38;
	v42 =	vxor.u32 v48, v60  }
0x2a2: {  	v46 =	vmul.f32 v63, v31;
	v23 =	vsub.f32 v23, v34;
	v62 =	vsub.f32 v54, v22  }
0x2a3: {  	s21 =	sor.u32 $0x280, s19;
	v51 =	vxor.u32 v43, v47;
	v53 =	vand.u32 $0xFFF, v49;
	v54 =	vand.u32 $0xFFF, v42  }
0x2a4: {  	[tilespmem:s21+$0x14000] =	vst v24;
	v47 =	vxor.u32 v48, v47;
	v25 =	vmul.f32 v25, v31;
	v31 =	vmul.f32 $1.010000000e+02, v6  }
0x2a5: {  	v27 =	vld.idx.msk [tilespmem:v27+s5+$0x0], $0xffff;
	v28 =	vadd.f32 v46, v35;
	v32 =	vand.u32 $0xFFF, v51;
	v23 =	vmul.f32 v23, v21  }
0x2a6: {  	v42 =	vld.idx.msk [tilespmem:v45+s5+$0x0], $0xffff;
	v47 =	vand.u32 $0xFFF, v47;
	v21 =	vmul.f32 v62, v21;
	v62 =	vtrunc.f32 v37  }
0x2a7: {  	v25 =	vadd.f32 v25, v38;
	v52 =	vtrunc.f32 v31;
	v38 =	vcvt.f32.s32 v59  }
0x2a8: {  	v46 =	vcvt.f32.s32 v62;
	v59 =	vadd.s32 $0x1, v14;
	v23 =	vadd.f32 v23, v34  }
0x2a9: {  	v62 =	vcvt.s32.f32 v43;
	v21 =	vadd.f32 v21, v22;
	v22 =	vsub.f32 v29, v50  }
0x2aa: {  	v29 =	vcvt.f32.s32 v52;
	v50 =	vadd.s32 $0x9E3779B1, v40;
	v25 =	vsub.f32 v25, v28  }
0x2ab: {  	v63 =	vmul.u32 $0x9E3779B1, v38;
	v27 =	vsub.f32 v27, v42;
	v21 =	vsub.f32 v21, v23  }
0x2ac: {  	v56 =	vmul.u32 $0x9E3779B1, v29;
	v29 =	vcvt.s32.f32 v29;
	v22 =	vmul.f32 v25, v22  }
0x2ad: {  	v25 =	vcvt.f32.s32 v55;
	v55 =	vxor.u32 v46, v63;
	v21 =	vmul.f32 v21, v26  }
0x2ae: {  	v24 =	vld.idx.msk [tilespmem:v58+s5+$0x0], $0xffff;
	v57 =	vadd.s32 $0x9E3779B1, v56;
	v45 =	vand.u32 $0xFFF, v55;
	v22 =	vadd.f32 v22, v28  }
0x2af: {  	v39 =	vld.idx.msk [tilespmem:v39+s5+$0x0], $0xffff;
	v58 =	vadd.s32 $0x1, v25;
	v60 =	vxor.u32 v25, v56;
	v61 =	vxor.u32 v25, v57  }
0x2b0: {  	v28 =	vld.idx.msk [tilespmem:v54+s6+$0x0], $0xffff;
	v54 =	vadd.s32 $0x1, v46;
	v21 =	vadd.f32 v21, v23;
	v41 =	vand.u32 $0xFFF, v60  }
0x2b1: {  	v34 =	vld.idx.msk [tilespmem:v53+s6+$0x0], $0xffff;
	v25 =	vcvt.s32.f32 v25;
	v26 =	vxor.u32 v58, v56;
	v53 =	vand.u32 $0xFFF, v61  }
0x2b2: {  	v32 =	vld.idx.msk [tilespmem:v32+s6+$0x0], $0xffff;
	v49 =	vxor.u32 v54, v63;
	v26 =	vand.u32 $0xFFF, v26;
	v21 =	vpack.i.f32.bf16 v22, v21  }
0x2b3: {  	v51 =	vld.idx.msk [tilespmem:v47+s6+$0x0], $0xffff;
	v52 =	vxor.u32 v58, v57;
	v56 =	vadd.s32 $0x9E3779B1, v63;
	v49 =	vand.u32 $0xFFF, v49;
	[tilespmem:s9+$0x180] =	vst v21  }
0x2b4: {  	v60 =	vxor.u32 v14, v40;
	v57 =	vxor.u32 v46, v56;
	v22 =	vand.u32 $0xFFF, v52;
	v45 =	vld.idx.msk [tilespmem:v45+s2+$0x0], $0xffff  }
0x2b5: {  	v40 =	vxor.u32 v59, v40;
	v58 =	vand.u32 $0xFFF, v57;
	v21 =	vxor.u32 v54, v56;
	v10 =	vld.idx.msk [tilespmem:v41+s0+$0x0], $0xffff  }
0x2b6: {  	v14 =	vxor.u32 v14, v50;
	v61 =	vsub.f32 v39, v24;
	v21 =	vand.u32 $0xFFF, v21;
	v23 =	vld.idx.msk [tilespmem:v53+s0+$0x0], $0xffff  }
0x2b7: {  	v39 =	vsub.f32 v44, v62;
	v25 =	vsub.f32 v33, v25;
	v54 =	vand.u32 $0xFFF, v40;
	v26 =	vld.idx.msk [tilespmem:v26+s0+$0x0], $0xffff  }
0x2b8: {  	v30 =	vmul.f32 v61, v19;
	v28 =	vsub.f32 v28, v34;
	v53 =	vand.u32 $0xFFF, v60;
	v63 =	vld.idx.msk [tilespmem:v49+s2+$0x0], $0xffff  }
0x2b9: {  	v19 =	vmul.f32 v27, v19;
	v41 =	vxor.u32 v59, v50;
	v50 =	vsub.f32 v31, v29;
	v22 =	vld.idx.msk [tilespmem:v22+s0+$0x0], $0xffff  }
0x2ba: {  	v29 =	vsub.f32 v51, v32;
	v49 =	vcvt.s32.f32 v46;
	v28 =	vmul.f32 v28, v39;
	v35 =	vld.idx.msk [tilespmem:v58+s2+$0x0], $0xffff  }
0x2bb: {  	v14 =	vand.u32 $0xFFF, v14;
	v24 =	vadd.f32 v30, v24;
	v19 =	vadd.f32 v19, v42;
	v21 =	vld.idx.msk [tilespmem:v21+s2+$0x0], $0xffff  }
0x2bc: {  	v29 =	vmul.f32 v29, v39;
	v52 =	vsub.f32 v37, v49;
	v37 =	vld.idx.msk [tilespmem:v54+s8+$0x0], $0xffff;
	v28 =	vadd.f32 v28, v34  }
0x2bd: {  	v30 =	vmul.f32 $2.030000000e+02, v6;
	v33 =	vld.idx.msk [tilespmem:v53+s8+$0x0], $0xffff;
	v26 =	vsub.f32 v26, v10;
	v56 =	vsub.f32 v63, v45  }
0x2be: {  	v58 =	vcvt.s32.f32 v38;
	v29 =	vadd.f32 v29, v32;
	v22 =	vsub.f32 v22, v23  }
0x2bf: {  	v55 =	vand.u32 $0xFFF, v41;
	v26 =	vmul.f32 v26, v25;
	v57 =	vmul.f32 v56, v52  }
0x2c0: {  	v29 =	vsub.f32 v29, v28;
	v21 =	vsub.f32 v21, v35;
	v22 =	vmul.f32 v22, v25  }
0x2c1: {  	v10 =	vadd.f32 v26, v10;
	v26 =	vmul.f32 $1.610000000e+02, v6;
	v25 =	vadd.f32 v57, v45  }
0x2c2: {  	v45 =	vtrunc.f32 v30;
	v37 =	vsub.f32 v37, v33;
	v21 =	vmul.f32 v21, v52  }
0x2c3: {  	v22 =	vadd.f32 v22, v23;
	v23 =	vsub.f32 v36, v58;
	v36 =	vmul.f32 $2.030000000e+02, v7  }
0x2c4: {  	v38 =	vcvt.f32.s32 v45;
	v59 =	vtrunc.f32 v26;
	v21 =	vadd.f32 v21, v35  }
0x2c5: {  	v22 =	vsub.f32 v22, v10;
	v35 =	vmul.f32 $1.610000000e+02, v7;
	v48 =	vtrunc.f32 v36  }
0x2c6: {  	v31 =	vcvt.f32.s32 v59;
	v49 =	vmul.u32 $0x9E3779B1, v38;
	v42 =	vcvt.f32.s32 v48  }
0x2c7: {  	v48 =	vtrunc.f32 v13;
	v21 =	vsub.f32 v21, v25;
	v22 =	vmul.f32 v22, v50  }
0x2c8: {  	v52 =	vld.idx.msk [tilespmem:v55+s8+$0x0], $0xffff;
	v60 =	vtrunc.f32 v35;
	v61 =	vmul.u32 $0x9E3779B1, v31;
	v55 =	vadd.s32 $0x9E3779B1, v49  }
0x2c9: {  	v53 =	vadd.s32 $0x1, v42;
	v54 =	vxor.u32 v42, v49;
	v57 =	vxor.u32 v42, v55  }
0x2ca: {  	v21 =	vmul.f32 v21, v23;
	v23 =	vcvt.f32.s32 v60;
	v10 =	vadd.f32 v22, v10  }
0x2cb: {  	v62 =	vadd.s32 $0x9E3779B1, v61;
	v43 =	vxor.u32 v53, v49;
	v41 =	vand.u32 $0xFFF, v54  }
0x2cc: {  	v14 =	vld.idx.msk [tilespmem:v14+s8+$0x0], $0xffff;
	v58 =	vand.u32 $0xFFF, v57;
	v60 =	vcvt.s32.f32 v16;
	v49 =	vcvt.s32.f32 v31  }
0x2cd: {  	v43 =	vand.u32 $0xFFF, v43;
	v21 =	vadd.f32 v21, v25;
	v46 =	vxor.u32 v23, v61  }
0x2ce: {  	s9 =	sadd.s32 $0x30, s16;
	v63 =	vadd.s32 $0x1, v23;
	v47 =	vxor.u32 v23, v62;
	v39 =	vand.u32 $0xFFF, v46  }
0x2cf: {  	s16 =	sor.u32 $0x200, s9;
	v27 =	vxor.u32 v63, v61;
	v51 =	vand.u32 $0xFFF, v47;
	v10 =	vpack.i.f32.bf16 v21, v10  }
0x2d0: {  	v54 =	vtrunc.f32 v12;
	v50 =	vxor.u32 v63, v62;
	v27 =	vand.u32 $0xFFF, v27;
	[tilespmem:s16+$0x14000] =	vst v10  }
0x2d1: {  	v25 =	vsub.f32 v52, v14;
	v15 =	vsub.f32 v15, v60;
	v21 =	vand.u32 $0xFFF, v50;
	v63 =	vld.idx.msk [tilespmem:v41+s4+$0x0], $0xffff  }
0x2d2: {  	v23 =	vcvt.s32.f32 v23;
	v62 =	vsub.f32 v19, v24;
	v10 =	vxor.u32 v53, v55;
	v40 =	vld.idx.msk [tilespmem:v43+s4+$0x0], $0xffff  }
0x2d3: {  	v47 =	vcvt.s32.f32 v42;
	v19 =	vmul.f32 v29, v15;
	v59 =	vand.u32 $0xFFF, v10;
	v56 =	vld.idx.msk [tilespmem:v39+s1+$0x0], $0xffff  }
0x2d4: {  	v23 =	vsub.f32 v35, v23;
	v45 =	vmul.f32 v62, v11;
	v53 =	vcvt.s32.f32 v38;
	v22 =	vld.idx.msk [tilespmem:v51+s1+$0x0], $0xffff  }
0x2d5: {  	v50 =	vsub.f32 v36, v47;
	v10 =	vadd.f32 v8, v17;
	v41 =	vmul.f32 v37, v20;
	v27 =	vld.idx.msk [tilespmem:v27+s1+$0x0], $0xffff  }
0x2d6: {  	v43 =	vmul.f32 v25, v20;
	v19 =	vadd.f32 v19, v28;
	v55 =	vsub.f32 v30, v53;
	v61 =	vld.idx.msk [tilespmem:v21+s1+$0x0], $0xffff  }
0x2d7: {  	v29 =	vmul.f32 $2.560000000e+02, v7;
	v44 =	vld.idx.msk [tilespmem:v58+s4+$0x0], $0xffff;
	v24 =	vadd.f32 v45, v24;
	v8 =	vadd.f32 v41, v33  }
0x2d8: {  	v25 =	vmul.f32 $3.220000000e+02, v6;
	v11 =	vadd.f32 v43, v14;
	v46 =	vld.idx.msk [tilespmem:v59+s4+$0x0], $0xffff;
	v21 =	vsub.f32 v40, v63  }
0x2d9: {  	v14 =	vcvt.f32.s32 v48;
	v51 =	vsub.f32 v26, v49;
	v26 =	vmul.f32 $2.560000000e+02, v6  }
0x2da: {  	v10 =	vsub.f32 v10, v0;
	v21 =	vmul.f32 v21, v50;
	v27 =	vsub.f32 v27, v56  }
0x2db: {  	v59 =	vtrunc.f32 v29;
	v40 =	vtrunc.f32 v25;
	v16 =	vsub.f32 v61, v22  }
0x2dc: {  	v18 =	vadd.f32 v21, v63;
	v63 =	vmul.f32 $3.220000000e+02, v7;
	v27 =	vmul.f32 v27, v23  }
0x2dd: {  	v20 =	vcvt.f32.s32 v59;
	v15 =	vsub.f32 v46, v44;
	v16 =	vmul.f32 v16, v23  }
0x2de: {  	v28 =	vcvt.f32.s32 v40;
	v43 =	vtrunc.f32 v63;
	v52 =	vadd.f32 v27, v56  }
0x2df: {  	v15 =	vmul.f32 v15, v50;
	v16 =	vadd.f32 v16, v22;
	v56 =	vtrunc.f32 v26  }
0x2e0: {  	v19 =	vpack.i.f32.bf16 v19, v24;
	v32 =	vcvt.f32.s32 v43;
	v21 =	vcvt.f32.s32 v56  }
0x2e1: {  	v62 =	vadd.s32 $0x1, v20;
	v15 =	vadd.f32 v15, v44;
	v16 =	vsub.f32 v16, v52  }
0x2e2: {  	v44 =	vmul.u32 $0x9E3779B1, v28;
	v47 =	vadd.s32 $0x1, v32;
	v60 =	vmul.u32 $0x9E3779B1, v21  }
0x2e3: {  	v21 =	vcvt.s32.f32 v21;
	v57 =	vsub.f32 v15, v18;
	v15 =	vcvt.f32.s32 v54  }
0x2e4: {  	v16 =	vmul.f32 v16, v51;
	v48 =	vxor.u32 v32, v44;
	v49 =	vadd.s32 $0x9E3779B1, v44  }
0x2e5: {  	v33 =	vxor.u32 v47, v44;
	v54 =	vadd.s32 $0x1, v14;
	v61 =	vadd.s32 $0x9E3779B1, v60  }
0x2e6: {  	v41 =	vxor.u32 v20, v60;
	v22 =	vxor.u32 v62, v60;
	v58 =	vmul.f32 v57, v55  }
0x2e7: {  	v31 =	vand.u32 $0xFFF, v48;
	v16 =	vadd.f32 v16, v52;
	v30 =	vand.u32 $0xFFF, v41  }
0x2e8: {  	v42 =	vxor.u32 v20, v61;
	v22 =	vand.u32 $0xFFF, v22;
	v17 =	vadd.f32 v58, v18  }
0x2e9: {  	v51 =	vxor.u32 v32, v49;
	v33 =	vand.u32 $0xFFF, v33;
	v46 =	vand.u32 $0xFFF, v42  }
0x2ea: {  	s21 =	sor.u32 $0x280, s9;
	v32 =	vcvt.s32.f32 v32;
	v21 =	vsub.f32 v26, v21;
	v16 =	vpack.i.f32.bf16 v17, v16  }
0x2eb: {  	v26 =	vmul.f32 $4.060000000e+02, v6;
	v6 =	vmul.f32 $5.120000000e+02, v6;
	v45 =	vxor.u32 v62, v61;
	[tilespmem:s21+$0x14000] =	vst v16  }
0x2ec: {  	v50 =	vmul.u32 $0x9E3779B1, v15;
	v52 =	vand.u32 $0xFFF, v51;
	v17 =	vand.u32 $0xFFF, v45;
	v30 =	vld.idx.msk [tilespmem:v30+s5+$0x0], $0xffff  }
0x2ed: {  	v55 =	vtrunc.f32 v1;
	v20 =	vcvt.s32.f32 v20;
	v16 =	vxor.u32 v47, v49;
	v22 =	vld.idx.msk [tilespmem:v22+s5+$0x0], $0xffff  }
0x2ee: {  	v41 =	vcvt.s32.f32 v28;
	v36 =	vcvt.f32.s32 v55;
	v18 =	vld.idx.msk [tilespmem:v46+s5+$0x0], $0xffff;
	v16 =	vand.u32 $0xFFF, v16  }
0x2ef: {  	v27 =	vsub.f32 v63, v32;
	v43 =	vtrunc.f32 v26;
	v53 =	vadd.s32 $0x9E3779B1, v50;
	v31 =	vld.idx.msk [tilespmem:v31+s6+$0x0], $0xffff  }
0x2f0: {  	v56 =	vxor.u32 v14, v50;
	v34 =	vxor.u32 v54, v50;
	v58 =	vtrunc.f32 v2;
	v33 =	vld.idx.msk [tilespmem:v33+s6+$0x0], $0xffff  }
0x2f1: {  	v20 =	vsub.f32 v29, v20;
	v57 =	vxor.u32 v14, v53;
	v24 =	vxor.u32 v54, v53;
	v17 =	vld.idx.msk [tilespmem:v17+s5+$0x0], $0xffff  }
0x2f2: {  	v37 =	vand.u32 $0xFFF, v56;
	v35 =	vcvt.f32.s32 v58;
	v59 =	vmul.u32 $0x9E3779B1, v36;
	v23 =	vld.idx.msk [tilespmem:v52+s6+$0x0], $0xffff  }
0x2f3: {  	v34 =	vand.u32 $0xFFF, v34;
	v38 =	vand.u32 $0xFFF, v57;
	v24 =	vand.u32 $0xFFF, v24;
	v16 =	vld.idx.msk [tilespmem:v16+s6+$0x0], $0xffff  }
0x2f4: {  	v60 =	vadd.s32 $0x9E3779B1, v59;
	v61 =	vadd.s32 $0x1, v35;
	v62 =	vxor.u32 v35, v59  }
0x2f5: {  	v39 =	vxor.u32 v61, v59;
	v29 =	vxor.u32 v61, v60;
	v40 =	vxor.u32 v35, v60  }
0x2f6: {  	v42 =	vand.u32 $0xFFF, v62;
	v22 =	vsub.f32 v22, v30;
	v17 =	vsub.f32 v17, v18  }
0x2f7: {  	v52 =	vtrunc.f32 v6;
	v44 =	vand.u32 $0xFFF, v39;
	v33 =	vsub.f32 v33, v31  }
0x2f8: {  	v22 =	vmul.f32 v22, v20;
	v16 =	vsub.f32 v16, v23;
	v17 =	vmul.f32 v17, v20  }
0x2f9: {  	v45 =	vand.u32 $0xFFF, v40;
	v32 =	vcvt.f32.s32 v52;
	v33 =	vmul.f32 v33, v27  }
0x2fa: {  	v63 =	vadd.f32 v22, v30;
	v16 =	vmul.f32 v16, v27;
	v17 =	vadd.f32 v17, v18  }
0x2fb: {  	v18 =	vsub.f32 v25, v41;
	v25 =	vmul.f32 $4.060000000e+02, v7;
	v7 =	vmul.f32 $5.120000000e+02, v7  }
0x2fc: {  	s21 =	sor.u32 $0x300, s19;
	v48 =	vand.u32 $0xFFF, v29;
	v57 =	vmul.u32 $0x9E3779B1, v32;
	v22 =	vadd.f32 v33, v31  }
0x2fd: {  	[tilespmem:s21+$0x14000] =	vst v19;
	v16 =	vadd.f32 v16, v23;
	v17 =	vsub.f32 v17, v63;
	v56 =	vtrunc.f32 v7  }
0x2fe: {  	v53 =	vld.idx.msk [tilespmem:v38+s7+$0x0], $0xffff;
	v62 =	vadd.s32 $0x9E3779B1, v57;
	v23 =	vcvt.f32.s32 v43;
	v38 =	vcvt.f32.s32 v56  }
0x2ff: {  	v46 =	vtrunc.f32 v25;
	v16 =	vsub.f32 v16, v22;
	v17 =	vmul.f32 v17, v21  }
0x300: {  	v29 =	vld.idx.msk [tilespmem:v37+s7+$0x0], $0xffff;
	v47 =	vmul.u32 $0x9E3779B1, v23;
	v60 =	vadd.s32 $0x1, v38;
	v61 =	vxor.u32 v38, v57  }
0x301: {  	v50 =	vld.idx.msk [tilespmem:v34+s7+$0x0], $0xffff;
	v16 =	vmul.f32 v16, v18;
	v18 =	vcvt.f32.s32 v46;
	v17 =	vadd.f32 v17, v63  }
0x302: {  	v24 =	vld.idx.msk [tilespmem:v24+s7+$0x0], $0xffff;
	v49 =	vadd.s32 $0x9E3779B1, v47;
	v39 =	vxor.u32 v60, v57;
	v37 =	vand.u32 $0xFFF, v61  }
0x303: {  	v28 =	vld.idx.msk [tilespmem:v44+s8+$0x0], $0xffff;
	v63 =	vxor.u32 v38, v62;
	v39 =	vand.u32 $0xFFF, v39;
	v16 =	vadd.f32 v16, v22  }
0x304: {  	v27 =	vld.idx.msk [tilespmem:v42+s8+$0x0], $0xffff;
	v42 =	vand.u32 $0xFFF, v63;
	v51 =	vadd.s32 $0x1, v18;
	v54 =	vxor.u32 v18, v47  }
0x305: {  	s9 =	sor.u32 $0x300, s9;
	v19 =	vld.idx.msk [tilespmem:v48+s8+$0x0], $0xffff;
	v55 =	vxor.u32 v18, v49;
	v34 =	vand.u32 $0xFFF, v54;
	v16 =	vpack.i.f32.bf16 v16, v17  }
0x306: {  	v11 =	vsub.f32 v11, v8;
	v30 =	vld.idx.msk [tilespmem:v45+s8+$0x0], $0xffff;
	v21 =	vxor.u32 v51, v47;
	v59 =	vand.u32 $0xFFF, v55;
	[tilespmem:s9+$0x14000] =	vst v16  }
0x307: {  	v14 =	vcvt.s32.f32 v14;
	v58 =	vxor.u32 v51, v49;
	v21 =	vand.u32 $0xFFF, v21;
	v46 =	vld.idx.msk [tilespmem:v37+s8+$0x0], $0xffff  }
0x308: {  	v15 =	vcvt.s32.f32 v15;
	v17 =	vand.u32 $0xFFF, v58;
	v16 =	vxor.u32 v60, v62;
	v48 =	vld.idx.msk [tilespmem:v39+s8+$0x0], $0xffff  }
0x309: {  	v13 =	vsub.f32 v13, v14;
	v41 =	vcvt.s32.f32 v35;
	v16 =	vand.u32 $0xFFF, v16;
	v49 =	vld.idx.msk [tilespmem:v42+s8+$0x0], $0xffff  }
0x30a: {  	v44 =	vsub.f32 v24, v53;
	v43 =	vsub.f32 v50, v29;
	v34 =	vld.idx.msk [tilespmem:v34+s7+$0x0], $0xffff  }
0x30b: {  	v12 =	vsub.f32 v12, v15;
	v2 =	vsub.f32 v2, v41;
	v20 =	vld.idx.msk [tilespmem:v59+s7+$0x0], $0xffff  }
0x30c: {  	v19 =	vsub.f32 v19, v30;
	v14 =	vmul.f32 v43, v13;
	v13 =	vmul.f32 v44, v13;
	v21 =	vld.idx.msk [tilespmem:v21+s7+$0x0], $0xffff  }
0x30d: {  	v23 =	vcvt.s32.f32 v23;
	v45 =	vsub.f32 v28, v27;
	v52 =	vcvt.s32.f32 v38;
	v17 =	vld.idx.msk [tilespmem:v17+s7+$0x0], $0xffff  }
0x30e: {  	v14 =	vadd.f32 v14, v29;
	v13 =	vadd.f32 v13, v53;
	v53 =	vcvt.s32.f32 v32;
	v16 =	vld.idx.msk [tilespmem:v16+s8+$0x0], $0xffff  }
0x30f: {  	v23 =	vsub.f32 v26, v23;
	v24 =	vmul.f32 v45, v2;
	v50 =	vcvt.s32.f32 v18  }
0x310: {  	v7 =	vsub.f32 v7, v52;
	v6 =	vsub.f32 v6, v53  }
0x311: {  	v51 =	vadd.f32 v24, v27;
	v15 =	vsub.f32 v25, v50  }
0x312: {  	v2 =	vmul.f32 v19, v2;
	v22 =	vsub.f32 v48, v46;
	v21 =	vsub.f32 v21, v34  }
0x313: {  	v17 =	vsub.f32 v17, v20;
	v16 =	vsub.f32 v16, v49  }
0x314: {  	v2 =	vadd.f32 v2, v30;
	v22 =	vmul.f32 v22, v7;
	v21 =	vmul.f32 v21, v15  }
0x315: {  	v55 =	vsub.f32 v13, v14;
	v15 =	vmul.f32 v17, v15;
	v7 =	vmul.f32 v16, v7  }
0x316: {  	v47 =	vcvt.s32.f32 v36;
	v54 =	vadd.f32 v22, v46;
	v21 =	vadd.f32 v21, v34  }
0x317: {  	v15 =	vadd.f32 v15, v20;
	v7 =	vadd.f32 v7, v49  }
0x318: {  	v3 =	vmul.f32 v10, v3;
	v1 =	vsub.f32 v1, v47;
	v2 =	vsub.f32 v2, v51  }
0x319: {  	v9 =	vmul.f32 v11, v9;
	v56 =	vsub.f32 v15, v21;
	v7 =	vsub.f32 v7, v54  }
0x31a: {  	s22 =	sadd.s32 $0x4, s22;
	v0 =	vadd.f32 v3, v0;
	v57 =	vmul.f32 v55, v12;
	v1 =	vmul.f32 v2, v1  }
0x31b: {  	p2 =	slt.u32 s22, $0x3C;
	s16 =	sor.u32 s17, s11;
	v58 =	vadd.f32 v9, v8;
	v59 =	vmul.f32 v56, v23;
	v6 =	vmul.f32 v7, v6  }
.Ltmp0:
0x31c: {  	v4 =	vpack.i.f32.bf16 v5, v4;
	s19 =	sor.u32 s23, s11;
	s9 =	sor.u32 $0x380, s16;
	v3 =	vadd.f32 v57, v14;
	v1 =	vadd.f32 v1, v51;
	(pc) =	sbr.rel @p2 .LBB2_3-.Ltmp0, $4  }
0x31d: {  	s10 =	sadd.s32 $0x4, s10;
	s12 =	sor.u32 s12, s11;
	s21 =	sor.u32 $0x380, s19;
	[tilespmem:s9+$0x14000] =	vst v4;
	v0 =	vpack.i.f32.bf16 v58, v0;
	v60 =	vadd.f32 v59, v21;
	v61 =	vadd.f32 v6, v54  }
0x31e: {  	p1 =	por !p1, !p1;
	s12 =	sor.u32 $0x380, s12;
	s18 =	sor.u32 s18, s11;
	[tilespmem:s21+$0x14000] =	vst v0;
	v62 =	vpack.i.f32.bf16 v1, v3  }
0x31f: {  	s15 =	sadd.s32 $0x40, s15;
	s13 =	sadd.s32 $0x2, s13;
	s23 =	sor.u32 $0x380, s18;
	[tilespmem:s12+$0x14000] =	vst v62;
	v63 =	vpack.i.f32.bf16 v61, v60  }
0x320: {  	s14 =	sadd.s32 $0x40, s14;
	s17 =	sadd.s32 $0x40, s17;
	s11 =	sadd.s32 $0x200, s11;
	[tilespmem:s23+$0x14000] =	vst v63  }
0x321: {  	s9 =	rddreg [dreg:$0x15]  }
0x322: {  	s10 =	simm.s32 $0x14000;
	s9 =	sadd.s32 s20, s9  }
0x323: {  	[hbm4b:s9+s3] =	stream.linear.scatter [tilespmem:s10], [sflag:$0x1], $0x2000, $0x38;
	[tilespmem:$0x18000] =	vst v63  }
0x324: {  	s23 =	sor.u32 $0x400, s20;
	s9 =	simm.s32 @!p0 $0x2  }
0x325: {  	s14 =	simm.s32 $0xFFFFFFFC;
	_ =	swait.ge @!p0 [sflag:s9], $0x2000;
	[dreg:$0x1d] =	wrdreg s23  }
0x326: {  	s13 =	simm.s32 $0x0;
	[sflag:s9] =	ssyncset.done @!p0 $0x0;
	s10 =	rddreg [dreg:$0x1b]  }
0x327: {  	s12 =	simm.s32 $0x0;
	s11 =	rddreg [dreg:$0x1a];
	[sflag:s9] =	ssyncadd.s32 @!p0 $0xFFFFE000  }
.LBB2_5:
0x328: {  	v2 =	vld [tilespmem:s10+$0xFFFFFFD0]  }
0x329: {  	v1 =	vld [tilespmem:s11+$0xFFFFFFD0];
	_ =	sdelay $0x3  }
0x32a: {  	v0 =	vmul.f32 $1.600000000e+01, v2  }
0x32b: {  	v4 =	vmul.f32 $1.600000000e+01, v1;
	v7 =	vmul.f32 $2.000000000e+01, v2  }
0x32c: {  	v10 =	vmul.f32 $2.000000000e+01, v1;
	v3 =	vtrunc.f32 v0  }
0x32d: {  	v5 =	vtrunc.f32 v4;
	v3 =	vcvt.f32.s32 v3  }
0x32e: {  	v11 =	vtrunc.f32 v7;
	v14 =	vtrunc.f32 v10  }
0x32f: {  	v5 =	vcvt.f32.s32 v5;
	v11 =	vcvt.f32.s32 v11;
	v6 =	vmul.u32 $0x9E3779B1, v3  }
0x330: {  	v14 =	vcvt.f32.s32 v14  }
0x331: {  	v9 =	vadd.s32 $0x1, v5;
	v15 =	vmul.u32 $0x9E3779B1, v11;
	v12 =	vxor.u32 v5, v6  }
0x332: {  	v8 =	vadd.s32 $0x9E3779B1, v6;
	v6 =	vxor.u32 v9, v6;
	v12 =	vand.u32 $0xFFF, v12  }
0x333: {  	v58 =	vadd.s32 $0x1, v14;
	v16 =	vxor.u32 v14, v15;
	v6 =	vand.u32 $0xFFF, v6  }
0x334: {  	v17 =	vadd.s32 $0x9E3779B1, v15;
	v15 =	vxor.u32 v58, v15;
	v16 =	vand.u32 $0xFFF, v16  }
0x335: {  	v13 =	vxor.u32 v5, v8;
	v15 =	vand.u32 $0xFFF, v15  }
0x336: {  	v8 =	vxor.u32 v9, v8;
	v57 =	vand.u32 $0xFFF, v13  }
0x337: {  	v18 =	vxor.u32 v14, v17;
	v8 =	vand.u32 $0xFFF, v8;
	v12 =	vld.idx.msk [tilespmem:v12+s3+$0x0], $0xffff  }
0x338: {  	v13 =	vxor.u32 v58, v17;
	v59 =	vand.u32 $0xFFF, v18;
	v6 =	vld.idx.msk [tilespmem:v6+s3+$0x0], $0xffff  }
0x339: {  	v13 =	vand.u32 $0xFFF, v13;
	v16 =	vld.idx.msk [tilespmem:v16+s24+$0x0], $0xffff  }
0x33a: {  	v15 =	vld.idx.msk [tilespmem:v15+s24+$0x0], $0xffff  }
0x33b: {  	v9 =	vld.idx.msk [tilespmem:v57+s3+$0x0], $0xffff  }
0x33c: {  	v21 =	vmul.f32 $2.500000000e+01, v2;
	v23 =	vmul.f32 $2.500000000e+01, v1;
	v8 =	vld.idx.msk [tilespmem:v8+s3+$0x0], $0xffff  }
0x33d: {  	v27 =	vmul.f32 $3.200000000e+01, v2;
	v30 =	vmul.f32 $3.200000000e+01, v1;
	v17 =	vld.idx.msk [tilespmem:v59+s24+$0x0], $0xffff  }
0x33e: {  	v22 =	vtrunc.f32 v21;
	v25 =	vtrunc.f32 v23;
	v13 =	vld.idx.msk [tilespmem:v13+s24+$0x0], $0xffff  }
0x33f: {  	v5 =	vcvt.s32.f32 v5;
	v14 =	vcvt.s32.f32 v14  }
0x340: {  	v31 =	vtrunc.f32 v27;
	v34 =	vtrunc.f32 v30  }
0x341: {  	v3 =	vcvt.s32.f32 v3;
	v4 =	vsub.f32 v4, v5;
	v62 =	vsub.f32 v10, v14  }
0x342: {  	v20 =	vcvt.s32.f32 v11;
	v60 =	vsub.f32 v6, v12;
	v61 =	vsub.f32 v8, v9  }
0x343: {  	v63 =	vsub.f32 v15, v16;
	v8 =	vcvt.f32.s32 v22;
	v13 =	vsub.f32 v13, v17  }
0x344: {  	v5 =	vmul.f32 v60, v4;
	v14 =	vmul.f32 v61, v4  }
0x345: {  	v0 =	vsub.f32 v0, v3;
	v18 =	vmul.f32 v63, v62;
	v19 =	vmul.f32 v13, v62  }
0x346: {  	v15 =	vadd.f32 v5, v12;
	v13 =	vcvt.f32.s32 v31;
	v3 =	vadd.f32 v14, v9  }
0x347: {  	v26 =	vmul.u32 $0x9E3779B1, v8;
	v5 =	vadd.f32 v18, v16;
	v6 =	vadd.f32 v19, v17  }
0x348: {  	v16 =	vcvt.f32.s32 v34;
	v35 =	vmul.u32 $0x9E3779B1, v13;
	v3 =	vsub.f32 v3, v15  }
0x349: {  	v7 =	vsub.f32 v7, v20;
	v28 =	vadd.s32 $0x9E3779B1, v26;
	v6 =	vsub.f32 v6, v5  }
0x34a: {  	v38 =	vadd.s32 $0x1, v16;
	v39 =	vxor.u32 v16, v35;
	v0 =	vmul.f32 v3, v0  }
0x34b: {  	v40 =	vadd.s32 $0x9E3779B1, v35;
	v17 =	vxor.u32 v38, v35;
	v24 =	vmul.f32 v6, v7  }
0x34c: {  	v6 =	vcvt.f32.s32 v25;
	v0 =	vadd.f32 v0, v15;
	v15 =	vand.u32 $0xFFF, v39  }
0x34d: {  	s17 =	sand.u32 $0x1C00, s12;
	v41 =	vxor.u32 v16, v40;
	v17 =	vand.u32 $0xFFF, v17;
	v3 =	vadd.f32 v24, v5  }
0x34e: {  	s22 =	sand.u32 $0x40, s13;
	s18 =	sor.u32 $0x16000, s17;
	v42 =	vand.u32 $0xFFF, v41;
	v29 =	vadd.s32 $0x1, v6;
	v32 =	vxor.u32 v6, v26  }
0x34f: {  	s9 =	sor.u32 s22, s18;
	v33 =	vxor.u32 v6, v28;
	v14 =	vand.u32 $0xFFF, v32;
	v0 =	vpack.i.f32.bf16 v3, v0  }
0x350: {  	v7 =	vxor.u32 v29, v26;
	v37 =	vand.u32 $0xFFF, v33;
	[tilespmem:s9+$0x0] =	vst v0  }
0x351: {  	v36 =	vxor.u32 v29, v28;
	v7 =	vand.u32 $0xFFF, v7;
	v15 =	vld.idx.msk [tilespmem:v15+s26+$0x0], $0xffff  }
0x352: {  	v3 =	vand.u32 $0xFFF, v36;
	v0 =	vxor.u32 v38, v40;
	v17 =	vld.idx.msk [tilespmem:v17+s26+$0x0], $0xffff  }
0x353: {  	v0 =	vand.u32 $0xFFF, v0;
	v5 =	vld.idx.msk [tilespmem:v42+s26+$0x0], $0xffff  }
0x354: {  	v14 =	vld.idx.msk [tilespmem:v14+s25+$0x0], $0xffff  }
0x355: {  	v4 =	vld.idx.msk [tilespmem:v37+s25+$0x0], $0xffff  }
0x356: {  	v48 =	vmul.f32 $4.000000000e+01, v2;
	v7 =	vld.idx.msk [tilespmem:v7+s25+$0x0], $0xffff  }
0x357: {  	v50 =	vmul.f32 $4.000000000e+01, v1;
	v53 =	vmul.f32 $5.000000000e+01, v2;
	v3 =	vld.idx.msk [tilespmem:v3+s25+$0x0], $0xffff  }
0x358: {  	v56 =	vmul.f32 $5.000000000e+01, v1;
	v49 =	vtrunc.f32 v48;
	v0 =	vld.idx.msk [tilespmem:v0+s26+$0x0], $0xffff  }
0x359: {  	v16 =	vcvt.s32.f32 v16;
	v6 =	vcvt.s32.f32 v6  }
0x35a: {  	v57 =	vtrunc.f32 v53;
	v60 =	vtrunc.f32 v56  }
0x35b: {  	v8 =	vcvt.s32.f32 v8;
	v43 =	vsub.f32 v30, v16;
	v6 =	vsub.f32 v23, v6  }
0x35c: {  	v47 =	vcvt.s32.f32 v13;
	v7 =	vsub.f32 v7, v14;
	v3 =	vsub.f32 v3, v4  }
0x35d: {  	v13 =	vcvt.f32.s32 v57;
	v44 =	vsub.f32 v17, v15;
	v0 =	vsub.f32 v0, v5  }
0x35e: {  	v8 =	vsub.f32 v21, v8;
	v7 =	vmul.f32 v7, v6;
	v3 =	vmul.f32 v3, v6  }
0x35f: {  	v61 =	vmul.u32 $0x9E3779B1, v13;
	v46 =	vmul.f32 v44, v43;
	v0 =	vmul.f32 v0, v43  }
0x360: {  	v16 =	vcvt.f32.s32 v60;
	v45 =	vadd.f32 v7, v14;
	v3 =	vadd.f32 v3, v4  }
0x361: {  	v51 =	vtrunc.f32 v50;
	v7 =	vadd.f32 v46, v15;
	v0 =	vadd.f32 v0, v5  }
0x362: {  	v21 =	vadd.s32 $0x1, v16;
	v23 =	vadd.s32 $0x9E3779B1, v61;
	v4 =	vsub.f32 v27, v47  }
0x363: {  	v24 =	vxor.u32 v16, v23;
	v3 =	vsub.f32 v3, v45;
	v0 =	vsub.f32 v0, v7  }
0x364: {  	v22 =	vxor.u32 v16, v61;
	v25 =	vand.u32 $0xFFF, v24;
	v5 =	vcvt.f32.s32 v49  }
0x365: {  	v17 =	vxor.u32 v21, v61;
	v3 =	vmul.f32 v3, v8;
	v0 =	vmul.f32 v0, v4  }
0x366: {  	v15 =	vand.u32 $0xFFF, v22;
	v52 =	vmul.u32 $0x9E3779B1, v5;
	v4 =	vcvt.f32.s32 v51  }
0x367: {  	v17 =	vand.u32 $0xFFF, v17;
	v3 =	vadd.f32 v3, v45;
	v0 =	vadd.f32 v0, v7  }
0x368: {  	s9 =	sor.u32 $0x16080, s17;
	v54 =	vadd.s32 $0x9E3779B1, v52;
	v55 =	vadd.s32 $0x1, v4;
	v58 =	vxor.u32 v4, v52  }
0x369: {  	s20 =	sor.u32 s22, s9;
	v59 =	vxor.u32 v4, v54;
	v14 =	vand.u32 $0xFFF, v58;
	v0 =	vpack.i.f32.bf16 v0, v3  }
0x36a: {  	v8 =	vxor.u32 v55, v52;
	v63 =	vand.u32 $0xFFF, v59;
	[tilespmem:s20+$0x0] =	vst v0  }
0x36b: {  	v62 =	vxor.u32 v55, v54;
	v8 =	vand.u32 $0xFFF, v8;
	v15 =	vld.idx.msk [tilespmem:v15+s29+$0x0], $0xffff  }
0x36c: {  	v3 =	vand.u32 $0xFFF, v62;
	v0 =	vxor.u32 v21, v23;
	v17 =	vld.idx.msk [tilespmem:v17+s29+$0x0], $0xffff  }
0x36d: {  	v0 =	vand.u32 $0xFFF, v0;
	v7 =	vld.idx.msk [tilespmem:v25+s29+$0x0], $0xffff  }
0x36e: {  	v14 =	vld.idx.msk [tilespmem:v14+s28+$0x0], $0xffff  }
0x36f: {  	v6 =	vld.idx.msk [tilespmem:v63+s28+$0x0], $0xffff  }
0x370: {  	v8 =	vld.idx.msk [tilespmem:v8+s28+$0x0], $0xffff  }
0x371: {  	v31 =	vmul.f32 $6.400000000e+01, v2;
	v30 =	vcvt.s32.f32 v13;
	v3 =	vld.idx.msk [tilespmem:v3+s28+$0x0], $0xffff  }
0x372: {  	v39 =	vmul.f32 $8.000000000e+01, v1;
	v33 =	vmul.f32 $6.400000000e+01, v1;
	v0 =	vld.idx.msk [tilespmem:v0+s29+$0x0], $0xffff  }
0x373: {  	v16 =	vcvt.s32.f32 v16;
	v4 =	vcvt.s32.f32 v4  }
0x374: {  	v32 =	vtrunc.f32 v31;
	v36 =	vmul.f32 $8.000000000e+01, v2  }
0x375: {  	v34 =	vtrunc.f32 v33;
	v26 =	vsub.f32 v56, v16;
	v4 =	vsub.f32 v50, v4  }
0x376: {  	v40 =	vtrunc.f32 v36;
	v8 =	vsub.f32 v8, v14;
	v3 =	vsub.f32 v3, v6  }
0x377: {  	v13 =	vcvt.f32.s32 v40;
	v27 =	vsub.f32 v17, v15;
	v0 =	vsub.f32 v0, v7  }
0x378: {  	v8 =	vmul.f32 v8, v4;
	v3 =	vmul.f32 v3, v4  }
0x379: {  	v44 =	vmul.u32 $0x9E3779B1, v13;
	v29 =	vmul.f32 v27, v26;
	v0 =	vmul.f32 v0, v26  }
0x37a: {  	v5 =	vcvt.s32.f32 v5;
	v28 =	vadd.f32 v8, v14;
	v3 =	vadd.f32 v3, v6  }
0x37b: {  	v43 =	vtrunc.f32 v39;
	v8 =	vadd.f32 v29, v15;
	v0 =	vadd.f32 v0, v7  }
0x37c: {  	v5 =	vsub.f32 v48, v5;
	v3 =	vsub.f32 v3, v28;
	v7 =	vcvt.f32.s32 v32  }
0x37d: {  	v16 =	vcvt.f32.s32 v43;
	v6 =	vsub.f32 v53, v30;
	v0 =	vsub.f32 v0, v8  }
0x37e: {  	v3 =	vmul.f32 v3, v5;
	v35 =	vmul.u32 $0x9E3779B1, v7;
	v5 =	vcvt.f32.s32 v34  }
0x37f: {  	v49 =	vadd.s32 $0x9E3779B1, v44;
	v47 =	vadd.s32 $0x1, v16  }
0x380: {  	v48 =	vxor.u32 v16, v44;
	v0 =	vmul.f32 v0, v6;
	v41 =	vxor.u32 v5, v35  }
0x381: {  	v50 =	vxor.u32 v16, v49;
	v17 =	vxor.u32 v47, v44;
	v14 =	vand.u32 $0xFFF, v41  }
0x382: {  	v15 =	vand.u32 $0xFFF, v48;
	v3 =	vadd.f32 v3, v28;
	v0 =	vadd.f32 v0, v8  }
0x383: {  	[dreg:$0x1f] =	wrdreg s12;
	s12 =	sor.u32 $0x16100, s17;
	v51 =	vand.u32 $0xFFF, v50;
	v17 =	vand.u32 $0xFFF, v17;
	v38 =	vadd.s32 $0x1, v5  }
0x384: {  	s21 =	sor.u32 s22, s12;
	v37 =	vadd.s32 $0x9E3779B1, v35;
	v6 =	vxor.u32 v38, v35;
	v0 =	vpack.i.f32.bf16 v0, v3  }
0x385: {  	v42 =	vxor.u32 v5, v37;
	v6 =	vand.u32 $0xFFF, v6;
	[tilespmem:s21+$0x0] =	vst v0  }
0x386: {  	v45 =	vxor.u32 v38, v37;
	v46 =	vand.u32 $0xFFF, v42;
	v14 =	vld.idx.msk [tilespmem:v14+s30+$0x0], $0xffff  }
0x387: {  	v3 =	vand.u32 $0xFFF, v45;
	v0 =	vxor.u32 v47, v49;
	v15 =	vld.idx.msk [tilespmem:v15+s31+$0x0], $0xffff  }
0x388: {  	v0 =	vand.u32 $0xFFF, v0;
	v17 =	vld.idx.msk [tilespmem:v17+s31+$0x0], $0xffff  }
0x389: {  	v8 =	vld.idx.msk [tilespmem:v51+s31+$0x0], $0xffff  }
0x38a: {  	v57 =	vmul.f32 $1.010000000e+02, v2;
	v6 =	vld.idx.msk [tilespmem:v6+s30+$0x0], $0xffff  }
0x38b: {  	v56 =	vcvt.s32.f32 v13;
	v4 =	vld.idx.msk [tilespmem:v46+s30+$0x0], $0xffff  }
0x38c: {  	v58 =	vtrunc.f32 v57;
	v59 =	vmul.f32 $1.010000000e+02, v1;
	v3 =	vld.idx.msk [tilespmem:v3+s30+$0x0], $0xffff  }
0x38d: {  	v16 =	vcvt.s32.f32 v16;
	v62 =	vmul.f32 $1.280000000e+02, v2;
	v0 =	vld.idx.msk [tilespmem:v0+s31+$0x0], $0xffff  }
0x38e: {  	v60 =	vtrunc.f32 v59;
	v5 =	vcvt.s32.f32 v5  }
0x38f: {  	v21 =	vmul.f32 $1.280000000e+02, v1;
	v22 =	vtrunc.f32 v62  }
0x390: {  	v52 =	vsub.f32 v39, v16;
	v13 =	vcvt.f32.s32 v22;
	v5 =	vsub.f32 v33, v5  }
0x391: {  	v25 =	vtrunc.f32 v21;
	v53 =	vsub.f32 v17, v15;
	v6 =	vsub.f32 v6, v14  }
0x392: {  	v16 =	vcvt.f32.s32 v25;
	v3 =	vsub.f32 v3, v4;
	v0 =	vsub.f32 v0, v8  }
0x393: {  	v55 =	vmul.f32 v53, v52;
	v6 =	vmul.f32 v6, v5  }
0x394: {  	v26 =	vmul.u32 $0x9E3779B1, v13;
	v3 =	vmul.f32 v3, v5;
	v0 =	vmul.f32 v0, v52  }
0x395: {  	v7 =	vcvt.s32.f32 v7;
	v54 =	vadd.f32 v6, v14;
	v6 =	vadd.f32 v55, v15  }
0x396: {  	v29 =	vadd.s32 $0x1, v16;
	v3 =	vadd.f32 v3, v4;
	v0 =	vadd.f32 v0, v8  }
0x397: {  	v7 =	vsub.f32 v31, v7;
	v31 =	vadd.s32 $0x9E3779B1, v26;
	v4 =	vsub.f32 v36, v56  }
0x398: {  	v32 =	vxor.u32 v16, v31;
	v3 =	vsub.f32 v3, v54;
	v0 =	vsub.f32 v0, v6  }
0x399: {  	v30 =	vxor.u32 v16, v26;
	v33 =	vand.u32 $0xFFF, v32;
	v8 =	vcvt.f32.s32 v58  }
0x39a: {  	v17 =	vxor.u32 v29, v26;
	v3 =	vmul.f32 v3, v7;
	v0 =	vmul.f32 v0, v4  }
0x39b: {  	v15 =	vand.u32 $0xFFF, v30;
	v61 =	vmul.u32 $0x9E3779B1, v8;
	v4 =	vcvt.f32.s32 v60  }
0x39c: {  	v17 =	vand.u32 $0xFFF, v17;
	v3 =	vadd.f32 v3, v54;
	v0 =	vadd.f32 v0, v6  }
0x39d: {  	s20 =	sor.u32 $0x16180, s17;
	v63 =	vadd.s32 $0x9E3779B1, v61;
	v20 =	vadd.s32 $0x1, v4;
	v23 =	vxor.u32 v4, v61  }
0x39e: {  	s23 =	sor.u32 s22, s20;
	v24 =	vxor.u32 v4, v63;
	v14 =	vand.u32 $0xFFF, v23;
	v0 =	vpack.i.f32.bf16 v0, v3  }
0x39f: {  	v7 =	vxor.u32 v20, v61;
	v28 =	vand.u32 $0xFFF, v24;
	[tilespmem:s23+$0x0] =	vst v0  }
0x3a0: {  	v27 =	vxor.u32 v20, v63;
	v7 =	vand.u32 $0xFFF, v7;
	v15 =	vld.idx.msk [tilespmem:v15+s2+$0x0], $0xffff  }
0x3a1: {  	v3 =	vand.u32 $0xFFF, v27;
	v0 =	vxor.u32 v29, v31;
	v17 =	vld.idx.msk [tilespmem:v17+s2+$0x0], $0xffff  }
0x3a2: {  	v0 =	vand.u32 $0xFFF, v0;
	v6 =	vld.idx.msk [tilespmem:v33+s2+$0x0], $0xffff  }
0x3a3: {  	v14 =	vld.idx.msk [tilespmem:v14+s0+$0x0], $0xffff  }
0x3a4: {  	v5 =	vld.idx.msk [tilespmem:v28+s0+$0x0], $0xffff  }
0x3a5: {  	v7 =	vld.idx.msk [tilespmem:v7+s0+$0x0], $0xffff  }
0x3a6: {  	v3 =	vld.idx.msk [tilespmem:v3+s0+$0x0], $0xffff  }
0x3a7: {  	v0 =	vld.idx.msk [tilespmem:v0+s2+$0x0], $0xffff  }
0x3a8: {  	v34 =	vcvt.s32.f32 v16;
	v4 =	vcvt.s32.f32 v4  }
0x3a9: {  	v12 =	vmul.f32 $1.610000000e+02, v2  }
0x3aa: {  	v10 =	vsub.f32 v21, v34;
	v37 =	vmul.f32 $1.610000000e+02, v1;
	v4 =	vsub.f32 v59, v4  }
0x3ab: {  	v38 =	vtrunc.f32 v12;
	v7 =	vsub.f32 v7, v14;
	v3 =	vsub.f32 v3, v5  }
0x3ac: {  	v36 =	vcvt.s32.f32 v13;
	v35 =	vsub.f32 v17, v15;
	v0 =	vsub.f32 v0, v6  }
0x3ad: {  	v7 =	vmul.f32 v7, v4;
	v3 =	vmul.f32 v3, v4  }
0x3ae: {  	v4 =	vmul.f32 v35, v10;
	v0 =	vmul.f32 v0, v10  }
0x3af: {  	v8 =	vcvt.s32.f32 v8;
	v7 =	vadd.f32 v7, v14;
	v3 =	vadd.f32 v3, v5  }
0x3b0: {  	v39 =	vtrunc.f32 v37;
	v4 =	vadd.f32 v4, v15;
	v0 =	vadd.f32 v0, v6  }
0x3b1: {  	v9 =	vsub.f32 v62, v36;
	v8 =	vsub.f32 v57, v8;
	v6 =	vcvt.f32.s32 v38  }
0x3b2: {  	v10 =	vcvt.f32.s32 v39;
	v3 =	vsub.f32 v3, v7;
	v0 =	vsub.f32 v0, v4  }
0x3b3: {  	v40 =	vmul.u32 $0x9E3779B1, v6  }
0x3b4: {  	v41 =	vadd.s32 $0x1, v10;
	v3 =	vmul.f32 v3, v8;
	v0 =	vmul.f32 v0, v9  }
0x3b5: {  	v47 =	vmul.f32 $2.030000000e+02, v1;
	v42 =	vxor.u32 v10, v40;
	v43 =	vxor.u32 v41, v40  }
0x3b6: {  	v3 =	vadd.f32 v3, v7;
	v9 =	vand.u32 $0xFFF, v42;
	v0 =	vadd.f32 v0, v4  }
0x3b7: {  	s21 =	sor.u32 $0x16200, s17;
	v52 =	vtrunc.f32 v47;
	v44 =	vand.u32 $0xFFF, v43  }
0x3b8: {  	s15 =	sor.u32 s22, s21;
	v53 =	vcvt.f32.s32 v52;
	v46 =	vadd.s32 $0x9E3779B1, v40;
	v0 =	vpack.i.f32.bf16 v0, v3  }
0x3b9: {  	v3 =	vxor.u32 v41, v46;
	[tilespmem:s15+$0x0] =	vst v0;
	v0 =	vld [tilespmem:s10+$0xFFFFFFE0]  }
0x3ba: {  	v15 =	vcvt.s32.f32 v53;
	v51 =	vand.u32 $0xFFF, v3;
	v3 =	vld [tilespmem:s11+$0xFFFFFFE0]  }
0x3bb: {  	v45 =	vld.idx.msk [tilespmem:v9+s1+$0x0], $0xffff;
	v9 =	vmul.f32 $2.030000000e+02, v2  }
0x3bc: {  	v55 =	vadd.s32 $0x1, v53;
	v13 =	vsub.f32 v47, v15;
	v4 =	vld.idx.msk [tilespmem:v44+s1+$0x0], $0xffff  }
0x3bd: {  	v11 =	vxor.u32 v10, v46;
	v10 =	vcvt.s32.f32 v10;
	v48 =	vtrunc.f32 v9  }
0x3be: {  	v6 =	vcvt.s32.f32 v6;
	v49 =	vand.u32 $0xFFF, v11;
	v50 =	vcvt.f32.s32 v48  }
0x3bf: {  	v5 =	vsub.f32 v37, v10;
	v57 =	vmul.f32 $1.600000000e+01, v0;
	v22 =	vmul.f32 $1.600000000e+01, v3  }
0x3c0: {  	v24 =	vmul.f32 $2.000000000e+01, v0;
	v26 =	vmul.f32 $2.000000000e+01, v3;
	v54 =	vmul.u32 $0x9E3779B1, v50  }
0x3c1: {  	v4 =	vsub.f32 v4, v45;
	v42 =	vcvt.s32.f32 v50;
	v20 =	vtrunc.f32 v57  }
0x3c2: {  	v6 =	vsub.f32 v12, v6;
	v59 =	vtrunc.f32 v22;
	v27 =	vtrunc.f32 v24  }
0x3c3: {  	v8 =	vld.idx.msk [tilespmem:v49+s1+$0x0], $0xffff;
	v30 =	vtrunc.f32 v26;
	v56 =	vxor.u32 v53, v54;
	v4 =	vmul.f32 v4, v5  }
0x3c4: {  	v14 =	vld.idx.msk [tilespmem:v51+s1+$0x0], $0xffff;
	v19 =	vxor.u32 v55, v54;
	v16 =	vadd.s32 $0x9E3779B1, v54;
	v20 =	vcvt.f32.s32 v20  }
0x3c5: {  	v27 =	vcvt.f32.s32 v27;
	v30 =	vcvt.f32.s32 v30;
	v17 =	vand.u32 $0xFFF, v56  }
0x3c6: {  	v19 =	vand.u32 $0xFFF, v19;
	v21 =	vxor.u32 v53, v16;
	v10 =	vxor.u32 v55, v16  }
0x3c7: {  	v53 =	vmul.f32 $2.500000000e+01, v0;
	v56 =	vmul.f32 $2.500000000e+01, v3;
	v58 =	vand.u32 $0xFFF, v21  }
0x3c8: {  	v10 =	vand.u32 $0xFFF, v10;
	v23 =	vmul.u32 $0x9E3779B1, v20;
	v21 =	vcvt.f32.s32 v59  }
0x3c9: {  	v14 =	vsub.f32 v14, v8;
	v31 =	vmul.u32 $0x9E3779B1, v27;
	v63 =	vadd.s32 $0x1, v30  }
0x3ca: {  	v7 =	vadd.f32 v4, v45;
	v50 =	vcvt.s32.f32 v30;
	v20 =	vcvt.s32.f32 v20  }
0x3cb: {  	v52 =	vcvt.s32.f32 v27;
	v55 =	vtrunc.f32 v53;
	v61 =	vadd.s32 $0x9E3779B1, v23  }
0x3cc: {  	v25 =	vadd.s32 $0x1, v21;
	v28 =	vxor.u32 v21, v23;
	v32 =	vxor.u32 v30, v31  }
0x3cd: {  	v33 =	vadd.s32 $0x9E3779B1, v31;
	v31 =	vxor.u32 v63, v31;
	v5 =	vmul.f32 v14, v5  }
0x3ce: {  	v49 =	vcvt.s32.f32 v21;
	v18 =	vsub.f32 v57, v20;
	v28 =	vand.u32 $0xFFF, v28  }
0x3cf: {  	v57 =	vtrunc.f32 v56;
	v23 =	vxor.u32 v25, v23;
	v32 =	vand.u32 $0xFFF, v32;
	v17 =	vld.idx.msk [tilespmem:v17+s4+$0x0], $0xffff  }
0x3d0: {  	v29 =	vxor.u32 v21, v61;
	v34 =	vxor.u32 v30, v33;
	v31 =	vand.u32 $0xFFF, v31;
	v60 =	vld.idx.msk [tilespmem:v19+s4+$0x0], $0xffff  }
0x3d1: {  	v59 =	vcvt.f32.s32 v57;
	v23 =	vand.u32 $0xFFF, v23;
	v40 =	vadd.f32 v5, v8;
	v16 =	vld.idx.msk [tilespmem:v58+s4+$0x0], $0xffff  }
0x3d2: {  	v37 =	vxor.u32 v63, v33;
	v19 =	vxor.u32 v25, v61;
	v62 =	vand.u32 $0xFFF, v29;
	v10 =	vld.idx.msk [tilespmem:v10+s4+$0x0], $0xffff  }
0x3d3: {  	v19 =	vand.u32 $0xFFF, v19;
	v11 =	vcvt.s32.f32 v59;
	v4 =	vsub.f32 v40, v7;
	v28 =	vld.idx.msk [tilespmem:v28+s3+$0x0], $0xffff  }
0x3d4: {  	v63 =	vmul.f32 $3.200000000e+01, v3;
	v38 =	vand.u32 $0xFFF, v34;
	v5 =	vsub.f32 v9, v42;
	v44 =	vld.idx.msk [tilespmem:v32+s24+$0x0], $0xffff  }
0x3d5: {  	v11 =	vsub.f32 v56, v11;
	v45 =	vld.idx.msk [tilespmem:v31+s24+$0x0], $0xffff;
	v6 =	vmul.f32 v4, v6;
	v4 =	vmul.f32 $2.560000000e+02, v2  }
0x3d6: {  	v31 =	vtrunc.f32 v63;
	v15 =	vsub.f32 v60, v17;
	v36 =	vld.idx.msk [tilespmem:v23+s3+$0x0], $0xffff;
	v23 =	vand.u32 $0xFFF, v37  }
0x3d7: {  	v39 =	vld.idx.msk [tilespmem:v62+s3+$0x0], $0xffff;
	v60 =	vmul.f32 $3.200000000e+01, v0;
	v62 =	vadd.s32 $0x1, v59;
	v10 =	vsub.f32 v10, v16  }
0x3d8: {  	v41 =	vld.idx.msk [tilespmem:v19+s3+$0x0], $0xffff;
	v19 =	vsub.f32 v26, v50;
	v54 =	vtrunc.f32 v4;
	v15 =	vmul.f32 v15, v13  }
0x3d9: {  	v7 =	vadd.f32 v6, v7;
	v6 =	vcvt.f32.s32 v54;
	v10 =	vmul.f32 v10, v13  }
0x3da: {  	v13 =	vsub.f32 v24, v52;
	v24 =	vcvt.f32.s32 v31;
	v43 =	vadd.f32 v15, v17  }
0x3db: {  	v31 =	vmul.f32 $3.220000000e+02, v1;
	v17 =	vsub.f32 v22, v49;
	v12 =	vsub.f32 v45, v44  }
0x3dc: {  	v15 =	vcvt.f32.s32 v55;
	v10 =	vadd.f32 v10, v16;
	v14 =	vsub.f32 v36, v28  }
0x3dd: {  	v47 =	vld.idx.msk [tilespmem:v38+s24+$0x0], $0xffff;
	v35 =	vadd.s32 $0x1, v24;
	v8 =	vsub.f32 v41, v39;
	v12 =	vmul.f32 v12, v19  }
0x3de: {  	v48 =	vld.idx.msk [tilespmem:v23+s24+$0x0], $0xffff;
	v58 =	vmul.u32 $0x9E3779B1, v15;
	v15 =	vcvt.s32.f32 v15;
	v46 =	vsub.f32 v10, v43  }
0x3df: {  	v14 =	vmul.f32 v14, v17;
	v8 =	vmul.f32 v8, v17;
	v12 =	vadd.f32 v12, v44  }
0x3e0: {  	v61 =	vadd.s32 $0x9E3779B1, v58;
	v29 =	vxor.u32 v59, v58;
	v15 =	vsub.f32 v53, v15  }
0x3e1: {  	v9 =	vmul.f32 v46, v5;
	v5 =	vmul.f32 $2.560000000e+02, v1;
	v14 =	vadd.f32 v14, v28  }
0x3e2: {  	v28 =	vtrunc.f32 v60;
	v30 =	vxor.u32 v59, v61;
	v22 =	vand.u32 $0xFFF, v29  }
0x3e3: {  	v16 =	vsub.f32 v48, v47;
	v8 =	vadd.f32 v8, v39;
	v20 =	vcvt.f32.s32 v28  }
0x3e4: {  	v39 =	vmul.u32 $0x9E3779B1, v6;
	v51 =	vtrunc.f32 v5;
	v9 =	vadd.f32 v9, v43  }
0x3e5: {  	v16 =	vmul.f32 v16, v19;
	v8 =	vsub.f32 v8, v14;
	v32 =	vmul.u32 $0x9E3779B1, v20  }
0x3e6: {  	v21 =	vcvt.f32.s32 v51;
	v41 =	vadd.s32 $0x9E3779B1, v39;
	v9 =	vpack.i.f32.bf16 v9, v7  }
0x3e7: {  	v10 =	vadd.f32 v16, v47;
	v8 =	vmul.f32 v8, v18;
	v36 =	vxor.u32 v24, v32  }
0x3e8: {  	v37 =	vadd.s32 $0x9E3779B1, v32;
	v26 =	vcvt.s32.f32 v21;
	v43 =	vxor.u32 v21, v39  }
0x3e9: {  	v42 =	vadd.s32 $0x1, v21;
	v21 =	vxor.u32 v21, v41;
	v45 =	vand.u32 $0xFFF, v43  }
0x3ea: {  	s16 =	sadd.s32 $0x10, s13;
	v27 =	vxor.u32 v42, v39;
	v21 =	vand.u32 $0xFFF, v21;
	v10 =	vsub.f32 v10, v12  }
0x3eb: {  	s23 =	sand.u32 $0x50, s16;
	s16 =	sor.u32 $0x16280, s17;
	v38 =	vxor.u32 v24, v37;
	v28 =	vxor.u32 v42, v41;
	v27 =	vand.u32 $0xFFF, v27  }
0x3ec: {  	s19 =	sor.u32 s22, s16;
	v24 =	vcvt.s32.f32 v24;
	v28 =	vand.u32 $0xFFF, v28;
	v10 =	vmul.f32 v10, v13  }
0x3ed: {  	v7 =	vmul.f32 $3.220000000e+02, v2;
	v18 =	vxor.u32 v62, v58;
	[tilespmem:s19+$0x0] =	vst v9;
	v8 =	vadd.f32 v8, v14  }
0x3ee: {  	v18 =	vand.u32 $0xFFF, v18;
	v49 =	vsub.f32 v63, v24;
	v10 =	vadd.f32 v10, v12;
	v63 =	vld.idx.msk [tilespmem:v45+s5+$0x0], $0xffff  }
0x3ef: {  	v33 =	vxor.u32 v62, v61;
	v34 =	vand.u32 $0xFFF, v30;
	v25 =	vxor.u32 v35, v32;
	v21 =	vld.idx.msk [tilespmem:v21+s5+$0x0], $0xffff  }
0x3f0: {  	[dreg:$0x1e] =	wrdreg s14;
	s14 =	sor.u32 s23, s18;
	v23 =	vand.u32 $0xFFF, v36;
	v44 =	vtrunc.f32 v7;
	v43 =	vld.idx.msk [tilespmem:v27+s5+$0x0], $0xffff;
	v8 =	vpack.i.f32.bf16 v10, v8  }
0x3f1: {  	v46 =	vtrunc.f32 v31;
	v25 =	vand.u32 $0xFFF, v25;
	v32 =	vcvt.f32.s32 v44;
	v28 =	vld.idx.msk [tilespmem:v28+s5+$0x0], $0xffff;
	[tilespmem:s14+$0x0] =	vst v8  }
0x3f2: {  	v17 =	vmul.f32 $4.000000000e+01, v0;
	v30 =	vcvt.f32.s32 v46;
	v10 =	vand.u32 $0xFFF, v33;
	v22 =	vld.idx.msk [tilespmem:v22+s25+$0x0], $0xffff  }
0x3f3: {  	v40 =	vand.u32 $0xFFF, v38;
	v47 =	vmul.u32 $0x9E3779B1, v32;
	v8 =	vxor.u32 v35, v37;
	v18 =	vld.idx.msk [tilespmem:v18+s25+$0x0], $0xffff  }
0x3f4: {  	v56 =	vtrunc.f32 v17;
	v6 =	vcvt.s32.f32 v6;
	v12 =	vld.idx.msk [tilespmem:v34+s25+$0x0], $0xffff;
	v8 =	vand.u32 $0xFFF, v8  }
0x3f5: {  	v54 =	vcvt.s32.f32 v20;
	v41 =	vmul.f32 $5.000000000e+01, v3;
	v36 =	vxor.u32 v30, v47;
	v23 =	vld.idx.msk [tilespmem:v23+s26+$0x0], $0xffff  }
0x3f6: {  	v4 =	vsub.f32 v4, v6;
	v57 =	vand.u32 $0xFFF, v36;
	v35 =	vadd.s32 $0x1, v30;
	v25 =	vld.idx.msk [tilespmem:v25+s26+$0x0], $0xffff  }
0x3f7: {  	v39 =	vmul.f32 $6.400000000e+01, v3;
	v46 =	vtrunc.f32 v41;
	v51 =	vxor.u32 v35, v47;
	v10 =	vld.idx.msk [tilespmem:v10+s25+$0x0], $0xffff  }
0x3f8: {  	v5 =	vsub.f32 v5, v26;
	v33 =	vcvt.f32.s32 v46;
	v14 =	vld.idx.msk [tilespmem:v40+s26+$0x0], $0xffff;
	v58 =	vand.u32 $0xFFF, v51  }
0x3f9: {  	v13 =	vcvt.f32.s32 v56;
	v34 =	vadd.s32 $0x9E3779B1, v47;
	v8 =	vld.idx.msk [tilespmem:v8+s26+$0x0], $0xffff;
	v48 =	vsub.f32 v18, v22  }
0x3fa: {  	v46 =	vmul.f32 $8.000000000e+01, v3;
	v55 =	vxor.u32 v30, v34;
	v51 =	vadd.s32 $0x1, v33  }
0x3fb: {  	v19 =	vld.idx.msk [tilespmem:v57+s6+$0x0], $0xffff;
	v57 =	vsub.f32 v28, v21;
	v50 =	vsub.f32 v25, v23;
	v16 =	vmul.f32 v48, v11  }
0x3fc: {  	v18 =	vand.u32 $0xFFF, v55;
	v25 =	vsub.f32 v43, v63;
	v10 =	vsub.f32 v10, v12  }
0x3fd: {  	v53 =	vmul.f32 v50, v49;
	v50 =	vld.idx.msk [tilespmem:v58+s6+$0x0], $0xffff;
	v58 =	vxor.u32 v35, v34;
	v52 =	vadd.f32 v16, v22  }
0x3fe: {  	v22 =	vmul.f32 $5.000000000e+01, v0;
	v8 =	vsub.f32 v8, v14;
	v10 =	vmul.f32 v10, v11  }
0x3ff: {  	v25 =	vmul.f32 v25, v5;
	v5 =	vmul.f32 v57, v5;
	v16 =	vadd.f32 v53, v23  }
0x400: {  	v42 =	vtrunc.f32 v22;
	v8 =	vmul.f32 v8, v49;
	v10 =	vadd.f32 v10, v12  }
0x401: {  	v5 =	vadd.f32 v5, v21;
	v12 =	vsub.f32 v60, v54;
	v24 =	vcvt.f32.s32 v42  }
0x402: {  	v28 =	vand.u32 $0xFFF, v58;
	v8 =	vadd.f32 v8, v14;
	v10 =	vsub.f32 v10, v52  }
0x403: {  	v60 =	vmul.u32 $0x9E3779B1, v13;
	v14 =	vmul.f32 $4.000000000e+01, v3;
	v47 =	vmul.u32 $0x9E3779B1, v24  }
0x404: {  	v11 =	vadd.f32 v25, v63;
	v8 =	vsub.f32 v8, v16;
	v10 =	vmul.f32 v10, v15  }
0x405: {  	v62 =	vadd.s32 $0x9E3779B1, v60;
	v59 =	vtrunc.f32 v14;
	v53 =	vadd.s32 $0x9E3779B1, v47  }
0x406: {  	v8 =	vmul.f32 v8, v12;
	v61 =	vadd.f32 v10, v52;
	v52 =	vxor.u32 v33, v47  }
0x407: {  	v36 =	vxor.u32 v51, v47;
	v12 =	vcvt.f32.s32 v59;
	v29 =	vand.u32 $0xFFF, v52  }
0x408: {  	v55 =	vxor.u32 v33, v53;
	v36 =	vand.u32 $0xFFF, v36;
	v8 =	vadd.f32 v8, v16  }
0x409: {  	v56 =	vand.u32 $0xFFF, v55;
	v40 =	vadd.s32 $0x1, v12;
	v44 =	vxor.u32 v12, v60  }
0x40a: {  	s15 =	sor.u32 s23, s9;
	v18 =	vld.idx.msk [tilespmem:v18+s6+$0x0], $0xffff;
	v45 =	vxor.u32 v12, v62;
	v27 =	vand.u32 $0xFFF, v44;
	v8 =	vpack.i.f32.bf16 v8, v61  }
0x40b: {  	v43 =	vmul.f32 $8.000000000e+01, v0;
	v63 =	vld.idx.msk [tilespmem:v28+s6+$0x0], $0xffff;
	v15 =	vxor.u32 v40, v60;
	v49 =	vand.u32 $0xFFF, v45;
	[tilespmem:s15+$0x0] =	vst v8  }
0x40c: {  	v5 =	vsub.f32 v5, v11;
	v48 =	vxor.u32 v40, v62;
	v15 =	vand.u32 $0xFFF, v15;
	v59 =	vld.idx.msk [tilespmem:v29+s29+$0x0], $0xffff  }
0x40d: {  	v13 =	vcvt.s32.f32 v13;
	v9 =	vand.u32 $0xFFF, v48;
	v8 =	vxor.u32 v51, v53;
	v60 =	vld.idx.msk [tilespmem:v36+s29+$0x0], $0xffff  }
0x40e: {  	v28 =	vsub.f32 v50, v19;
	v50 =	vtrunc.f32 v46;
	v8 =	vand.u32 $0xFFF, v8;
	v20 =	vld.idx.msk [tilespmem:v56+s29+$0x0], $0xffff  }
0x40f: {  	v37 =	vcvt.s32.f32 v24;
	v61 =	vcvt.s32.f32 v30;
	v54 =	vld.idx.msk [tilespmem:v27+s28+$0x0], $0xffff  }
0x410: {  	v13 =	vsub.f32 v17, v13;
	v24 =	vcvt.f32.s32 v50;
	v4 =	vmul.f32 v5, v4;
	v10 =	vld.idx.msk [tilespmem:v49+s28+$0x0], $0xffff  }
0x411: {  	v50 =	vmul.f32 $1.280000000e+02, v3;
	v62 =	vcvt.s32.f32 v32;
	v21 =	vsub.f32 v31, v61;
	v15 =	vld.idx.msk [tilespmem:v15+s28+$0x0], $0xffff  }
0x412: {  	v34 =	vsub.f32 v63, v18;
	v47 =	vtrunc.f32 v43;
	v12 =	vcvt.s32.f32 v12;
	v9 =	vld.idx.msk [tilespmem:v9+s28+$0x0], $0xffff  }
0x413: {  	v30 =	vcvt.s32.f32 v33;
	v6 =	vsub.f32 v7, v62;
	v7 =	vmul.f32 v28, v21;
	v8 =	vld.idx.msk [tilespmem:v8+s29+$0x0], $0xffff  }
0x414: {  	v4 =	vadd.f32 v4, v11;
	v40 =	vmul.f32 v34, v21;
	v21 =	vcvt.f32.s32 v47  }
0x415: {  	v12 =	vsub.f32 v14, v12;
	v32 =	vsub.f32 v41, v30;
	v27 =	vmul.f32 $4.060000000e+02, v2  }
0x416: {  	v41 =	vtrunc.f32 v39;
	v18 =	vadd.f32 v40, v18;
	v51 =	vmul.u32 $0x9E3779B1, v21  }
0x417: {  	v61 =	vtrunc.f32 v27;
	v31 =	vsub.f32 v15, v54;
	v9 =	vsub.f32 v9, v10  }
0x418: {  	v40 =	vcvt.s32.f32 v21;
	v33 =	vsub.f32 v60, v59;
	v8 =	vsub.f32 v8, v20  }
0x419: {  	v7 =	vadd.f32 v7, v19;
	v14 =	vmul.f32 v31, v12;
	v9 =	vmul.f32 v9, v12  }
0x41a: {  	v55 =	vxor.u32 v24, v51;
	v36 =	vmul.f32 v33, v32;
	v8 =	vmul.f32 v8, v32  }
0x41b: {  	v56 =	vadd.s32 $0x9E3779B1, v51;
	v35 =	vadd.f32 v14, v54;
	v9 =	vadd.f32 v9, v10  }
0x41c: {  	v15 =	vmul.f32 $6.400000000e+01, v0;
	v14 =	vadd.f32 v36, v59;
	v8 =	vadd.f32 v8, v20  }
0x41d: {  	v18 =	vsub.f32 v18, v7;
	v57 =	vxor.u32 v24, v56;
	v10 =	vsub.f32 v22, v37  }
0x41e: {  	v38 =	vtrunc.f32 v15;
	v9 =	vsub.f32 v9, v35;
	v8 =	vsub.f32 v8, v14  }
0x41f: {  	v23 =	vand.u32 $0xFFF, v55;
	v58 =	vand.u32 $0xFFF, v57;
	v16 =	vcvt.f32.s32 v38  }
0x420: {  	v54 =	vadd.s32 $0x1, v24;
	v9 =	vmul.f32 v9, v13;
	v8 =	vmul.f32 v8, v10  }
0x421: {  	v42 =	vmul.u32 $0x9E3779B1, v16;
	v25 =	vxor.u32 v54, v51;
	v10 =	vcvt.f32.s32 v41  }
0x422: {  	v25 =	vand.u32 $0xFFF, v25;
	v9 =	vadd.f32 v9, v35;
	v8 =	vadd.f32 v8, v14  }
0x423: {  	v44 =	vadd.s32 $0x9E3779B1, v42;
	v45 =	vadd.s32 $0x1, v10;
	v48 =	vxor.u32 v10, v42  }
0x424: {  	s19 =	sor.u32 s23, s12;
	v49 =	vxor.u32 v10, v44;
	v22 =	vand.u32 $0xFFF, v48;
	v8 =	vpack.i.f32.bf16 v8, v9  }
0x425: {  	v12 =	vmul.f32 $4.060000000e+02, v1;
	v13 =	vxor.u32 v45, v42;
	v53 =	vand.u32 $0xFFF, v49;
	[tilespmem:s19+$0x0] =	vst v8  }
0x426: {  	v59 =	vmul.f32 v18, v6;
	v52 =	vxor.u32 v45, v44;
	v13 =	vand.u32 $0xFFF, v13;
	v23 =	vld.idx.msk [tilespmem:v23+s31+$0x0], $0xffff  }
0x427: {  	v18 =	vcvt.f32.s32 v61;
	v9 =	vand.u32 $0xFFF, v52;
	v8 =	vxor.u32 v54, v56;
	v63 =	vld.idx.msk [tilespmem:v25+s31+$0x0], $0xffff  }
0x428: {  	v21 =	vmul.f32 $1.280000000e+02, v0;
	v62 =	vtrunc.f32 v12;
	v8 =	vand.u32 $0xFFF, v8;
	v14 =	vld.idx.msk [tilespmem:v58+s31+$0x0], $0xffff  }
0x429: {  	v24 =	vcvt.s32.f32 v24;
	v16 =	vcvt.s32.f32 v16;
	v32 =	vmul.u32 $0x9E3779B1, v18;
	v22 =	vld.idx.msk [tilespmem:v22+s30+$0x0], $0xffff  }
0x42a: {  	v51 =	vtrunc.f32 v21;
	v5 =	vadd.f32 v59, v7;
	v7 =	vcvt.f32.s32 v62;
	v60 =	vld.idx.msk [tilespmem:v53+s30+$0x0], $0xffff  }
0x42b: {  	v38 =	vsub.f32 v46, v24;
	v15 =	vsub.f32 v15, v16;
	v34 =	vadd.s32 $0x9E3779B1, v32;
	v13 =	vld.idx.msk [tilespmem:v13+s30+$0x0], $0xffff  }
0x42c: {  	v4 =	vpack.i.f32.bf16 v5, v4;
	v36 =	vxor.u32 v7, v32;
	v37 =	vxor.u32 v7, v34;
	v9 =	vld.idx.msk [tilespmem:v9+s30+$0x0], $0xffff  }
0x42d: {  	v35 =	vadd.s32 $0x1, v7;
	v41 =	vand.u32 $0xFFF, v36;
	v10 =	vcvt.s32.f32 v10;
	v33 =	vld.idx.msk [tilespmem:v8+s31+$0x0], $0xffff  }
0x42e: {  	v45 =	vand.u32 $0xFFF, v37;
	v25 =	vxor.u32 v35, v32;
	v11 =	vsub.f32 v63, v23  }
0x42f: {  	v10 =	vsub.f32 v39, v10;
	v54 =	vtrunc.f32 v50;
	v44 =	vand.u32 $0xFFF, v25  }
0x430: {  	v25 =	vcvt.f32.s32 v54;
	v8 =	vxor.u32 v35, v34;
	v11 =	vmul.f32 v11, v38  }
0x431: {  	v34 =	vcvt.s32.f32 v7;
	v13 =	vsub.f32 v13, v22;
	v9 =	vsub.f32 v9, v60  }
0x432: {  	v11 =	vadd.f32 v11, v23;
	v23 =	vcvt.f32.s32 v51;
	v5 =	vsub.f32 v33, v14  }
0x433: {  	v58 =	vadd.s32 $0x1, v25;
	v13 =	vmul.f32 v13, v10;
	v9 =	vmul.f32 v9, v10  }
0x434: {  	v8 =	vand.u32 $0xFFF, v8;
	v55 =	vmul.u32 $0x9E3779B1, v23;
	v5 =	vmul.f32 v5, v38  }
0x435: {  	v39 =	vadd.f32 v13, v22;
	v6 =	vadd.f32 v9, v60;
	v13 =	vmul.f32 $1.010000000e+02, v0  }
0x436: {  	v9 =	vsub.f32 v43, v40;
	v43 =	vmul.f32 $1.010000000e+02, v3;
	v5 =	vadd.f32 v5, v14  }
0x437: {  	s19 =	sor.u32 $0x16300, s17;
	v59 =	vxor.u32 v25, v55;
	v60 =	vadd.s32 $0x9E3779B1, v55;
	v26 =	vxor.u32 v58, v55  }
0x438: {  	s15 =	sor.u32 s22, s19;
	v6 =	vsub.f32 v6, v39;
	v42 =	vtrunc.f32 v13;
	v5 =	vsub.f32 v5, v11  }
0x439: {  	[tilespmem:s15+$0x0] =	vst v4;
	v46 =	vtrunc.f32 v43;
	v20 =	vand.u32 $0xFFF, v59;
	v14 =	vcvt.f32.s32 v42  }
0x43a: {  	v16 =	vld.idx.msk [tilespmem:v41+s7+$0x0], $0xffff;
	v61 =	vxor.u32 v25, v60;
	v6 =	vmul.f32 v6, v15;
	v5 =	vmul.f32 v5, v9  }
0x43b: {  	v57 =	vld.idx.msk [tilespmem:v45+s7+$0x0], $0xffff;
	v26 =	vand.u32 $0xFFF, v26;
	v47 =	vmul.u32 $0x9E3779B1, v14;
	v9 =	vcvt.f32.s32 v46  }
0x43c: {  	v19 =	vld.idx.msk [tilespmem:v44+s7+$0x0], $0xffff;
	v62 =	vand.u32 $0xFFF, v61;
	v6 =	vadd.f32 v6, v39;
	v5 =	vadd.f32 v5, v11  }
0x43d: {  	v8 =	vld.idx.msk [tilespmem:v8+s7+$0x0], $0xffff;
	v48 =	vadd.s32 $0x9E3779B1, v47;
	v49 =	vadd.s32 $0x1, v9;
	v52 =	vxor.u32 v9, v47  }
0x43e: {  	s15 =	sor.u32 s23, s20;
	v53 =	vxor.u32 v9, v48;
	v24 =	vand.u32 $0xFFF, v52;
	v5 =	vpack.i.f32.bf16 v5, v6  }
0x43f: {  	v37 =	vsub.f32 v12, v34;
	v15 =	vxor.u32 v49, v47;
	v4 =	vand.u32 $0xFFF, v53;
	[tilespmem:s15+$0x0] =	vst v5  }
0x440: {  	v10 =	vmul.f32 $5.120000000e+02, v1;
	v56 =	vxor.u32 v49, v48;
	v15 =	vand.u32 $0xFFF, v15;
	v35 =	vld.idx.msk [tilespmem:v20+s2+$0x0], $0xffff  }
0x441: {  	v38 =	vsub.f32 v19, v16;
	v40 =	vcvt.s32.f32 v18;
	v6 =	vand.u32 $0xFFF, v56;
	v36 =	vld.idx.msk [tilespmem:v26+s2+$0x0], $0xffff  }
0x442: {  	v42 =	vcvt.s32.f32 v25;
	v8 =	vsub.f32 v8, v57;
	v5 =	vxor.u32 v58, v60;
	v39 =	vld.idx.msk [tilespmem:v62+s2+$0x0], $0xffff  }
0x443: {  	v41 =	vmul.f32 v38, v37;
	v14 =	vcvt.s32.f32 v14;
	v32 =	vand.u32 $0xFFF, v5;
	v24 =	vld.idx.msk [tilespmem:v24+s0+$0x0], $0xffff  }
0x444: {  	v38 =	vmul.f32 $2.030000000e+02, v3;
	v8 =	vmul.f32 v8, v37;
	v46 =	vsub.f32 v50, v42;
	v63 =	vld.idx.msk [tilespmem:v4+s0+$0x0], $0xffff  }
0x445: {  	v14 =	vsub.f32 v13, v14;
	v13 =	vmul.f32 $1.610000000e+02, v0;
	v9 =	vcvt.s32.f32 v9;
	v15 =	vld.idx.msk [tilespmem:v15+s0+$0x0], $0xffff  }
0x446: {  	v50 =	vadd.f32 v8, v57;
	v53 =	vcvt.s32.f32 v23;
	v56 =	vtrunc.f32 v10;
	v33 =	vld.idx.msk [tilespmem:v6+s0+$0x0], $0xffff  }
0x447: {  	v43 =	vsub.f32 v43, v9;
	v12 =	vcvt.f32.s32 v56;
	v6 =	vmul.f32 $5.120000000e+02, v2;
	v2 =	vld [tilespmem:s11+$0xFFFFFFF0]  }
0x448: {  	v59 =	vtrunc.f32 v13;
	v5 =	vsub.f32 v27, v40;
	v4 =	vld.idx.msk [tilespmem:v32+s2+$0x0], $0xffff;
	v48 =	vsub.f32 v36, v35  }
0x449: {  	v20 =	vmul.f32 $1.610000000e+02, v3;
	v60 =	vadd.s32 $0x1, v12;
	v47 =	vtrunc.f32 v6  }
0x44a: {  	v11 =	vcvt.f32.s32 v47;
	v51 =	vmul.f32 v48, v46;
	v44 =	vsub.f32 v15, v24  }
0x44b: {  	v62 =	vtrunc.f32 v20;
	v45 =	vsub.f32 v33, v63;
	v15 =	vsub.f32 v21, v53  }
0x44c: {  	v58 =	vmul.u32 $0x9E3779B1, v11;
	v27 =	vmul.f32 $1.600000000e+01, v2;
	v8 =	vadd.f32 v51, v35  }
0x44d: {  	v11 =	vcvt.s32.f32 v11;
	v49 =	vsub.f32 v4, v39;
	v4 =	vadd.f32 v41, v16  }
0x44e: {  	v9 =	vmul.f32 v44, v43;
	v1 =	vmul.f32 v45, v43;
	v19 =	vadd.s32 $0x9E3779B1, v58  }
0x44f: {  	v61 =	vxor.u32 v12, v58;
	v18 =	vxor.u32 v60, v58;
	v47 =	vtrunc.f32 v27  }
0x450: {  	v6 =	vsub.f32 v6, v11;
	v25 =	vxor.u32 v12, v19;
	v26 =	vcvt.f32.s32 v47  }
0x451: {  	v19 =	vxor.u32 v60, v19;
	v22 =	vand.u32 $0xFFF, v61;
	v18 =	vand.u32 $0xFFF, v18  }
0x452: {  	v12 =	vcvt.s32.f32 v12;
	v52 =	vmul.f32 v49, v46;
	v9 =	vadd.f32 v9, v24  }
0x453: {  	v1 =	vadd.f32 v1, v63;
	v7 =	vsub.f32 v50, v4;
	v63 =	vcvt.f32.s32 v62  }
0x454: {  	v25 =	vand.u32 $0xFFF, v25;
	v19 =	vand.u32 $0xFFF, v19;
	v51 =	vadd.s32 $0x1, v26  }
0x455: {  	v12 =	vsub.f32 v10, v12;
	v10 =	vmul.f32 $2.560000000e+02, v0;
	v55 =	vsub.f32 v1, v9  }
0x456: {  	v54 =	vadd.f32 v52, v39;
	v1 =	vld [tilespmem:s10+$0xFFFFFFF0];
	v52 =	vmul.f32 $2.000000000e+01, v2;
	v23 =	vcvt.s32.f32 v63  }
0x457: {  	v42 =	vadd.s32 $0x1, v63;
	v5 =	vmul.f32 v7, v5;
	v16 =	vmul.f32 v55, v14  }
0x458: {  	v57 =	vsub.f32 v54, v8;
	v14 =	vcvt.f32.s32 v59;
	v37 =	vtrunc.f32 v52  }
0x459: {  	v59 =	vtrunc.f32 v38;
	v20 =	vsub.f32 v20, v23;
	v37 =	vcvt.f32.s32 v37  }
0x45a: {  	v60 =	vcvt.f32.s32 v59;
	v15 =	vmul.f32 v57, v15;
	v9 =	vadd.f32 v16, v9  }
0x45b: {  	v40 =	vmul.u32 $0x9E3779B1, v14;
	v16 =	vmul.f32 $2.030000000e+02, v0;
	v24 =	vmul.f32 $1.600000000e+01, v1  }
0x45c: {  	v4 =	vadd.f32 v5, v4;
	v14 =	vcvt.s32.f32 v14;
	v31 =	vmul.f32 $2.000000000e+01, v1  }
0x45d: {  	v8 =	vadd.f32 v15, v8;
	v41 =	vadd.s32 $0x9E3779B1, v40;
	v43 =	vtrunc.f32 v24  }
0x45e: {  	v44 =	vxor.u32 v63, v40;
	v15 =	vxor.u32 v42, v40;
	v28 =	vcvt.f32.s32 v43  }
0x45f: {  	v45 =	vxor.u32 v63, v41;
	v46 =	vand.u32 $0xFFF, v44;
	v53 =	vtrunc.f32 v31  }
0x460: {  	v49 =	vand.u32 $0xFFF, v15;
	v36 =	vcvt.f32.s32 v53;
	v48 =	vmul.u32 $0x9E3779B1, v28  }
0x461: {  	v8 =	vpack.i.f32.bf16 v8, v9;
	v9 =	vxor.u32 v42, v41;
	v17 =	vand.u32 $0xFFF, v45  }
0x462: {  	s15 =	sor.u32 s23, s21;
	v9 =	vand.u32 $0xFFF, v9;
	v56 =	vmul.u32 $0x9E3779B1, v36;
	v54 =	vxor.u32 v26, v48  }
0x463: {  	v57 =	vadd.s32 $0x1, v37;
	[tilespmem:s15+$0x0] =	vst v8;
	v29 =	vxor.u32 v51, v48;
	v35 =	vand.u32 $0xFFF, v54  }
0x464: {  	v13 =	vsub.f32 v13, v14;
	v15 =	vld.idx.msk [tilespmem:v46+s1+$0x0], $0xffff;
	v39 =	vxor.u32 v37, v56;
	v29 =	vand.u32 $0xFFF, v29  }
0x465: {  	v50 =	vadd.s32 $0x9E3779B1, v48;
	v30 =	vld.idx.msk [tilespmem:v49+s1+$0x0], $0xffff;
	v41 =	vxor.u32 v57, v56;
	v39 =	vand.u32 $0xFFF, v39  }
0x466: {  	v63 =	vcvt.s32.f32 v60;
	v55 =	vxor.u32 v26, v50;
	v17 =	vld.idx.msk [tilespmem:v17+s1+$0x0], $0xffff;
	v41 =	vand.u32 $0xFFF, v41  }
0x467: {  	v40 =	vadd.s32 $0x9E3779B1, v56;
	v32 =	vxor.u32 v51, v50;
	v8 =	vand.u32 $0xFFF, v55;
	v9 =	vld.idx.msk [tilespmem:v9+s1+$0x0], $0xffff  }
0x468: {  	v43 =	vtrunc.f32 v16;
	v42 =	vxor.u32 v37, v40;
	v32 =	vand.u32 $0xFFF, v32;
	v35 =	vld.idx.msk [tilespmem:v35+s3+$0x0], $0xffff  }
0x469: {  	v33 =	vxor.u32 v57, v40;
	v58 =	vand.u32 $0xFFF, v42;
	v42 =	vcvt.f32.s32 v43;
	v29 =	vld.idx.msk [tilespmem:v29+s3+$0x0], $0xffff  }
0x46a: {  	v38 =	vsub.f32 v38, v63;
	v37 =	vcvt.s32.f32 v37;
	v33 =	vand.u32 $0xFFF, v33;
	v62 =	vld.idx.msk [tilespmem:v39+s24+$0x0], $0xffff  }
0x46b: {  	v28 =	vcvt.s32.f32 v28;
	v49 =	vadd.s32 $0x1, v60;
	v43 =	vmul.u32 $0x9E3779B1, v42;
	v41 =	vld.idx.msk [tilespmem:v41+s24+$0x0], $0xffff  }
0x46c: {  	v56 =	vcvt.s32.f32 v36;
	v26 =	vcvt.s32.f32 v26;
	v52 =	vsub.f32 v52, v37;
	v8 =	vld.idx.msk [tilespmem:v8+s3+$0x0], $0xffff  }
0x46d: {  	v37 =	vmul.f32 $3.200000000e+01, v2;
	v61 =	vsub.f32 v30, v15;
	v45 =	vxor.u32 v60, v43;
	v32 =	vld.idx.msk [tilespmem:v32+s3+$0x0], $0xffff  }
0x46e: {  	v48 =	vadd.s32 $0x9E3779B1, v43;
	v43 =	vxor.u32 v49, v43;
	v40 =	vld.idx.msk [tilespmem:v58+s24+$0x0], $0xffff;
	v45 =	vand.u32 $0xFFF, v45  }
0x46f: {  	v44 =	vsub.f32 v9, v17;
	v33 =	vld.idx.msk [tilespmem:v33+s24+$0x0], $0xffff;
	v43 =	vand.u32 $0xFFF, v43;
	v9 =	vxor.u32 v49, v48  }
0x470: {  	v26 =	vsub.f32 v27, v26;
	v21 =	vxor.u32 v60, v48;
	v9 =	vand.u32 $0xFFF, v9  }
0x471: {  	v23 =	vmul.f32 v61, v20;
	v48 =	vtrunc.f32 v37;
	v21 =	vand.u32 $0xFFF, v21  }
0x472: {  	v19 =	vld.idx.msk [tilespmem:v19+s8+$0x0], $0xffff;
	v20 =	vmul.f32 v44, v20;
	v50 =	vsub.f32 v29, v35;
	v53 =	vsub.f32 v41, v62  }
0x473: {  	v23 =	vadd.f32 v23, v15;
	v15 =	vmul.f32 $2.560000000e+02, v3;
	v51 =	vsub.f32 v32, v8;
	v32 =	vld.idx.msk [tilespmem:v45+s4+$0x0], $0xffff  }
0x474: {  	v33 =	vsub.f32 v33, v40;
	v57 =	vld.idx.msk [tilespmem:v43+s4+$0x0], $0xffff;
	v27 =	vmul.f32 v50, v26;
	v54 =	vmul.f32 v53, v52  }
0x475: {  	v24 =	vsub.f32 v24, v28;
	v46 =	vld.idx.msk [tilespmem:v9+s4+$0x0], $0xffff;
	v50 =	vcvt.f32.s32 v48;
	v26 =	vmul.f32 v51, v26  }
0x476: {  	v9 =	vld.idx.msk [tilespmem:v25+s8+$0x0], $0xffff;
	v25 =	vmul.f32 $5.000000000e+01, v1;
	v55 =	vmul.f32 v33, v52;
	v27 =	vadd.f32 v27, v35  }
0x477: {  	v21 =	vld.idx.msk [tilespmem:v21+s4+$0x0], $0xffff;
	v33 =	vmul.f32 $2.500000000e+01, v1;
	v28 =	vadd.f32 v54, v62;
	v8 =	vadd.f32 v26, v8  }
0x478: {  	v35 =	vmul.f32 $3.200000000e+01, v1;
	v29 =	vadd.f32 v55, v40;
	v26 =	vsub.f32 v31, v56  }
0x479: {  	v58 =	vtrunc.f32 v33;
	v31 =	vmul.f32 $2.500000000e+01, v2;
	v55 =	vadd.s32 $0x1, v50  }
0x47a: {  	v30 =	vcvt.f32.s32 v58;
	v34 =	vsub.f32 v57, v32;
	v43 =	vtrunc.f32 v35  }
0x47b: {  	v8 =	vsub.f32 v8, v27;
	v29 =	vsub.f32 v29, v28;
	v60 =	vtrunc.f32 v31  }
0x47c: {  	v40 =	vcvt.f32.s32 v43;
	v41 =	vsub.f32 v46, v21;
	v14 =	vsub.f32 v19, v9  }
0x47d: {  	v61 =	vmul.u32 $0x9E3779B1, v30;
	v34 =	vmul.f32 v34, v38;
	v8 =	vmul.f32 v8, v24  }
0x47e: {  	v59 =	vmul.f32 v29, v26;
	v26 =	vcvt.f32.s32 v60;
	v51 =	vmul.u32 $0x9E3779B1, v40  }
0x47f: {  	v38 =	vmul.f32 v41, v38;
	v60 =	vadd.f32 v20, v17;
	v62 =	vadd.s32 $0x9E3779B1, v61  }
0x480: {  	v27 =	vadd.f32 v8, v27;
	v24 =	vadd.f32 v59, v28;
	v63 =	vadd.s32 $0x1, v26  }
0x481: {  	v45 =	vxor.u32 v26, v61;
	v47 =	vxor.u32 v26, v62;
	v56 =	vxor.u32 v50, v51  }
0x482: {  	v57 =	vadd.s32 $0x9E3779B1, v51;
	v43 =	vxor.u32 v55, v51;
	v21 =	vadd.f32 v38, v21  }
0x483: {  	v41 =	vsub.f32 v60, v23;
	v48 =	vcvt.s32.f32 v26;
	v39 =	vand.u32 $0xFFF, v45  }
0x484: {  	s15 =	sadd.s32 $0x20, s13;
	v29 =	vxor.u32 v63, v61;
	v52 =	vxor.u32 v63, v62;
	v53 =	vand.u32 $0xFFF, v47  }
0x485: {  	v18 =	vld.idx.msk [tilespmem:v18+s8+$0x0], $0xffff;
	s14 =	sand.u32 $0x60, s15;
	v36 =	vand.u32 $0xFFF, v56;
	v58 =	vxor.u32 v50, v57;
	v43 =	vand.u32 $0xFFF, v43  }
0x486: {  	s15 =	sor.u32 s14, s18;
	v8 =	vld.idx.msk [tilespmem:v22+s8+$0x0], $0xffff;
	v62 =	vcvt.s32.f32 v42;
	v63 =	vadd.f32 v34, v32;
	v24 =	vpack.i.f32.bf16 v24, v27  }
0x487: {  	v56 =	vtrunc.f32 v10;
	v49 =	vand.u32 $0xFFF, v29;
	v54 =	vand.u32 $0xFFF, v52;
	[tilespmem:s15+$0x0] =	vst v24  }
0x488: {  	v59 =	vand.u32 $0xFFF, v58;
	v46 =	vmul.f32 v41, v13;
	v52 =	vtrunc.f32 v15;
	v39 =	vld.idx.msk [tilespmem:v39+s25+$0x0], $0xffff  }
0x489: {  	v27 =	vmul.f32 $4.000000000e+01, v1;
	v24 =	vxor.u32 v55, v57;
	v55 =	vcvt.s32.f32 v40;
	v28 =	vld.idx.msk [tilespmem:v53+s25+$0x0], $0xffff  }
0x48a: {  	v40 =	vtrunc.f32 v25;
	v29 =	vcvt.f32.s32 v52;
	v24 =	vand.u32 $0xFFF, v24;
	v38 =	vld.idx.msk [tilespmem:v36+s26+$0x0], $0xffff  }
0x48b: {  	v58 =	vtrunc.f32 v27;
	v13 =	vsub.f32 v18, v8;
	v42 =	vld.idx.msk [tilespmem:v43+s26+$0x0], $0xffff;
	v43 =	vsub.f32 v16, v62  }
0x48c: {  	v16 =	vsub.f32 v31, v48;
	v31 =	vcvt.f32.s32 v58;
	v22 =	vld.idx.msk [tilespmem:v49+s25+$0x0], $0xffff;
	v49 =	vcvt.s32.f32 v50  }
0x48d: {  	v44 =	vsub.f32 v21, v63;
	v61 =	vld.idx.msk [tilespmem:v54+s25+$0x0], $0xffff;
	v50 =	vcvt.s32.f32 v30;
	v30 =	vmul.f32 $4.000000000e+01, v2  }
0x48e: {  	v21 =	vadd.f32 v46, v23;
	v13 =	vmul.f32 v13, v12;
	v12 =	vmul.f32 v14, v12  }
0x48f: {  	v45 =	vld.idx.msk [tilespmem:v59+s26+$0x0], $0xffff;
	v47 =	vmul.f32 v44, v43;
	v60 =	vmul.u32 $0x9E3779B1, v31;
	v19 =	vsub.f32 v37, v49  }
0x490: {  	v24 =	vld.idx.msk [tilespmem:v24+s26+$0x0], $0xffff;
	v26 =	vsub.f32 v33, v50;
	v59 =	vtrunc.f32 v30;
	v13 =	vadd.f32 v13, v8  }
0x491: {  	v18 =	vadd.f32 v47, v63;
	v23 =	vcvt.f32.s32 v59;
	v51 =	vsub.f32 v42, v38  }
0x492: {  	v63 =	vmul.f32 $5.000000000e+01, v2;
	v22 =	vsub.f32 v22, v39;
	v17 =	vsub.f32 v61, v28  }
0x493: {  	v61 =	vadd.s32 $0x9E3779B1, v60;
	v62 =	vadd.s32 $0x1, v23;
	v41 =	vxor.u32 v23, v60  }
0x494: {  	v43 =	vtrunc.f32 v63;
	v54 =	vmul.f32 v51, v19;
	v32 =	vand.u32 $0xFFF, v41  }
0x495: {  	v34 =	vcvt.f32.s32 v43;
	v41 =	vmul.f32 $3.220000000e+02, v3;
	v24 =	vsub.f32 v24, v45  }
0x496: {  	v18 =	vpack.i.f32.bf16 v18, v21;
	v22 =	vmul.f32 v22, v16;
	v16 =	vmul.f32 v17, v16  }
0x497: {  	v42 =	vxor.u32 v23, v61;
	v23 =	vcvt.s32.f32 v23;
	v19 =	vmul.f32 v24, v19  }
0x498: {  	v46 =	vand.u32 $0xFFF, v42;
	v53 =	vadd.f32 v22, v39;
	v16 =	vadd.f32 v16, v28  }
0x499: {  	v47 =	vadd.s32 $0x1, v34;
	v22 =	vadd.f32 v54, v38;
	v19 =	vadd.f32 v19, v45  }
0x49a: {  	v23 =	vsub.f32 v30, v23;
	v24 =	vsub.f32 v35, v55;
	v28 =	vcvt.f32.s32 v40  }
0x49b: {  	v58 =	vtrunc.f32 v41;
	v57 =	vsub.f32 v16, v53;
	v19 =	vsub.f32 v19, v22  }
0x49c: {  	v30 =	vmul.f32 $6.400000000e+01, v2;
	v40 =	vcvt.f32.s32 v58;
	v44 =	vmul.u32 $0x9E3779B1, v28  }
0x49d: {  	v54 =	vadd.s32 $0x1, v29;
	v20 =	vmul.f32 v57, v26;
	v19 =	vmul.f32 v19, v24  }
0x49e: {  	v16 =	vcvt.f32.s32 v56;
	v48 =	vxor.u32 v34, v44;
	v24 =	vxor.u32 v62, v60  }
0x49f: {  	v17 =	vadd.f32 v20, v53;
	v24 =	vand.u32 $0xFFF, v24;
	v19 =	vadd.f32 v19, v22  }
0x4a0: {  	v49 =	vadd.s32 $0x9E3779B1, v44;
	v35 =	vxor.u32 v47, v44;
	v33 =	vand.u32 $0xFFF, v48  }
0x4a1: {  	s15 =	sor.u32 s14, s9;
	v50 =	vxor.u32 v34, v49;
	v35 =	vand.u32 $0xFFF, v35;
	v17 =	vpack.i.f32.bf16 v19, v17  }
0x4a2: {  	v51 =	vmul.u32 $0x9E3779B1, v16;
	v36 =	vand.u32 $0xFFF, v50;
	v22 =	vxor.u32 v47, v49;
	[tilespmem:s15+$0x0] =	vst v17  }
0x4a3: {  	v45 =	vxor.u32 v62, v61;
	v34 =	vcvt.s32.f32 v34;
	v52 =	vand.u32 $0xFFF, v22;
	v32 =	vld.idx.msk [tilespmem:v32+s28+$0x0], $0xffff  }
0x4a4: {  	v53 =	vadd.s32 $0x9E3779B1, v51;
	v55 =	vxor.u32 v29, v51;
	v37 =	vxor.u32 v54, v51;
	v24 =	vld.idx.msk [tilespmem:v24+s28+$0x0], $0xffff  }
0x4a5: {  	v60 =	vcvt.s32.f32 v31;
	v19 =	vand.u32 $0xFFF, v45;
	v17 =	vmul.f32 $3.220000000e+02, v0;
	v33 =	vld.idx.msk [tilespmem:v33+s29+$0x0], $0xffff  }
0x4a6: {  	v50 =	vtrunc.f32 v30;
	v38 =	vxor.u32 v54, v53;
	v57 =	vand.u32 $0xFFF, v55;
	v35 =	vld.idx.msk [tilespmem:v35+s29+$0x0], $0xffff  }
0x4a7: {  	v37 =	vand.u32 $0xFFF, v37;
	v26 =	vsub.f32 v63, v34;
	v36 =	vld.idx.msk [tilespmem:v36+s29+$0x0], $0xffff;
	v56 =	vtrunc.f32 v17  }
0x4a8: {  	v34 =	vmul.f32 $8.000000000e+01, v2;
	v38 =	vand.u32 $0xFFF, v38;
	v42 =	vcvt.f32.s32 v56;
	v21 =	vld.idx.msk [tilespmem:v52+s29+$0x0], $0xffff  }
0x4a9: {  	v27 =	vsub.f32 v27, v60;
	v22 =	vcvt.s32.f32 v29;
	v29 =	vxor.u32 v29, v53;
	v20 =	vld.idx.msk [tilespmem:v46+s28+$0x0], $0xffff  }
0x4aa: {  	v60 =	vtrunc.f32 v34;
	v29 =	vand.u32 $0xFFF, v29;
	v19 =	vld.idx.msk [tilespmem:v19+s28+$0x0], $0xffff;
	v59 =	vmul.u32 $0x9E3779B1, v42  }
0x4ab: {  	v45 =	vadd.s32 $0x1, v40;
	v24 =	vsub.f32 v24, v32;
	v61 =	vsub.f32 v35, v33  }
0x4ac: {  	v35 =	vcvt.s32.f32 v28;
	v44 =	vadd.s32 $0x9E3779B1, v59;
	v46 =	vxor.u32 v40, v59  }
0x4ad: {  	v62 =	vxor.u32 v45, v59;
	v24 =	vmul.f32 v24, v23;
	v21 =	vsub.f32 v21, v36  }
0x4ae: {  	v43 =	vxor.u32 v40, v44;
	v48 =	vand.u32 $0xFFF, v46;
	v49 =	vand.u32 $0xFFF, v62  }
0x4af: {  	v19 =	vsub.f32 v19, v20;
	v28 =	vand.u32 $0xFFF, v43;
	v43 =	vcvt.f32.s32 v60  }
0x4b0: {  	s15 =	sor.u32 s23, s16;
	v60 =	vadd.f32 v12, v9;
	v63 =	vadd.f32 v24, v32;
	v32 =	vmul.f32 v61, v26  }
0x4b1: {  	v15 =	vsub.f32 v15, v22;
	[tilespmem:s15+$0x0] =	vst v18;
	v21 =	vmul.f32 v21, v26;
	v26 =	vmul.f32 $6.400000000e+01, v1  }
0x4b2: {  	v19 =	vmul.f32 v19, v23;
	v23 =	vld.idx.msk [tilespmem:v57+s5+$0x0], $0xffff;
	v8 =	vsub.f32 v60, v13;
	v24 =	vadd.f32 v32, v33  }
0x4b3: {  	v57 =	vld.idx.msk [tilespmem:v37+s5+$0x0], $0xffff;
	v21 =	vadd.f32 v21, v36;
	v47 =	vtrunc.f32 v26;
	v33 =	vmul.f32 $8.000000000e+01, v1  }
0x4b4: {  	v32 =	vcvt.s32.f32 v42;
	v19 =	vadd.f32 v19, v20;
	v20 =	vsub.f32 v25, v35;
	v31 =	vld.idx.msk [tilespmem:v48+s6+$0x0], $0xffff  }
0x4b5: {  	v25 =	vcvt.f32.s32 v47;
	v48 =	vld.idx.msk [tilespmem:v49+s6+$0x0], $0xffff;
	v49 =	vadd.s32 $0x1, v43;
	v47 =	vmul.f32 $1.280000000e+02, v2  }
0x4b6: {  	v5 =	vmul.f32 v8, v6;
	v21 =	vsub.f32 v21, v24;
	v56 =	vtrunc.f32 v33  }
0x4b7: {  	v19 =	vsub.f32 v19, v63;
	v51 =	vmul.u32 $0x9E3779B1, v25;
	v35 =	vcvt.f32.s32 v56  }
0x4b8: {  	v56 =	vxor.u32 v45, v44;
	v25 =	vcvt.s32.f32 v25;
	v44 =	vmul.f32 $1.010000000e+02, v2  }
0x4b9: {  	v5 =	vadd.f32 v5, v13;
	v20 =	vmul.f32 v21, v20;
	v21 =	vcvt.f32.s32 v50  }
0x4ba: {  	v38 =	vld.idx.msk [tilespmem:v38+s5+$0x0], $0xffff;
	v36 =	vsub.f32 v57, v23;
	v57 =	vand.u32 $0xFFF, v56;
	v19 =	vmul.f32 v19, v27  }
0x4bb: {  	v29 =	vld.idx.msk [tilespmem:v29+s5+$0x0], $0xffff;
	v54 =	vadd.s32 $0x9E3779B1, v51;
	v61 =	vmul.u32 $0x9E3779B1, v35;
	v25 =	vsub.f32 v26, v25  }
0x4bc: {  	v42 =	vcvt.s32.f32 v35;
	v53 =	vadd.f32 v20, v24;
	v55 =	vadd.s32 $0x1, v21  }
0x4bd: {  	v58 =	vxor.u32 v21, v51;
	v59 =	vxor.u32 v21, v54;
	v52 =	vadd.f32 v19, v63  }
0x4be: {  	v27 =	vxor.u32 v55, v51;
	v37 =	vand.u32 $0xFFF, v58;
	v62 =	vxor.u32 v55, v54  }
0x4bf: {  	v63 =	vand.u32 $0xFFF, v59;
	v50 =	vxor.u32 v43, v61;
	v51 =	vadd.s32 $0x9E3779B1, v61  }
0x4c0: {  	v46 =	vxor.u32 v49, v61;
	v55 =	vsub.f32 v38, v29;
	v27 =	vand.u32 $0xFFF, v27  }
0x4c1: {  	s15 =	sor.u32 s14, s12;
	v28 =	vld.idx.msk [tilespmem:v28+s6+$0x0], $0xffff;
	v58 =	vmul.f32 v36, v15;
	v19 =	vand.u32 $0xFFF, v62;
	v18 =	vpack.i.f32.bf16 v53, v52  }
0x4c2: {  	v61 =	vcvt.s32.f32 v16;
	v39 =	vand.u32 $0xFFF, v50;
	v15 =	vmul.f32 v55, v15;
	v14 =	vld.idx.msk [tilespmem:v57+s6+$0x0], $0xffff;
	[tilespmem:s15+$0x0] =	vst v18  }
0x4c3: {  	v46 =	vand.u32 $0xFFF, v46;
	v53 =	vxor.u32 v43, v51;
	v11 =	vadd.f32 v58, v23;
	v52 =	vld.idx.msk [tilespmem:v37+s30+$0x0], $0xffff  }
0x4c4: {  	v18 =	vxor.u32 v49, v51;
	v54 =	vand.u32 $0xFFF, v53;
	v15 =	vadd.f32 v15, v29;
	v20 =	vld.idx.msk [tilespmem:v63+s30+$0x0], $0xffff  }
0x4c5: {  	v38 =	vcvt.s32.f32 v43;
	v9 =	vsub.f32 v10, v61;
	v18 =	vand.u32 $0xFFF, v18;
	v27 =	vld.idx.msk [tilespmem:v27+s30+$0x0], $0xffff  }
0x4c6: {  	v10 =	vsub.f32 v17, v32;
	v63 =	vcvt.s32.f32 v40;
	v19 =	vld.idx.msk [tilespmem:v19+s30+$0x0], $0xffff;
	v15 =	vsub.f32 v15, v11  }
0x4c7: {  	v21 =	vcvt.s32.f32 v21;
	v24 =	vsub.f32 v34, v38;
	v37 =	vsub.f32 v48, v31;
	v59 =	vld.idx.msk [tilespmem:v39+s31+$0x0], $0xffff  }
0x4c8: {  	v62 =	vld.idx.msk [tilespmem:v46+s31+$0x0], $0xffff;
	v16 =	vsub.f32 v41, v63;
	v14 =	vsub.f32 v14, v28;
	v15 =	vmul.f32 v15, v9  }
0x4c9: {  	v51 =	vtrunc.f32 v47;
	v39 =	vsub.f32 v30, v21;
	v29 =	vld.idx.msk [tilespmem:v54+s31+$0x0], $0xffff;
	v9 =	vmul.f32 $4.060000000e+02, v0  }
0x4ca: {  	v18 =	vld.idx.msk [tilespmem:v18+s31+$0x0], $0xffff;
	v17 =	vmul.f32 v37, v16;
	v14 =	vmul.f32 v14, v16;
	v15 =	vadd.f32 v15, v11  }
0x4cb: {  	v37 =	vtrunc.f32 v44;
	v40 =	vsub.f32 v27, v52;
	v19 =	vsub.f32 v19, v20  }
0x4cc: {  	v60 =	vtrunc.f32 v9;
	v17 =	vadd.f32 v17, v31;
	v14 =	vadd.f32 v14, v28  }
0x4cd: {  	v6 =	vld [tilespmem:s10+$0x0];
	v12 =	vsub.f32 v62, v59;
	v31 =	vmul.f32 $4.060000000e+02, v3;
	v21 =	vmul.f32 v40, v39  }
0x4ce: {  	v7 =	vmul.f32 v19, v39;
	v39 =	vmul.f32 $1.280000000e+02, v1;
	v14 =	vsub.f32 v14, v17  }
0x4cf: {  	v12 =	vmul.f32 v12, v24;
	v18 =	vsub.f32 v18, v29;
	v41 =	vadd.f32 v21, v52  }
0x4d0: {  	v7 =	vadd.f32 v7, v20;
	v21 =	vmul.f32 $1.010000000e+02, v1;
	v48 =	vtrunc.f32 v39  }
0x4d1: {  	v12 =	vadd.f32 v12, v59;
	v10 =	vmul.f32 v14, v10;
	v59 =	vtrunc.f32 v31  }
0x4d2: {  	v20 =	vsub.f32 v33, v42;
	v33 =	vmul.f32 $2.000000000e+01, v6;
	v18 =	vmul.f32 v18, v24  }
0x4d3: {  	v26 =	vcvt.f32.s32 v48;
	v11 =	vcvt.f32.s32 v59;
	v7 =	vsub.f32 v7, v41  }
0x4d4: {  	v43 =	vtrunc.f32 v21;
	v10 =	vadd.f32 v10, v17;
	v18 =	vadd.f32 v18, v29  }
0x4d5: {  	v22 =	vcvt.f32.s32 v43;
	v29 =	vcvt.f32.s32 v51;
	v52 =	vmul.u32 $0x9E3779B1, v26  }
0x4d6: {  	v48 =	vcvt.s32.f32 v26;
	v7 =	vmul.f32 v7, v25;
	v18 =	vsub.f32 v18, v12  }
0x4d7: {  	v63 =	vpack.i.f32.bf16 v10, v15;
	v10 =	vcvt.s32.f32 v11;
	v38 =	vmul.u32 $0x9E3779B1, v22  }
0x4d8: {  	v56 =	vxor.u32 v29, v52;
	v36 =	vmul.f32 v18, v20;
	v18 =	vcvt.f32.s32 v37  }
0x4d9: {  	v55 =	vadd.s32 $0x1, v29;
	v7 =	vadd.f32 v7, v41;
	v28 =	vand.u32 $0xFFF, v56  }
0x4da: {  	v45 =	vadd.s32 $0x9E3779B1, v38;
	v12 =	vadd.f32 v36, v12;
	v49 =	vxor.u32 v18, v38  }
0x4db: {  	v46 =	vadd.s32 $0x1, v18;
	v50 =	vxor.u32 v18, v45;
	v27 =	vand.u32 $0xFFF, v49  }
0x4dc: {  	v30 =	vadd.s32 $0x9E3779B1, v52;
	v20 =	vxor.u32 v46, v38;
	v54 =	vand.u32 $0xFFF, v50  }
0x4dd: {  	s15 =	sor.u32 s14, s20;
	v53 =	vxor.u32 v46, v45;
	v20 =	vand.u32 $0xFFF, v20;
	v7 =	vpack.i.f32.bf16 v12, v7  }
0x4de: {  	v22 =	vcvt.s32.f32 v22;
	v58 =	vxor.u32 v29, v30;
	v12 =	vand.u32 $0xFFF, v53;
	[tilespmem:s15+$0x0] =	vst v7  }
0x4df: {  	v24 =	vsub.f32 v39, v48;
	v19 =	vxor.u32 v55, v30;
	v14 =	vand.u32 $0xFFF, v58;
	v28 =	vld.idx.msk [tilespmem:v28+s2+$0x0], $0xffff  }
0x4e0: {  	v57 =	vxor.u32 v55, v52;
	v30 =	vcvt.f32.s32 v60;
	v19 =	vand.u32 $0xFFF, v19;
	v27 =	vld.idx.msk [tilespmem:v27+s0+$0x0], $0xffff  }
0x4e1: {  	v8 =	vsub.f32 v31, v10;
	v61 =	vcvt.s32.f32 v18;
	v7 =	vand.u32 $0xFFF, v57;
	v16 =	vld.idx.msk [tilespmem:v54+s0+$0x0], $0xffff  }
0x4e2: {  	v31 =	vmul.f32 $1.610000000e+02, v2;
	v10 =	vmul.f32 $5.120000000e+02, v3;
	v18 =	vmul.u32 $0x9E3779B1, v30;
	v20 =	vld.idx.msk [tilespmem:v20+s0+$0x0], $0xffff  }
0x4e3: {  	v21 =	vsub.f32 v21, v22;
	v40 =	vsub.f32 v44, v61;
	v44 =	vcvt.s32.f32 v29;
	v12 =	vld.idx.msk [tilespmem:v12+s0+$0x0], $0xffff  }
0x4e4: {  	v22 =	vmul.f32 $1.600000000e+01, v6;
	v30 =	vcvt.s32.f32 v30;
	v42 =	vxor.u32 v11, v18;
	v41 =	vld.idx.msk [tilespmem:v14+s2+$0x0], $0xffff  }
0x4e5: {  	v23 =	vand.u32 $0xFFF, v42;
	v14 =	vadd.s32 $0x1, v11;
	v19 =	vld.idx.msk [tilespmem:v19+s2+$0x0], $0xffff;
	v15 =	vsub.f32 v47, v44  }
0x4e6: {  	v47 =	vtrunc.f32 v22;
	v43 =	vxor.u32 v14, v18;
	v54 =	vtrunc.f32 v33;
	v62 =	vld.idx.msk [tilespmem:v7+s2+$0x0], $0xffff  }
0x4e7: {  	v25 =	vcvt.f32.s32 v47;
	v18 =	vadd.s32 $0x9E3779B1, v18;
	v34 =	vcvt.f32.s32 v54;
	v7 =	vld [tilespmem:s11+$0x0]  }
0x4e8: {  	v54 =	vtrunc.f32 v31;
	v20 =	vsub.f32 v20, v27;
	v12 =	vsub.f32 v12, v16  }
0x4e9: {  	v50 =	vmul.u32 $0x9E3779B1, v25;
	v25 =	vcvt.s32.f32 v25;
	v13 =	vcvt.f32.s32 v54  }
0x4ea: {  	v45 =	vand.u32 $0xFFF, v43;
	v20 =	vmul.f32 v20, v40;
	v12 =	vmul.f32 v12, v40  }
0x4eb: {  	v19 =	vsub.f32 v19, v41;
	v52 =	vadd.s32 $0x9E3779B1, v50;
	v46 =	vsub.f32 v62, v28  }
0x4ec: {  	v20 =	vadd.f32 v20, v27;
	v12 =	vadd.f32 v12, v16;
	v27 =	vmul.f32 $1.600000000e+01, v7  }
0x4ed: {  	v58 =	vmul.u32 $0x9E3779B1, v34;
	v16 =	vmul.f32 v46, v15;
	v15 =	vmul.f32 v19, v15  }
0x4ee: {  	s15 =	sor.u32 s23, s19;
	v22 =	vsub.f32 v22, v25;
	v32 =	vsub.f32 v12, v20;
	v49 =	vtrunc.f32 v27  }
0x4ef: {  	[tilespmem:s15+$0x0] =	vst v63;
	v16 =	vadd.f32 v16, v28;
	v51 =	vadd.f32 v15, v41;
	v28 =	vmul.f32 $2.000000000e+01, v7  }
0x4f0: {  	v29 =	vld.idx.msk [tilespmem:v45+s7+$0x0], $0xffff;
	v45 =	vadd.s32 $0x9E3779B1, v58;
	v12 =	vmul.f32 $1.610000000e+02, v1;
	v19 =	vcvt.f32.s32 v49  }
0x4f1: {  	v57 =	vtrunc.f32 v28;
	v59 =	vsub.f32 v51, v16;
	v21 =	vmul.f32 v32, v21  }
0x4f2: {  	v53 =	vadd.s32 $0x1, v19;
	v55 =	vxor.u32 v19, v50;
	v56 =	vxor.u32 v19, v52  }
0x4f3: {  	v37 =	vcvt.f32.s32 v57;
	v19 =	vcvt.s32.f32 v19;
	v35 =	vand.u32 $0xFFF, v55  }
0x4f4: {  	v15 =	vld.idx.msk [tilespmem:v23+s7+$0x0], $0xffff;
	v26 =	vxor.u32 v53, v50;
	v60 =	vxor.u32 v53, v52;
	v61 =	vand.u32 $0xFFF, v56  }
0x4f5: {  	v24 =	vmul.f32 v59, v24;
	v50 =	vtrunc.f32 v12;
	v26 =	vand.u32 $0xFFF, v26  }
0x4f6: {  	v20 =	vadd.f32 v21, v20;
	v62 =	vand.u32 $0xFFF, v60;
	v44 =	vxor.u32 v37, v58  }
0x4f7: {  	v63 =	vadd.s32 $0x1, v37;
	v47 =	vxor.u32 v37, v45;
	v46 =	vand.u32 $0xFFF, v44  }
0x4f8: {  	v17 =	vcvt.f32.s32 v50;
	v38 =	vxor.u32 v63, v58;
	v49 =	vand.u32 $0xFFF, v47;
	v35 =	vld.idx.msk [tilespmem:v35+s3+$0x0], $0xffff  }
0x4f9: {  	v52 =	vsub.f32 v29, v15;
	v48 =	vxor.u32 v63, v45;
	v38 =	vand.u32 $0xFFF, v38;
	v51 =	vld.idx.msk [tilespmem:v61+s3+$0x0], $0xffff  }
0x4fa: {  	v37 =	vcvt.s32.f32 v37;
	v19 =	vsub.f32 v27, v19;
	v32 =	vand.u32 $0xFFF, v48;
	v26 =	vld.idx.msk [tilespmem:v26+s3+$0x0], $0xffff  }
0x4fb: {  	v27 =	vmul.f32 $2.500000000e+01, v6;
	v29 =	vmul.f32 $2.500000000e+01, v7;
	v24 =	vadd.f32 v24, v16;
	v23 =	vld.idx.msk [tilespmem:v62+s3+$0x0], $0xffff  }
0x4fc: {  	v58 =	vadd.s32 $0x1, v13;
	v45 =	vcvt.s32.f32 v34;
	v34 =	vmul.f32 $2.030000000e+02, v2;
	v53 =	vld.idx.msk [tilespmem:v46+s24+$0x0], $0xffff  }
0x4fd: {  	v39 =	vmul.u32 $0x9E3779B1, v17;
	v16 =	vmul.f32 v52, v8;
	v48 =	vtrunc.f32 v27;
	v55 =	vld.idx.msk [tilespmem:v49+s24+$0x0], $0xffff  }
0x4fe: {  	v17 =	vcvt.s32.f32 v17;
	v3 =	vpack.i.f32.bf16 v24, v20;
	v47 =	vsub.f32 v33, v45;
	v38 =	vld.idx.msk [tilespmem:v38+s24+$0x0], $0xffff  }
0x4ff: {  	v56 =	vadd.s32 $0x9E3779B1, v39;
	v59 =	vxor.u32 v13, v39;
	v39 =	vxor.u32 v58, v39;
	v57 =	vld.idx.msk [tilespmem:v32+s24+$0x0], $0xffff  }
0x500: {  	v61 =	vsub.f32 v28, v37;
	v37 =	vmul.f32 $3.200000000e+01, v7;
	v60 =	vxor.u32 v13, v56  }
0x501: {  	v20 =	vxor.u32 v58, v56;
	v63 =	vand.u32 $0xFFF, v59;
	v13 =	vcvt.s32.f32 v13  }
0x502: {  	v46 =	vand.u32 $0xFFF, v39;
	v26 =	vsub.f32 v26, v35;
	v23 =	vsub.f32 v23, v51  }
0x503: {  	v49 =	vand.u32 $0xFFF, v60;
	v58 =	vtrunc.f32 v37;
	v62 =	vsub.f32 v38, v53  }
0x504: {  	v26 =	vmul.f32 v26, v19;
	v24 =	vsub.f32 v57, v55;
	v19 =	vmul.f32 v23, v19  }
0x505: {  	v20 =	vand.u32 $0xFFF, v20;
	v59 =	vcvt.f32.s32 v58;
	v44 =	vmul.f32 v62, v61  }
0x506: {  	v43 =	vadd.f32 v26, v35;
	v24 =	vmul.f32 v24, v61;
	v19 =	vadd.f32 v19, v51  }
0x507: {  	v26 =	vcvt.f32.s32 v48;
	v35 =	vmul.f32 $3.200000000e+01, v6;
	v21 =	vadd.f32 v44, v53  }
0x508: {  	v32 =	vcvt.s32.f32 v59;
	v24 =	vadd.f32 v24, v55;
	v19 =	vsub.f32 v19, v43  }
0x509: {  	v51 =	vtrunc.f32 v29;
	v52 =	vmul.u32 $0x9E3779B1, v26;
	v55 =	vtrunc.f32 v35  }
0x50a: {  	s15 =	sor.u32 s14, s21;
	v39 =	vcvt.f32.s32 v55;
	v24 =	vsub.f32 v24, v21;
	v19 =	vmul.f32 v19, v22  }
0x50b: {  	[tilespmem:s15+$0x0] =	vst v3;
	v61 =	vadd.s32 $0x1, v59;
	v26 =	vcvt.s32.f32 v26;
	v53 =	vadd.s32 $0x9E3779B1, v52  }
0x50c: {  	v60 =	vmul.u32 $0x9E3779B1, v39;
	v50 =	vmul.f32 v24, v47;
	v23 =	vadd.f32 v19, v43;
	v19 =	vld.idx.msk [tilespmem:v63+s1+$0x0], $0xffff  }
0x50d: {  	v26 =	vsub.f32 v27, v26;
	v24 =	vcvt.f32.s32 v51;
	v63 =	vld.idx.msk [tilespmem:v20+s1+$0x0], $0xffff;
	v20 =	vmul.f32 $2.030000000e+02, v1  }
0x50e: {  	v28 =	vld.idx.msk [tilespmem:v46+s1+$0x0], $0xffff;
	v62 =	vxor.u32 v59, v60;
	v46 =	vadd.s32 $0x9E3779B1, v60;
	v40 =	vxor.u32 v61, v60  }
0x50f: {  	v21 =	vadd.f32 v50, v21;
	v54 =	vadd.s32 $0x1, v24;
	v36 =	vand.u32 $0xFFF, v62  }
0x510: {  	s15 =	sadd.s32 $0x30, s13;
	v56 =	vxor.u32 v24, v52;
	v57 =	vxor.u32 v24, v53;
	v40 =	vand.u32 $0xFFF, v40  }
0x511: {  	s15 =	sand.u32 $0x70, s15;
	v47 =	vxor.u32 v59, v46;
	v33 =	vxor.u32 v61, v46;
	v38 =	vand.u32 $0xFFF, v56  }
0x512: {  	s18 =	sor.u32 s15, s18;
	v50 =	vtrunc.f32 v20;
	v3 =	vand.u32 $0xFFF, v57;
	v21 =	vpack.i.f32.bf16 v21, v23  }
0x513: {  	v24 =	vcvt.s32.f32 v24;
	v25 =	vxor.u32 v54, v52;
	v48 =	vand.u32 $0xFFF, v47;
	v23 =	vld.idx.msk [tilespmem:v49+s1+$0x0], $0xffff;
	[tilespmem:s18+$0x0] =	vst v21  }
0x514: {  	v22 =	vxor.u32 v54, v53;
	v33 =	vand.u32 $0xFFF, v33;
	v42 =	vcvt.f32.s32 v50;
	v53 =	vld.idx.msk [tilespmem:v36+s26+$0x0], $0xffff  }
0x515: {  	v59 =	vsub.f32 v37, v32;
	v25 =	vand.u32 $0xFFF, v25;
	v49 =	vtrunc.f32 v34;
	v40 =	vld.idx.msk [tilespmem:v40+s26+$0x0], $0xffff  }
0x516: {  	v22 =	vand.u32 $0xFFF, v22;
	v52 =	vcvt.f32.s32 v49;
	v43 =	vmul.u32 $0x9E3779B1, v42;
	v38 =	vld.idx.msk [tilespmem:v38+s25+$0x0], $0xffff  }
0x517: {  	v54 =	vtrunc.f32 v10;
	v24 =	vsub.f32 v29, v24;
	v28 =	vsub.f32 v28, v19;
	v51 =	vld.idx.msk [tilespmem:v3+s25+$0x0], $0xffff  }
0x518: {  	v55 =	vcvt.s32.f32 v52;
	v56 =	vadd.s32 $0x9E3779B1, v43;
	v57 =	vadd.s32 $0x1, v52;
	v41 =	vld.idx.msk [tilespmem:v48+s26+$0x0], $0xffff  }
0x519: {  	v58 =	vxor.u32 v52, v43;
	v3 =	vsub.f32 v9, v30;
	v9 =	vmul.f32 $5.120000000e+02, v0;
	v33 =	vld.idx.msk [tilespmem:v33+s26+$0x0], $0xffff  }
0x51a: {  	v0 =	vsub.f32 v31, v13;
	v13 =	vcvt.f32.s32 v54;
	v43 =	vxor.u32 v57, v43;
	v25 =	vld.idx.msk [tilespmem:v25+s25+$0x0], $0xffff  }
0x51b: {  	v46 =	vand.u32 $0xFFF, v58;
	v30 =	vxor.u32 v52, v56;
	v22 =	vld.idx.msk [tilespmem:v22+s25+$0x0], $0xffff;
	v21 =	vsub.f32 v63, v23  }
0x51c: {  	v36 =	vxor.u32 v57, v56;
	v43 =	vand.u32 $0xFFF, v43;
	v28 =	vmul.f32 v28, v0  }
0x51d: {  	v30 =	vand.u32 $0xFFF, v30;
	v36 =	vand.u32 $0xFFF, v36;
	v0 =	vmul.f32 v21, v0  }
0x51e: {  	v60 =	vsub.f32 v40, v53;
	v40 =	vcvt.s32.f32 v39;
	v28 =	vadd.f32 v28, v19  }
0x51f: {  	v39 =	vmul.f32 $5.000000000e+01, v7;
	v33 =	vsub.f32 v33, v41;
	v0 =	vadd.f32 v0, v23  }
0x520: {  	v25 =	vsub.f32 v25, v38;
	v22 =	vsub.f32 v22, v51;
	v62 =	vmul.f32 v60, v59  }
0x521: {  	v29 =	vld.idx.msk [tilespmem:v46+s4+$0x0], $0xffff;
	v44 =	vsub.f32 v35, v40;
	v35 =	vmul.f32 $4.000000000e+01, v7;
	v63 =	vmul.f32 v33, v59  }
0x522: {  	v34 =	vsub.f32 v34, v55;
	v43 =	vld.idx.msk [tilespmem:v43+s4+$0x0], $0xffff;
	v25 =	vmul.f32 v25, v24;
	v22 =	vmul.f32 v22, v24  }
0x523: {  	v30 =	vld.idx.msk [tilespmem:v30+s4+$0x0], $0xffff;
	v33 =	vmul.f32 $4.000000000e+01, v6;
	v0 =	vsub.f32 v0, v28;
	v27 =	vadd.f32 v63, v41  }
0x524: {  	v36 =	vld.idx.msk [tilespmem:v36+s4+$0x0], $0xffff;
	v55 =	vtrunc.f32 v39;
	v61 =	vadd.f32 v25, v38;
	v22 =	vadd.f32 v22, v51  }
0x525: {  	v45 =	vtrunc.f32 v33;
	v25 =	vadd.f32 v62, v53;
	v38 =	vmul.f32 $5.000000000e+01, v6  }
0x526: {  	v47 =	vtrunc.f32 v35;
	v32 =	vcvt.f32.s32 v45;
	v22 =	vsub.f32 v22, v61  }
0x527: {  	v37 =	vsub.f32 v43, v29;
	v27 =	vsub.f32 v27, v25;
	v52 =	vtrunc.f32 v38  }
0x528: {  	v48 =	vmul.u32 $0x9E3779B1, v32;
	v40 =	vcvt.f32.s32 v52;
	v22 =	vmul.f32 v22, v26  }
0x529: {  	v36 =	vsub.f32 v36, v30;
	v46 =	vmul.f32 v27, v44;
	v27 =	vcvt.f32.s32 v47  }
0x52a: {  	v50 =	vadd.s32 $0x9E3779B1, v48;
	v44 =	vcvt.f32.s32 v55;
	v55 =	vsub.f32 v12, v17  }
0x52b: {  	v17 =	vxor.u32 v11, v18;
	v18 =	vxor.u32 v14, v18;
	v11 =	vmul.f32 $2.560000000e+02, v1  }
0x52c: {  	v56 =	vmul.u32 $0x9E3779B1, v40;
	v17 =	vand.u32 $0xFFF, v17;
	v18 =	vand.u32 $0xFFF, v18  }
0x52d: {  	v22 =	vadd.f32 v22, v61;
	v49 =	vadd.f32 v46, v25;
	v51 =	vadd.s32 $0x1, v27  }
0x52e: {  	v53 =	vxor.u32 v27, v48;
	v54 =	vxor.u32 v27, v50;
	v59 =	vadd.s32 $0x1, v44  }
0x52f: {  	v31 =	vxor.u32 v51, v48;
	v41 =	vand.u32 $0xFFF, v53;
	v57 =	vxor.u32 v51, v50  }
0x530: {  	v58 =	vand.u32 $0xFFF, v54;
	v60 =	vxor.u32 v44, v56;
	v48 =	vmul.f32 v37, v34  }
0x531: {  	v61 =	vadd.s32 $0x9E3779B1, v56;
	v34 =	vmul.f32 v36, v34;
	v50 =	vcvt.s32.f32 v42  }
0x532: {  	v45 =	vxor.u32 v59, v56;
	v54 =	vtrunc.f32 v9;
	v42 =	vtrunc.f32 v11  }
0x533: {  	v31 =	vand.u32 $0xFFF, v31;
	v22 =	vpack.i.f32.bf16 v49, v22;
	v24 =	vand.u32 $0xFFF, v57  }
0x534: {  	s9 =	sor.u32 s15, s9;
	v43 =	vand.u32 $0xFFF, v60;
	v62 =	vxor.u32 v44, v61;
	v45 =	vand.u32 $0xFFF, v45;
	v17 =	vld.idx.msk [tilespmem:v17+s7+$0x0], $0xffff  }
0x535: {  	v12 =	vcvt.f32.s32 v54;
	v57 =	vmul.f32 v0, v55;
	v0 =	vadd.f32 v16, v15;
	[tilespmem:s9+$0x0] =	vst v22;
	v18 =	vld.idx.msk [tilespmem:v18+s7+$0x0], $0xffff  }
0x536: {  	v22 =	vxor.u32 v59, v61;
	v51 =	vadd.f32 v48, v29;
	v52 =	vadd.f32 v34, v30;
	v41 =	vld.idx.msk [tilespmem:v41+s28+$0x0], $0xffff  }
0x537: {  	v47 =	vand.u32 $0xFFF, v62;
	v19 =	vsub.f32 v20, v50;
	v59 =	vcvt.s32.f32 v44;
	v25 =	vld.idx.msk [tilespmem:v58+s28+$0x0], $0xffff  }
0x538: {  	v61 =	vcvt.s32.f32 v32;
	v22 =	vand.u32 $0xFFF, v22;
	v29 =	vsub.f32 v52, v51;
	v63 =	vld.idx.msk [tilespmem:v31+s28+$0x0], $0xffff  }
0x539: {  	v20 =	vcvt.s32.f32 v13;
	v30 =	vmul.f32 $6.400000000e+01, v7;
	v28 =	vadd.f32 v57, v28;
	v49 =	vld.idx.msk [tilespmem:v24+s28+$0x0], $0xffff  }
0x53a: {  	v15 =	vsub.f32 v39, v59;
	v21 =	vsub.f32 v33, v61;
	v53 =	vld.idx.msk [tilespmem:v43+s29+$0x0], $0xffff;
	v29 =	vmul.f32 v29, v19  }
0x53b: {  	v20 =	vsub.f32 v10, v20;
	v58 =	vcvt.s32.f32 v27;
	v27 =	vmul.f32 $8.000000000e+01, v6;
	v56 =	vld.idx.msk [tilespmem:v45+s29+$0x0], $0xffff  }
0x53c: {  	v26 =	vld.idx.msk [tilespmem:v47+s29+$0x0], $0xffff;
	v24 =	vadd.f32 v29, v51;
	v29 =	vmul.f32 $8.000000000e+01, v7;
	v18 =	vsub.f32 v18, v17  }
0x53d: {  	v19 =	vmul.f32 $2.560000000e+02, v2;
	v45 =	vtrunc.f32 v30;
	v14 =	vsub.f32 v35, v58;
	v22 =	vld.idx.msk [tilespmem:v22+s29+$0x0], $0xffff  }
0x53e: {  	v52 =	vtrunc.f32 v29;
	v8 =	vmul.f32 v18, v8;
	v60 =	vsub.f32 v63, v41  }
0x53f: {  	v23 =	vsub.f32 v49, v25;
	v63 =	vtrunc.f32 v19;
	v49 =	vtrunc.f32 v27  }
0x540: {  	v62 =	vsub.f32 v56, v53;
	v36 =	vcvt.f32.s32 v52;
	v31 =	vcvt.f32.s32 v49  }
0x541: {  	v24 =	vpack.i.f32.bf16 v24, v28;
	v32 =	vcvt.f32.s32 v63;
	v16 =	vmul.f32 v60, v14  }
0x542: {  	v22 =	vsub.f32 v22, v26;
	v14 =	vmul.f32 v23, v14;
	v39 =	vmul.f32 v62, v15  }
0x543: {  	v56 =	vadd.s32 $0x1, v36;
	v62 =	vadd.s32 $0x1, v32;
	v16 =	vadd.f32 v16, v41  }
0x544: {  	v15 =	vmul.f32 v22, v15;
	v14 =	vadd.f32 v14, v25;
	v41 =	vcvt.s32.f32 v40  }
0x545: {  	v25 =	vmul.f32 $6.400000000e+01, v6;
	v23 =	vadd.f32 v39, v53;
	v53 =	vmul.u32 $0x9E3779B1, v31  }
0x546: {  	v40 =	vmul.u32 $0x9E3779B1, v12;
	v12 =	vcvt.s32.f32 v12;
	v15 =	vadd.f32 v15, v26  }
0x547: {  	v43 =	vsub.f32 v14, v16;
	v22 =	vsub.f32 v38, v41;
	v44 =	vtrunc.f32 v25  }
0x548: {  	v14 =	vcvt.f32.s32 v42;
	v57 =	vxor.u32 v36, v53;
	v58 =	vadd.s32 $0x9E3779B1, v53  }
0x549: {  	v37 =	vxor.u32 v56, v53;
	v9 =	vsub.f32 v9, v12;
	v12 =	vmul.f32 $4.060000000e+02, v1  }
0x54a: {  	v33 =	vcvt.f32.s32 v44;
	v35 =	vand.u32 $0xFFF, v57;
	v59 =	vxor.u32 v36, v58  }
0x54b: {  	v37 =	vand.u32 $0xFFF, v37;
	v44 =	vmul.f32 $3.220000000e+02, v2;
	v36 =	vcvt.s32.f32 v36  }
0x54c: {  	v15 =	vsub.f32 v15, v23;
	v21 =	vmul.f32 v43, v21;
	v60 =	vmul.u32 $0x9E3779B1, v14  }
0x54d: {  	v38 =	vand.u32 $0xFFF, v59;
	v59 =	vcvt.s32.f32 v31;
	v14 =	vcvt.s32.f32 v14  }
0x54e: {  	v46 =	vmul.u32 $0x9E3779B1, v33;
	v52 =	vtrunc.f32 v44;
	v15 =	vmul.f32 v15, v22  }
0x54f: {  	v29 =	vsub.f32 v29, v36;
	v36 =	vmul.f32 $1.280000000e+02, v6;
	v22 =	vcvt.f32.s32 v45  }
0x550: {  	v16 =	vadd.f32 v21, v16;
	v61 =	vadd.s32 $0x9E3779B1, v60;
	v15 =	vadd.f32 v15, v23  }
0x551: {  	v49 =	vxor.u32 v32, v60;
	v47 =	vadd.s32 $0x9E3779B1, v46;
	v50 =	vxor.u32 v22, v46  }
0x552: {  	s18 =	sor.u32 s15, s12;
	v51 =	vxor.u32 v22, v47;
	v34 =	vand.u32 $0xFFF, v50;
	v15 =	vpack.i.f32.bf16 v15, v16  }
0x553: {  	v48 =	vadd.s32 $0x1, v22;
	v23 =	vxor.u32 v56, v58;
	v55 =	vand.u32 $0xFFF, v51;
	[tilespmem:s18+$0x0] =	vst v15  }
0x554: {  	v39 =	vxor.u32 v62, v60;
	v54 =	vxor.u32 v48, v47;
	v23 =	vand.u32 $0xFFF, v23;
	v35 =	vld.idx.msk [tilespmem:v35+s31+$0x0], $0xffff  }
0x555: {  	v43 =	vcvt.f32.s32 v52;
	v26 =	vxor.u32 v48, v46;
	v16 =	vand.u32 $0xFFF, v54;
	v37 =	vld.idx.msk [tilespmem:v37+s31+$0x0], $0xffff  }
0x556: {  	v11 =	vsub.f32 v11, v14;
	v28 =	vxor.u32 v62, v61;
	v26 =	vand.u32 $0xFFF, v26;
	v38 =	vld.idx.msk [tilespmem:v38+s31+$0x0], $0xffff  }
0x557: {  	v28 =	vand.u32 $0xFFF, v28;
	v51 =	vxor.u32 v32, v61;
	v15 =	vmul.f32 $3.220000000e+02, v1;
	v34 =	vld.idx.msk [tilespmem:v34+s30+$0x0], $0xffff  }
0x558: {  	v41 =	vand.u32 $0xFFF, v49;
	v22 =	vcvt.s32.f32 v22;
	v45 =	vand.u32 $0xFFF, v51;
	v21 =	vld.idx.msk [tilespmem:v55+s30+$0x0], $0xffff  }
0x559: {  	v39 =	vand.u32 $0xFFF, v39;
	v32 =	vcvt.s32.f32 v32;
	v50 =	vtrunc.f32 v15;
	v23 =	vld.idx.msk [tilespmem:v23+s31+$0x0], $0xffff  }
0x55a: {  	s12 =	sor.u32 s14, s16;
	v48 =	vadd.s32 $0x1, v43;
	v54 =	vcvt.s32.f32 v33;
	v63 =	vld.idx.msk [tilespmem:v16+s30+$0x0], $0xffff;
	v16 =	vcvt.f32.s32 v50  }
0x55b: {  	[tilespmem:s12+$0x0] =	vst v24;
	v22 =	vsub.f32 v30, v22;
	v33 =	vmul.f32 $1.010000000e+02, v7;
	v19 =	vsub.f32 v19, v32;
	v26 =	vld.idx.msk [tilespmem:v26+s30+$0x0], $0xffff  }
0x55c: {  	v1 =	vmul.f32 $5.120000000e+02, v1;
	v25 =	vsub.f32 v25, v54;
	v28 =	vld.idx.msk [tilespmem:v28+s5+$0x0], $0xffff;
	v53 =	vmul.u32 $0x9E3779B1, v16  }
0x55d: {  	v52 =	vtrunc.f32 v33;
	v42 =	vld.idx.msk [tilespmem:v45+s5+$0x0], $0xffff;
	v50 =	vadd.s32 $0x9E3779B1, v40;
	v56 =	vsub.f32 v37, v35  }
0x55e: {  	v37 =	vmul.f32 $1.280000000e+02, v7;
	v47 =	vadd.s32 $0x9E3779B1, v53;
	v49 =	vxor.u32 v43, v53  }
0x55f: {  	v23 =	vsub.f32 v23, v38;
	v57 =	vxor.u32 v48, v53;
	v58 =	vmul.f32 v56, v29  }
0x560: {  	v56 =	vtrunc.f32 v36;
	v26 =	vsub.f32 v26, v34;
	v55 =	vsub.f32 v63, v21  }
0x561: {  	v60 =	vxor.u32 v43, v47;
	v62 =	vand.u32 $0xFFF, v49;
	v63 =	vand.u32 $0xFFF, v57  }
0x562: {  	v47 =	vxor.u32 v48, v47;
	v28 =	vsub.f32 v28, v42;
	v23 =	vmul.f32 v23, v29  }
0x563: {  	v29 =	vmul.f32 $1.010000000e+02, v6;
	v30 =	vadd.f32 v58, v35;
	v26 =	vmul.f32 v26, v22  }
0x564: {  	v31 =	vand.u32 $0xFFF, v60;
	v47 =	vand.u32 $0xFFF, v47;
	v22 =	vmul.f32 v55, v22  }
0x565: {  	v23 =	vadd.f32 v23, v38;
	v61 =	vtrunc.f32 v29;
	v26 =	vadd.f32 v26, v34  }
0x566: {  	v38 =	vcvt.f32.s32 v56;
	v21 =	vadd.f32 v22, v21;
	v22 =	vsub.f32 v27, v59  }
0x567: {  	v27 =	vcvt.f32.s32 v61;
	v59 =	vtrunc.f32 v37;
	v23 =	vsub.f32 v23, v30  }
0x568: {  	v46 =	vcvt.f32.s32 v59;
	v60 =	vmul.u32 $0x9E3779B1, v38;
	v21 =	vsub.f32 v21, v26  }
0x569: {  	v53 =	vmul.u32 $0x9E3779B1, v27;
	v27 =	vcvt.s32.f32 v27;
	v22 =	vmul.f32 v23, v22  }
0x56a: {  	v23 =	vcvt.f32.s32 v52;
	v52 =	vxor.u32 v46, v60;
	v21 =	vmul.f32 v21, v25  }
0x56b: {  	v54 =	vadd.s32 $0x9E3779B1, v53;
	v45 =	vand.u32 $0xFFF, v52;
	v27 =	vsub.f32 v29, v27  }
0x56c: {  	v52 =	vcvt.s32.f32 v38;
	v29 =	vmul.f32 $1.610000000e+02, v6;
	v22 =	vadd.f32 v22, v30  }
0x56d: {  	v39 =	vld.idx.msk [tilespmem:v39+s5+$0x0], $0xffff;
	v55 =	vadd.s32 $0x1, v23;
	v57 =	vxor.u32 v23, v53;
	v58 =	vxor.u32 v23, v54  }
0x56e: {  	v30 =	vld.idx.msk [tilespmem:v63+s6+$0x0], $0xffff;
	v63 =	vadd.s32 $0x1, v46;
	v23 =	vcvt.s32.f32 v23;
	v21 =	vadd.f32 v21, v26  }
0x56f: {  	v26 =	vld.idx.msk [tilespmem:v41+s5+$0x0], $0xffff;
	v25 =	vxor.u32 v55, v53;
	v41 =	vand.u32 $0xFFF, v57;
	v61 =	vxor.u32 v55, v54  }
0x570: {  	s18 =	sor.u32 s15, s20;
	v34 =	vld.idx.msk [tilespmem:v62+s6+$0x0], $0xffff;
	v62 =	vand.u32 $0xFFF, v58;
	v53 =	vadd.s32 $0x9E3779B1, v60;
	v21 =	vpack.i.f32.bf16 v22, v21  }
0x571: {  	v49 =	vxor.u32 v63, v60;
	v57 =	vadd.s32 $0x1, v13;
	v25 =	vand.u32 $0xFFF, v25;
	[tilespmem:s18+$0x0] =	vst v21;
	v21 =	vld.idx.msk [tilespmem:v31+s6+$0x0], $0xffff  }
0x572: {  	v58 =	vxor.u32 v13, v40;
	v49 =	vand.u32 $0xFFF, v49;
	v31 =	vxor.u32 v63, v53;
	v63 =	vld.idx.msk [tilespmem:v47+s6+$0x0], $0xffff  }
0x573: {  	v13 =	vxor.u32 v13, v50;
	v55 =	vxor.u32 v46, v53;
	v22 =	vand.u32 $0xFFF, v61;
	v45 =	vld.idx.msk [tilespmem:v45+s2+$0x0], $0xffff  }
0x574: {  	v60 =	vcvt.s32.f32 v43;
	v40 =	vxor.u32 v57, v40;
	v56 =	vand.u32 $0xFFF, v55;
	v54 =	vld.idx.msk [tilespmem:v41+s0+$0x0], $0xffff  }
0x575: {  	v23 =	vsub.f32 v33, v23;
	v13 =	vand.u32 $0xFFF, v13;
	v31 =	vand.u32 $0xFFF, v31;
	v24 =	vld.idx.msk [tilespmem:v62+s0+$0x0], $0xffff  }
0x576: {  	v47 =	vand.u32 $0xFFF, v40;
	v53 =	vtrunc.f32 v29;
	v59 =	vsub.f32 v39, v26;
	v25 =	vld.idx.msk [tilespmem:v25+s0+$0x0], $0xffff  }
0x577: {  	v30 =	vsub.f32 v30, v34;
	v62 =	vcvt.s32.f32 v46;
	v46 =	vand.u32 $0xFFF, v58;
	v61 =	vld.idx.msk [tilespmem:v49+s2+$0x0], $0xffff  }
0x578: {  	v41 =	vxor.u32 v57, v50;
	v39 =	vsub.f32 v44, v60;
	v22 =	vld.idx.msk [tilespmem:v22+s0+$0x0], $0xffff;
	v32 =	vmul.f32 v59, v19  }
0x579: {  	v48 =	vand.u32 $0xFFF, v41;
	v35 =	vld.idx.msk [tilespmem:v56+s2+$0x0], $0xffff;
	v19 =	vmul.f32 v28, v19;
	v28 =	vsub.f32 v63, v21  }
0x57a: {  	v44 =	vsub.f32 v37, v62;
	v31 =	vld.idx.msk [tilespmem:v31+s2+$0x0], $0xffff;
	v26 =	vadd.f32 v32, v26;
	v32 =	vmul.f32 $2.030000000e+02, v6  }
0x57b: {  	v30 =	vmul.f32 v30, v39;
	v37 =	vld.idx.msk [tilespmem:v47+s8+$0x0], $0xffff;
	v19 =	vadd.f32 v19, v42;
	v28 =	vmul.f32 v28, v39  }
0x57c: {  	v33 =	vld.idx.msk [tilespmem:v46+s8+$0x0], $0xffff;
	v25 =	vsub.f32 v25, v54;
	v49 =	vsub.f32 v61, v45;
	v59 =	vtrunc.f32 v32  }
0x57d: {  	v30 =	vadd.f32 v30, v34;
	v22 =	vsub.f32 v22, v24;
	v38 =	vcvt.f32.s32 v59  }
0x57e: {  	v21 =	vadd.f32 v28, v21;
	v25 =	vmul.f32 v25, v23;
	v50 =	vmul.f32 v49, v44  }
0x57f: {  	v59 =	vsub.f32 v19, v26;
	v31 =	vsub.f32 v31, v35;
	v22 =	vmul.f32 v22, v23  }
0x580: {  	v63 =	vmul.u32 $0x9E3779B1, v38;
	v10 =	vadd.f32 v25, v54;
	v23 =	vadd.f32 v50, v45  }
0x581: {  	v37 =	vsub.f32 v37, v33;
	v51 =	vmul.f32 v31, v44;
	v22 =	vadd.f32 v22, v24  }
0x582: {  	v24 =	vsub.f32 v36, v52;
	v31 =	vcvt.f32.s32 v53;
	v36 =	vmul.f32 $2.030000000e+02, v7  }
0x583: {  	v50 =	vadd.s32 $0x9E3779B1, v63;
	v37 =	vmul.f32 v37, v20;
	v25 =	vadd.f32 v51, v35  }
0x584: {  	v22 =	vsub.f32 v22, v10;
	v35 =	vmul.f32 $1.610000000e+02, v7;
	v62 =	vtrunc.f32 v36  }
0x585: {  	v55 =	vmul.u32 $0x9E3779B1, v31;
	v42 =	vcvt.f32.s32 v62;
	v62 =	vsub.f32 v21, v30  }
0x586: {  	v47 =	vld.idx.msk [tilespmem:v48+s8+$0x0], $0xffff;
	v25 =	vsub.f32 v25, v23;
	v22 =	vmul.f32 v22, v27;
	v54 =	vtrunc.f32 v35  }
0x587: {  	v44 =	vld.idx.msk [tilespmem:v13+s8+$0x0], $0xffff;
	v57 =	vadd.s32 $0x9E3779B1, v55;
	v48 =	vadd.s32 $0x1, v42;
	v49 =	vxor.u32 v42, v63  }
0x588: {  	v53 =	vxor.u32 v42, v50;
	v24 =	vmul.f32 v25, v24;
	v25 =	vcvt.f32.s32 v54  }
0x589: {  	v10 =	vadd.f32 v22, v10;
	v51 =	vxor.u32 v48, v63;
	v40 =	vand.u32 $0xFFF, v49  }
0x58a: {  	v49 =	vcvt.s32.f32 v31;
	v41 =	vand.u32 $0xFFF, v51;
	v56 =	vadd.f32 v24, v23  }
0x58b: {  	v58 =	vadd.s32 $0x1, v25;
	v60 =	vxor.u32 v25, v55;
	v61 =	vxor.u32 v25, v57  }
0x58c: {  	v23 =	vsub.f32 v47, v44;
	v47 =	vcvt.s32.f32 v42;
	v39 =	vand.u32 $0xFFF, v60  }
0x58d: {  	s20 =	sor.u32 s15, s21;
	v27 =	vxor.u32 v58, v55;
	v46 =	vand.u32 $0xFFF, v61;
	v10 =	vpack.i.f32.bf16 v56, v10  }
0x58e: {  	v45 =	vxor.u32 v58, v57;
	v57 =	vcvt.s32.f32 v16;
	v27 =	vand.u32 $0xFFF, v27;
	[tilespmem:s20+$0x0] =	vst v10  }
0x58f: {  	v55 =	vand.u32 $0xFFF, v53;
	v53 =	vtrunc.f32 v12;
	v13 =	vand.u32 $0xFFF, v45;
	v60 =	vld.idx.msk [tilespmem:v40+s4+$0x0], $0xffff  }
0x590: {  	v10 =	vxor.u32 v48, v50;
	v61 =	vsub.f32 v15, v57;
	v50 =	vsub.f32 v29, v49;
	v63 =	vld.idx.msk [tilespmem:v41+s4+$0x0], $0xffff  }
0x591: {  	v57 =	vmul.f32 $2.560000000e+02, v7;
	v56 =	vand.u32 $0xFFF, v10;
	v10 =	vadd.f32 v8, v17;
	v52 =	vld.idx.msk [tilespmem:v39+s1+$0x0], $0xffff  }
0x592: {  	v41 =	vmul.f32 v59, v11;
	v8 =	vadd.f32 v37, v33;
	v43 =	vmul.f32 v62, v61;
	v22 =	vld.idx.msk [tilespmem:v46+s1+$0x0], $0xffff  }
0x593: {  	v17 =	vsub.f32 v36, v47;
	v59 =	vtrunc.f32 v57;
	v39 =	vmul.f32 v23, v20;
	v54 =	vld.idx.msk [tilespmem:v27+s1+$0x0], $0xffff  }
0x594: {  	v46 =	vcvt.s32.f32 v25;
	v21 =	vadd.f32 v41, v26;
	v20 =	vcvt.f32.s32 v59;
	v58 =	vld.idx.msk [tilespmem:v13+s1+$0x0], $0xffff  }
0x595: {  	v40 =	vld.idx.msk [tilespmem:v55+s4+$0x0], $0xffff;
	v26 =	vmul.f32 $3.220000000e+02, v6;
	v13 =	vmul.f32 $4.060000000e+02, v2;
	v23 =	vadd.f32 v43, v30  }
0x596: {  	v2 =	vmul.f32 $5.120000000e+02, v2;
	v11 =	vadd.f32 v39, v44;
	v15 =	vsub.f32 v35, v46;
	v45 =	vld.idx.msk [tilespmem:v56+s4+$0x0], $0xffff  }
0x597: {  	v62 =	vadd.s32 $0x1, v20;
	v35 =	vtrunc.f32 v26;
	v48 =	vtrunc.f32 v13  }
0x598: {  	v19 =	vsub.f32 v63, v60;
	v63 =	vmul.f32 $3.220000000e+02, v7;
	v24 =	vsub.f32 v54, v52  }
0x599: {  	v29 =	vcvt.f32.s32 v35;
	v14 =	vcvt.f32.s32 v48;
	v16 =	vsub.f32 v58, v22  }
0x59a: {  	v21 =	vpack.i.f32.bf16 v23, v21;
	v19 =	vmul.f32 v19, v17;
	v24 =	vmul.f32 v24, v15  }
0x59b: {  	v39 =	vmul.u32 $0x9E3779B1, v29;
	v28 =	vsub.f32 v45, v40;
	v15 =	vmul.f32 v16, v15  }
0x59c: {  	v49 =	vadd.s32 $0x1, v14;
	v18 =	vadd.f32 v19, v60;
	v51 =	vadd.f32 v24, v52  }
0x59d: {  	v17 =	vmul.f32 v28, v17;
	v15 =	vadd.f32 v15, v22;
	v24 =	vmul.f32 $2.560000000e+02, v6  }
0x59e: {  	v44 =	vadd.s32 $0x9E3779B1, v39;
	v52 =	vcvt.s32.f32 v38;
	v38 =	vtrunc.f32 v63  }
0x59f: {  	v17 =	vadd.f32 v17, v40;
	v54 =	vsub.f32 v15, v51;
	v56 =	vtrunc.f32 v24  }
0x5a0: {  	v55 =	vsub.f32 v32, v52;
	v15 =	vcvt.f32.s32 v53;
	v32 =	vcvt.f32.s32 v38  }
0x5a1: {  	v53 =	vtrunc.f32 v2;
	v58 =	vcvt.f32.s32 v56;
	v17 =	vsub.f32 v17, v18  }
0x5a2: {  	v35 =	vcvt.f32.s32 v53;
	v19 =	vmul.f32 v54, v50;
	v42 =	vadd.s32 $0x1, v32  }
0x5a3: {  	v43 =	vxor.u32 v32, v39;
	v46 =	vxor.u32 v32, v44;
	v17 =	vmul.f32 v17, v55  }
0x5a4: {  	v60 =	vmul.u32 $0x9E3779B1, v58;
	v33 =	vxor.u32 v42, v39;
	v31 =	vand.u32 $0xFFF, v43  }
0x5a5: {  	v16 =	vadd.f32 v19, v51;
	v33 =	vand.u32 $0xFFF, v33;
	v17 =	vadd.f32 v17, v18  }
0x5a6: {  	v47 =	vand.u32 $0xFFF, v46;
	v61 =	vadd.s32 $0x9E3779B1, v60;
	v36 =	vxor.u32 v20, v60  }
0x5a7: {  	s21 =	sor.u32 s15, s16;
	v25 =	vxor.u32 v62, v60;
	v30 =	vand.u32 $0xFFF, v36;
	v16 =	vpack.i.f32.bf16 v17, v16  }
0x5a8: {  	v45 =	vmul.u32 $0x9E3779B1, v15;
	v37 =	vxor.u32 v20, v61;
	v25 =	vand.u32 $0xFFF, v25;
	[tilespmem:s21+$0x0] =	vst v16  }
0x5a9: {  	v50 =	vtrunc.f32 v1;
	v40 =	vxor.u32 v62, v61;
	v41 =	vand.u32 $0xFFF, v37;
	v31 =	vld.idx.msk [tilespmem:v31+s6+$0x0], $0xffff  }
0x5aa: {  	v32 =	vcvt.s32.f32 v32;
	v17 =	vand.u32 $0xFFF, v40;
	v16 =	vxor.u32 v42, v44;
	v33 =	vld.idx.msk [tilespmem:v33+s6+$0x0], $0xffff  }
0x5ab: {  	v56 =	vadd.s32 $0x1, v35;
	v28 =	vcvt.s32.f32 v58;
	v16 =	vand.u32 $0xFFF, v16;
	v19 =	vld.idx.msk [tilespmem:v47+s6+$0x0], $0xffff  }
0x5ac: {  	v48 =	vadd.s32 $0x9E3779B1, v45;
	v51 =	vxor.u32 v14, v45;
	v34 =	vxor.u32 v49, v45;
	v30 =	vld.idx.msk [tilespmem:v30+s5+$0x0], $0xffff  }
0x5ad: {  	v27 =	vsub.f32 v63, v32;
	v52 =	vxor.u32 v14, v48;
	v36 =	vcvt.f32.s32 v50;
	v25 =	vld.idx.msk [tilespmem:v25+s5+$0x0], $0xffff  }
0x5ae: {  	v23 =	vxor.u32 v49, v48;
	v34 =	vand.u32 $0xFFF, v34;
	v24 =	vsub.f32 v24, v28;
	v18 =	vld.idx.msk [tilespmem:v41+s5+$0x0], $0xffff  }
0x5af: {  	v60 =	vcvt.s32.f32 v29;
	v20 =	vcvt.s32.f32 v20;
	v54 =	vmul.u32 $0x9E3779B1, v36;
	v17 =	vld.idx.msk [tilespmem:v17+s5+$0x0], $0xffff  }
0x5b0: {  	v14 =	vcvt.s32.f32 v14;
	v38 =	vand.u32 $0xFFF, v52;
	v23 =	vand.u32 $0xFFF, v23;
	v16 =	vld.idx.msk [tilespmem:v16+s6+$0x0], $0xffff  }
0x5b1: {  	v37 =	vand.u32 $0xFFF, v51;
	v20 =	vsub.f32 v57, v20;
	v55 =	vadd.s32 $0x9E3779B1, v54  }
0x5b2: {  	v57 =	vxor.u32 v35, v54;
	v39 =	vxor.u32 v56, v54;
	v22 =	vxor.u32 v56, v55  }
0x5b3: {  	v40 =	vxor.u32 v35, v55;
	v33 =	vsub.f32 v33, v31;
	v25 =	vsub.f32 v25, v30  }
0x5b4: {  	v61 =	vand.u32 $0xFFF, v57;
	v63 =	vand.u32 $0xFFF, v39;
	v17 =	vsub.f32 v17, v18  }
0x5b5: {  	v59 =	vmul.f32 v33, v27;
	v25 =	vmul.f32 v25, v20;
	v16 =	vsub.f32 v16, v19  }
0x5b6: {  	v42 =	vand.u32 $0xFFF, v40;
	v45 =	vand.u32 $0xFFF, v22;
	v17 =	vmul.f32 v17, v20  }
0x5b7: {  	v58 =	vadd.f32 v25, v30;
	v25 =	vadd.f32 v59, v31;
	v16 =	vmul.f32 v16, v27  }
0x5b8: {  	v17 =	vadd.f32 v17, v18;
	v27 =	vmul.f32 $4.060000000e+02, v6;
	v6 =	vmul.f32 $5.120000000e+02, v6  }
0x5b9: {  	v18 =	vsub.f32 v26, v60;
	v26 =	vmul.f32 $4.060000000e+02, v7;
	v7 =	vmul.f32 $5.120000000e+02, v7  }
0x5ba: {  	v16 =	vadd.f32 v16, v19;
	v62 =	vtrunc.f32 v27;
	v50 =	vtrunc.f32 v6  }
0x5bb: {  	s12 =	sor.u32 s14, s19;
	v17 =	vsub.f32 v17, v58;
	v43 =	vtrunc.f32 v26;
	v32 =	vcvt.f32.s32 v50  }
0x5bc: {  	[tilespmem:s12+$0x0] =	vst v21;
	v54 =	vtrunc.f32 v7;
	v19 =	vcvt.f32.s32 v62;
	v16 =	vsub.f32 v16, v25  }
0x5bd: {  	v51 =	vld.idx.msk [tilespmem:v38+s7+$0x0], $0xffff;
	v38 =	vcvt.f32.s32 v54;
	v17 =	vmul.f32 v17, v24;
	v55 =	vmul.u32 $0x9E3779B1, v32  }
0x5be: {  	v48 =	vld.idx.msk [tilespmem:v34+s7+$0x0], $0xffff;
	v44 =	vmul.u32 $0x9E3779B1, v19;
	v16 =	vmul.f32 v16, v18;
	v18 =	vcvt.f32.s32 v43  }
0x5bf: {  	v23 =	vld.idx.msk [tilespmem:v23+s7+$0x0], $0xffff;
	v17 =	vadd.f32 v17, v58;
	v58 =	vadd.s32 $0x1, v38;
	v59 =	vxor.u32 v38, v55  }
0x5c0: {  	v46 =	vld.idx.msk [tilespmem:v37+s7+$0x0], $0xffff;
	v47 =	vadd.s32 $0x9E3779B1, v44;
	v39 =	vxor.u32 v58, v55;
	v37 =	vand.u32 $0xFFF, v59  }
0x5c1: {  	v28 =	vld.idx.msk [tilespmem:v61+s8+$0x0], $0xffff;
	v16 =	vadd.f32 v16, v25;
	v52 =	vxor.u32 v18, v44;
	v39 =	vand.u32 $0xFFF, v39  }
0x5c2: {  	v29 =	vld.idx.msk [tilespmem:v63+s8+$0x0], $0xffff;
	v61 =	vadd.s32 $0x9E3779B1, v55;
	v53 =	vxor.u32 v18, v47;
	v34 =	vand.u32 $0xFFF, v52  }
0x5c3: {  	s16 =	sor.u32 s15, s19;
	v30 =	vld.idx.msk [tilespmem:v42+s8+$0x0], $0xffff;
	v62 =	vxor.u32 v38, v61;
	v57 =	vand.u32 $0xFFF, v53;
	v16 =	vpack.i.f32.bf16 v16, v17  }
0x5c4: {  	v60 =	vld.idx.msk [tilespmem:v45+s8+$0x0], $0xffff;
	v49 =	vadd.s32 $0x1, v18;
	v21 =	vxor.u32 v58, v61;
	v40 =	vand.u32 $0xFFF, v62;
	[tilespmem:s16+$0x0] =	vst v16  }
0x5c5: {  	v13 =	vsub.f32 v13, v14;
	v24 =	vxor.u32 v49, v44;
	v21 =	vand.u32 $0xFFF, v21;
	v43 =	vld.idx.msk [tilespmem:v37+s8+$0x0], $0xffff  }
0x5c6: {  	v41 =	vsub.f32 v48, v46;
	v56 =	vxor.u32 v49, v47;
	v24 =	vand.u32 $0xFFF, v24;
	v45 =	vld.idx.msk [tilespmem:v39+s8+$0x0], $0xffff  }
0x5c7: {  	v63 =	vcvt.s32.f32 v35;
	v23 =	vsub.f32 v23, v51;
	v17 =	vand.u32 $0xFFF, v56;
	v34 =	vld.idx.msk [tilespmem:v34+s7+$0x0], $0xffff  }
0x5c8: {  	v14 =	vmul.f32 v41, v13;
	v20 =	vld.idx.msk [tilespmem:v57+s7+$0x0], $0xffff  }
0x5c9: {  	v2 =	vsub.f32 v2, v63;
	v13 =	vmul.f32 v23, v13;
	v42 =	vsub.f32 v29, v28;
	v47 =	vld.idx.msk [tilespmem:v40+s8+$0x0], $0xffff  }
0x5ca: {  	v10 =	vsub.f32 v10, v0;
	v15 =	vcvt.s32.f32 v15;
	v14 =	vadd.f32 v14, v46;
	v49 =	vld.idx.msk [tilespmem:v21+s8+$0x0], $0xffff  }
0x5cb: {  	v13 =	vadd.f32 v13, v51;
	v46 =	vmul.f32 v42, v2;
	v51 =	vcvt.s32.f32 v38;
	v24 =	vld.idx.msk [tilespmem:v24+s7+$0x0], $0xffff  }
0x5cc: {  	v11 =	vsub.f32 v11, v8;
	v12 =	vsub.f32 v12, v15;
	v19 =	vcvt.s32.f32 v19;
	v17 =	vld.idx.msk [tilespmem:v17+s7+$0x0], $0xffff  }
0x5cd: {  	v50 =	vadd.f32 v46, v28;
	v7 =	vsub.f32 v7, v51;
	v48 =	vcvt.s32.f32 v18  }
0x5ce: {  	v19 =	vsub.f32 v27, v19;
	v55 =	vsub.f32 v13, v14  }
0x5cf: {  	v15 =	vsub.f32 v26, v48;
	v16 =	vsub.f32 v60, v30  }
0x5d0: {  	v44 =	vcvt.s32.f32 v36;
	v23 =	vsub.f32 v45, v43;
	v18 =	vsub.f32 v49, v47  }
0x5d1: {  	v2 =	vmul.f32 v16, v2;
	v24 =	vsub.f32 v24, v34;
	v17 =	vsub.f32 v17, v20  }
0x5d2: {  	v1 =	vsub.f32 v1, v44;
	v23 =	vmul.f32 v23, v7;
	v7 =	vmul.f32 v18, v7  }
0x5d3: {  	v2 =	vadd.f32 v2, v30;
	v52 =	vmul.f32 v24, v15;
	v15 =	vmul.f32 v17, v15  }
0x5d4: {  	v53 =	vcvt.s32.f32 v32;
	v54 =	vadd.f32 v23, v43;
	v7 =	vadd.f32 v7, v47  }
0x5d5: {  	v22 =	vadd.f32 v52, v34;
	v15 =	vadd.f32 v15, v20  }
0x5d6: {  	s18 =	sor.u32 $0x16380, s17;
	v3 =	vmul.f32 v10, v3;
	v6 =	vsub.f32 v6, v53;
	v2 =	vsub.f32 v2, v50  }
0x5d7: {  	s19 =	sor.u32 s22, s18;
	s22 =	rddreg [dreg:$0x1e];
	v9 =	vmul.f32 v11, v9;
	v7 =	vsub.f32 v7, v54;
	v56 =	vsub.f32 v15, v22  }
0x5d8: {  	v0 =	vadd.f32 v3, v0;
	s21 =	sor.u32 s14, s18;
	s14 =	sadd.s32 $0x4, s22;
	v57 =	vmul.f32 v55, v12;
	v1 =	vmul.f32 v2, v1  }
0x5d9: {  	p0 =	slt.u32 s14, $0x3C;
	v58 =	vadd.f32 v9, v8;
	v6 =	vmul.f32 v7, v6;
	v59 =	vmul.f32 v56, v19  }
.Ltmp1:
0x5da: {  	v4 =	vpack.i.f32.bf16 v5, v4;
	v3 =	vadd.f32 v57, v14;
	v1 =	vadd.f32 v1, v50;
	(pc) =	sbr.rel @p0 .LBB2_5-.Ltmp1, $4  }
0x5db: {  	[tilespmem:s19+$0x0] =	vst v4;
	s20 =	sor.u32 s23, s18;
	v0 =	vpack.i.f32.bf16 v58, v0;
	v61 =	vadd.f32 v6, v54;
	v60 =	vadd.f32 v59, v22  }
0x5dc: {  	[tilespmem:s20+$0x0] =	vst v0;
	v62 =	vpack.i.f32.bf16 v1, v3  }
0x5dd: {  	s10 =	sadd.s32 $0x40, s10;
	s9 =	sor.u32 s15, s18;
	s23 =	rddreg [dreg:$0x1f];
	[tilespmem:s21+$0x0] =	vst v62;
	v63 =	vpack.i.f32.bf16 v61, v60  }
0x5de: {  	s11 =	sadd.s32 $0x40, s11;
	s13 =	sadd.s32 $0x40, s13;
	s12 =	sadd.s32 $0x200, s23;
	[tilespmem:s9+$0x0] =	vst v63  }
0x5df: {  	s9 =	rddreg [dreg:$0x15]  }
0x5e0: {  	s10 =	rddreg [dreg:$0x1d]  }
0x5e1: {  	s21 =	rddreg [dreg:$0x1c]  }
0x5e2: {  	s14 =	rddreg [dreg:$0x18];
	s9 =	sadd.s32 s10, s9;
	s10 =	sadd.s32 $0x1, s21  }
0x5e3: {  	s15 =	rddreg [dreg:$0x19];
	p0 =	sne.s32 s10, $0x4  }
.Ltmp2:
0x5e4: {  	s20 =	simm.s32 $0x16000;
	s22 =	rddreg [dreg:$0x1a];
	(pc) =	sbr.rel @p0 .LBB2_2-.Ltmp2, $4  }
0x5e5: {  	[hbm4b:s9+s3] =	stream.linear.scatter [tilespmem:s20], [sflag:$0x2], $0x2000, $0x38;
	[tilespmem:$0x18000] =	vst v63  }
0x5e6: {  	s23 =	rddreg [dreg:$0x1b];
	s9 =	sadd.s32 $0x800, s22  }
0x5e7: {  	[dreg:$0x1a] =	wrdreg s9;
	s9 =	sadd.s32 $0x800, s23  }
0x5e8: {  	s14 =	sadd.s32 $0x800, s14;
	s15 =	sadd.s32 $0x800, s15;
	[dreg:$0x1b] =	wrdreg s9  }
0x5e9: {  	s9 =	simm.s32 $0x1  }
0x5ea: {  	_ =	swait.ge [sflag:s9], $0x2000  }
0x5eb: {  	[sflag:s9] =	ssyncset.done $0x0  }
0x5ec: {  	s10 =	simm.s32 $0x2;
	[sflag:s9] =	ssyncadd.s32 $0xFFFFE000  }
0x5ed: {  	_ =	swait.ge [sflag:s10], $0x2000  }
0x5ee: {  	s11 =	rddreg [dreg:$0x17]  }
0x5ef: {  	s23 =	rddreg [dreg:$0x16];
	s11 =	sadd.s32 $0x1, s11  }
0x5f0: {  	p0 =	sne.s32 s11, s23  }
.Ltmp3:
0x5f1: {  	_ = 	snop;
	(pc) =	sbr.rel @p0 .LBB2_1-.Ltmp3, $3  }
0x5f2: {  	_ =	sdelay $0x1  }
0x5f3: {  	[sflag:s10] =	ssyncset.done $0x0  }
0x5f4: {  	[sflag:s10] =	ssyncadd.s32 $0xFFFFE000  }
0x5f5: {  	_ =	sfence.sel $0x180000  }
0x5f6: {  	[bflag:$0x0] =	sbarrier.arrive $0xFFFF  }
0x5f7: {  	_ =	strace $0x90000047  }
0x5f8: {  	s0 =	stileid.u32;
	[bflag:$0x2] =	sbarrier.arrive $0xFFFF  }
0x5f9: {  	p0 =	sne.s32 s0, $0x0;
	s0 =	rddreg [dreg:$0x3]  }
0x5fa: {  	s0 =	sadd.s32 @!p0 $0x100000, s0  }
0x5fb: {  	[sflag:s0] =	ssyncadd.tile.s32 @!p0 $0x1;
	_ =	shalt  }
.Lfunc_end2:
_tile_overlayer_lowered:
.L_overlay_start_2:
0x5fc: {  	(tag) =	ssettag $0x2  }
0x5fd: {  	s0 =	rddreg [dreg:$0x0];
	s2 =	stileid.u32  }
0x5fe: {  	s1 =	rddreg [dreg:$0x1];
	p0 =	sne.s32 s2, $0x0  }
0x5ff: {  	s3 =	rddreg [dreg:$0x2];
	[bflag:$0x3] =	sbarrier.arrive $0xFFFF;
	s2 =	simm.s32 @!p0 $0x1C03  }
0x600: {  	[timem:s3], [sflag:s2] =	dma.local @!p0 [hbm:s0], s1  }
0x601: {  	s0 =	simm.s32 @!p0 $0x3  }
0x602: {  	_ =	swait.ge @!p0 [sflag:s0], s1  }
0x603: {  	s1 =	ssub.s32 @!p0 $0x0, s1;
	[sflag:s0] =	ssyncset.done @!p0 $0x0  }
0x604: {  	[sflag:s0] =	ssyncadd.s32 @!p0 s1  }
0x605: {  	[bflag:$0x3] =	sbarrier.arrive $0xFFFF  }
0x606: {  	_ =	shalt  }

</sc_bundles>
